<compile_context>
chip_gen: v7x
topology: tpu7x:2x2x1
jax: 0.10.2.dev20260603
libtpu: 0.0.44.dev20260713+nightly
codegen_flags: <defaults>
</compile_context>

<pallas_src>
import functools

import jax
import jax.numpy as jnp
from jax import lax
from jax.experimental import pallas as pl
from jax.experimental.pallas import tpu as pltpu
from jax.experimental.pallas import tpu_sc as plsc

NN = 10000
EE = 320000
DD = 128
N_PAD = 10240
ROWS_PER_TILE = N_PAD // 16
K = 128
NC, NS = 2, 16
NW = NC * NS
Q = -(-(EE // K) // NW)
E_PAD = NW * Q * K
Q0 = 96
Q1 = 2 * Q - Q0


def _sc_hist_body(dst_hbm, out_hbm, idx_v, ones_v, z_v, hist_sh):
    c = lax.axis_index("c")
    s = lax.axis_index("s")
    w = c * NS + s

    for j in range(ROWS_PER_TILE // 16):
        z_v[pl.ds(j * 16, 16)] = jnp.zeros((16,), jnp.float32)
    for j in range(K // 16):
        ones_v[pl.ds(j * 16, 16)] = jnp.ones((16,), jnp.float32)

    pltpu.sync_copy(z_v, hist_sh.at[pl.ds(s * ROWS_PER_TILE, ROWS_PER_TILE)])
    plsc.subcore_barrier()

    def step(q, _):
        base = (w * Q + q) * K
        pltpu.sync_copy(dst_hbm.at[pl.ds(base, K)], idx_v)
        pltpu.sync_copy(ones_v, hist_sh.at[idx_v], add=True)
        return 0

    lax.fori_loop(0, Q, step, 0)
    plsc.subcore_barrier()

    pltpu.sync_copy(hist_sh.at[pl.ds(s * ROWS_PER_TILE, ROWS_PER_TILE)],
                    out_hbm.at[c, pl.ds(s * ROWS_PER_TILE, ROWS_PER_TILE)])


_sc_hist = functools.partial(
    pl.kernel,
    out_type=jax.ShapeDtypeStruct((NC, N_PAD), jnp.float32),
    mesh=plsc.VectorSubcoreMesh(core_axis_name="c", subcore_axis_name="s"),
    scratch_types=[
        pltpu.VMEM((K,), jnp.int32),
        pltpu.VMEM((K,), jnp.float32),
        pltpu.VMEM((ROWS_PER_TILE,), jnp.float32),
        pltpu.VMEM_SHARED((N_PAD,), jnp.float32),
    ],
)(_sc_hist_body)


ZROWS = 64


def _sc_agg_body(hp_hbm, idx_hbm, out_hbm,
                 idx2_v, rows_v, z_v, agg_sh, sem, isem):
    c = lax.axis_index("c")
    s = lax.axis_index("s")
    w = c * NS + s

    def zrow(i, _):
        for j in range(DD // 16):
            z_v[i, pl.ds(j * 16, 16)] = jnp.zeros((16,), jnp.float32)
        return 0

    lax.fori_loop(0, ZROWS, zrow, 0)
    for t in range(ROWS_PER_TILE // ZROWS):
        pltpu.sync_copy(
            z_v, agg_sh.at[pl.ds(s * ROWS_PER_TILE + t * ZROWS, ZROWS), :])
    plsc.subcore_barrier()

    qc = Q0 + c * (Q1 - Q0)
    wbase = c * NS * Q0 + s * qc

    pltpu.sync_copy(idx_hbm.at[wbase], idx2_v.at[0])

    def step(i, _):
        q = 2 * i
        for par in range(2):
            pltpu.async_copy(
                idx_hbm.at[wbase + q + par + 1], idx2_v.at[1 - par], isem)
            pltpu.async_copy(
                hp_hbm.at[idx2_v.at[par].at[0]], rows_v, sem).wait()
            pltpu.sync_copy(
                rows_v, agg_sh.at[idx2_v.at[par].at[1]], add=True)
            pltpu.make_async_copy(
                idx_hbm.at[wbase], idx2_v.at[1 - par], isem).wait()
        return 0

    lax.fori_loop(0, qc // 2, step, 0)
    plsc.subcore_barrier()

    pltpu.sync_copy(
        agg_sh.at[pl.ds(s * ROWS_PER_TILE, ROWS_PER_TILE), :],
        out_hbm.at[c, pl.ds(s * ROWS_PER_TILE, ROWS_PER_TILE), :])


_sc_agg = functools.partial(
    pl.kernel,
    out_type=jax.ShapeDtypeStruct((NC, N_PAD, DD), jnp.float32),
    mesh=plsc.VectorSubcoreMesh(core_axis_name="c", subcore_axis_name="s"),
    scratch_types=[
        pltpu.VMEM((2, 2, K), jnp.int32),
        pltpu.VMEM((K, DD), jnp.float32),
        pltpu.VMEM((ZROWS, DD), jnp.float32),
        pltpu.VMEM_SHARED((N_PAD, DD), jnp.float32),
        pltpu.SemaphoreType.DMA,
        pltpu.SemaphoreType.DMA,
    ],
)(_sc_agg_body)


RB = 1000


def _tc_first_body(x_ref, w_ref, ph_ref, hp_ref, dinv_ref):
    deg = 1.0 + ph_ref[0] + ph_ref[1]
    dv = lax.rsqrt(deg)
    h = jnp.dot(x_ref[...], w_ref[...], preferred_element_type=jnp.float32)
    hp_ref[...] = h * dv
    dinv_ref[...] = dv


def _tc_first(x, w1, ph):
    return pl.pallas_call(
        _tc_first_body,
        grid=(NN // RB,),
        in_specs=[
            pl.BlockSpec((RB, DD), lambda i: (i, 0)),
            pl.BlockSpec((DD, DD), lambda i: (0, 0)),
            pl.BlockSpec((NC, RB, 1), lambda i: (0, i, 0)),
        ],
        out_specs=[
            pl.BlockSpec((RB, DD), lambda i: (i, 0)),
            pl.BlockSpec((RB, 1), lambda i: (i, 0)),
        ],
        out_shape=[
            jax.ShapeDtypeStruct((NN, DD), jnp.float32),
            jax.ShapeDtypeStruct((NN, 1), jnp.float32),
        ],
    )(x, w1, ph)


def _tc_layer_body(p_ref, hp_ref, dinv_ref, b_ref, w_ref, out_ref):
    dv = dinv_ref[...]
    acc = p_ref[0] + p_ref[1] + hp_ref[...]
    xx = jnp.maximum(acc * dv + b_ref[...], 0.0)
    out_ref[...] = dv * jnp.dot(xx, w_ref[...],
                                preferred_element_type=jnp.float32)


def _tc_layer(p, hp, dinv, b, w):
    return pl.pallas_call(
        _tc_layer_body,
        grid=(NN // RB,),
        in_specs=[
            pl.BlockSpec((NC, RB, DD), lambda i: (0, i, 0)),
            pl.BlockSpec((RB, DD), lambda i: (i, 0)),
            pl.BlockSpec((RB, 1), lambda i: (i, 0)),
            pl.BlockSpec((1, DD), lambda i: (0, 0)),
            pl.BlockSpec((DD, DD), lambda i: (0, 0)),
        ],
        out_specs=pl.BlockSpec((RB, DD), lambda i: (i, 0)),
        out_shape=jax.ShapeDtypeStruct((NN, DD), jnp.float32),
    )(p, hp, dinv, b, w)


def _tc_head_body(p_ref, hp_ref, dinv_ref, b_ref, wf1_ref, bf1_ref,
                  wf2_ref, bf2_ref, out_ref):
    dv = dinv_ref[...]
    acc = p_ref[0] + p_ref[1] + hp_ref[...]
    xx = jnp.maximum(acc * dv + b_ref[...], 0.0)
    hh = jnp.maximum(
        jnp.dot(xx, wf1_ref[...], preferred_element_type=jnp.float32)
        + bf1_ref[...], 0.0)
    out_ref[...] = jnp.dot(hh, wf2_ref[...],
                           preferred_element_type=jnp.float32) + bf2_ref[...]


def _tc_head(p, hp, dinv, b, wf1, bf1, wf2, bf2):
    return pl.pallas_call(
        _tc_head_body,
        grid=(NN // RB,),
        in_specs=[
            pl.BlockSpec((NC, RB, DD), lambda i: (0, i, 0)),
            pl.BlockSpec((RB, DD), lambda i: (i, 0)),
            pl.BlockSpec((RB, 1), lambda i: (i, 0)),
            pl.BlockSpec((1, DD), lambda i: (0, 0)),
            pl.BlockSpec((DD, DD), lambda i: (0, 0)),
            pl.BlockSpec((1, DD), lambda i: (0, 0)),
            pl.BlockSpec((DD, DD), lambda i: (0, 0)),
            pl.BlockSpec((1, DD), lambda i: (0, 0)),
        ],
        out_specs=pl.BlockSpec((RB, DD), lambda i: (i, 0)),
        out_shape=jax.ShapeDtypeStruct((NN, DD), jnp.float32),
    )(p, hp, dinv, b, wf1, bf1, wf2, bf2)


def kernel(x, edge_index, W1, b1, W2, b2, W3, b3, Wf1, bf1, Wf2, bf2):
    src = edge_index[0]
    dst = edge_index[1]
    pad = E_PAD - EE
    trash = NN + (jnp.arange(pad, dtype=jnp.int32) % (N_PAD - NN))
    srcp = jnp.concatenate([src, jnp.zeros((pad,), jnp.int32)])
    dstp = jnp.concatenate([dst, trash])
    idxc = jnp.stack(
        [srcp.reshape(NW * Q, K), dstp.reshape(NW * Q, K)], axis=1)
    idxc = jnp.concatenate(
        [idxc, jnp.zeros((1, 2, K), jnp.int32)])

    ph = _sc_hist(dstp).reshape(NC, N_PAD, 1)
    hp1, dinv = _tc_first(x, W1, ph)

    b1r = b1.reshape(1, DD)
    b2r = b2.reshape(1, DD)
    b3r = b3.reshape(1, DD)
    bf1r = bf1.reshape(1, DD)
    wf2p = jnp.pad(Wf2, ((0, 0), (0, DD - Wf2.shape[1])))
    bf2p = jnp.pad(bf2, (0, DD - bf2.shape[0])).reshape(1, DD)

    p1 = _sc_agg(hp1, idxc)
    hp2 = _tc_layer(p1, hp1, dinv, b1r, W2)
    p2 = _sc_agg(hp2, idxc)
    hp3 = _tc_layer(p2, hp2, dinv, b2r, W3)
    p3 = _sc_agg(hp3, idxc)
    out = _tc_head(p3, hp3, dinv, b3r, Wf1, bf1r, wf2p, bf2p)
    return out[:, :Wf2.shape[1]]

# --- scband reference (transcript-rebuilt; emitter-appended) ---
"""Pipeline reference for scband-gcn-3l-24970939859424 (READ-ONLY COPY).

The authoritative reference and input builder live on the scoring server;
editing this copy changes nothing except your own understanding.
"""

import jax, jax.numpy as jnp
import numpy as np

N, E, D, C = 10000, 320000, 128, 40


def gcn_conv(x, edge_index, W, b):
    n = x.shape[0]
    loop = jnp.arange(n, dtype=edge_index.dtype)
    src = jnp.concatenate([edge_index[0], loop])
    dst = jnp.concatenate([edge_index[1], loop])
    deg = jnp.zeros((n,), dtype=x.dtype).at[dst].add(1.0)
    dinv = jnp.where(deg > 0, jax.lax.rsqrt(deg), 0.0)
    norm = dinv[src] * dinv[dst]
    h = x @ W
    msg = jnp.take(h, src, axis=0) * norm[:, None]
    out = jnp.zeros((n, W.shape[1]), dtype=x.dtype).at[dst].add(msg)
    return out + b


def _lin_init(k, fan_in, shape):
    s = 1.0 / np.sqrt(fan_in)
    return jax.random.uniform(k, shape, minval=-s, maxval=s, dtype=jnp.float32)


def setup_inputs(seed: int = 0):
    key = jax.random.key(seed)
    ks = jax.random.split(key, 12)
    x = jax.random.normal(ks[0], (N, D), dtype=jnp.float32)
    edge_index = jax.random.randint(ks[1], (2, E), 0, N, dtype=jnp.int32)
    W1 = _lin_init(ks[2], D, (D, D)); b1 = _lin_init(ks[3], D, (D,))
    W2 = _lin_init(ks[4], D, (D, D)); b2 = _lin_init(ks[5], D, (D,))
    W3 = _lin_init(ks[6], D, (D, D)); b3 = _lin_init(ks[7], D, (D,))
    Wf1 = _lin_init(ks[8], D, (D, D)); bf1 = _lin_init(ks[9], D, (D,))
    Wf2 = _lin_init(ks[10], D, (D, C)); bf2 = _lin_init(ks[11], D, (C,))
    return {"x": x, "edge_index": edge_index, "W1": W1, "b1": b1, "W2": W2, "b2": b2, "W3": W3, "b3": b3, "Wf1": Wf1, "bf1": bf1, "Wf2": Wf2, "bf2": bf2}


def reference(x, edge_index, W1, b1, W2, b2, W3, b3, Wf1, bf1, Wf2, bf2):
    h = jax.nn.relu(gcn_conv(x, edge_index, W1, b1))
    h = jax.nn.relu(gcn_conv(h, edge_index, W2, b2))
    h = jax.nn.relu(gcn_conv(h, edge_index, W3, b3))
    # readout = IdenticalPool (node-level); ffn (Dropout is identity in eval)
    h = jax.nn.relu(h @ Wf1 + bf1)
    out = h @ Wf2 + bf2
    return out

if __name__ == "__main__":
    import jax
    _d = setup_inputs()
    print(jax.jit(kernel)(*tuple(_d.values())))

</pallas_src>

<mosaic_0001>
#map = affine_map<(d0, d1) -> (0, 0)>
#map1 = affine_map<(d0, d1) -> (0, 0, 0)>
module attributes {stable_mosaic.version = 14 : i64} {
  func.func @_sc_agg_body(%arg0: i32, %arg1: i32, %arg2: memref<10000x128xf32, #tpu.memory_space<hbm>>, %arg3: memref<2529x2x128xi32, #tpu.memory_space<hbm>>, %arg4: memref<2x10240x128xf32, #tpu.memory_space<hbm>>, %arg5: memref<2x2x128xi32, #tpu.memory_space<vmem>>, %arg6: memref<128x128xf32, #tpu.memory_space<vmem>>, %arg7: memref<64x128xf32, #tpu.memory_space<vmem>>, %arg8: memref<10240x128xf32, #tpu.memory_space<vmem_shared>>, %arg9: memref<!tpu.dma_semaphore, #tpu.memory_space<semaphore_mem>>, %arg10: memref<!tpu.dma_semaphore, #tpu.memory_space<semaphore_mem>>) attributes {dimension_semantics = [#tpu.dimension_semantics<core_parallel>, #tpu.dimension_semantics<subcore_parallel>], iteration_bounds = array<i64: 2, 16>, scalar_prefetch = 0 : i64, scratch_operands = 6 : i64, tpu.core_type = #tpu.core_type<sc_vector_subcore>, window_params = [{transform_indices = #map}, {transform_indices = #map1}, {transform_indices = #map1}]} {
    %mul3A = arith.constant 16 : i32
    %mul3A_0 = arith.muli %arg0, %mul3A : i32
    %add3A = arith.addi %mul3A_0, %arg1 : i32
    %scan3A = arith.constant 0 : i32
    %scan3A_1 = arith.constant 0 : i32
    %scan3A_2 = arith.constant 64 : i32
    %scan3A_3 = arith.addi %scan3A_1, %scan3A_2 : i32
    %scan3A_4 = arith.constant 1 : i32
    %scan3A_5 = scf.for %scan3A_89 = %scan3A_1 to %scan3A_3 step %scan3A_4 iter_args(%scan3A_90 = %scan3A) -> (i32)  : i32 {
      %broadcast_in_dim3A = arith.constant 0.000000e+00 : f32
      %broadcast_in_dim3A_91 = vector.broadcast %broadcast_in_dim3A : f32 to vector<16xf32>
      %swap3A = arith.index_cast %scan3A_89 : i32 to index
      %swap3A_92 = arith.constant 0 : index
      %swap3A_93 = tpu.vector_load %arg7[%swap3A, %swap3A_92] {strides = array<i32>} : memref<64x128xf32, #tpu.memory_space<vmem>>, vector<1x16xf32>,
      %swap3A_94 = vector.shape_cast %swap3A_93 : vector<1x16xf32> to vector<16xf32>
      %swap3A_95 = vector.shape_cast %broadcast_in_dim3A_91 : vector<16xf32> to vector<1x16xf32>
      tpu.vector_store %arg7[%swap3A, %swap3A_92], %swap3A_95 {strides = array<i32>} : memref<64x128xf32, #tpu.memory_space<vmem>>, vector<1x16xf32>,
      %broadcast_in_dim3A_96 = arith.constant 0.000000e+00 : f32
      %broadcast_in_dim3A_97 = vector.broadcast %broadcast_in_dim3A_96 : f32 to vector<16xf32>
      %swap3A_98 = arith.index_cast %scan3A_89 : i32 to index
      %swap3A_99 = arith.constant 16 : index
      %swap3A_100 = tpu.vector_load %arg7[%swap3A_98, %swap3A_99] {strides = array<i32>} : memref<64x128xf32, #tpu.memory_space<vmem>>, vector<1x16xf32>,
      %swap3A_101 = vector.shape_cast %swap3A_100 : vector<1x16xf32> to vector<16xf32>
      %swap3A_102 = vector.shape_cast %broadcast_in_dim3A_97 : vector<16xf32> to vector<1x16xf32>
      tpu.vector_store %arg7[%swap3A_98, %swap3A_99], %swap3A_102 {strides = array<i32>} : memref<64x128xf32, #tpu.memory_space<vmem>>, vector<1x16xf32>,
      %broadcast_in_dim3A_103 = arith.constant 0.000000e+00 : f32
      %broadcast_in_dim3A_104 = vector.broadcast %broadcast_in_dim3A_103 : f32 to vector<16xf32>
      %swap3A_105 = arith.index_cast %scan3A_89 : i32 to index
      %swap3A_106 = arith.constant 32 : index
      %swap3A_107 = tpu.vector_load %arg7[%swap3A_105, %swap3A_106] {strides = array<i32>} : memref<64x128xf32, #tpu.memory_space<vmem>>, vector<1x16xf32>,
      %swap3A_108 = vector.shape_cast %swap3A_107 : vector<1x16xf32> to vector<16xf32>
      %swap3A_109 = vector.shape_cast %broadcast_in_dim3A_104 : vector<16xf32> to vector<1x16xf32>
      tpu.vector_store %arg7[%swap3A_105, %swap3A_106], %swap3A_109 {strides = array<i32>} : memref<64x128xf32, #tpu.memory_space<vmem>>, vector<1x16xf32>,
      %broadcast_in_dim3A_110 = arith.constant 0.000000e+00 : f32
      %broadcast_in_dim3A_111 = vector.broadcast %broadcast_in_dim3A_110 : f32 to vector<16xf32>
      %swap3A_112 = arith.index_cast %scan3A_89 : i32 to index
      %swap3A_113 = arith.constant 48 : index
      %swap3A_114 = tpu.vector_load %arg7[%swap3A_112, %swap3A_113] {strides = array<i32>} : memref<64x128xf32, #tpu.memory_space<vmem>>, vector<1x16xf32>,
      %swap3A_115 = vector.shape_cast %swap3A_114 : vector<1x16xf32> to vector<16xf32>
      %swap3A_116 = vector.shape_cast %broadcast_in_dim3A_111 : vector<16xf32> to vector<1x16xf32>
      tpu.vector_store %arg7[%swap3A_112, %swap3A_113], %swap3A_116 {strides = array<i32>} : memref<64x128xf32, #tpu.memory_space<vmem>>, vector<1x16xf32>,
      %broadcast_in_dim3A_117 = arith.constant 0.000000e+00 : f32
      %broadcast_in_dim3A_118 = vector.broadcast %broadcast_in_dim3A_117 : f32 to vector<16xf32>
      %swap3A_119 = arith.index_cast %scan3A_89 : i32 to index
      %swap3A_120 = arith.constant 64 : index
      %swap3A_121 = tpu.vector_load %arg7[%swap3A_119, %swap3A_120] {strides = array<i32>} : memref<64x128xf32, #tpu.memory_space<vmem>>, vector<1x16xf32>,
      %swap3A_122 = vector.shape_cast %swap3A_121 : vector<1x16xf32> to vector<16xf32>
      %swap3A_123 = vector.shape_cast %broadcast_in_dim3A_118 : vector<16xf32> to vector<1x16xf32>
      tpu.vector_store %arg7[%swap3A_119, %swap3A_120], %swap3A_123 {strides = array<i32>} : memref<64x128xf32, #tpu.memory_space<vmem>>, vector<1x16xf32>,
      %broadcast_in_dim3A_124 = arith.constant 0.000000e+00 : f32
      %broadcast_in_dim3A_125 = vector.broadcast %broadcast_in_dim3A_124 : f32 to vector<16xf32>
      %swap3A_126 = arith.index_cast %scan3A_89 : i32 to index
      %swap3A_127 = arith.constant 80 : index
      %swap3A_128 = tpu.vector_load %arg7[%swap3A_126, %swap3A_127] {strides = array<i32>} : memref<64x128xf32, #tpu.memory_space<vmem>>, vector<1x16xf32>,
      %swap3A_129 = vector.shape_cast %swap3A_128 : vector<1x16xf32> to vector<16xf32>
      %swap3A_130 = vector.shape_cast %broadcast_in_dim3A_125 : vector<16xf32> to vector<1x16xf32>
      tpu.vector_store %arg7[%swap3A_126, %swap3A_127], %swap3A_130 {strides = array<i32>} : memref<64x128xf32, #tpu.memory_space<vmem>>, vector<1x16xf32>,
      %broadcast_in_dim3A_131 = arith.constant 0.000000e+00 : f32
      %broadcast_in_dim3A_132 = vector.broadcast %broadcast_in_dim3A_131 : f32 to vector<16xf32>
      %swap3A_133 = arith.index_cast %scan3A_89 : i32 to index
      %swap3A_134 = arith.constant 96 : index
      %swap3A_135 = tpu.vector_load %arg7[%swap3A_133, %swap3A_134] {strides = array<i32>} : memref<64x128xf32, #tpu.memory_space<vmem>>, vector<1x16xf32>,
      %swap3A_136 = vector.shape_cast %swap3A_135 : vector<1x16xf32> to vector<16xf32>
      %swap3A_137 = vector.shape_cast %broadcast_in_dim3A_132 : vector<16xf32> to vector<1x16xf32>
      tpu.vector_store %arg7[%swap3A_133, %swap3A_134], %swap3A_137 {strides = array<i32>} : memref<64x128xf32, #tpu.memory_space<vmem>>, vector<1x16xf32>,
      %broadcast_in_dim3A_138 = arith.constant 0.000000e+00 : f32
      %broadcast_in_dim3A_139 = vector.broadcast %broadcast_in_dim3A_138 : f32 to vector<16xf32>
      %swap3A_140 = arith.index_cast %scan3A_89 : i32 to index
      %swap3A_141 = arith.constant 112 : index
      %swap3A_142 = tpu.vector_load %arg7[%swap3A_140, %swap3A_141] {strides = array<i32>} : memref<64x128xf32, #tpu.memory_space<vmem>>, vector<1x16xf32>,
      %swap3A_143 = vector.shape_cast %swap3A_142 : vector<1x16xf32> to vector<16xf32>
      %swap3A_144 = vector.shape_cast %broadcast_in_dim3A_139 : vector<16xf32> to vector<1x16xf32>
      tpu.vector_store %arg7[%swap3A_140, %swap3A_141], %swap3A_144 {strides = array<i32>} : memref<64x128xf32, #tpu.memory_space<vmem>>, vector<1x16xf32>,
      %scan3A_145 = arith.constant 0 : i32
      scf.yield %scan3A_145 : i32
    }
    %scan3A_6 = arith.constant 64 : i32
    %mul3A_7 = arith.constant 640 : i32
    %mul3A_8 = arith.muli %arg1, %mul3A_7 : i32
    %add3A_9 = arith.constant 0 : i32
    %add3A_10 = arith.addi %mul3A_8, %add3A_9 : i32
    "tpu.region"() ({
      %run_scoped3A_89 = tpu.sem_alloc : memref<!tpu.dma_semaphore, #tpu.memory_space<semaphore_mem>>
      %dma_start3A = arith.constant 0 : i32
      %dma_start3A_90 = tpu.memref_slice %arg8[%add3A_10, %dma_start3A] : memref<10240x128xf32, #tpu.memory_space<vmem_shared>> -> memref<64x128xf32, #tpu.memory_space<vmem_shared>>
      %dma_start3A_91 = arith.constant 0 : i32
      %dma_start3A_92 = tpu.memref_slice %arg8[%add3A_10, %dma_start3A_91] : memref<10240x128xf32, #tpu.memory_space<vmem_shared>> -> memref<64x128xf32, #tpu.memory_space<vmem_shared>>
      tpu.enqueue_dma source(%arg7 : memref<64x128xf32, #tpu.memory_space<vmem>>) target(%dma_start3A_92 : memref<64x128xf32, #tpu.memory_space<vmem_shared>>) target_semaphore(%run_scoped3A_89 : memref<!tpu.dma_semaphore, #tpu.memory_space<semaphore_mem>>)
      %dma_wait3A = arith.constant 0 : i32
      %dma_wait3A_93 = tpu.memref_slice %arg8[%add3A_10, %dma_wait3A] : memref<10240x128xf32, #tpu.memory_space<vmem_shared>> -> memref<64x128xf32, #tpu.memory_space<vmem_shared>>
      %dma_wait3A_94 = arith.constant 0 : i32
      %dma_wait3A_95 = tpu.memref_slice %arg8[%add3A_10, %dma_wait3A_94] : memref<10240x128xf32, #tpu.memory_space<vmem_shared>> -> memref<64x128xf32, #tpu.memory_space<vmem_shared>>
      tpu.wait_dma2 semaphore(%run_scoped3A_89 : memref<!tpu.dma_semaphore, #tpu.memory_space<semaphore_mem>>) src(%arg7 : memref<64x128xf32, #tpu.memory_space<vmem>>) dst(%dma_wait3A_95 : memref<64x128xf32, #tpu.memory_space<vmem_shared>>)
      tpu.yield
    }) : () -> ()
    %mul3A_11 = arith.constant 640 : i32
    %mul3A_12 = arith.muli %arg1, %mul3A_11 : i32
    %add3A_13 = arith.constant 64 : i32
    %add3A_14 = arith.addi %mul3A_12, %add3A_13 : i32
    "tpu.region"() ({
      %run_scoped3A_89 = tpu.sem_alloc : memref<!tpu.dma_semaphore, #tpu.memory_space<semaphore_mem>>
      %dma_start3A = arith.constant 0 : i32
      %dma_start3A_90 = tpu.memref_slice %arg8[%add3A_14, %dma_start3A] : memref<10240x128xf32, #tpu.memory_space<vmem_shared>> -> memref<64x128xf32, #tpu.memory_space<vmem_shared>>
      %dma_start3A_91 = arith.constant 0 : i32
      %dma_start3A_92 = tpu.memref_slice %arg8[%add3A_14, %dma_start3A_91] : memref<10240x128xf32, #tpu.memory_space<vmem_shared>> -> memref<64x128xf32, #tpu.memory_space<vmem_shared>>
      tpu.enqueue_dma source(%arg7 : memref<64x128xf32, #tpu.memory_space<vmem>>) target(%dma_start3A_92 : memref<64x128xf32, #tpu.memory_space<vmem_shared>>) target_semaphore(%run_scoped3A_89 : memref<!tpu.dma_semaphore, #tpu.memory_space<semaphore_mem>>)
      %dma_wait3A = arith.constant 0 : i32
      %dma_wait3A_93 = tpu.memref_slice %arg8[%add3A_14, %dma_wait3A] : memref<10240x128xf32, #tpu.memory_space<vmem_shared>> -> memref<64x128xf32, #tpu.memory_space<vmem_shared>>
      %dma_wait3A_94 = arith.constant 0 : i32
      %dma_wait3A_95 = tpu.memref_slice %arg8[%add3A_14, %dma_wait3A_94] : memref<10240x128xf32, #tpu.memory_space<vmem_shared>> -> memref<64x128xf32, #tpu.memory_space<vmem_shared>>
      tpu.wait_dma2 semaphore(%run_scoped3A_89 : memref<!tpu.dma_semaphore, #tpu.memory_space<semaphore_mem>>) src(%arg7 : memref<64x128xf32, #tpu.memory_space<vmem>>) dst(%dma_wait3A_95 : memref<64x128xf32, #tpu.memory_space<vmem_shared>>)
      tpu.yield
    }) : () -> ()
    %mul3A_15 = arith.constant 640 : i32
    %mul3A_16 = arith.muli %arg1, %mul3A_15 : i32
    %add3A_17 = arith.constant 128 : i32
    %add3A_18 = arith.addi %mul3A_16, %add3A_17 : i32
    "tpu.region"() ({
      %run_scoped3A_89 = tpu.sem_alloc : memref<!tpu.dma_semaphore, #tpu.memory_space<semaphore_mem>>
      %dma_start3A = arith.constant 0 : i32
      %dma_start3A_90 = tpu.memref_slice %arg8[%add3A_18, %dma_start3A] : memref<10240x128xf32, #tpu.memory_space<vmem_shared>> -> memref<64x128xf32, #tpu.memory_space<vmem_shared>>
      %dma_start3A_91 = arith.constant 0 : i32
      %dma_start3A_92 = tpu.memref_slice %arg8[%add3A_18, %dma_start3A_91] : memref<10240x128xf32, #tpu.memory_space<vmem_shared>> -> memref<64x128xf32, #tpu.memory_space<vmem_shared>>
      tpu.enqueue_dma source(%arg7 : memref<64x128xf32, #tpu.memory_space<vmem>>) target(%dma_start3A_92 : memref<64x128xf32, #tpu.memory_space<vmem_shared>>) target_semaphore(%run_scoped3A_89 : memref<!tpu.dma_semaphore, #tpu.memory_space<semaphore_mem>>)
      %dma_wait3A = arith.constant 0 : i32
      %dma_wait3A_93 = tpu.memref_slice %arg8[%add3A_18, %dma_wait3A] : memref<10240x128xf32, #tpu.memory_space<vmem_shared>> -> memref<64x128xf32, #tpu.memory_space<vmem_shared>>
      %dma_wait3A_94 = arith.constant 0 : i32
      %dma_wait3A_95 = tpu.memref_slice %arg8[%add3A_18, %dma_wait3A_94] : memref<10240x128xf32, #tpu.memory_space<vmem_shared>> -> memref<64x128xf32, #tpu.memory_space<vmem_shared>>
      tpu.wait_dma2 semaphore(%run_scoped3A_89 : memref<!tpu.dma_semaphore, #tpu.memory_space<semaphore_mem>>) src(%arg7 : memref<64x128xf32, #tpu.memory_space<vmem>>) dst(%dma_wait3A_95 : memref<64x128xf32, #tpu.memory_space<vmem_shared>>)
      tpu.yield
    }) : () -> ()
    %mul3A_19 = arith.constant 640 : i32
    %mul3A_20 = arith.muli %arg1, %mul3A_19 : i32
    %add3A_21 = arith.constant 192 : i32
    %add3A_22 = arith.addi %mul3A_20, %add3A_21 : i32
    "tpu.region"() ({
      %run_scoped3A_89 = tpu.sem_alloc : memref<!tpu.dma_semaphore, #tpu.memory_space<semaphore_mem>>
      %dma_start3A = arith.constant 0 : i32
      %dma_start3A_90 = tpu.memref_slice %arg8[%add3A_22, %dma_start3A] : memref<10240x128xf32, #tpu.memory_space<vmem_shared>> -> memref<64x128xf32, #tpu.memory_space<vmem_shared>>
      %dma_start3A_91 = arith.constant 0 : i32
      %dma_start3A_92 = tpu.memref_slice %arg8[%add3A_22, %dma_start3A_91] : memref<10240x128xf32, #tpu.memory_space<vmem_shared>> -> memref<64x128xf32, #tpu.memory_space<vmem_shared>>
      tpu.enqueue_dma source(%arg7 : memref<64x128xf32, #tpu.memory_space<vmem>>) target(%dma_start3A_92 : memref<64x128xf32, #tpu.memory_space<vmem_shared>>) target_semaphore(%run_scoped3A_89 : memref<!tpu.dma_semaphore, #tpu.memory_space<semaphore_mem>>)
      %dma_wait3A = arith.constant 0 : i32
      %dma_wait3A_93 = tpu.memref_slice %arg8[%add3A_22, %dma_wait3A] : memref<10240x128xf32, #tpu.memory_space<vmem_shared>> -> memref<64x128xf32, #tpu.memory_space<vmem_shared>>
      %dma_wait3A_94 = arith.constant 0 : i32
      %dma_wait3A_95 = tpu.memref_slice %arg8[%add3A_22, %dma_wait3A_94] : memref<10240x128xf32, #tpu.memory_space<vmem_shared>> -> memref<64x128xf32, #tpu.memory_space<vmem_shared>>
      tpu.wait_dma2 semaphore(%run_scoped3A_89 : memref<!tpu.dma_semaphore, #tpu.memory_space<semaphore_mem>>) src(%arg7 : memref<64x128xf32, #tpu.memory_space<vmem>>) dst(%dma_wait3A_95 : memref<64x128xf32, #tpu.memory_space<vmem_shared>>)
      tpu.yield
    }) : () -> ()
    %mul3A_23 = arith.constant 640 : i32
    %mul3A_24 = arith.muli %arg1, %mul3A_23 : i32
    %add3A_25 = arith.constant 256 : i32
    %add3A_26 = arith.addi %mul3A_24, %add3A_25 : i32
    "tpu.region"() ({
      %run_scoped3A_89 = tpu.sem_alloc : memref<!tpu.dma_semaphore, #tpu.memory_space<semaphore_mem>>
      %dma_start3A = arith.constant 0 : i32
      %dma_start3A_90 = tpu.memref_slice %arg8[%add3A_26, %dma_start3A] : memref<10240x128xf32, #tpu.memory_space<vmem_shared>> -> memref<64x128xf32, #tpu.memory_space<vmem_shared>>
      %dma_start3A_91 = arith.constant 0 : i32
      %dma_start3A_92 = tpu.memref_slice %arg8[%add3A_26, %dma_start3A_91] : memref<10240x128xf32, #tpu.memory_space<vmem_shared>> -> memref<64x128xf32, #tpu.memory_space<vmem_shared>>
      tpu.enqueue_dma source(%arg7 : memref<64x128xf32, #tpu.memory_space<vmem>>) target(%dma_start3A_92 : memref<64x128xf32, #tpu.memory_space<vmem_shared>>) target_semaphore(%run_scoped3A_89 : memref<!tpu.dma_semaphore, #tpu.memory_space<semaphore_mem>>)
      %dma_wait3A = arith.constant 0 : i32
      %dma_wait3A_93 = tpu.memref_slice %arg8[%add3A_26, %dma_wait3A] : memref<10240x128xf32, #tpu.memory_space<vmem_shared>> -> memref<64x128xf32, #tpu.memory_space<vmem_shared>>
      %dma_wait3A_94 = arith.constant 0 : i32
      %dma_wait3A_95 = tpu.memref_slice %arg8[%add3A_26, %dma_wait3A_94] : memref<10240x128xf32, #tpu.memory_space<vmem_shared>> -> memref<64x128xf32, #tpu.memory_space<vmem_shared>>
      tpu.wait_dma2 semaphore(%run_scoped3A_89 : memref<!tpu.dma_semaphore, #tpu.memory_space<semaphore_mem>>) src(%arg7 : memref<64x128xf32, #tpu.memory_space<vmem>>) dst(%dma_wait3A_95 : memref<64x128xf32, #tpu.memory_space<vmem_shared>>)
      tpu.yield
    }) : () -> ()
    %mul3A_27 = arith.constant 640 : i32
    %mul3A_28 = arith.muli %arg1, %mul3A_27 : i32
    %add3A_29 = arith.constant 320 : i32
    %add3A_30 = arith.addi %mul3A_28, %add3A_29 : i32
    "tpu.region"() ({
      %run_scoped3A_89 = tpu.sem_alloc : memref<!tpu.dma_semaphore, #tpu.memory_space<semaphore_mem>>
      %dma_start3A = arith.constant 0 : i32
      %dma_start3A_90 = tpu.memref_slice %arg8[%add3A_30, %dma_start3A] : memref<10240x128xf32, #tpu.memory_space<vmem_shared>> -> memref<64x128xf32, #tpu.memory_space<vmem_shared>>
      %dma_start3A_91 = arith.constant 0 : i32
      %dma_start3A_92 = tpu.memref_slice %arg8[%add3A_30, %dma_start3A_91] : memref<10240x128xf32, #tpu.memory_space<vmem_shared>> -> memref<64x128xf32, #tpu.memory_space<vmem_shared>>
      tpu.enqueue_dma source(%arg7 : memref<64x128xf32, #tpu.memory_space<vmem>>) target(%dma_start3A_92 : memref<64x128xf32, #tpu.memory_space<vmem_shared>>) target_semaphore(%run_scoped3A_89 : memref<!tpu.dma_semaphore, #tpu.memory_space<semaphore_mem>>)
      %dma_wait3A = arith.constant 0 : i32
      %dma_wait3A_93 = tpu.memref_slice %arg8[%add3A_30, %dma_wait3A] : memref<10240x128xf32, #tpu.memory_space<vmem_shared>> -> memref<64x128xf32, #tpu.memory_space<vmem_shared>>
      %dma_wait3A_94 = arith.constant 0 : i32
      %dma_wait3A_95 = tpu.memref_slice %arg8[%add3A_30, %dma_wait3A_94] : memref<10240x128xf32, #tpu.memory_space<vmem_shared>> -> memref<64x128xf32, #tpu.memory_space<vmem_shared>>
      tpu.wait_dma2 semaphore(%run_scoped3A_89 : memref<!tpu.dma_semaphore, #tpu.memory_space<semaphore_mem>>) src(%arg7 : memref<64x128xf32, #tpu.memory_space<vmem>>) dst(%dma_wait3A_95 : memref<64x128xf32, #tpu.memory_space<vmem_shared>>)
      tpu.yield
    }) : () -> ()
    %mul3A_31 = arith.constant 640 : i32
    %mul3A_32 = arith.muli %arg1, %mul3A_31 : i32
    %add3A_33 = arith.constant 384 : i32
    %add3A_34 = arith.addi %mul3A_32, %add3A_33 : i32
    "tpu.region"() ({
      %run_scoped3A_89 = tpu.sem_alloc : memref<!tpu.dma_semaphore, #tpu.memory_space<semaphore_mem>>
      %dma_start3A = arith.constant 0 : i32
      %dma_start3A_90 = tpu.memref_slice %arg8[%add3A_34, %dma_start3A] : memref<10240x128xf32, #tpu.memory_space<vmem_shared>> -> memref<64x128xf32, #tpu.memory_space<vmem_shared>>
      %dma_start3A_91 = arith.constant 0 : i32
      %dma_start3A_92 = tpu.memref_slice %arg8[%add3A_34, %dma_start3A_91] : memref<10240x128xf32, #tpu.memory_space<vmem_shared>> -> memref<64x128xf32, #tpu.memory_space<vmem_shared>>
      tpu.enqueue_dma source(%arg7 : memref<64x128xf32, #tpu.memory_space<vmem>>) target(%dma_start3A_92 : memref<64x128xf32, #tpu.memory_space<vmem_shared>>) target_semaphore(%run_scoped3A_89 : memref<!tpu.dma_semaphore, #tpu.memory_space<semaphore_mem>>)
      %dma_wait3A = arith.constant 0 : i32
      %dma_wait3A_93 = tpu.memref_slice %arg8[%add3A_34, %dma_wait3A] : memref<10240x128xf32, #tpu.memory_space<vmem_shared>> -> memref<64x128xf32, #tpu.memory_space<vmem_shared>>
      %dma_wait3A_94 = arith.constant 0 : i32
      %dma_wait3A_95 = tpu.memref_slice %arg8[%add3A_34, %dma_wait3A_94] : memref<10240x128xf32, #tpu.memory_space<vmem_shared>> -> memref<64x128xf32, #tpu.memory_space<vmem_shared>>
      tpu.wait_dma2 semaphore(%run_scoped3A_89 : memref<!tpu.dma_semaphore, #tpu.memory_space<semaphore_mem>>) src(%arg7 : memref<64x128xf32, #tpu.memory_space<vmem>>) dst(%dma_wait3A_95 : memref<64x128xf32, #tpu.memory_space<vmem_shared>>)
      tpu.yield
    }) : () -> ()
    %mul3A_35 = arith.constant 640 : i32
    %mul3A_36 = arith.muli %arg1, %mul3A_35 : i32
    %add3A_37 = arith.constant 448 : i32
    %add3A_38 = arith.addi %mul3A_36, %add3A_37 : i32
    "tpu.region"() ({
      %run_scoped3A_89 = tpu.sem_alloc : memref<!tpu.dma_semaphore, #tpu.memory_space<semaphore_mem>>
      %dma_start3A = arith.constant 0 : i32
      %dma_start3A_90 = tpu.memref_slice %arg8[%add3A_38, %dma_start3A] : memref<10240x128xf32, #tpu.memory_space<vmem_shared>> -> memref<64x128xf32, #tpu.memory_space<vmem_shared>>
      %dma_start3A_91 = arith.constant 0 : i32
      %dma_start3A_92 = tpu.memref_slice %arg8[%add3A_38, %dma_start3A_91] : memref<10240x128xf32, #tpu.memory_space<vmem_shared>> -> memref<64x128xf32, #tpu.memory_space<vmem_shared>>
      tpu.enqueue_dma source(%arg7 : memref<64x128xf32, #tpu.memory_space<vmem>>) target(%dma_start3A_92 : memref<64x128xf32, #tpu.memory_space<vmem_shared>>) target_semaphore(%run_scoped3A_89 : memref<!tpu.dma_semaphore, #tpu.memory_space<semaphore_mem>>)
      %dma_wait3A = arith.constant 0 : i32
      %dma_wait3A_93 = tpu.memref_slice %arg8[%add3A_38, %dma_wait3A] : memref<10240x128xf32, #tpu.memory_space<vmem_shared>> -> memref<64x128xf32, #tpu.memory_space<vmem_shared>>
      %dma_wait3A_94 = arith.constant 0 : i32
      %dma_wait3A_95 = tpu.memref_slice %arg8[%add3A_38, %dma_wait3A_94] : memref<10240x128xf32, #tpu.memory_space<vmem_shared>> -> memref<64x128xf32, #tpu.memory_space<vmem_shared>>
      tpu.wait_dma2 semaphore(%run_scoped3A_89 : memref<!tpu.dma_semaphore, #tpu.memory_space<semaphore_mem>>) src(%arg7 : memref<64x128xf32, #tpu.memory_space<vmem>>) dst(%dma_wait3A_95 : memref<64x128xf32, #tpu.memory_space<vmem_shared>>)
      tpu.yield
    }) : () -> ()
    %mul3A_39 = arith.constant 640 : i32
    %mul3A_40 = arith.muli %arg1, %mul3A_39 : i32
    %add3A_41 = arith.constant 512 : i32
    %add3A_42 = arith.addi %mul3A_40, %add3A_41 : i32
    "tpu.region"() ({
      %run_scoped3A_89 = tpu.sem_alloc : memref<!tpu.dma_semaphore, #tpu.memory_space<semaphore_mem>>
      %dma_start3A = arith.constant 0 : i32
      %dma_start3A_90 = tpu.memref_slice %arg8[%add3A_42, %dma_start3A] : memref<10240x128xf32, #tpu.memory_space<vmem_shared>> -> memref<64x128xf32, #tpu.memory_space<vmem_shared>>
      %dma_start3A_91 = arith.constant 0 : i32
      %dma_start3A_92 = tpu.memref_slice %arg8[%add3A_42, %dma_start3A_91] : memref<10240x128xf32, #tpu.memory_space<vmem_shared>> -> memref<64x128xf32, #tpu.memory_space<vmem_shared>>
      tpu.enqueue_dma source(%arg7 : memref<64x128xf32, #tpu.memory_space<vmem>>) target(%dma_start3A_92 : memref<64x128xf32, #tpu.memory_space<vmem_shared>>) target_semaphore(%run_scoped3A_89 : memref<!tpu.dma_semaphore, #tpu.memory_space<semaphore_mem>>)
      %dma_wait3A = arith.constant 0 : i32
      %dma_wait3A_93 = tpu.memref_slice %arg8[%add3A_42, %dma_wait3A] : memref<10240x128xf32, #tpu.memory_space<vmem_shared>> -> memref<64x128xf32, #tpu.memory_space<vmem_shared>>
      %dma_wait3A_94 = arith.constant 0 : i32
      %dma_wait3A_95 = tpu.memref_slice %arg8[%add3A_42, %dma_wait3A_94] : memref<10240x128xf32, #tpu.memory_space<vmem_shared>> -> memref<64x128xf32, #tpu.memory_space<vmem_shared>>
      tpu.wait_dma2 semaphore(%run_scoped3A_89 : memref<!tpu.dma_semaphore, #tpu.memory_space<semaphore_mem>>) src(%arg7 : memref<64x128xf32, #tpu.memory_space<vmem>>) dst(%dma_wait3A_95 : memref<64x128xf32, #tpu.memory_space<vmem_shared>>)
      tpu.yield
    }) : () -> ()
    %mul3A_43 = arith.constant 640 : i32
    %mul3A_44 = arith.muli %arg1, %mul3A_43 : i32
    %add3A_45 = arith.constant 576 : i32
    %add3A_46 = arith.addi %mul3A_44, %add3A_45 : i32
    "tpu.region"() ({
      %run_scoped3A_89 = tpu.sem_alloc : memref<!tpu.dma_semaphore, #tpu.memory_space<semaphore_mem>>
      %dma_start3A = arith.constant 0 : i32
      %dma_start3A_90 = tpu.memref_slice %arg8[%add3A_46, %dma_start3A] : memref<10240x128xf32, #tpu.memory_space<vmem_shared>> -> memref<64x128xf32, #tpu.memory_space<vmem_shared>>
      %dma_start3A_91 = arith.constant 0 : i32
      %dma_start3A_92 = tpu.memref_slice %arg8[%add3A_46, %dma_start3A_91] : memref<10240x128xf32, #tpu.memory_space<vmem_shared>> -> memref<64x128xf32, #tpu.memory_space<vmem_shared>>
      tpu.enqueue_dma source(%arg7 : memref<64x128xf32, #tpu.memory_space<vmem>>) target(%dma_start3A_92 : memref<64x128xf32, #tpu.memory_space<vmem_shared>>) target_semaphore(%run_scoped3A_89 : memref<!tpu.dma_semaphore, #tpu.memory_space<semaphore_mem>>)
      %dma_wait3A = arith.constant 0 : i32
      %dma_wait3A_93 = tpu.memref_slice %arg8[%add3A_46, %dma_wait3A] : memref<10240x128xf32, #tpu.memory_space<vmem_shared>> -> memref<64x128xf32, #tpu.memory_space<vmem_shared>>
      %dma_wait3A_94 = arith.constant 0 : i32
      %dma_wait3A_95 = tpu.memref_slice %arg8[%add3A_46, %dma_wait3A_94] : memref<10240x128xf32, #tpu.memory_space<vmem_shared>> -> memref<64x128xf32, #tpu.memory_space<vmem_shared>>
      tpu.wait_dma2 semaphore(%run_scoped3A_89 : memref<!tpu.dma_semaphore, #tpu.memory_space<semaphore_mem>>) src(%arg7 : memref<64x128xf32, #tpu.memory_space<vmem>>) dst(%dma_wait3A_95 : memref<64x128xf32, #tpu.memory_space<vmem_shared>>)
      tpu.yield
    }) : () -> ()
    %barrier3A = arith.constant 0 : index
    tpu.barrier barrier_id(%barrier3A)
    %mul3A_47 = arith.constant -34 : i32
    %mul3A_48 = arith.muli %arg0, %mul3A_47 : i32
    %add3A_49 = arith.constant 96 : i32
    %add3A_50 = arith.addi %add3A_49, %mul3A_48 : i32
    %mul3A_51 = arith.constant 16 : i32
    %mul3A_52 = arith.muli %arg0, %mul3A_51 : i32
    %mul3A_53 = arith.constant 96 : i32
    %mul3A_54 = arith.muli %mul3A_52, %mul3A_53 : i32
    %mul3A_55 = arith.muli %arg1, %add3A_50 : i32
    %add3A_56 = arith.addi %mul3A_54, %mul3A_55 : i32
    %run_scoped3A = arith.constant 0 : i32
    "tpu.region"() ({
      %run_scoped3A_89 = tpu.sem_alloc : memref<!tpu.dma_semaphore, #tpu.memory_space<semaphore_mem>>
      %dma_start3A = arith.constant 0 : i32
      %dma_start3A_90 = arith.constant 0 : i32
      %dma_start3A_91 = tpu.memref_slice %arg5[%run_scoped3A, %dma_start3A, %dma_start3A_90] : memref<2x2x128xi32, #tpu.memory_space<vmem>> -> memref<1x2x128xi32, #tpu.memory_space<vmem>>
      %dma_start3A_92 = tpu.memref_squeeze %dma_start3A_91 : memref<1x2x128xi32, #tpu.memory_space<vmem>> -> memref<2x128xi32, #tpu.memory_space<vmem>>
      %dma_start3A_93 = arith.constant 0 : i32
      %dma_start3A_94 = arith.constant 0 : i32
      %dma_start3A_95 = tpu.memref_slice %arg3[%add3A_56, %dma_start3A_93, %dma_start3A_94] : memref<2529x2x128xi32, #tpu.memory_space<hbm>> -> memref<1x2x128xi32, #tpu.memory_space<hbm>>
      %dma_start3A_96 = tpu.memref_squeeze %dma_start3A_95 : memref<1x2x128xi32, #tpu.memory_space<hbm>> -> memref<2x128xi32, #tpu.memory_space<hbm>>
      %dma_start3A_97 = arith.constant 0 : i32
      %dma_start3A_98 = arith.constant 0 : i32
      %dma_start3A_99 = tpu.memref_slice %arg5[%run_scoped3A, %dma_start3A_97, %dma_start3A_98] : memref<2x2x128xi32, #tpu.memory_space<vmem>> -> memref<1x2x128xi32, #tpu.memory_space<vmem>>
      %dma_start3A_100 = tpu.memref_squeeze %dma_start3A_99 : memref<1x2x128xi32, #tpu.memory_space<vmem>> -> memref<2x128xi32, #tpu.memory_space<vmem>>
      %dma_start3A_101 = arith.constant 0 : i32
      %dma_start3A_102 = arith.constant 0 : i32
      %dma_start3A_103 = tpu.memref_slice %arg3[%add3A_56, %dma_start3A_101, %dma_start3A_102] : memref<2529x2x128xi32, #tpu.memory_space<hbm>> -> memref<1x2x128xi32, #tpu.memory_space<hbm>>
      %dma_start3A_104 = tpu.memref_squeeze %dma_start3A_103 : memref<1x2x128xi32, #tpu.memory_space<hbm>> -> memref<2x128xi32, #tpu.memory_space<hbm>>
      tpu.enqueue_dma source(%dma_start3A_104 : memref<2x128xi32, #tpu.memory_space<hbm>>) target(%dma_start3A_100 : memref<2x128xi32, #tpu.memory_space<vmem>>) target_semaphore(%run_scoped3A_89 : memref<!tpu.dma_semaphore, #tpu.memory_space<semaphore_mem>>)
      %dma_wait3A = arith.constant 0 : i32
      %dma_wait3A_105 = arith.constant 0 : i32
      %dma_wait3A_106 = tpu.memref_slice %arg5[%run_scoped3A, %dma_wait3A, %dma_wait3A_105] : memref<2x2x128xi32, #tpu.memory_space<vmem>> -> memref<1x2x128xi32, #tpu.memory_space<vmem>>
      %dma_wait3A_107 = tpu.memref_squeeze %dma_wait3A_106 : memref<1x2x128xi32, #tpu.memory_space<vmem>> -> memref<2x128xi32, #tpu.memory_space<vmem>>
      %dma_wait3A_108 = arith.constant 0 : i32
      %dma_wait3A_109 = arith.constant 0 : i32
      %dma_wait3A_110 = tpu.memref_slice %arg3[%add3A_56, %dma_wait3A_108, %dma_wait3A_109] : memref<2529x2x128xi32, #tpu.memory_space<hbm>> -> memref<1x2x128xi32, #tpu.memory_space<hbm>>
      %dma_wait3A_111 = tpu.memref_squeeze %dma_wait3A_110 : memref<1x2x128xi32, #tpu.memory_space<hbm>> -> memref<2x128xi32, #tpu.memory_space<hbm>>
      %dma_wait3A_112 = arith.constant 0 : i32
      %dma_wait3A_113 = arith.constant 0 : i32
      %dma_wait3A_114 = tpu.memref_slice %arg5[%run_scoped3A, %dma_wait3A_112, %dma_wait3A_113] : memref<2x2x128xi32, #tpu.memory_space<vmem>> -> memref<1x2x128xi32, #tpu.memory_space<vmem>>
      %dma_wait3A_115 = tpu.memref_squeeze %dma_wait3A_114 : memref<1x2x128xi32, #tpu.memory_space<vmem>> -> memref<2x128xi32, #tpu.memory_space<vmem>>
      %dma_wait3A_116 = arith.constant 0 : i32
      %dma_wait3A_117 = arith.constant 0 : i32
      %dma_wait3A_118 = tpu.memref_slice %arg3[%add3A_56, %dma_wait3A_116, %dma_wait3A_117] : memref<2529x2x128xi32, #tpu.memory_space<hbm>> -> memref<1x2x128xi32, #tpu.memory_space<hbm>>
      %dma_wait3A_119 = tpu.memref_squeeze %dma_wait3A_118 : memref<1x2x128xi32, #tpu.memory_space<hbm>> -> memref<2x128xi32, #tpu.memory_space<hbm>>
      tpu.wait_dma2 semaphore(%run_scoped3A_89 : memref<!tpu.dma_semaphore, #tpu.memory_space<semaphore_mem>>) src(%dma_wait3A_119 : memref<2x128xi32, #tpu.memory_space<hbm>>) dst(%dma_wait3A_115 : memref<2x128xi32, #tpu.memory_space<vmem>>)
      tpu.yield
    }) : () -> ()
    %jit3A = arith.constant 2 : i32
    %div3A = arith.divsi %add3A_50, %jit3A : i32
    %sign3A = arith.constant 0 : i32
    %sign3A_57 = arith.cmpi sgt, %add3A_50, %sign3A : i32
    %sign3A_58 = arith.extui %sign3A_57 : i1 to i32
    %sign3A_59 = arith.constant 0 : i32
    %sign3A_60 = arith.cmpi slt, %add3A_50, %sign3A_59 : i32
    %sign3A_61 = arith.extui %sign3A_60 : i1 to i32
    %sign3A_62 = arith.subi %sign3A_58, %sign3A_61 : i32
    %sign3A_63 = arith.constant 0 : i32
    %sign3A_64 = arith.cmpi sgt, %jit3A, %sign3A_63 : i32
    %sign3A_65 = arith.extui %sign3A_64 : i1 to i32
    %sign3A_66 = arith.constant 0 : i32
    %sign3A_67 = arith.cmpi slt, %jit3A, %sign3A_66 : i32
    %sign3A_68 = arith.extui %sign3A_67 : i1 to i32
    %sign3A_69 = arith.subi %sign3A_65, %sign3A_68 : i32
    %ne3A = arith.cmpi ne, %sign3A_62, %sign3A_69 : i32
    %rem3A = arith.remsi %add3A_50, %jit3A : i32
    %ne3A_70 = arith.constant 0 : i32
    %ne3A_71 = arith.cmpi ne, %rem3A, %ne3A_70 : i32
    %and3A = arith.andi %ne3A, %ne3A_71 : i1
    %sub3A = arith.constant 1 : i32
    %sub3A_72 = arith.subi %div3A, %sub3A : i32
    %select_n3A = arith.select %and3A, %sub3A_72, %div3A : i32
    %while3A = arith.constant 0 : i32
    %while3A_73 = arith.constant 0 : i32
    %while3A_74 = arith.subi %select_n3A, %while3A : i32
    %while3A_75 = arith.addi %while3A, %while3A_74 : i32
    %while3A_76 = arith.constant 1 : i32
    %while3A_77 = arith.divsi %while3A_74, %while3A_76 : i32
    %while3A_78 = arith.muli %while3A_77, %while3A_76 : i32
    %while3A_79 = arith.addi %while3A, %while3A_78 : i32
    %while3A_80 = arith.constant 1 : i32
    %while3A_81 = scf.for %while3A_89 = %while3A to %while3A_79 step %while3A_80 iter_args(%while3A_90 = %while3A_73) -> (i32)  : i32 {
      %mul3A_91 = arith.constant 2 : i32
      %mul3A_92 = arith.muli %mul3A_91, %while3A_89 : i32
      %add3A_93 = arith.addi %add3A_56, %mul3A_92 : i32
      %add3A_94 = arith.constant 0 : i32
      %add3A_95 = arith.addi %add3A_93, %add3A_94 : i32
      %add3A_96 = arith.constant 1 : i32
      %add3A_97 = arith.addi %add3A_95, %add3A_96 : i32
      %dma_start3A = arith.constant 1 : i32
      %dma_start3A_98 = arith.constant 0 : i32
      %dma_start3A_99 = arith.constant 0 : i32
      %dma_start3A_100 = tpu.memref_slice %arg5[%dma_start3A, %dma_start3A_98, %dma_start3A_99] : memref<2x2x128xi32, #tpu.memory_space<vmem>> -> memref<1x2x128xi32, #tpu.memory_space<vmem>>
      %dma_start3A_101 = tpu.memref_squeeze %dma_start3A_100 : memref<1x2x128xi32, #tpu.memory_space<vmem>> -> memref<2x128xi32, #tpu.memory_space<vmem>>
      %dma_start3A_102 = arith.constant 0 : i32
      %dma_start3A_103 = arith.constant 0 : i32
      %dma_start3A_104 = tpu.memref_slice %arg3[%add3A_97, %dma_start3A_102, %dma_start3A_103] : memref<2529x2x128xi32, #tpu.memory_space<hbm>> -> memref<1x2x128xi32, #tpu.memory_space<hbm>>
      %dma_start3A_105 = tpu.memref_squeeze %dma_start3A_104 : memref<1x2x128xi32, #tpu.memory_space<hbm>> -> memref<2x128xi32, #tpu.memory_space<hbm>>
      %dma_start3A_106 = arith.constant 0 : i32
      %dma_start3A_107 = arith.constant 0 : i32
      %dma_start3A_108 = tpu.memref_slice %arg5[%dma_start3A, %dma_start3A_106, %dma_start3A_107] : memref<2x2x128xi32, #tpu.memory_space<vmem>> -> memref<1x2x128xi32, #tpu.memory_space<vmem>>
      %dma_start3A_109 = tpu.memref_squeeze %dma_start3A_108 : memref<1x2x128xi32, #tpu.memory_space<vmem>> -> memref<2x128xi32, #tpu.memory_space<vmem>>
      %dma_start3A_110 = arith.constant 0 : i32
      %dma_start3A_111 = arith.constant 0 : i32
      %dma_start3A_112 = tpu.memref_slice %arg3[%add3A_97, %dma_start3A_110, %dma_start3A_111] : memref<2529x2x128xi32, #tpu.memory_space<hbm>> -> memref<1x2x128xi32, #tpu.memory_space<hbm>>
      %dma_start3A_113 = tpu.memref_squeeze %dma_start3A_112 : memref<1x2x128xi32, #tpu.memory_space<hbm>> -> memref<2x128xi32, #tpu.memory_space<hbm>>
      tpu.enqueue_dma source(%dma_start3A_113 : memref<2x128xi32, #tpu.memory_space<hbm>>) target(%dma_start3A_109 : memref<2x128xi32, #tpu.memory_space<vmem>>) target_semaphore(%arg10 : memref<!tpu.dma_semaphore, #tpu.memory_space<semaphore_mem>>)
      %dma_start3A_114 = arith.constant 0 : i32
      %dma_start3A_115 = arith.constant 0 : i32
      %dma_start3A_116 = arith.constant 0 : i32
      %dma_start3A_117 = arith.constant 0 : i32
      %dma_start3A_118 = tpu.memref_slice %arg5[%dma_start3A_114, %dma_start3A_116, %dma_start3A_117] : memref<2x2x128xi32, #tpu.memory_space<vmem>> -> memref<1x2x128xi32, #tpu.memory_space<vmem>>
      %dma_start3A_119 = tpu.memref_squeeze %dma_start3A_118 : memref<1x2x128xi32, #tpu.memory_space<vmem>> -> memref<2x128xi32, #tpu.memory_space<vmem>>
      %dma_start3A_120 = arith.constant 0 : i32
      %dma_start3A_121 = tpu.memref_slice %dma_start3A_119[%dma_start3A_115, %dma_start3A_120] : memref<2x128xi32, #tpu.memory_space<vmem>> -> memref<1x128xi32, #tpu.memory_space<vmem>>
      %dma_start3A_122 = tpu.memref_squeeze %dma_start3A_121 : memref<1x128xi32, #tpu.memory_space<vmem>> -> memref<128xi32, #tpu.memory_space<vmem>>
      %dma_start3A_123 = arith.constant 0 : i32
      %dma_start3A_124 = arith.constant 0 : i32
      %dma_start3A_125 = tpu.memref_slice %arg2[%dma_start3A_123, %dma_start3A_124] : memref<10000x128xf32, #tpu.memory_space<hbm>> -> memref<10000x128xf32, #tpu.memory_space<hbm>>
      tpu.enqueue_indirect_dma source(%dma_start3A_125 : memref<10000x128xf32, #tpu.memory_space<hbm>>) target(%arg6 : memref<128x128xf32, #tpu.memory_space<vmem>>) offsets(%dma_start3A_122 : memref<128xi32, #tpu.memory_space<vmem>>) semaphore(%arg9 : memref<!tpu.dma_semaphore, #tpu.memory_space<semaphore_mem>>)
      %dma_wait3A = arith.constant 0 : i32
      %dma_wait3A_126 = arith.constant 0 : i32
      %dma_wait3A_127 = arith.constant 0 : i32
      %dma_wait3A_128 = arith.constant 0 : i32
      %dma_wait3A_129 = tpu.memref_slice %arg5[%dma_wait3A, %dma_wait3A_127, %dma_wait3A_128] : memref<2x2x128xi32, #tpu.memory_space<vmem>> -> memref<1x2x128xi32, #tpu.memory_space<vmem>>
      %dma_wait3A_130 = tpu.memref_squeeze %dma_wait3A_129 : memref<1x2x128xi32, #tpu.memory_space<vmem>> -> memref<2x128xi32, #tpu.memory_space<vmem>>
      %dma_wait3A_131 = arith.constant 0 : i32
      %dma_wait3A_132 = tpu.memref_slice %dma_wait3A_130[%dma_wait3A_126, %dma_wait3A_131] : memref<2x128xi32, #tpu.memory_space<vmem>> -> memref<1x128xi32, #tpu.memory_space<vmem>>
      %dma_wait3A_133 = tpu.memref_squeeze %dma_wait3A_132 : memref<1x128xi32, #tpu.memory_space<vmem>> -> memref<128xi32, #tpu.memory_space<vmem>>
      %dma_wait3A_134 = arith.constant 0 : i32
      %dma_wait3A_135 = arith.constant 0 : i32
      %dma_wait3A_136 = tpu.memref_slice %arg2[%dma_wait3A_134, %dma_wait3A_135] : memref<10000x128xf32, #tpu.memory_space<hbm>> -> memref<10000x128xf32, #tpu.memory_space<hbm>>
      tpu.wait_indirect_dma semaphore(%arg9 : memref<!tpu.dma_semaphore, #tpu.memory_space<semaphore_mem>>) src(%dma_wait3A_136 : memref<10000x128xf32, #tpu.memory_space<hbm>>) dst(%arg6 : memref<128x128xf32, #tpu.memory_space<vmem>>)
      %run_scoped3A_137 = arith.constant 0 : i32
      %run_scoped3A_138 = arith.constant 1 : i32
      "tpu.region"() ({
        %run_scoped3A_222 = tpu.sem_alloc : memref<!tpu.dma_semaphore, #tpu.memory_space<semaphore_mem>>
        %dma_start3A_223 = arith.constant 0 : i32
        %dma_start3A_224 = arith.constant 0 : i32
        %dma_start3A_225 = tpu.memref_slice %arg5[%run_scoped3A_137, %dma_start3A_223, %dma_start3A_224] : memref<2x2x128xi32, #tpu.memory_space<vmem>> -> memref<1x2x128xi32, #tpu.memory_space<vmem>>
        %dma_start3A_226 = tpu.memref_squeeze %dma_start3A_225 : memref<1x2x128xi32, #tpu.memory_space<vmem>> -> memref<2x128xi32, #tpu.memory_space<vmem>>
        %dma_start3A_227 = arith.constant 0 : i32
        %dma_start3A_228 = tpu.memref_slice %dma_start3A_226[%run_scoped3A_138, %dma_start3A_227] : memref<2x128xi32, #tpu.memory_space<vmem>> -> memref<1x128xi32, #tpu.memory_space<vmem>>
        %dma_start3A_229 = tpu.memref_squeeze %dma_start3A_228 : memref<1x128xi32, #tpu.memory_space<vmem>> -> memref<128xi32, #tpu.memory_space<vmem>>
        %dma_start3A_230 = arith.constant 0 : i32
        %dma_start3A_231 = arith.constant 0 : i32
        %dma_start3A_232 = tpu.memref_slice %arg8[%dma_start3A_230, %dma_start3A_231] : memref<10240x128xf32, #tpu.memory_space<vmem_shared>> -> memref<10240x128xf32, #tpu.memory_space<vmem_shared>>
        tpu.enqueue_indirect_dma source(%arg6 : memref<128x128xf32, #tpu.memory_space<vmem>>) target(%dma_start3A_232 : memref<10240x128xf32, #tpu.memory_space<vmem_shared>>) offsets(%dma_start3A_229 : memref<128xi32, #tpu.memory_space<vmem>>) semaphore(%run_scoped3A_222 : memref<!tpu.dma_semaphore, #tpu.memory_space<semaphore_mem>>) {add = true}
        %dma_wait3A_233 = arith.constant 0 : i32
        %dma_wait3A_234 = arith.constant 0 : i32
        %dma_wait3A_235 = tpu.memref_slice %arg5[%run_scoped3A_137, %dma_wait3A_233, %dma_wait3A_234] : memref<2x2x128xi32, #tpu.memory_space<vmem>> -> memref<1x2x128xi32, #tpu.memory_space<vmem>>
        %dma_wait3A_236 = tpu.memref_squeeze %dma_wait3A_235 : memref<1x2x128xi32, #tpu.memory_space<vmem>> -> memref<2x128xi32, #tpu.memory_space<vmem>>
        %dma_wait3A_237 = arith.constant 0 : i32
        %dma_wait3A_238 = tpu.memref_slice %dma_wait3A_236[%run_scoped3A_138, %dma_wait3A_237] : memref<2x128xi32, #tpu.memory_space<vmem>> -> memref<1x128xi32, #tpu.memory_space<vmem>>
        %dma_wait3A_239 = tpu.memref_squeeze %dma_wait3A_238 : memref<1x128xi32, #tpu.memory_space<vmem>> -> memref<128xi32, #tpu.memory_space<vmem>>
        %dma_wait3A_240 = arith.constant 0 : i32
        %dma_wait3A_241 = arith.constant 0 : i32
        %dma_wait3A_242 = tpu.memref_slice %arg8[%dma_wait3A_240, %dma_wait3A_241] : memref<10240x128xf32, #tpu.memory_space<vmem_shared>> -> memref<10240x128xf32, #tpu.memory_space<vmem_shared>>
        tpu.wait_indirect_dma semaphore(%run_scoped3A_222 : memref<!tpu.dma_semaphore, #tpu.memory_space<semaphore_mem>>) src(%arg6 : memref<128x128xf32, #tpu.memory_space<vmem>>) dst(%dma_wait3A_242 : memref<10240x128xf32, #tpu.memory_space<vmem_shared>>)
        tpu.yield
      }) : () -> ()
      %dma_wait3A_139 = arith.constant 1 : i32
      %dma_wait3A_140 = arith.constant 0 : i32
      %dma_wait3A_141 = arith.constant 0 : i32
      %dma_wait3A_142 = tpu.memref_slice %arg5[%dma_wait3A_139, %dma_wait3A_140, %dma_wait3A_141] : memref<2x2x128xi32, #tpu.memory_space<vmem>> -> memref<1x2x128xi32, #tpu.memory_space<vmem>>
      %dma_wait3A_143 = tpu.memref_squeeze %dma_wait3A_142 : memref<1x2x128xi32, #tpu.memory_space<vmem>> -> memref<2x128xi32, #tpu.memory_space<vmem>>
      %dma_wait3A_144 = arith.constant 0 : i32
      %dma_wait3A_145 = arith.constant 0 : i32
      %dma_wait3A_146 = tpu.memref_slice %arg3[%add3A_56, %dma_wait3A_144, %dma_wait3A_145] : memref<2529x2x128xi32, #tpu.memory_space<hbm>> -> memref<1x2x128xi32, #tpu.memory_space<hbm>>
      %dma_wait3A_147 = tpu.memref_squeeze %dma_wait3A_146 : memref<1x2x128xi32, #tpu.memory_space<hbm>> -> memref<2x128xi32, #tpu.memory_space<hbm>>
      %dma_wait3A_148 = arith.constant 0 : i32
      %dma_wait3A_149 = arith.constant 0 : i32
      %dma_wait3A_150 = tpu.memref_slice %arg5[%dma_wait3A_139, %dma_wait3A_148, %dma_wait3A_149] : memref<2x2x128xi32, #tpu.memory_space<vmem>> -> memref<1x2x128xi32, #tpu.memory_space<vmem>>
      %dma_wait3A_151 = tpu.memref_squeeze %dma_wait3A_150 : memref<1x2x128xi32, #tpu.memory_space<vmem>> -> memref<2x128xi32, #tpu.memory_space<vmem>>
      %dma_wait3A_152 = arith.constant 0 : i32
      %dma_wait3A_153 = arith.constant 0 : i32
      %dma_wait3A_154 = tpu.memref_slice %arg3[%add3A_56, %dma_wait3A_152, %dma_wait3A_153] : memref<2529x2x128xi32, #tpu.memory_space<hbm>> -> memref<1x2x128xi32, #tpu.memory_space<hbm>>
      %dma_wait3A_155 = tpu.memref_squeeze %dma_wait3A_154 : memref<1x2x128xi32, #tpu.memory_space<hbm>> -> memref<2x128xi32, #tpu.memory_space<hbm>>
      tpu.wait_dma2 semaphore(%arg10 : memref<!tpu.dma_semaphore, #tpu.memory_space<semaphore_mem>>) src(%dma_wait3A_155 : memref<2x128xi32, #tpu.memory_space<hbm>>) dst(%dma_wait3A_151 : memref<2x128xi32, #tpu.memory_space<vmem>>)
      %add3A_156 = arith.addi %add3A_56, %mul3A_92 : i32
      %add3A_157 = arith.constant 1 : i32
      %add3A_158 = arith.addi %add3A_156, %add3A_157 : i32
      %add3A_159 = arith.constant 1 : i32
      %add3A_160 = arith.addi %add3A_158, %add3A_159 : i32
      %dma_start3A_161 = arith.constant 0 : i32
      %dma_start3A_162 = arith.constant 0 : i32
      %dma_start3A_163 = arith.constant 0 : i32
      %dma_start3A_164 = tpu.memref_slice %arg5[%dma_start3A_161, %dma_start3A_162, %dma_start3A_163] : memref<2x2x128xi32, #tpu.memory_space<vmem>> -> memref<1x2x128xi32, #tpu.memory_space<vmem>>
      %dma_start3A_165 = tpu.memref_squeeze %dma_start3A_164 : memref<1x2x128xi32, #tpu.memory_space<vmem>> -> memref<2x128xi32, #tpu.memory_space<vmem>>
      %dma_start3A_166 = arith.constant 0 : i32
      %dma_start3A_167 = arith.constant 0 : i32
      %dma_start3A_168 = tpu.memref_slice %arg3[%add3A_160, %dma_start3A_166, %dma_start3A_167] : memref<2529x2x128xi32, #tpu.memory_space<hbm>> -> memref<1x2x128xi32, #tpu.memory_space<hbm>>
      %dma_start3A_169 = tpu.memref_squeeze %dma_start3A_168 : memref<1x2x128xi32, #tpu.memory_space<hbm>> -> memref<2x128xi32, #tpu.memory_space<hbm>>
      %dma_start3A_170 = arith.constant 0 : i32
      %dma_start3A_171 = arith.constant 0 : i32
      %dma_start3A_172 = tpu.memref_slice %arg5[%dma_start3A_161, %dma_start3A_170, %dma_start3A_171] : memref<2x2x128xi32, #tpu.memory_space<vmem>> -> memref<1x2x128xi32, #tpu.memory_space<vmem>>
      %dma_start3A_173 = tpu.memref_squeeze %dma_start3A_172 : memref<1x2x128xi32, #tpu.memory_space<vmem>> -> memref<2x128xi32, #tpu.memory_space<vmem>>
      %dma_start3A_174 = arith.constant 0 : i32
      %dma_start3A_175 = arith.constant 0 : i32
      %dma_start3A_176 = tpu.memref_slice %arg3[%add3A_160, %dma_start3A_174, %dma_start3A_175] : memref<2529x2x128xi32, #tpu.memory_space<hbm>> -> memref<1x2x128xi32, #tpu.memory_space<hbm>>
      %dma_start3A_177 = tpu.memref_squeeze %dma_start3A_176 : memref<1x2x128xi32, #tpu.memory_space<hbm>> -> memref<2x128xi32, #tpu.memory_space<hbm>>
      tpu.enqueue_dma source(%dma_start3A_177 : memref<2x128xi32, #tpu.memory_space<hbm>>) target(%dma_start3A_173 : memref<2x128xi32, #tpu.memory_space<vmem>>) target_semaphore(%arg10 : memref<!tpu.dma_semaphore, #tpu.memory_space<semaphore_mem>>)
      %dma_start3A_178 = arith.constant 1 : i32
      %dma_start3A_179 = arith.constant 0 : i32
      %dma_start3A_180 = arith.constant 0 : i32
      %dma_start3A_181 = arith.constant 0 : i32
      %dma_start3A_182 = tpu.memref_slice %arg5[%dma_start3A_178, %dma_start3A_180, %dma_start3A_181] : memref<2x2x128xi32, #tpu.memory_space<vmem>> -> memref<1x2x128xi32, #tpu.memory_space<vmem>>
      %dma_start3A_183 = tpu.memref_squeeze %dma_start3A_182 : memref<1x2x128xi32, #tpu.memory_space<vmem>> -> memref<2x128xi32, #tpu.memory_space<vmem>>
      %dma_start3A_184 = arith.constant 0 : i32
      %dma_start3A_185 = tpu.memref_slice %dma_start3A_183[%dma_start3A_179, %dma_start3A_184] : memref<2x128xi32, #tpu.memory_space<vmem>> -> memref<1x128xi32, #tpu.memory_space<vmem>>
      %dma_start3A_186 = tpu.memref_squeeze %dma_start3A_185 : memref<1x128xi32, #tpu.memory_space<vmem>> -> memref<128xi32, #tpu.memory_space<vmem>>
      %dma_start3A_187 = arith.constant 0 : i32
      %dma_start3A_188 = arith.constant 0 : i32
      %dma_start3A_189 = tpu.memref_slice %arg2[%dma_start3A_187, %dma_start3A_188] : memref<10000x128xf32, #tpu.memory_space<hbm>> -> memref<10000x128xf32, #tpu.memory_space<hbm>>
      tpu.enqueue_indirect_dma source(%dma_start3A_189 : memref<10000x128xf32, #tpu.memory_space<hbm>>) target(%arg6 : memref<128x128xf32, #tpu.memory_space<vmem>>) offsets(%dma_start3A_186 : memref<128xi32, #tpu.memory_space<vmem>>) semaphore(%arg9 : memref<!tpu.dma_semaphore, #tpu.memory_space<semaphore_mem>>)
      %dma_wait3A_190 = arith.constant 1 : i32
      %dma_wait3A_191 = arith.constant 0 : i32
      %dma_wait3A_192 = arith.constant 0 : i32
      %dma_wait3A_193 = arith.constant 0 : i32
      %dma_wait3A_194 = tpu.memref_slice %arg5[%dma_wait3A_190, %dma_wait3A_192, %dma_wait3A_193] : memref<2x2x128xi32, #tpu.memory_space<vmem>> -> memref<1x2x128xi32, #tpu.memory_space<vmem>>
      %dma_wait3A_195 = tpu.memref_squeeze %dma_wait3A_194 : memref<1x2x128xi32, #tpu.memory_space<vmem>> -> memref<2x128xi32, #tpu.memory_space<vmem>>
      %dma_wait3A_196 = arith.constant 0 : i32
      %dma_wait3A_197 = tpu.memref_slice %dma_wait3A_195[%dma_wait3A_191, %dma_wait3A_196] : memref<2x128xi32, #tpu.memory_space<vmem>> -> memref<1x128xi32, #tpu.memory_space<vmem>>
      %dma_wait3A_198 = tpu.memref_squeeze %dma_wait3A_197 : memref<1x128xi32, #tpu.memory_space<vmem>> -> memref<128xi32, #tpu.memory_space<vmem>>
      %dma_wait3A_199 = arith.constant 0 : i32
      %dma_wait3A_200 = arith.constant 0 : i32
      %dma_wait3A_201 = tpu.memref_slice %arg2[%dma_wait3A_199, %dma_wait3A_200] : memref<10000x128xf32, #tpu.memory_space<hbm>> -> memref<10000x128xf32, #tpu.memory_space<hbm>>
      tpu.wait_indirect_dma semaphore(%arg9 : memref<!tpu.dma_semaphore, #tpu.memory_space<semaphore_mem>>) src(%dma_wait3A_201 : memref<10000x128xf32, #tpu.memory_space<hbm>>) dst(%arg6 : memref<128x128xf32, #tpu.memory_space<vmem>>)
      %run_scoped3A_202 = arith.constant 1 : i32
      %run_scoped3A_203 = arith.constant 1 : i32
      "tpu.region"() ({
        %run_scoped3A_222 = tpu.sem_alloc : memref<!tpu.dma_semaphore, #tpu.memory_space<semaphore_mem>>
        %dma_start3A_223 = arith.constant 0 : i32
        %dma_start3A_224 = arith.constant 0 : i32
        %dma_start3A_225 = tpu.memref_slice %arg5[%run_scoped3A_202, %dma_start3A_223, %dma_start3A_224] : memref<2x2x128xi32, #tpu.memory_space<vmem>> -> memref<1x2x128xi32, #tpu.memory_space<vmem>>
        %dma_start3A_226 = tpu.memref_squeeze %dma_start3A_225 : memref<1x2x128xi32, #tpu.memory_space<vmem>> -> memref<2x128xi32, #tpu.memory_space<vmem>>
        %dma_start3A_227 = arith.constant 0 : i32
        %dma_start3A_228 = tpu.memref_slice %dma_start3A_226[%run_scoped3A_203, %dma_start3A_227] : memref<2x128xi32, #tpu.memory_space<vmem>> -> memref<1x128xi32, #tpu.memory_space<vmem>>
        %dma_start3A_229 = tpu.memref_squeeze %dma_start3A_228 : memref<1x128xi32, #tpu.memory_space<vmem>> -> memref<128xi32, #tpu.memory_space<vmem>>
        %dma_start3A_230 = arith.constant 0 : i32
        %dma_start3A_231 = arith.constant 0 : i32
        %dma_start3A_232 = tpu.memref_slice %arg8[%dma_start3A_230, %dma_start3A_231] : memref<10240x128xf32, #tpu.memory_space<vmem_shared>> -> memref<10240x128xf32, #tpu.memory_space<vmem_shared>>
        tpu.enqueue_indirect_dma source(%arg6 : memref<128x128xf32, #tpu.memory_space<vmem>>) target(%dma_start3A_232 : memref<10240x128xf32, #tpu.memory_space<vmem_shared>>) offsets(%dma_start3A_229 : memref<128xi32, #tpu.memory_space<vmem>>) semaphore(%run_scoped3A_222 : memref<!tpu.dma_semaphore, #tpu.memory_space<semaphore_mem>>) {add = true}
        %dma_wait3A_233 = arith.constant 0 : i32
        %dma_wait3A_234 = arith.constant 0 : i32
        %dma_wait3A_235 = tpu.memref_slice %arg5[%run_scoped3A_202, %dma_wait3A_233, %dma_wait3A_234] : memref<2x2x128xi32, #tpu.memory_space<vmem>> -> memref<1x2x128xi32, #tpu.memory_space<vmem>>
        %dma_wait3A_236 = tpu.memref_squeeze %dma_wait3A_235 : memref<1x2x128xi32, #tpu.memory_space<vmem>> -> memref<2x128xi32, #tpu.memory_space<vmem>>
        %dma_wait3A_237 = arith.constant 0 : i32
        %dma_wait3A_238 = tpu.memref_slice %dma_wait3A_236[%run_scoped3A_203, %dma_wait3A_237] : memref<2x128xi32, #tpu.memory_space<vmem>> -> memref<1x128xi32, #tpu.memory_space<vmem>>
        %dma_wait3A_239 = tpu.memref_squeeze %dma_wait3A_238 : memref<1x128xi32, #tpu.memory_space<vmem>> -> memref<128xi32, #tpu.memory_space<vmem>>
        %dma_wait3A_240 = arith.constant 0 : i32
        %dma_wait3A_241 = arith.constant 0 : i32
        %dma_wait3A_242 = tpu.memref_slice %arg8[%dma_wait3A_240, %dma_wait3A_241] : memref<10240x128xf32, #tpu.memory_space<vmem_shared>> -> memref<10240x128xf32, #tpu.memory_space<vmem_shared>>
        tpu.wait_indirect_dma semaphore(%run_scoped3A_222 : memref<!tpu.dma_semaphore, #tpu.memory_space<semaphore_mem>>) src(%arg6 : memref<128x128xf32, #tpu.memory_space<vmem>>) dst(%dma_wait3A_242 : memref<10240x128xf32, #tpu.memory_space<vmem_shared>>)
        tpu.yield
      }) : () -> ()
      %dma_wait3A_204 = arith.constant 0 : i32
      %dma_wait3A_205 = arith.constant 0 : i32
      %dma_wait3A_206 = arith.constant 0 : i32
      %dma_wait3A_207 = tpu.memref_slice %arg5[%dma_wait3A_204, %dma_wait3A_205, %dma_wait3A_206] : memref<2x2x128xi32, #tpu.memory_space<vmem>> -> memref<1x2x128xi32, #tpu.memory_space<vmem>>
      %dma_wait3A_208 = tpu.memref_squeeze %dma_wait3A_207 : memref<1x2x128xi32, #tpu.memory_space<vmem>> -> memref<2x128xi32, #tpu.memory_space<vmem>>
      %dma_wait3A_209 = arith.constant 0 : i32
      %dma_wait3A_210 = arith.constant 0 : i32
      %dma_wait3A_211 = tpu.memref_slice %arg3[%add3A_56, %dma_wait3A_209, %dma_wait3A_210] : memref<2529x2x128xi32, #tpu.memory_space<hbm>> -> memref<1x2x128xi32, #tpu.memory_space<hbm>>
      %dma_wait3A_212 = tpu.memref_squeeze %dma_wait3A_211 : memref<1x2x128xi32, #tpu.memory_space<hbm>> -> memref<2x128xi32, #tpu.memory_space<hbm>>
      %dma_wait3A_213 = arith.constant 0 : i32
      %dma_wait3A_214 = arith.constant 0 : i32
      %dma_wait3A_215 = tpu.memref_slice %arg5[%dma_wait3A_204, %dma_wait3A_213, %dma_wait3A_214] : memref<2x2x128xi32, #tpu.memory_space<vmem>> -> memref<1x2x128xi32, #tpu.memory_space<vmem>>
      %dma_wait3A_216 = tpu.memref_squeeze %dma_wait3A_215 : memref<1x2x128xi32, #tpu.memory_space<vmem>> -> memref<2x128xi32, #tpu.memory_space<vmem>>
      %dma_wait3A_217 = arith.constant 0 : i32
      %dma_wait3A_218 = arith.constant 0 : i32
      %dma_wait3A_219 = tpu.memref_slice %arg3[%add3A_56, %dma_wait3A_217, %dma_wait3A_218] : memref<2529x2x128xi32, #tpu.memory_space<hbm>> -> memref<1x2x128xi32, #tpu.memory_space<hbm>>
      %dma_wait3A_220 = tpu.memref_squeeze %dma_wait3A_219 : memref<1x2x128xi32, #tpu.memory_space<hbm>> -> memref<2x128xi32, #tpu.memory_space<hbm>>
      tpu.wait_dma2 semaphore(%arg10 : memref<!tpu.dma_semaphore, #tpu.memory_space<semaphore_mem>>) src(%dma_wait3A_220 : memref<2x128xi32, #tpu.memory_space<hbm>>) dst(%dma_wait3A_216 : memref<2x128xi32, #tpu.memory_space<vmem>>)
      %while3A_221 = arith.constant 0 : i32
      scf.yield %while3A_221 : i32
    }
    %while3A_82 = arith.constant 1 : i32
    %while3A_83 = scf.for %while3A_89 = %while3A_79 to %while3A_75 step %while3A_82 iter_args(%while3A_90 = %while3A_81) -> (i32)  : i32 {
      %mul3A_91 = arith.constant 2 : i32
      %mul3A_92 = arith.muli %mul3A_91, %while3A_89 : i32
      %add3A_93 = arith.addi %add3A_56, %mul3A_92 : i32
      %add3A_94 = arith.constant 0 : i32
      %add3A_95 = arith.addi %add3A_93, %add3A_94 : i32
      %add3A_96 = arith.constant 1 : i32
      %add3A_97 = arith.addi %add3A_95, %add3A_96 : i32
      %dma_start3A = arith.constant 1 : i32
      %dma_start3A_98 = arith.constant 0 : i32
      %dma_start3A_99 = arith.constant 0 : i32
      %dma_start3A_100 = tpu.memref_slice %arg5[%dma_start3A, %dma_start3A_98, %dma_start3A_99] : memref<2x2x128xi32, #tpu.memory_space<vmem>> -> memref<1x2x128xi32, #tpu.memory_space<vmem>>
      %dma_start3A_101 = tpu.memref_squeeze %dma_start3A_100 : memref<1x2x128xi32, #tpu.memory_space<vmem>> -> memref<2x128xi32, #tpu.memory_space<vmem>>
      %dma_start3A_102 = arith.constant 0 : i32
      %dma_start3A_103 = arith.constant 0 : i32
      %dma_start3A_104 = tpu.memref_slice %arg3[%add3A_97, %dma_start3A_102, %dma_start3A_103] : memref<2529x2x128xi32, #tpu.memory_space<hbm>> -> memref<1x2x128xi32, #tpu.memory_space<hbm>>
      %dma_start3A_105 = tpu.memref_squeeze %dma_start3A_104 : memref<1x2x128xi32, #tpu.memory_space<hbm>> -> memref<2x128xi32, #tpu.memory_space<hbm>>
      %dma_start3A_106 = arith.constant 0 : i32
      %dma_start3A_107 = arith.constant 0 : i32
      %dma_start3A_108 = tpu.memref_slice %arg5[%dma_start3A, %dma_start3A_106, %dma_start3A_107] : memref<2x2x128xi32, #tpu.memory_space<vmem>> -> memref<1x2x128xi32, #tpu.memory_space<vmem>>
      %dma_start3A_109 = tpu.memref_squeeze %dma_start3A_108 : memref<1x2x128xi32, #tpu.memory_space<vmem>> -> memref<2x128xi32, #tpu.memory_space<vmem>>
      %dma_start3A_110 = arith.constant 0 : i32
      %dma_start3A_111 = arith.constant 0 : i32
      %dma_start3A_112 = tpu.memref_slice %arg3[%add3A_97, %dma_start3A_110, %dma_start3A_111] : memref<2529x2x128xi32, #tpu.memory_space<hbm>> -> memref<1x2x128xi32, #tpu.memory_space<hbm>>
      %dma_start3A_113 = tpu.memref_squeeze %dma_start3A_112 : memref<1x2x128xi32, #tpu.memory_space<hbm>> -> memref<2x128xi32, #tpu.memory_space<hbm>>
      tpu.enqueue_dma source(%dma_start3A_113 : memref<2x128xi32, #tpu.memory_space<hbm>>) target(%dma_start3A_109 : memref<2x128xi32, #tpu.memory_space<vmem>>) target_semaphore(%arg10 : memref<!tpu.dma_semaphore, #tpu.memory_space<semaphore_mem>>)
      %dma_start3A_114 = arith.constant 0 : i32
      %dma_start3A_115 = arith.constant 0 : i32
      %dma_start3A_116 = arith.constant 0 : i32
      %dma_start3A_117 = arith.constant 0 : i32
      %dma_start3A_118 = tpu.memref_slice %arg5[%dma_start3A_114, %dma_start3A_116, %dma_start3A_117] : memref<2x2x128xi32, #tpu.memory_space<vmem>> -> memref<1x2x128xi32, #tpu.memory_space<vmem>>
      %dma_start3A_119 = tpu.memref_squeeze %dma_start3A_118 : memref<1x2x128xi32, #tpu.memory_space<vmem>> -> memref<2x128xi32, #tpu.memory_space<vmem>>
      %dma_start3A_120 = arith.constant 0 : i32
      %dma_start3A_121 = tpu.memref_slice %dma_start3A_119[%dma_start3A_115, %dma_start3A_120] : memref<2x128xi32, #tpu.memory_space<vmem>> -> memref<1x128xi32, #tpu.memory_space<vmem>>
      %dma_start3A_122 = tpu.memref_squeeze %dma_start3A_121 : memref<1x128xi32, #tpu.memory_space<vmem>> -> memref<128xi32, #tpu.memory_space<vmem>>
      %dma_start3A_123 = arith.constant 0 : i32
      %dma_start3A_124 = arith.constant 0 : i32
      %dma_start3A_125 = tpu.memref_slice %arg2[%dma_start3A_123, %dma_start3A_124] : memref<10000x128xf32, #tpu.memory_space<hbm>> -> memref<10000x128xf32, #tpu.memory_space<hbm>>
      tpu.enqueue_indirect_dma source(%dma_start3A_125 : memref<10000x128xf32, #tpu.memory_space<hbm>>) target(%arg6 : memref<128x128xf32, #tpu.memory_space<vmem>>) offsets(%dma_start3A_122 : memref<128xi32, #tpu.memory_space<vmem>>) semaphore(%arg9 : memref<!tpu.dma_semaphore, #tpu.memory_space<semaphore_mem>>)
      %dma_wait3A = arith.constant 0 : i32
      %dma_wait3A_126 = arith.constant 0 : i32
      %dma_wait3A_127 = arith.constant 0 : i32
      %dma_wait3A_128 = arith.constant 0 : i32
      %dma_wait3A_129 = tpu.memref_slice %arg5[%dma_wait3A, %dma_wait3A_127, %dma_wait3A_128] : memref<2x2x128xi32, #tpu.memory_space<vmem>> -> memref<1x2x128xi32, #tpu.memory_space<vmem>>
      %dma_wait3A_130 = tpu.memref_squeeze %dma_wait3A_129 : memref<1x2x128xi32, #tpu.memory_space<vmem>> -> memref<2x128xi32, #tpu.memory_space<vmem>>
      %dma_wait3A_131 = arith.constant 0 : i32
      %dma_wait3A_132 = tpu.memref_slice %dma_wait3A_130[%dma_wait3A_126, %dma_wait3A_131] : memref<2x128xi32, #tpu.memory_space<vmem>> -> memref<1x128xi32, #tpu.memory_space<vmem>>
      %dma_wait3A_133 = tpu.memref_squeeze %dma_wait3A_132 : memref<1x128xi32, #tpu.memory_space<vmem>> -> memref<128xi32, #tpu.memory_space<vmem>>
      %dma_wait3A_134 = arith.constant 0 : i32
      %dma_wait3A_135 = arith.constant 0 : i32
      %dma_wait3A_136 = tpu.memref_slice %arg2[%dma_wait3A_134, %dma_wait3A_135] : memref<10000x128xf32, #tpu.memory_space<hbm>> -> memref<10000x128xf32, #tpu.memory_space<hbm>>
      tpu.wait_indirect_dma semaphore(%arg9 : memref<!tpu.dma_semaphore, #tpu.memory_space<semaphore_mem>>) src(%dma_wait3A_136 : memref<10000x128xf32, #tpu.memory_space<hbm>>) dst(%arg6 : memref<128x128xf32, #tpu.memory_space<vmem>>)
      %run_scoped3A_137 = arith.constant 0 : i32
      %run_scoped3A_138 = arith.constant 1 : i32
      "tpu.region"() ({
        %run_scoped3A_222 = tpu.sem_alloc : memref<!tpu.dma_semaphore, #tpu.memory_space<semaphore_mem>>
        %dma_start3A_223 = arith.constant 0 : i32
        %dma_start3A_224 = arith.constant 0 : i32
        %dma_start3A_225 = tpu.memref_slice %arg5[%run_scoped3A_137, %dma_start3A_223, %dma_start3A_224] : memref<2x2x128xi32, #tpu.memory_space<vmem>> -> memref<1x2x128xi32, #tpu.memory_space<vmem>>
        %dma_start3A_226 = tpu.memref_squeeze %dma_start3A_225 : memref<1x2x128xi32, #tpu.memory_space<vmem>> -> memref<2x128xi32, #tpu.memory_space<vmem>>
        %dma_start3A_227 = arith.constant 0 : i32
        %dma_start3A_228 = tpu.memref_slice %dma_start3A_226[%run_scoped3A_138, %dma_start3A_227] : memref<2x128xi32, #tpu.memory_space<vmem>> -> memref<1x128xi32, #tpu.memory_space<vmem>>
        %dma_start3A_229 = tpu.memref_squeeze %dma_start3A_228 : memref<1x128xi32, #tpu.memory_space<vmem>> -> memref<128xi32, #tpu.memory_space<vmem>>
        %dma_start3A_230 = arith.constant 0 : i32
        %dma_start3A_231 = arith.constant 0 : i32
        %dma_start3A_232 = tpu.memref_slice %arg8[%dma_start3A_230, %dma_start3A_231] : memref<10240x128xf32, #tpu.memory_space<vmem_shared>> -> memref<10240x128xf32, #tpu.memory_space<vmem_shared>>
        tpu.enqueue_indirect_dma source(%arg6 : memref<128x128xf32, #tpu.memory_space<vmem>>) target(%dma_start3A_232 : memref<10240x128xf32, #tpu.memory_space<vmem_shared>>) offsets(%dma_start3A_229 : memref<128xi32, #tpu.memory_space<vmem>>) semaphore(%run_scoped3A_222 : memref<!tpu.dma_semaphore, #tpu.memory_space<semaphore_mem>>) {add = true}
        %dma_wait3A_233 = arith.constant 0 : i32
        %dma_wait3A_234 = arith.constant 0 : i32
        %dma_wait3A_235 = tpu.memref_slice %arg5[%run_scoped3A_137, %dma_wait3A_233, %dma_wait3A_234] : memref<2x2x128xi32, #tpu.memory_space<vmem>> -> memref<1x2x128xi32, #tpu.memory_space<vmem>>
        %dma_wait3A_236 = tpu.memref_squeeze %dma_wait3A_235 : memref<1x2x128xi32, #tpu.memory_space<vmem>> -> memref<2x128xi32, #tpu.memory_space<vmem>>
        %dma_wait3A_237 = arith.constant 0 : i32
        %dma_wait3A_238 = tpu.memref_slice %dma_wait3A_236[%run_scoped3A_138, %dma_wait3A_237] : memref<2x128xi32, #tpu.memory_space<vmem>> -> memref<1x128xi32, #tpu.memory_space<vmem>>
        %dma_wait3A_239 = tpu.memref_squeeze %dma_wait3A_238 : memref<1x128xi32, #tpu.memory_space<vmem>> -> memref<128xi32, #tpu.memory_space<vmem>>
        %dma_wait3A_240 = arith.constant 0 : i32
        %dma_wait3A_241 = arith.constant 0 : i32
        %dma_wait3A_242 = tpu.memref_slice %arg8[%dma_wait3A_240, %dma_wait3A_241] : memref<10240x128xf32, #tpu.memory_space<vmem_shared>> -> memref<10240x128xf32, #tpu.memory_space<vmem_shared>>
        tpu.wait_indirect_dma semaphore(%run_scoped3A_222 : memref<!tpu.dma_semaphore, #tpu.memory_space<semaphore_mem>>) src(%arg6 : memref<128x128xf32, #tpu.memory_space<vmem>>) dst(%dma_wait3A_242 : memref<10240x128xf32, #tpu.memory_space<vmem_shared>>)
        tpu.yield
      }) : () -> ()
      %dma_wait3A_139 = arith.constant 1 : i32
      %dma_wait3A_140 = arith.constant 0 : i32
      %dma_wait3A_141 = arith.constant 0 : i32
      %dma_wait3A_142 = tpu.memref_slice %arg5[%dma_wait3A_139, %dma_wait3A_140, %dma_wait3A_141] : memref<2x2x128xi32, #tpu.memory_space<vmem>> -> memref<1x2x128xi32, #tpu.memory_space<vmem>>
      %dma_wait3A_143 = tpu.memref_squeeze %dma_wait3A_142 : memref<1x2x128xi32, #tpu.memory_space<vmem>> -> memref<2x128xi32, #tpu.memory_space<vmem>>
      %dma_wait3A_144 = arith.constant 0 : i32
      %dma_wait3A_145 = arith.constant 0 : i32
      %dma_wait3A_146 = tpu.memref_slice %arg3[%add3A_56, %dma_wait3A_144, %dma_wait3A_145] : memref<2529x2x128xi32, #tpu.memory_space<hbm>> -> memref<1x2x128xi32, #tpu.memory_space<hbm>>
      %dma_wait3A_147 = tpu.memref_squeeze %dma_wait3A_146 : memref<1x2x128xi32, #tpu.memory_space<hbm>> -> memref<2x128xi32, #tpu.memory_space<hbm>>
      %dma_wait3A_148 = arith.constant 0 : i32
      %dma_wait3A_149 = arith.constant 0 : i32
      %dma_wait3A_150 = tpu.memref_slice %arg5[%dma_wait3A_139, %dma_wait3A_148, %dma_wait3A_149] : memref<2x2x128xi32, #tpu.memory_space<vmem>> -> memref<1x2x128xi32, #tpu.memory_space<vmem>>
      %dma_wait3A_151 = tpu.memref_squeeze %dma_wait3A_150 : memref<1x2x128xi32, #tpu.memory_space<vmem>> -> memref<2x128xi32, #tpu.memory_space<vmem>>
      %dma_wait3A_152 = arith.constant 0 : i32
      %dma_wait3A_153 = arith.constant 0 : i32
      %dma_wait3A_154 = tpu.memref_slice %arg3[%add3A_56, %dma_wait3A_152, %dma_wait3A_153] : memref<2529x2x128xi32, #tpu.memory_space<hbm>> -> memref<1x2x128xi32, #tpu.memory_space<hbm>>
      %dma_wait3A_155 = tpu.memref_squeeze %dma_wait3A_154 : memref<1x2x128xi32, #tpu.memory_space<hbm>> -> memref<2x128xi32, #tpu.memory_space<hbm>>
      tpu.wait_dma2 semaphore(%arg10 : memref<!tpu.dma_semaphore, #tpu.memory_space<semaphore_mem>>) src(%dma_wait3A_155 : memref<2x128xi32, #tpu.memory_space<hbm>>) dst(%dma_wait3A_151 : memref<2x128xi32, #tpu.memory_space<vmem>>)
      %add3A_156 = arith.addi %add3A_56, %mul3A_92 : i32
      %add3A_157 = arith.constant 1 : i32
      %add3A_158 = arith.addi %add3A_156, %add3A_157 : i32
      %add3A_159 = arith.constant 1 : i32
      %add3A_160 = arith.addi %add3A_158, %add3A_159 : i32
      %dma_start3A_161 = arith.constant 0 : i32
      %dma_start3A_162 = arith.constant 0 : i32
      %dma_start3A_163 = arith.constant 0 : i32
      %dma_start3A_164 = tpu.memref_slice %arg5[%dma_start3A_161, %dma_start3A_162, %dma_start3A_163] : memref<2x2x128xi32, #tpu.memory_space<vmem>> -> memref<1x2x128xi32, #tpu.memory_space<vmem>>
      %dma_start3A_165 = tpu.memref_squeeze %dma_start3A_164 : memref<1x2x128xi32, #tpu.memory_space<vmem>> -> memref<2x128xi32, #tpu.memory_space<vmem>>
      %dma_start3A_166 = arith.constant 0 : i32
      %dma_start3A_167 = arith.constant 0 : i32
      %dma_start3A_168 = tpu.memref_slice %arg3[%add3A_160, %dma_start3A_166, %dma_start3A_167] : memref<2529x2x128xi32, #tpu.memory_space<hbm>> -> memref<1x2x128xi32, #tpu.memory_space<hbm>>
      %dma_start3A_169 = tpu.memref_squeeze %dma_start3A_168 : memref<1x2x128xi32, #tpu.memory_space<hbm>> -> memref<2x128xi32, #tpu.memory_space<hbm>>
      %dma_start3A_170 = arith.constant 0 : i32
      %dma_start3A_171 = arith.constant 0 : i32
      %dma_start3A_172 = tpu.memref_slice %arg5[%dma_start3A_161, %dma_start3A_170, %dma_start3A_171] : memref<2x2x128xi32, #tpu.memory_space<vmem>> -> memref<1x2x128xi32, #tpu.memory_space<vmem>>
      %dma_start3A_173 = tpu.memref_squeeze %dma_start3A_172 : memref<1x2x128xi32, #tpu.memory_space<vmem>> -> memref<2x128xi32, #tpu.memory_space<vmem>>
      %dma_start3A_174 = arith.constant 0 : i32
      %dma_start3A_175 = arith.constant 0 : i32
      %dma_start3A_176 = tpu.memref_slice %arg3[%add3A_160, %dma_start3A_174, %dma_start3A_175] : memref<2529x2x128xi32, #tpu.memory_space<hbm>> -> memref<1x2x128xi32, #tpu.memory_space<hbm>>
      %dma_start3A_177 = tpu.memref_squeeze %dma_start3A_176 : memref<1x2x128xi32, #tpu.memory_space<hbm>> -> memref<2x128xi32, #tpu.memory_space<hbm>>
      tpu.enqueue_dma source(%dma_start3A_177 : memref<2x128xi32, #tpu.memory_space<hbm>>) target(%dma_start3A_173 : memref<2x128xi32, #tpu.memory_space<vmem>>) target_semaphore(%arg10 : memref<!tpu.dma_semaphore, #tpu.memory_space<semaphore_mem>>)
      %dma_start3A_178 = arith.constant 1 : i32
      %dma_start3A_179 = arith.constant 0 : i32
      %dma_start3A_180 = arith.constant 0 : i32
      %dma_start3A_181 = arith.constant 0 : i32
      %dma_start3A_182 = tpu.memref_slice %arg5[%dma_start3A_178, %dma_start3A_180, %dma_start3A_181] : memref<2x2x128xi32, #tpu.memory_space<vmem>> -> memref<1x2x128xi32, #tpu.memory_space<vmem>>
      %dma_start3A_183 = tpu.memref_squeeze %dma_start3A_182 : memref<1x2x128xi32, #tpu.memory_space<vmem>> -> memref<2x128xi32, #tpu.memory_space<vmem>>
      %dma_start3A_184 = arith.constant 0 : i32
      %dma_start3A_185 = tpu.memref_slice %dma_start3A_183[%dma_start3A_179, %dma_start3A_184] : memref<2x128xi32, #tpu.memory_space<vmem>> -> memref<1x128xi32, #tpu.memory_space<vmem>>
      %dma_start3A_186 = tpu.memref_squeeze %dma_start3A_185 : memref<1x128xi32, #tpu.memory_space<vmem>> -> memref<128xi32, #tpu.memory_space<vmem>>
      %dma_start3A_187 = arith.constant 0 : i32
      %dma_start3A_188 = arith.constant 0 : i32
      %dma_start3A_189 = tpu.memref_slice %arg2[%dma_start3A_187, %dma_start3A_188] : memref<10000x128xf32, #tpu.memory_space<hbm>> -> memref<10000x128xf32, #tpu.memory_space<hbm>>
      tpu.enqueue_indirect_dma source(%dma_start3A_189 : memref<10000x128xf32, #tpu.memory_space<hbm>>) target(%arg6 : memref<128x128xf32, #tpu.memory_space<vmem>>) offsets(%dma_start3A_186 : memref<128xi32, #tpu.memory_space<vmem>>) semaphore(%arg9 : memref<!tpu.dma_semaphore, #tpu.memory_space<semaphore_mem>>)
      %dma_wait3A_190 = arith.constant 1 : i32
      %dma_wait3A_191 = arith.constant 0 : i32
      %dma_wait3A_192 = arith.constant 0 : i32
      %dma_wait3A_193 = arith.constant 0 : i32
      %dma_wait3A_194 = tpu.memref_slice %arg5[%dma_wait3A_190, %dma_wait3A_192, %dma_wait3A_193] : memref<2x2x128xi32, #tpu.memory_space<vmem>> -> memref<1x2x128xi32, #tpu.memory_space<vmem>>
      %dma_wait3A_195 = tpu.memref_squeeze %dma_wait3A_194 : memref<1x2x128xi32, #tpu.memory_space<vmem>> -> memref<2x128xi32, #tpu.memory_space<vmem>>
      %dma_wait3A_196 = arith.constant 0 : i32
      %dma_wait3A_197 = tpu.memref_slice %dma_wait3A_195[%dma_wait3A_191, %dma_wait3A_196] : memref<2x128xi32, #tpu.memory_space<vmem>> -> memref<1x128xi32, #tpu.memory_space<vmem>>
      %dma_wait3A_198 = tpu.memref_squeeze %dma_wait3A_197 : memref<1x128xi32, #tpu.memory_space<vmem>> -> memref<128xi32, #tpu.memory_space<vmem>>
      %dma_wait3A_199 = arith.constant 0 : i32
      %dma_wait3A_200 = arith.constant 0 : i32
      %dma_wait3A_201 = tpu.memref_slice %arg2[%dma_wait3A_199, %dma_wait3A_200] : memref<10000x128xf32, #tpu.memory_space<hbm>> -> memref<10000x128xf32, #tpu.memory_space<hbm>>
      tpu.wait_indirect_dma semaphore(%arg9 : memref<!tpu.dma_semaphore, #tpu.memory_space<semaphore_mem>>) src(%dma_wait3A_201 : memref<10000x128xf32, #tpu.memory_space<hbm>>) dst(%arg6 : memref<128x128xf32, #tpu.memory_space<vmem>>)
      %run_scoped3A_202 = arith.constant 1 : i32
      %run_scoped3A_203 = arith.constant 1 : i32
      "tpu.region"() ({
        %run_scoped3A_222 = tpu.sem_alloc : memref<!tpu.dma_semaphore, #tpu.memory_space<semaphore_mem>>
        %dma_start3A_223 = arith.constant 0 : i32
        %dma_start3A_224 = arith.constant 0 : i32
        %dma_start3A_225 = tpu.memref_slice %arg5[%run_scoped3A_202, %dma_start3A_223, %dma_start3A_224] : memref<2x2x128xi32, #tpu.memory_space<vmem>> -> memref<1x2x128xi32, #tpu.memory_space<vmem>>
        %dma_start3A_226 = tpu.memref_squeeze %dma_start3A_225 : memref<1x2x128xi32, #tpu.memory_space<vmem>> -> memref<2x128xi32, #tpu.memory_space<vmem>>
        %dma_start3A_227 = arith.constant 0 : i32
        %dma_start3A_228 = tpu.memref_slice %dma_start3A_226[%run_scoped3A_203, %dma_start3A_227] : memref<2x128xi32, #tpu.memory_space<vmem>> -> memref<1x128xi32, #tpu.memory_space<vmem>>
        %dma_start3A_229 = tpu.memref_squeeze %dma_start3A_228 : memref<1x128xi32, #tpu.memory_space<vmem>> -> memref<128xi32, #tpu.memory_space<vmem>>
        %dma_start3A_230 = arith.constant 0 : i32
        %dma_start3A_231 = arith.constant 0 : i32
        %dma_start3A_232 = tpu.memref_slice %arg8[%dma_start3A_230, %dma_start3A_231] : memref<10240x128xf32, #tpu.memory_space<vmem_shared>> -> memref<10240x128xf32, #tpu.memory_space<vmem_shared>>
        tpu.enqueue_indirect_dma source(%arg6 : memref<128x128xf32, #tpu.memory_space<vmem>>) target(%dma_start3A_232 : memref<10240x128xf32, #tpu.memory_space<vmem_shared>>) offsets(%dma_start3A_229 : memref<128xi32, #tpu.memory_space<vmem>>) semaphore(%run_scoped3A_222 : memref<!tpu.dma_semaphore, #tpu.memory_space<semaphore_mem>>) {add = true}
        %dma_wait3A_233 = arith.constant 0 : i32
        %dma_wait3A_234 = arith.constant 0 : i32
        %dma_wait3A_235 = tpu.memref_slice %arg5[%run_scoped3A_202, %dma_wait3A_233, %dma_wait3A_234] : memref<2x2x128xi32, #tpu.memory_space<vmem>> -> memref<1x2x128xi32, #tpu.memory_space<vmem>>
        %dma_wait3A_236 = tpu.memref_squeeze %dma_wait3A_235 : memref<1x2x128xi32, #tpu.memory_space<vmem>> -> memref<2x128xi32, #tpu.memory_space<vmem>>
        %dma_wait3A_237 = arith.constant 0 : i32
        %dma_wait3A_238 = tpu.memref_slice %dma_wait3A_236[%run_scoped3A_203, %dma_wait3A_237] : memref<2x128xi32, #tpu.memory_space<vmem>> -> memref<1x128xi32, #tpu.memory_space<vmem>>
        %dma_wait3A_239 = tpu.memref_squeeze %dma_wait3A_238 : memref<1x128xi32, #tpu.memory_space<vmem>> -> memref<128xi32, #tpu.memory_space<vmem>>
        %dma_wait3A_240 = arith.constant 0 : i32
        %dma_wait3A_241 = arith.constant 0 : i32
        %dma_wait3A_242 = tpu.memref_slice %arg8[%dma_wait3A_240, %dma_wait3A_241] : memref<10240x128xf32, #tpu.memory_space<vmem_shared>> -> memref<10240x128xf32, #tpu.memory_space<vmem_shared>>
        tpu.wait_indirect_dma semaphore(%run_scoped3A_222 : memref<!tpu.dma_semaphore, #tpu.memory_space<semaphore_mem>>) src(%arg6 : memref<128x128xf32, #tpu.memory_space<vmem>>) dst(%dma_wait3A_242 : memref<10240x128xf32, #tpu.memory_space<vmem_shared>>)
        tpu.yield
      }) : () -> ()
      %dma_wait3A_204 = arith.constant 0 : i32
      %dma_wait3A_205 = arith.constant 0 : i32
      %dma_wait3A_206 = arith.constant 0 : i32
      %dma_wait3A_207 = tpu.memref_slice %arg5[%dma_wait3A_204, %dma_wait3A_205, %dma_wait3A_206] : memref<2x2x128xi32, #tpu.memory_space<vmem>> -> memref<1x2x128xi32, #tpu.memory_space<vmem>>
      %dma_wait3A_208 = tpu.memref_squeeze %dma_wait3A_207 : memref<1x2x128xi32, #tpu.memory_space<vmem>> -> memref<2x128xi32, #tpu.memory_space<vmem>>
      %dma_wait3A_209 = arith.constant 0 : i32
      %dma_wait3A_210 = arith.constant 0 : i32
      %dma_wait3A_211 = tpu.memref_slice %arg3[%add3A_56, %dma_wait3A_209, %dma_wait3A_210] : memref<2529x2x128xi32, #tpu.memory_space<hbm>> -> memref<1x2x128xi32, #tpu.memory_space<hbm>>
      %dma_wait3A_212 = tpu.memref_squeeze %dma_wait3A_211 : memref<1x2x128xi32, #tpu.memory_space<hbm>> -> memref<2x128xi32, #tpu.memory_space<hbm>>
      %dma_wait3A_213 = arith.constant 0 : i32
      %dma_wait3A_214 = arith.constant 0 : i32
      %dma_wait3A_215 = tpu.memref_slice %arg5[%dma_wait3A_204, %dma_wait3A_213, %dma_wait3A_214] : memref<2x2x128xi32, #tpu.memory_space<vmem>> -> memref<1x2x128xi32, #tpu.memory_space<vmem>>
      %dma_wait3A_216 = tpu.memref_squeeze %dma_wait3A_215 : memref<1x2x128xi32, #tpu.memory_space<vmem>> -> memref<2x128xi32, #tpu.memory_space<vmem>>
      %dma_wait3A_217 = arith.constant 0 : i32
      %dma_wait3A_218 = arith.constant 0 : i32
      %dma_wait3A_219 = tpu.memref_slice %arg3[%add3A_56, %dma_wait3A_217, %dma_wait3A_218] : memref<2529x2x128xi32, #tpu.memory_space<hbm>> -> memref<1x2x128xi32, #tpu.memory_space<hbm>>
      %dma_wait3A_220 = tpu.memref_squeeze %dma_wait3A_219 : memref<1x2x128xi32, #tpu.memory_space<hbm>> -> memref<2x128xi32, #tpu.memory_space<hbm>>
      tpu.wait_dma2 semaphore(%arg10 : memref<!tpu.dma_semaphore, #tpu.memory_space<semaphore_mem>>) src(%dma_wait3A_220 : memref<2x128xi32, #tpu.memory_space<hbm>>) dst(%dma_wait3A_216 : memref<2x128xi32, #tpu.memory_space<vmem>>)
      %while3A_221 = arith.constant 0 : i32
      scf.yield %while3A_221 : i32
    }
    %barrier3A_84 = arith.constant 0 : index
    tpu.barrier barrier_id(%barrier3A_84)
    %mul3A_85 = arith.constant 640 : i32
    %mul3A_86 = arith.muli %arg1, %mul3A_85 : i32
    %mul3A_87 = arith.constant 640 : i32
    %mul3A_88 = arith.muli %arg1, %mul3A_87 : i32
    "tpu.region"() ({
      %run_scoped3A_89 = tpu.sem_alloc : memref<!tpu.dma_semaphore, #tpu.memory_space<semaphore_mem>>
      %dma_start3A = arith.constant 0 : i32
      %dma_start3A_90 = tpu.memref_slice %arg4[%arg0, %mul3A_88, %dma_start3A] : memref<2x10240x128xf32, #tpu.memory_space<hbm>> -> memref<1x640x128xf32, #tpu.memory_space<hbm>>
      %dma_start3A_91 = tpu.memref_squeeze %dma_start3A_90 : memref<1x640x128xf32, #tpu.memory_space<hbm>> -> memref<640x128xf32, #tpu.memory_space<hbm>>
      %dma_start3A_92 = arith.constant 0 : i32
      %dma_start3A_93 = tpu.memref_slice %arg8[%mul3A_86, %dma_start3A_92] : memref<10240x128xf32, #tpu.memory_space<vmem_shared>> -> memref<640x128xf32, #tpu.memory_space<vmem_shared>>
      tpu.enqueue_dma source(%dma_start3A_93 : memref<640x128xf32, #tpu.memory_space<vmem_shared>>) target(%dma_start3A_91 : memref<640x128xf32, #tpu.memory_space<hbm>>) target_semaphore(%run_scoped3A_89 : memref<!tpu.dma_semaphore, #tpu.memory_space<semaphore_mem>>)
      %dma_wait3A = arith.constant 0 : i32
      %dma_wait3A_94 = tpu.memref_slice %arg4[%arg0, %mul3A_88, %dma_wait3A] : memref<2x10240x128xf32, #tpu.memory_space<hbm>> -> memref<1x640x128xf32, #tpu.memory_space<hbm>>
      %dma_wait3A_95 = tpu.memref_squeeze %dma_wait3A_94 : memref<1x640x128xf32, #tpu.memory_space<hbm>> -> memref<640x128xf32, #tpu.memory_space<hbm>>
      %dma_wait3A_96 = arith.constant 0 : i32
      %dma_wait3A_97 = tpu.memref_slice %arg8[%mul3A_86, %dma_wait3A_96] : memref<10240x128xf32, #tpu.memory_space<vmem_shared>> -> memref<640x128xf32, #tpu.memory_space<vmem_shared>>
      tpu.wait_dma2 semaphore(%run_scoped3A_89 : memref<!tpu.dma_semaphore, #tpu.memory_space<semaphore_mem>>) src(%dma_wait3A_97 : memref<640x128xf32, #tpu.memory_space<vmem_shared>>) dst(%dma_wait3A_95 : memref<640x128xf32, #tpu.memory_space<hbm>>)
      tpu.yield
    }) : () -> ()
    return
  }
}

#map = affine_map<(d0, d1) -> (0, 0)>
#map1 = affine_map<(d0, d1) -> (0, 0, 0)>
module attributes {stable_mosaic.version = 14 : i64} {
  func.func @_sc_agg_body(%arg0: i32, %arg1: i32, %arg2: memref<10000x128xf32, #tpu.memory_space<hbm>>, %arg3: memref<2529x2x128xi32, #tpu.memory_space<hbm>>, %arg4: memref<2x10240x128xf32, #tpu.memory_space<hbm>>, %arg5: memref<2x2x128xi32, #tpu.memory_space<vmem>>, %arg6: memref<128x128xf32, #tpu.memory_space<vmem>>, %arg7: memref<64x128xf32, #tpu.memory_space<vmem>>, %arg8: memref<10240x128xf32, #tpu.memory_space<vmem_shared>>, %arg9: memref<!tpu.dma_semaphore, #tpu.memory_space<semaphore_mem>>, %arg10: memref<!tpu.dma_semaphore, #tpu.memory_space<semaphore_mem>>) attributes {dimension_semantics = [#tpu.dimension_semantics<core_parallel>, #tpu.dimension_semantics<subcore_parallel>], iteration_bounds = array<i64: 2, 16>, scalar_prefetch = 0 : i64, scratch_operands = 6 : i64, tpu.core_type = #tpu.core_type<sc_vector_subcore>, window_params = [{transform_indices = #map}, {transform_indices = #map1}, {transform_indices = #map1}]} {
    %mul3A = arith.constant 16 : i32
    %mul3A_0 = arith.muli %arg0, %mul3A : i32
    %add3A = arith.addi %mul3A_0, %arg1 : i32
    %scan3A = arith.constant 0 : i32
    %scan3A_1 = arith.constant 0 : i32
    %scan3A_2 = arith.constant 64 : i32
    %scan3A_3 = arith.addi %scan3A_1, %scan3A_2 : i32
    %scan3A_4 = arith.constant 1 : i32
    %scan3A_5 = scf.for %scan3A_89 = %scan3A_1 to %scan3A_3 step %scan3A_4 iter_args(%scan3A_90 = %scan3A) -> (i32)  : i32 {
      %broadcast_in_dim3A = arith.constant 0.000000e+00 : f32
      %broadcast_in_dim3A_91 = vector.broadcast %broadcast_in_dim3A : f32 to vector<16xf32>
      %swap3A = arith.index_cast %scan3A_89 : i32 to index
      %swap3A_92 = arith.constant 0 : index
      %swap3A_93 = tpu.vector_load %arg7[%swap3A, %swap3A_92] {strides = array<i32>} : memref<64x128xf32, #tpu.memory_space<vmem>>, vector<1x16xf32>,
      %swap3A_94 = vector.shape_cast %swap3A_93 : vector<1x16xf32> to vector<16xf32>
      %swap3A_95 = vector.shape_cast %broadcast_in_dim3A_91 : vector<16xf32> to vector<1x16xf32>
      tpu.vector_store %arg7[%swap3A, %swap3A_92], %swap3A_95 {strides = array<i32>} : memref<64x128xf32, #tpu.memory_space<vmem>>, vector<1x16xf32>,
      %broadcast_in_dim3A_96 = arith.constant 0.000000e+00 : f32
      %broadcast_in_dim3A_97 = vector.broadcast %broadcast_in_dim3A_96 : f32 to vector<16xf32>
      %swap3A_98 = arith.index_cast %scan3A_89 : i32 to index
      %swap3A_99 = arith.constant 16 : index
      %swap3A_100 = tpu.vector_load %arg7[%swap3A_98, %swap3A_99] {strides = array<i32>} : memref<64x128xf32, #tpu.memory_space<vmem>>, vector<1x16xf32>,
      %swap3A_101 = vector.shape_cast %swap3A_100 : vector<1x16xf32> to vector<16xf32>
      %swap3A_102 = vector.shape_cast %broadcast_in_dim3A_97 : vector<16xf32> to vector<1x16xf32>
      tpu.vector_store %arg7[%swap3A_98, %swap3A_99], %swap3A_102 {strides = array<i32>} : memref<64x128xf32, #tpu.memory_space<vmem>>, vector<1x16xf32>,
      %broadcast_in_dim3A_103 = arith.constant 0.000000e+00 : f32
      %broadcast_in_dim3A_104 = vector.broadcast %broadcast_in_dim3A_103 : f32 to vector<16xf32>
      %swap3A_105 = arith.index_cast %scan3A_89 : i32 to index
      %swap3A_106 = arith.constant 32 : index
      %swap3A_107 = tpu.vector_load %arg7[%swap3A_105, %swap3A_106] {strides = array<i32>} : memref<64x128xf32, #tpu.memory_space<vmem>>, vector<1x16xf32>,
      %swap3A_108 = vector.shape_cast %swap3A_107 : vector<1x16xf32> to vector<16xf32>
      %swap3A_109 = vector.shape_cast %broadcast_in_dim3A_104 : vector<16xf32> to vector<1x16xf32>
      tpu.vector_store %arg7[%swap3A_105, %swap3A_106], %swap3A_109 {strides = array<i32>} : memref<64x128xf32, #tpu.memory_space<vmem>>, vector<1x16xf32>,
      %broadcast_in_dim3A_110 = arith.constant 0.000000e+00 : f32
      %broadcast_in_dim3A_111 = vector.broadcast %broadcast_in_dim3A_110 : f32 to vector<16xf32>
      %swap3A_112 = arith.index_cast %scan3A_89 : i32 to index
      %swap3A_113 = arith.constant 48 : index
      %swap3A_114 = tpu.vector_load %arg7[%swap3A_112, %swap3A_113] {strides = array<i32>} : memref<64x128xf32, #tpu.memory_space<vmem>>, vector<1x16xf32>,
      %swap3A_115 = vector.shape_cast %swap3A_114 : vector<1x16xf32> to vector<16xf32>
      %swap3A_116 = vector.shape_cast %broadcast_in_dim3A_111 : vector<16xf32> to vector<1x16xf32>
      tpu.vector_store %arg7[%swap3A_112, %swap3A_113], %swap3A_116 {strides = array<i32>} : memref<64x128xf32, #tpu.memory_space<vmem>>, vector<1x16xf32>,
      %broadcast_in_dim3A_117 = arith.constant 0.000000e+00 : f32
      %broadcast_in_dim3A_118 = vector.broadcast %broadcast_in_dim3A_117 : f32 to vector<16xf32>
      %swap3A_119 = arith.index_cast %scan3A_89 : i32 to index
      %swap3A_120 = arith.constant 64 : index
      %swap3A_121 = tpu.vector_load %arg7[%swap3A_119, %swap3A_120] {strides = array<i32>} : memref<64x128xf32, #tpu.memory_space<vmem>>, vector<1x16xf32>,
      %swap3A_122 = vector.shape_cast %swap3A_121 : vector<1x16xf32> to vector<16xf32>
      %swap3A_123 = vector.shape_cast %broadcast_in_dim3A_118 : vector<16xf32> to vector<1x16xf32>
      tpu.vector_store %arg7[%swap3A_119, %swap3A_120], %swap3A_123 {strides = array<i32>} : memref<64x128xf32, #tpu.memory_space<vmem>>, vector<1x16xf32>,
      %broadcast_in_dim3A_124 = arith.constant 0.000000e+00 : f32
      %broadcast_in_dim3A_125 = vector.broadcast %broadcast_in_dim3A_124 : f32 to vector<16xf32>
      %swap3A_126 = arith.index_cast %scan3A_89 : i32 to index
      %swap3A_127 = arith.constant 80 : index
      %swap3A_128 = tpu.vector_load %arg7[%swap3A_126, %swap3A_127] {strides = array<i32>} : memref<64x128xf32, #tpu.memory_space<vmem>>, vector<1x16xf32>,
      %swap3A_129 = vector.shape_cast %swap3A_128 : vector<1x16xf32> to vector<16xf32>
      %swap3A_130 = vector.shape_cast %broadcast_in_dim3A_125 : vector<16xf32> to vector<1x16xf32>
      tpu.vector_store %arg7[%swap3A_126, %swap3A_127], %swap3A_130 {strides = array<i32>} : memref<64x128xf32, #tpu.memory_space<vmem>>, vector<1x16xf32>,
      %broadcast_in_dim3A_131 = arith.constant 0.000000e+00 : f32
      %broadcast_in_dim3A_132 = vector.broadcast %broadcast_in_dim3A_131 : f32 to vector<16xf32>
      %swap3A_133 = arith.index_cast %scan3A_89 : i32 to index
      %swap3A_134 = arith.constant 96 : index
      %swap3A_135 = tpu.vector_load %arg7[%swap3A_133, %swap3A_134] {strides = array<i32>} : memref<64x128xf32, #tpu.memory_space<vmem>>, vector<1x16xf32>,
      %swap3A_136 = vector.shape_cast %swap3A_135 : vector<1x16xf32> to vector<16xf32>
      %swap3A_137 = vector.shape_cast %broadcast_in_dim3A_132 : vector<16xf32> to vector<1x16xf32>
      tpu.vector_store %arg7[%swap3A_133, %swap3A_134], %swap3A_137 {strides = array<i32>} : memref<64x128xf32, #tpu.memory_space<vmem>>, vector<1x16xf32>,
      %broadcast_in_dim3A_138 = arith.constant 0.000000e+00 : f32
      %broadcast_in_dim3A_139 = vector.broadcast %broadcast_in_dim3A_138 : f32 to vector<16xf32>
      %swap3A_140 = arith.index_cast %scan3A_89 : i32 to index
      %swap3A_141 = arith.constant 112 : index
      %swap3A_142 = tpu.vector_load %arg7[%swap3A_140, %swap3A_141] {strides = array<i32>} : memref<64x128xf32, #tpu.memory_space<vmem>>, vector<1x16xf32>,
      %swap3A_143 = vector.shape_cast %swap3A_142 : vector<1x16xf32> to vector<16xf32>
      %swap3A_144 = vector.shape_cast %broadcast_in_dim3A_139 : vector<16xf32> to vector<1x16xf32>
      tpu.vector_store %arg7[%swap3A_140, %swap3A_141], %swap3A_144 {strides = array<i32>} : memref<64x128xf32, #tpu.memory_space<vmem>>, vector<1x16xf32>,
      %scan3A_145 = arith.constant 0 : i32
      scf.yield %scan3A_145 : i32
    }
    %scan3A_6 = arith.constant 64 : i32
    %mul3A_7 = arith.constant 640 : i32
    %mul3A_8 = arith.muli %arg1, %mul3A_7 : i32
    %add3A_9 = arith.constant 0 : i32
    %add3A_10 = arith.addi %mul3A_8, %add3A_9 : i32
    "tpu.region"() ({
      %run_scoped3A_89 = tpu.sem_alloc : memref<!tpu.dma_semaphore, #tpu.memory_space<semaphore_mem>>
      %dma_start3A = arith.constant 0 : i32
      %dma_start3A_90 = tpu.memref_slice %arg8[%add3A_10, %dma_start3A] : memref<10240x128xf32, #tpu.memory_space<vmem_shared>> -> memref<64x128xf32, #tpu.memory_space<vmem_shared>>
      %dma_start3A_91 = arith.constant 0 : i32
      %dma_start3A_92 = tpu.memref_slice %arg8[%add3A_10, %dma_start3A_91] : memref<10240x128xf32, #tpu.memory_space<vmem_shared>> -> memref<64x128xf32, #tpu.memory_space<vmem_shared>>
      tpu.enqueue_dma source(%arg7 : memref<64x128xf32, #tpu.memory_space<vmem>>) target(%dma_start3A_92 : memref<64x128xf32, #tpu.memory_space<vmem_shared>>) target_semaphore(%run_scoped3A_89 : memref<!tpu.dma_semaphore, #tpu.memory_space<semaphore_mem>>)
      %dma_wait3A = arith.constant 0 : i32
      %dma_wait3A_93 = tpu.memref_slice %arg8[%add3A_10, %dma_wait3A] : memref<10240x128xf32, #tpu.memory_space<vmem_shared>> -> memref<64x128xf32, #tpu.memory_space<vmem_shared>>
      %dma_wait3A_94 = arith.constant 0 : i32
      %dma_wait3A_95 = tpu.memref_slice %arg8[%add3A_10, %dma_wait3A_94] : memref<10240x128xf32, #tpu.memory_space<vmem_shared>> -> memref<64x128xf32, #tpu.memory_space<vmem_shared>>
      tpu.wait_dma2 semaphore(%run_scoped3A_89 : memref<!tpu.dma_semaphore, #tpu.memory_space<semaphore_mem>>) src(%arg7 : memref<64x128xf32, #tpu.memory_space<vmem>>) dst(%dma_wait3A_95 : memref<64x128xf32, #tpu.memory_space<vmem_shared>>)
      tpu.yield
    }) : () -> ()
    %mul3A_11 = arith.constant 640 : i32
    %mul3A_12 = arith.muli %arg1, %mul3A_11 : i32
    %add3A_13 = arith.constant 64 : i32
    %add3A_14 = arith.addi %mul3A_12, %add3A_13 : i32
    "tpu.region"() ({
      %run_scoped3A_89 = tpu.sem_alloc : memref<!tpu.dma_semaphore, #tpu.memory_space<semaphore_mem>>
      %dma_start3A = arith.constant 0 : i32
      %dma_start3A_90 = tpu.memref_slice %arg8[%add3A_14, %dma_start3A] : memref<10240x128xf32, #tpu.memory_space<vmem_shared>> -> memref<64x128xf32, #tpu.memory_space<vmem_shared>>
      %dma_start3A_91 = arith.constant 0 : i32
      %dma_start3A_92 = tpu.memref_slice %arg8[%add3A_14, %dma_start3A_91] : memref<10240x128xf32, #tpu.memory_space<vmem_shared>> -> memref<64x128xf32, #tpu.memory_space<vmem_shared>>
      tpu.enqueue_dma source(%arg7 : memref<64x128xf32, #tpu.memory_space<vmem>>) target(%dma_start3A_92 : memref<64x128xf32, #tpu.memory_space<vmem_shared>>) target_semaphore(%run_scoped3A_89 : memref<!tpu.dma_semaphore, #tpu.memory_space<semaphore_mem>>)
      %dma_wait3A = arith.constant 0 : i32
      %dma_wait3A_93 = tpu.memref_slice %arg8[%add3A_14, %dma_wait3A] : memref<10240x128xf32, #tpu.memory_space<vmem_shared>> -> memref<64x128xf32, #tpu.memory_space<vmem_shared>>
      %dma_wait3A_94 = arith.constant 0 : i32
      %dma_wait3A_95 = tpu.memref_slice %arg8[%add3A_14, %dma_wait3A_94] : memref<10240x128xf32, #tpu.memory_space<vmem_shared>> -> memref<64x128xf32, #tpu.memory_space<vmem_shared>>
      tpu.wait_dma2 semaphore(%run_scoped3A_89 : memref<!tpu.dma_semaphore, #tpu.memory_space<semaphore_mem>>) src(%arg7 : memref<64x128xf32, #tpu.memory_space<vmem>>) dst(%dma_wait3A_95 : memref<64x128xf32, #tpu.memory_space<vmem_shared>>)
      tpu.yield
    }) : () -> ()
    %mul3A_15 = arith.constant 640 : i32
    %mul3A_16 = arith.muli %arg1, %mul3A_15 : i32
    %add3A_17 = arith.constant 128 : i32
    %add3A_18 = arith.addi %mul3A_16, %add3A_17 : i32
    "tpu.region"() ({
      %run_scoped3A_89 = tpu.sem_alloc : memref<!tpu.dma_semaphore, #tpu.memory_space<semaphore_mem>>
      %dma_start3A = arith.constant 0 : i32
      %dma_start3A_90 = tpu.memref_slice %arg8[%add3A_18, %dma_start3A] : memref<10240x128xf32, #tpu.memory_space<vmem_shared>> -> memref<64x128xf32, #tpu.memory_space<vmem_shared>>
      %dma_start3A_91 = arith.constant 0 : i32
      %dma_start3A_92 = tpu.memref_slice %arg8[%add3A_18, %dma_start3A_91] : memref<10240x128xf32, #tpu.memory_space<vmem_shared>> -> memref<64x128xf32, #tpu.memory_space<vmem_shared>>
      tpu.enqueue_dma source(%arg7 : memref<64x128xf32, #tpu.memory_space<vmem>>) target(%dma_start3A_92 : memref<64x128xf32, #tpu.memory_space<vmem_shared>>) target_semaphore(%run_scoped3A_89 : memref<!tpu.dma_semaphore, #tpu.memory_space<semaphore_mem>>)
      %dma_wait3A = arith.constant 0 : i32
      %dma_wait3A_93 = tpu.memref_slice %arg8[%add3A_18, %dma_wait3A] : memref<10240x128xf32, #tpu.memory_space<vmem_shared>> -> memref<64x128xf32, #tpu.memory_space<vmem_shared>>
      %dma_wait3A_94 = arith.constant 0 : i32
      %dma_wait3A_95 = tpu.memref_slice %arg8[%add3A_18, %dma_wait3A_94] : memref<10240x128xf32, #tpu.memory_space<vmem_shared>> -> memref<64x128xf32, #tpu.memory_space<vmem_shared>>
      tpu.wait_dma2 semaphore(%run_scoped3A_89 : memref<!tpu.dma_semaphore, #tpu.memory_space<semaphore_mem>>) src(%arg7 : memref<64x128xf32, #tpu.memory_space<vmem>>) dst(%dma_wait3A_95 : memref<64x128xf32, #tpu.memory_space<vmem_shared>>)
      tpu.yield
    }) : () -> ()
    %mul3A_19 = arith.constant 640 : i32
    %mul3A_20 = arith.muli %arg1, %mul3A_19 : i32
    %add3A_21 = arith.constant 192 : i32
    %add3A_22 = arith.addi %mul3A_20, %add3A_21 : i32
    "tpu.region"() ({
      %run_scoped3A_89 = tpu.sem_alloc : memref<!tpu.dma_semaphore, #tpu.memory_space<semaphore_mem>>
      %dma_start3A = arith.constant 0 : i32
      %dma_start3A_90 = tpu.memref_slice %arg8[%add3A_22, %dma_start3A] : memref<10240x128xf32, #tpu.memory_space<vmem_shared>> -> memref<64x128xf32, #tpu.memory_space<vmem_shared>>
      %dma_start3A_91 = arith.constant 0 : i32
      %dma_start3A_92 = tpu.memref_slice %arg8[%add3A_22, %dma_start3A_91] : memref<10240x128xf32, #tpu.memory_space<vmem_shared>> -> memref<64x128xf32, #tpu.memory_space<vmem_shared>>
      tpu.enqueue_dma source(%arg7 : memref<64x128xf32, #tpu.memory_space<vmem>>) target(%dma_start3A_92 : memref<64x128xf32, #tpu.memory_space<vmem_shared>>) target_semaphore(%run_scoped3A_89 : memref<!tpu.dma_semaphore, #tpu.memory_space<semaphore_mem>>)
      %dma_wait3A = arith.constant 0 : i32
      %dma_wait3A_93 = tpu.memref_slice %arg8[%add3A_22, %dma_wait3A] : memref<10240x128xf32, #tpu.memory_space<vmem_shared>> -> memref<64x128xf32, #tpu.memory_space<vmem_shared>>
      %dma_wait3A_94 = arith.constant 0 : i32
      %dma_wait3A_95 = tpu.memref_slice %arg8[%add3A_22, %dma_wait3A_94] : memref<10240x128xf32, #tpu.memory_space<vmem_shared>> -> memref<64x128xf32, #tpu.memory_space<vmem_shared>>
      tpu.wait_dma2 semaphore(%run_scoped3A_89 : memref<!tpu.dma_semaphore, #tpu.memory_space<semaphore_mem>>) src(%arg7 : memref<64x128xf32, #tpu.memory_space<vmem>>) dst(%dma_wait3A_95 : memref<64x128xf32, #tpu.memory_space<vmem_shared>>)
      tpu.yield
    }) : () -> ()
    %mul3A_23 = arith.constant 640 : i32
    %mul3A_24 = arith.muli %arg1, %mul3A_23 : i32
    %add3A_25 = arith.constant 256 : i32
    %add3A_26 = arith.addi %mul3A_24, %add3A_25 : i32
    "tpu.region"() ({
      %run_scoped3A_89 = tpu.sem_alloc : memref<!tpu.dma_semaphore, #tpu.memory_space<semaphore_mem>>
      %dma_start3A = arith.constant 0 : i32
      %dma_start3A_90 = tpu.memref_slice %arg8[%add3A_26, %dma_start3A] : memref<10240x128xf32, #tpu.memory_space<vmem_shared>> -> memref<64x128xf32, #tpu.memory_space<vmem_shared>>
      %dma_start3A_91 = arith.constant 0 : i32
      %dma_start3A_92 = tpu.memref_slice %arg8[%add3A_26, %dma_start3A_91] : memref<10240x128xf32, #tpu.memory_space<vmem_shared>> -> memref<64x128xf32, #tpu.memory_space<vmem_shared>>
      tpu.enqueue_dma source(%arg7 : memref<64x128xf32, #tpu.memory_space<vmem>>) target(%dma_start3A_92 : memref<64x128xf32, #tpu.memory_space<vmem_shared>>) target_semaphore(%run_scoped3A_89 : memref<!tpu.dma_semaphore, #tpu.memory_space<semaphore_mem>>)
      %dma_wait3A = arith.constant 0 : i32
      %dma_wait3A_93 = tpu.memref_slice %arg8[%add3A_26, %dma_wait3A] : memref<10240x128xf32, #tpu.memory_space<vmem_shared>> -> memref<64x128xf32, #tpu.memory_space<vmem_shared>>
      %dma_wait3A_94 = arith.constant 0 : i32
      %dma_wait3A_95 = tpu.memref_slice %arg8[%add3A_26, %dma_wait3A_94] : memref<10240x128xf32, #tpu.memory_space<vmem_shared>> -> memref<64x128xf32, #tpu.memory_space<vmem_shared>>
      tpu.wait_dma2 semaphore(%run_scoped3A_89 : memref<!tpu.dma_semaphore, #tpu.memory_space<semaphore_mem>>) src(%arg7 : memref<64x128xf32, #tpu.memory_space<vmem>>) dst(%dma_wait3A_95 : memref<64x128xf32, #tpu.memory_space<vmem_shared>>)
      tpu.yield
    }) : () -> ()
    %mul3A_27 = arith.constant 640 : i32
    %mul3A_28 = arith.muli %arg1, %mul3A_27 : i32
    %add3A_29 = arith.constant 320 : i32
    %add3A_30 = arith.addi %mul3A_28, %add3A_29 : i32
    "tpu.region"() ({
      %run_scoped3A_89 = tpu.sem_alloc : memref<!tpu.dma_semaphore, #tpu.memory_space<semaphore_mem>>
      %dma_start3A = arith.constant 0 : i32
      %dma_start3A_90 = tpu.memref_slice %arg8[%add3A_30, %dma_start3A] : memref<10240x128xf32, #tpu.memory_space<vmem_shared>> -> memref<64x128xf32, #tpu.memory_space<vmem_shared>>
      %dma_start3A_91 = arith.constant 0 : i32
      %dma_start3A_92 = tpu.memref_slice %arg8[%add3A_30, %dma_start3A_91] : memref<10240x128xf32, #tpu.memory_space<vmem_shared>> -> memref<64x128xf32, #tpu.memory_space<vmem_shared>>
      tpu.enqueue_dma source(%arg7 : memref<64x128xf32, #tpu.memory_space<vmem>>) target(%dma_start3A_92 : memref<64x128xf32, #tpu.memory_space<vmem_shared>>) target_semaphore(%run_scoped3A_89 : memref<!tpu.dma_semaphore, #tpu.memory_space<semaphore_mem>>)
      %dma_wait3A = arith.constant 0 : i32
      %dma_wait3A_93 = tpu.memref_slice %arg8[%add3A_30, %dma_wait3A] : memref<10240x128xf32, #tpu.memory_space<vmem_shared>> -> memref<64x128xf32, #tpu.memory_space<vmem_shared>>
      %dma_wait3A_94 = arith.constant 0 : i32
      %dma_wait3A_95 = tpu.memref_slice %arg8[%add3A_30, %dma_wait3A_94] : memref<10240x128xf32, #tpu.memory_space<vmem_shared>> -> memref<64x128xf32, #tpu.memory_space<vmem_shared>>
      tpu.wait_dma2 semaphore(%run_scoped3A_89 : memref<!tpu.dma_semaphore, #tpu.memory_space<semaphore_mem>>) src(%arg7 : memref<64x128xf32, #tpu.memory_space<vmem>>) dst(%dma_wait3A_95 : memref<64x128xf32, #tpu.memory_space<vmem_shared>>)
      tpu.yield
    }) : () -> ()
    %mul3A_31 = arith.constant 640 : i32
    %mul3A_32 = arith.muli %arg1, %mul3A_31 : i32
    %add3A_33 = arith.constant 384 : i32
    %add3A_34 = arith.addi %mul3A_32, %add3A_33 : i32
    "tpu.region"() ({
      %run_scoped3A_89 = tpu.sem_alloc : memref<!tpu.dma_semaphore, #tpu.memory_space<semaphore_mem>>
      %dma_start3A = arith.constant 0 : i32
      %dma_start3A_90 = tpu.memref_slice %arg8[%add3A_34, %dma_start3A] : memref<10240x128xf32, #tpu.memory_space<vmem_shared>> -> memref<64x128xf32, #tpu.memory_space<vmem_shared>>
      %dma_start3A_91 = arith.constant 0 : i32
      %dma_start3A_92 = tpu.memref_slice %arg8[%add3A_34, %dma_start3A_91] : memref<10240x128xf32, #tpu.memory_space<vmem_shared>> -> memref<64x128xf32, #tpu.memory_space<vmem_shared>>
      tpu.enqueue_dma source(%arg7 : memref<64x128xf32, #tpu.memory_space<vmem>>) target(%dma_start3A_92 : memref<64x128xf32, #tpu.memory_space<vmem_shared>>) target_semaphore(%run_scoped3A_89 : memref<!tpu.dma_semaphore, #tpu.memory_space<semaphore_mem>>)
      %dma_wait3A = arith.constant 0 : i32
      %dma_wait3A_93 = tpu.memref_slice %arg8[%add3A_34, %dma_wait3A] : memref<10240x128xf32, #tpu.memory_space<vmem_shared>> -> memref<64x128xf32, #tpu.memory_space<vmem_shared>>
      %dma_wait3A_94 = arith.constant 0 : i32
      %dma_wait3A_95 = tpu.memref_slice %arg8[%add3A_34, %dma_wait3A_94] : memref<10240x128xf32, #tpu.memory_space<vmem_shared>> -> memref<64x128xf32, #tpu.memory_space<vmem_shared>>
      tpu.wait_dma2 semaphore(%run_scoped3A_89 : memref<!tpu.dma_semaphore, #tpu.memory_space<semaphore_mem>>) src(%arg7 : memref<64x128xf32, #tpu.memory_space<vmem>>) dst(%dma_wait3A_95 : memref<64x128xf32, #tpu.memory_space<vmem_shared>>)
      tpu.yield
    }) : () -> ()
    %mul3A_35 = arith.constant 640 : i32
    %mul3A_36 = arith.muli %arg1, %mul3A_35 : i32
    %add3A_37 = arith.constant 448 : i32
    %add3A_38 = arith.addi %mul3A_36, %add3A_37 : i32
    "tpu.region"() ({
      %run_scoped3A_89 = tpu.sem_alloc : memref<!tpu.dma_semaphore, #tpu.memory_space<semaphore_mem>>
      %dma_start3A = arith.constant 0 : i32
      %dma_start3A_90 = tpu.memref_slice %arg8[%add3A_38, %dma_start3A] : memref<10240x128xf32, #tpu.memory_space<vmem_shared>> -> memref<64x128xf32, #tpu.memory_space<vmem_shared>>
      %dma_start3A_91 = arith.constant 0 : i32
      %dma_start3A_92 = tpu.memref_slice %arg8[%add3A_38, %dma_start3A_91] : memref<10240x128xf32, #tpu.memory_space<vmem_shared>> -> memref<64x128xf32, #tpu.memory_space<vmem_shared>>
      tpu.enqueue_dma source(%arg7 : memref<64x128xf32, #tpu.memory_space<vmem>>) target(%dma_start3A_92 : memref<64x128xf32, #tpu.memory_space<vmem_shared>>) target_semaphore(%run_scoped3A_89 : memref<!tpu.dma_semaphore, #tpu.memory_space<semaphore_mem>>)
      %dma_wait3A = arith.constant 0 : i32
      %dma_wait3A_93 = tpu.memref_slice %arg8[%add3A_38, %dma_wait3A] : memref<10240x128xf32, #tpu.memory_space<vmem_shared>> -> memref<64x128xf32, #tpu.memory_space<vmem_shared>>
      %dma_wait3A_94 = arith.constant 0 : i32
      %dma_wait3A_95 = tpu.memref_slice %arg8[%add3A_38, %dma_wait3A_94] : memref<10240x128xf32, #tpu.memory_space<vmem_shared>> -> memref<64x128xf32, #tpu.memory_space<vmem_shared>>
      tpu.wait_dma2 semaphore(%run_scoped3A_89 : memref<!tpu.dma_semaphore, #tpu.memory_space<semaphore_mem>>) src(%arg7 : memref<64x128xf32, #tpu.memory_space<vmem>>) dst(%dma_wait3A_95 : memref<64x128xf32, #tpu.memory_space<vmem_shared>>)
      tpu.yield
    }) : () -> ()
    %mul3A_39 = arith.constant 640 : i32
    %mul3A_40 = arith.muli %arg1, %mul3A_39 : i32
    %add3A_41 = arith.constant 512 : i32
    %add3A_42 = arith.addi %mul3A_40, %add3A_41 : i32
    "tpu.region"() ({
      %run_scoped3A_89 = tpu.sem_alloc : memref<!tpu.dma_semaphore, #tpu.memory_space<semaphore_mem>>
      %dma_start3A = arith.constant 0 : i32
      %dma_start3A_90 = tpu.memref_slice %arg8[%add3A_42, %dma_start3A] : memref<10240x128xf32, #tpu.memory_space<vmem_shared>> -> memref<64x128xf32, #tpu.memory_space<vmem_shared>>
      %dma_start3A_91 = arith.constant 0 : i32
      %dma_start3A_92 = tpu.memref_slice %arg8[%add3A_42, %dma_start3A_91] : memref<10240x128xf32, #tpu.memory_space<vmem_shared>> -> memref<64x128xf32, #tpu.memory_space<vmem_shared>>
      tpu.enqueue_dma source(%arg7 : memref<64x128xf32, #tpu.memory_space<vmem>>) target(%dma_start3A_92 : memref<64x128xf32, #tpu.memory_space<vmem_shared>>) target_semaphore(%run_scoped3A_89 : memref<!tpu.dma_semaphore, #tpu.memory_space<semaphore_mem>>)
      %dma_wait3A = arith.constant 0 : i32
      %dma_wait3A_93 = tpu.memref_slice %arg8[%add3A_42, %dma_wait3A] : memref<10240x128xf32, #tpu.memory_space<vmem_shared>> -> memref<64x128xf32, #tpu.memory_space<vmem_shared>>
      %dma_wait3A_94 = arith.constant 0 : i32
      %dma_wait3A_95 = tpu.memref_slice %arg8[%add3A_42, %dma_wait3A_94] : memref<10240x128xf32, #tpu.memory_space<vmem_shared>> -> memref<64x128xf32, #tpu.memory_space<vmem_shared>>
      tpu.wait_dma2 semaphore(%run_scoped3A_89 : memref<!tpu.dma_semaphore, #tpu.memory_space<semaphore_mem>>) src(%arg7 : memref<64x128xf32, #tpu.memory_space<vmem>>) dst(%dma_wait3A_95 : memref<64x128xf32, #tpu.memory_space<vmem_shared>>)
      tpu.yield
    }) : () -> ()
    %mul3A_43 = arith.constant 640 : i32
    %mul3A_44 = arith.muli %arg1, %mul3A_43 : i32
    %add3A_45 = arith.constant 576 : i32
    %add3A_46 = arith.addi %mul3A_44, %add3A_45 : i32
    "tpu.region"() ({
      %run_scoped3A_89 = tpu.sem_alloc : memref<!tpu.dma_semaphore, #tpu.memory_space<semaphore_mem>>
      %dma_start3A = arith.constant 0 : i32
      %dma_start3A_90 = tpu.memref_slice %arg8[%add3A_46, %dma_start3A] : memref<10240x128xf32, #tpu.memory_space<vmem_shared>> -> memref<64x128xf32, #tpu.memory_space<vmem_shared>>
      %dma_start3A_91 = arith.constant 0 : i32
      %dma_start3A_92 = tpu.memref_slice %arg8[%add3A_46, %dma_start3A_91] : memref<10240x128xf32, #tpu.memory_space<vmem_shared>> -> memref<64x128xf32, #tpu.memory_space<vmem_shared>>
      tpu.enqueue_dma source(%arg7 : memref<64x128xf32, #tpu.memory_space<vmem>>) target(%dma_start3A_92 : memref<64x128xf32, #tpu.memory_space<vmem_shared>>) target_semaphore(%run_scoped3A_89 : memref<!tpu.dma_semaphore, #tpu.memory_space<semaphore_mem>>)
      %dma_wait3A = arith.constant 0 : i32
      %dma_wait3A_93 = tpu.memref_slice %arg8[%add3A_46, %dma_wait3A] : memref<10240x128xf32, #tpu.memory_space<vmem_shared>> -> memref<64x128xf32, #tpu.memory_space<vmem_shared>>
      %dma_wait3A_94 = arith.constant 0 : i32
      %dma_wait3A_95 = tpu.memref_slice %arg8[%add3A_46, %dma_wait3A_94] : memref<10240x128xf32, #tpu.memory_space<vmem_shared>> -> memref<64x128xf32, #tpu.memory_space<vmem_shared>>
      tpu.wait_dma2 semaphore(%run_scoped3A_89 : memref<!tpu.dma_semaphore, #tpu.memory_space<semaphore_mem>>) src(%arg7 : memref<64x128xf32, #tpu.memory_space<vmem>>) dst(%dma_wait3A_95 : memref<64x128xf32, #tpu.memory_space<vmem_shared>>)
      tpu.yield
    }) : () -> ()
    %barrier3A = arith.constant 0 : index
    tpu.barrier barrier_id(%barrier3A)
    %mul3A_47 = arith.constant -34 : i32
    %mul3A_48 = arith.muli %arg0, %mul3A_47 : i32
    %add3A_49 = arith.constant 96 : i32
    %add3A_50 = arith.addi %add3A_49, %mul3A_48 : i32
    %mul3A_51 = arith.constant 16 : i32
    %mul3A_52 = arith.muli %arg0, %mul3A_51 : i32
    %mul3A_53 = arith.constant 96 : i32
    %mul3A_54 = arith.muli %mul3A_52, %mul3A_53 : i32
    %mul3A_55 = arith.muli %arg1, %add3A_50 : i32
    %add3A_56 = arith.addi %mul3A_54, %mul3A_55 : i32
    %run_scoped3A = arith.constant 0 : i32
    "tpu.region"() ({
      %run_scoped3A_89 = tpu.sem_alloc : memref<!tpu.dma_semaphore, #tpu.memory_space<semaphore_mem>>
      %dma_start3A = arith.constant 0 : i32
      %dma_start3A_90 = arith.constant 0 : i32
      %dma_start3A_91 = tpu.memref_slice %arg5[%run_scoped3A, %dma_start3A, %dma_start3A_90] : memref<2x2x128xi32, #tpu.memory_space<vmem>> -> memref<1x2x128xi32, #tpu.memory_space<vmem>>
      %dma_start3A_92 = tpu.memref_squeeze %dma_start3A_91 : memref<1x2x128xi32, #tpu.memory_space<vmem>> -> memref<2x128xi32, #tpu.memory_space<vmem>>
      %dma_start3A_93 = arith.constant 0 : i32
      %dma_start3A_94 = arith.constant 0 : i32
      %dma_start3A_95 = tpu.memref_slice %arg3[%add3A_56, %dma_start3A_93, %dma_start3A_94] : memref<2529x2x128xi32, #tpu.memory_space<hbm>> -> memref<1x2x128xi32, #tpu.memory_space<hbm>>
      %dma_start3A_96 = tpu.memref_squeeze %dma_start3A_95 : memref<1x2x128xi32, #tpu.memory_space<hbm>> -> memref<2x128xi32, #tpu.memory_space<hbm>>
      %dma_start3A_97 = arith.constant 0 : i32
      %dma_start3A_98 = arith.constant 0 : i32
      %dma_start3A_99 = tpu.memref_slice %arg5[%run_scoped3A, %dma_start3A_97, %dma_start3A_98] : memref<2x2x128xi32, #tpu.memory_space<vmem>> -> memref<1x2x128xi32, #tpu.memory_space<vmem>>
      %dma_start3A_100 = tpu.memref_squeeze %dma_start3A_99 : memref<1x2x128xi32, #tpu.memory_space<vmem>> -> memref<2x128xi32, #tpu.memory_space<vmem>>
      %dma_start3A_101 = arith.constant 0 : i32
      %dma_start3A_102 = arith.constant 0 : i32
      %dma_start3A_103 = tpu.memref_slice %arg3[%add3A_56, %dma_start3A_101, %dma_start3A_102] : memref<2529x2x128xi32, #tpu.memory_space<hbm>> -> memref<1x2x128xi32, #tpu.memory_space<hbm>>
      %dma_start3A_104 = tpu.memref_squeeze %dma_start3A_103 : memref<1x2x128xi32, #tpu.memory_space<hbm>> -> memref<2x128xi32, #tpu.memory_space<hbm>>
      tpu.enqueue_dma source(%dma_start3A_104 : memref<2x128xi32, #tpu.memory_space<hbm>>) target(%dma_start3A_100 : memref<2x128xi32, #tpu.memory_space<vmem>>) target_semaphore(%run_scoped3A_89 : memref<!tpu.dma_semaphore, #tpu.memory_space<semaphore_mem>>)
      %dma_wait3A = arith.constant 0 : i32
      %dma_wait3A_105 = arith.constant 0 : i32
      %dma_wait3A_106 = tpu.memref_slice %arg5[%run_scoped3A, %dma_wait3A, %dma_wait3A_105] : memref<2x2x128xi32, #tpu.memory_space<vmem>> -> memref<1x2x128xi32, #tpu.memory_space<vmem>>
      %dma_wait3A_107 = tpu.memref_squeeze %dma_wait3A_106 : memref<1x2x128xi32, #tpu.memory_space<vmem>> -> memref<2x128xi32, #tpu.memory_space<vmem>>
      %dma_wait3A_108 = arith.constant 0 : i32
      %dma_wait3A_109 = arith.constant 0 : i32
      %dma_wait3A_110 = tpu.memref_slice %arg3[%add3A_56, %dma_wait3A_108, %dma_wait3A_109] : memref<2529x2x128xi32, #tpu.memory_space<hbm>> -> memref<1x2x128xi32, #tpu.memory_space<hbm>>
      %dma_wait3A_111 = tpu.memref_squeeze %dma_wait3A_110 : memref<1x2x128xi32, #tpu.memory_space<hbm>> -> memref<2x128xi32, #tpu.memory_space<hbm>>
      %dma_wait3A_112 = arith.constant 0 : i32
      %dma_wait3A_113 = arith.constant 0 : i32
      %dma_wait3A_114 = tpu.memref_slice %arg5[%run_scoped3A, %dma_wait3A_112, %dma_wait3A_113] : memref<2x2x128xi32, #tpu.memory_space<vmem>> -> memref<1x2x128xi32, #tpu.memory_space<vmem>>
      %dma_wait3A_115 = tpu.memref_squeeze %dma_wait3A_114 : memref<1x2x128xi32, #tpu.memory_space<vmem>> -> memref<2x128xi32, #tpu.memory_space<vmem>>
      %dma_wait3A_116 = arith.constant 0 : i32
      %dma_wait3A_117 = arith.constant 0 : i32
      %dma_wait3A_118 = tpu.memref_slice %arg3[%add3A_56, %dma_wait3A_116, %dma_wait3A_117] : memref<2529x2x128xi32, #tpu.memory_space<hbm>> -> memref<1x2x128xi32, #tpu.memory_space<hbm>>
      %dma_wait3A_119 = tpu.memref_squeeze %dma_wait3A_118 : memref<1x2x128xi32, #tpu.memory_space<hbm>> -> memref<2x128xi32, #tpu.memory_space<hbm>>
      tpu.wait_dma2 semaphore(%run_scoped3A_89 : memref<!tpu.dma_semaphore, #tpu.memory_space<semaphore_mem>>) src(%dma_wait3A_119 : memref<2x128xi32, #tpu.memory_space<hbm>>) dst(%dma_wait3A_115 : memref<2x128xi32, #tpu.memory_space<vmem>>)
      tpu.yield
    }) : () -> ()
    %jit3A = arith.constant 2 : i32
    %div3A = arith.divsi %add3A_50, %jit3A : i32
    %sign3A = arith.constant 0 : i32
    %sign3A_57 = arith.cmpi sgt, %add3A_50, %sign3A : i32
    %sign3A_58 = arith.extui %sign3A_57 : i1 to i32
    %sign3A_59 = arith.constant 0 : i32
    %sign3A_60 = arith.cmpi slt, %add3A_50, %sign3A_59 : i32
    %sign3A_61 = arith.extui %sign3A_60 : i1 to i32
    %sign3A_62 = arith.subi %sign3A_58, %sign3A_61 : i32
    %sign3A_63 = arith.constant 0 : i32
    %sign3A_64 = arith.cmpi sgt, %jit3A, %sign3A_63 : i32
    %sign3A_65 = arith.extui %sign3A_64 : i1 to i32
    %sign3A_66 = arith.constant 0 : i32
    %sign3A_67 = arith.cmpi slt, %jit3A, %sign3A_66 : i32
    %sign3A_68 = arith.extui %sign3A_67 : i1 to i32
    %sign3A_69 = arith.subi %sign3A_65, %sign3A_68 : i32
    %ne3A = arith.cmpi ne, %sign3A_62, %sign3A_69 : i32
    %rem3A = arith.remsi %add3A_50, %jit3A : i32
    %ne3A_70 = arith.constant 0 : i32
    %ne3A_71 = arith.cmpi ne, %rem3A, %ne3A_70 : i32
    %and3A = arith.andi %ne3A, %ne3A_71 : i1
    %sub3A = arith.constant 1 : i32
    %sub3A_72 = arith.subi %div3A, %sub3A : i32
    %select_n3A = arith.select %and3A, %sub3A_72, %div3A : i32
    %while3A = arith.constant 0 : i32
    %while3A_73 = arith.constant 0 : i32
    %while3A_74 = arith.subi %select_n3A, %while3A : i32
    %while3A_75 = arith.addi %while3A, %while3A_74 : i32
    %while3A_76 = arith.constant 1 : i32
    %while3A_77 = arith.divsi %while3A_74, %while3A_76 : i32
    %while3A_78 = arith.muli %while3A_77, %while3A_76 : i32
    %while3A_79 = arith.addi %while3A, %while3A_78 : i32
    %while3A_80 = arith.constant 1 : i32
    %while3A_81 = scf.for %while3A_89 = %while3A to %while3A_79 step %while3A_80 iter_args(%while3A_90 = %while3A_73) -> (i32)  : i32 {
      %mul3A_91 = arith.constant 2 : i32
      %mul3A_92 = arith.muli %mul3A_91, %while3A_89 : i32
      %add3A_93 = arith.addi %add3A_56, %mul3A_92 : i32
      %add3A_94 = arith.constant 0 : i32
      %add3A_95 = arith.addi %add3A_93, %add3A_94 : i32
      %add3A_96 = arith.constant 1 : i32
      %add3A_97 = arith.addi %add3A_95, %add3A_96 : i32
      %dma_start3A = arith.constant 1 : i32
      %dma_start3A_98 = arith.constant 0 : i32
      %dma_start3A_99 = arith.constant 0 : i32
      %dma_start3A_100 = tpu.memref_slice %arg5[%dma_start3A, %dma_start3A_98, %dma_start3A_99] : memref<2x2x128xi32, #tpu.memory_space<vmem>> -> memref<1x2x128xi32, #tpu.memory_space<vmem>>
      %dma_start3A_101 = tpu.memref_squeeze %dma_start3A_100 : memref<1x2x128xi32, #tpu.memory_space<vmem>> -> memref<2x128xi32, #tpu.memory_space<vmem>>
      %dma_start3A_102 = arith.constant 0 : i32
      %dma_start3A_103 = arith.constant 0 : i32
      %dma_start3A_104 = tpu.memref_slice %arg3[%add3A_97, %dma_start3A_102, %dma_start3A_103] : memref<2529x2x128xi32, #tpu.memory_space<hbm>> -> memref<1x2x128xi32, #tpu.memory_space<hbm>>
      %dma_start3A_105 = tpu.memref_squeeze %dma_start3A_104 : memref<1x2x128xi32, #tpu.memory_space<hbm>> -> memref<2x128xi32, #tpu.memory_space<hbm>>
      %dma_start3A_106 = arith.constant 0 : i32
      %dma_start3A_107 = arith.constant 0 : i32
      %dma_start3A_108 = tpu.memref_slice %arg5[%dma_start3A, %dma_start3A_106, %dma_start3A_107] : memref<2x2x128xi32, #tpu.memory_space<vmem>> -> memref<1x2x128xi32, #tpu.memory_space<vmem>>
      %dma_start3A_109 = tpu.memref_squeeze %dma_start3A_108 : memref<1x2x128xi32, #tpu.memory_space<vmem>> -> memref<2x128xi32, #tpu.memory_space<vmem>>
      %dma_start3A_110 = arith.constant 0 : i32
      %dma_start3A_111 = arith.constant 0 : i32
      %dma_start3A_112 = tpu.memref_slice %arg3[%add3A_97, %dma_start3A_110, %dma_start3A_111] : memref<2529x2x128xi32, #tpu.memory_space<hbm>> -> memref<1x2x128xi32, #tpu.memory_space<hbm>>
      %dma_start3A_113 = tpu.memref_squeeze %dma_start3A_112 : memref<1x2x128xi32, #tpu.memory_space<hbm>> -> memref<2x128xi32, #tpu.memory_space<hbm>>
      tpu.enqueue_dma source(%dma_start3A_113 : memref<2x128xi32, #tpu.memory_space<hbm>>) target(%dma_start3A_109 : memref<2x128xi32, #tpu.memory_space<vmem>>) target_semaphore(%arg10 : memref<!tpu.dma_semaphore, #tpu.memory_space<semaphore_mem>>)
      %dma_start3A_114 = arith.constant 0 : i32
      %dma_start3A_115 = arith.constant 0 : i32
      %dma_start3A_116 = arith.constant 0 : i32
      %dma_start3A_117 = arith.constant 0 : i32
      %dma_start3A_118 = tpu.memref_slice %arg5[%dma_start3A_114, %dma_start3A_116, %dma_start3A_117] : memref<2x2x128xi32, #tpu.memory_space<vmem>> -> memref<1x2x128xi32, #tpu.memory_space<vmem>>
      %dma_start3A_119 = tpu.memref_squeeze %dma_start3A_118 : memref<1x2x128xi32, #tpu.memory_space<vmem>> -> memref<2x128xi32, #tpu.memory_space<vmem>>
      %dma_start3A_120 = arith.constant 0 : i32
      %dma_start3A_121 = tpu.memref_slice %dma_start3A_119[%dma_start3A_115, %dma_start3A_120] : memref<2x128xi32, #tpu.memory_space<vmem>> -> memref<1x128xi32, #tpu.memory_space<vmem>>
      %dma_start3A_122 = tpu.memref_squeeze %dma_start3A_121 : memref<1x128xi32, #tpu.memory_space<vmem>> -> memref<128xi32, #tpu.memory_space<vmem>>
      %dma_start3A_123 = arith.constant 0 : i32
      %dma_start3A_124 = arith.constant 0 : i32
      %dma_start3A_125 = tpu.memref_slice %arg2[%dma_start3A_123, %dma_start3A_124] : memref<10000x128xf32, #tpu.memory_space<hbm>> -> memref<10000x128xf32, #tpu.memory_space<hbm>>
      tpu.enqueue_indirect_dma source(%dma_start3A_125 : memref<10000x128xf32, #tpu.memory_space<hbm>>) target(%arg6 : memref<128x128xf32, #tpu.memory_space<vmem>>) offsets(%dma_start3A_122 : memref<128xi32, #tpu.memory_space<vmem>>) semaphore(%arg9 : memref<!tpu.dma_semaphore, #tpu.memory_space<semaphore_mem>>)
      %dma_wait3A = arith.constant 0 : i32
      %dma_wait3A_126 = arith.constant 0 : i32
      %dma_wait3A_127 = arith.constant 0 : i32
      %dma_wait3A_128 = arith.constant 0 : i32
      %dma_wait3A_129 = tpu.memref_slice %arg5[%dma_wait3A, %dma_wait3A_127, %dma_wait3A_128] : memref<2x2x128xi32, #tpu.memory_space<vmem>> -> memref<1x2x128xi32, #tpu.memory_space<vmem>>
      %dma_wait3A_130 = tpu.memref_squeeze %dma_wait3A_129 : memref<1x2x128xi32, #tpu.memory_space<vmem>> -> memref<2x128xi32, #tpu.memory_space<vmem>>
      %dma_wait3A_131 = arith.constant 0 : i32
      %dma_wait3A_132 = tpu.memref_slice %dma_wait3A_130[%dma_wait3A_126, %dma_wait3A_131] : memref<2x128xi32, #tpu.memory_space<vmem>> -> memref<1x128xi32, #tpu.memory_space<vmem>>
      %dma_wait3A_133 = tpu.memref_squeeze %dma_wait3A_132 : memref<1x128xi32, #tpu.memory_space<vmem>> -> memref<128xi32, #tpu.memory_space<vmem>>
      %dma_wait3A_134 = arith.constant 0 : i32
      %dma_wait3A_135 = arith.constant 0 : i32
      %dma_wait3A_136 = tpu.memref_slice %arg2[%dma_wait3A_134, %dma_wait3A_135] : memref<10000x128xf32, #tpu.memory_space<hbm>> -> memref<10000x128xf32, #tpu.memory_space<hbm>>
      tpu.wait_indirect_dma semaphore(%arg9 : memref<!tpu.dma_semaphore, #tpu.memory_space<semaphore_mem>>) src(%dma_wait3A_136 : memref<10000x128xf32, #tpu.memory_space<hbm>>) dst(%arg6 : memref<128x128xf32, #tpu.memory_space<vmem>>)
      %run_scoped3A_137 = arith.constant 0 : i32
      %run_scoped3A_138 = arith.constant 1 : i32
      "tpu.region"() ({
        %run_scoped3A_222 = tpu.sem_alloc : memref<!tpu.dma_semaphore, #tpu.memory_space<semaphore_mem>>
        %dma_start3A_223 = arith.constant 0 : i32
        %dma_start3A_224 = arith.constant 0 : i32
        %dma_start3A_225 = tpu.memref_slice %arg5[%run_scoped3A_137, %dma_start3A_223, %dma_start3A_224] : memref<2x2x128xi32, #tpu.memory_space<vmem>> -> memref<1x2x128xi32, #tpu.memory_space<vmem>>
        %dma_start3A_226 = tpu.memref_squeeze %dma_start3A_225 : memref<1x2x128xi32, #tpu.memory_space<vmem>> -> memref<2x128xi32, #tpu.memory_space<vmem>>
        %dma_start3A_227 = arith.constant 0 : i32
        %dma_start3A_228 = tpu.memref_slice %dma_start3A_226[%run_scoped3A_138, %dma_start3A_227] : memref<2x128xi32, #tpu.memory_space<vmem>> -> memref<1x128xi32, #tpu.memory_space<vmem>>
        %dma_start3A_229 = tpu.memref_squeeze %dma_start3A_228 : memref<1x128xi32, #tpu.memory_space<vmem>> -> memref<128xi32, #tpu.memory_space<vmem>>
        %dma_start3A_230 = arith.constant 0 : i32
        %dma_start3A_231 = arith.constant 0 : i32
        %dma_start3A_232 = tpu.memref_slice %arg8[%dma_start3A_230, %dma_start3A_231] : memref<10240x128xf32, #tpu.memory_space<vmem_shared>> -> memref<10240x128xf32, #tpu.memory_space<vmem_shared>>
        tpu.enqueue_indirect_dma source(%arg6 : memref<128x128xf32, #tpu.memory_space<vmem>>) target(%dma_start3A_232 : memref<10240x128xf32, #tpu.memory_space<vmem_shared>>) offsets(%dma_start3A_229 : memref<128xi32, #tpu.memory_space<vmem>>) semaphore(%run_scoped3A_222 : memref<!tpu.dma_semaphore, #tpu.memory_space<semaphore_mem>>) {add = true}
        %dma_wait3A_233 = arith.constant 0 : i32
        %dma_wait3A_234 = arith.constant 0 : i32
        %dma_wait3A_235 = tpu.memref_slice %arg5[%run_scoped3A_137, %dma_wait3A_233, %dma_wait3A_234] : memref<2x2x128xi32, #tpu.memory_space<vmem>> -> memref<1x2x128xi32, #tpu.memory_space<vmem>>
        %dma_wait3A_236 = tpu.memref_squeeze %dma_wait3A_235 : memref<1x2x128xi32, #tpu.memory_space<vmem>> -> memref<2x128xi32, #tpu.memory_space<vmem>>
        %dma_wait3A_237 = arith.constant 0 : i32
        %dma_wait3A_238 = tpu.memref_slice %dma_wait3A_236[%run_scoped3A_138, %dma_wait3A_237] : memref<2x128xi32, #tpu.memory_space<vmem>> -> memref<1x128xi32, #tpu.memory_space<vmem>>
        %dma_wait3A_239 = tpu.memref_squeeze %dma_wait3A_238 : memref<1x128xi32, #tpu.memory_space<vmem>> -> memref<128xi32, #tpu.memory_space<vmem>>
        %dma_wait3A_240 = arith.constant 0 : i32
        %dma_wait3A_241 = arith.constant 0 : i32
        %dma_wait3A_242 = tpu.memref_slice %arg8[%dma_wait3A_240, %dma_wait3A_241] : memref<10240x128xf32, #tpu.memory_space<vmem_shared>> -> memref<10240x128xf32, #tpu.memory_space<vmem_shared>>
        tpu.wait_indirect_dma semaphore(%run_scoped3A_222 : memref<!tpu.dma_semaphore, #tpu.memory_space<semaphore_mem>>) src(%arg6 : memref<128x128xf32, #tpu.memory_space<vmem>>) dst(%dma_wait3A_242 : memref<10240x128xf32, #tpu.memory_space<vmem_shared>>)
        tpu.yield
      }) : () -> ()
      %dma_wait3A_139 = arith.constant 1 : i32
      %dma_wait3A_140 = arith.constant 0 : i32
      %dma_wait3A_141 = arith.constant 0 : i32
      %dma_wait3A_142 = tpu.memref_slice %arg5[%dma_wait3A_139, %dma_wait3A_140, %dma_wait3A_141] : memref<2x2x128xi32, #tpu.memory_space<vmem>> -> memref<1x2x128xi32, #tpu.memory_space<vmem>>
      %dma_wait3A_143 = tpu.memref_squeeze %dma_wait3A_142 : memref<1x2x128xi32, #tpu.memory_space<vmem>> -> memref<2x128xi32, #tpu.memory_space<vmem>>
      %dma_wait3A_144 = arith.constant 0 : i32
      %dma_wait3A_145 = arith.constant 0 : i32
      %dma_wait3A_146 = tpu.memref_slice %arg3[%add3A_56, %dma_wait3A_144, %dma_wait3A_145] : memref<2529x2x128xi32, #tpu.memory_space<hbm>> -> memref<1x2x128xi32, #tpu.memory_space<hbm>>
      %dma_wait3A_147 = tpu.memref_squeeze %dma_wait3A_146 : memref<1x2x128xi32, #tpu.memory_space<hbm>> -> memref<2x128xi32, #tpu.memory_space<hbm>>
      %dma_wait3A_148 = arith.constant 0 : i32
      %dma_wait3A_149 = arith.constant 0 : i32
      %dma_wait3A_150 = tpu.memref_slice %arg5[%dma_wait3A_139, %dma_wait3A_148, %dma_wait3A_149] : memref<2x2x128xi32, #tpu.memory_space<vmem>> -> memref<1x2x128xi32, #tpu.memory_space<vmem>>
      %dma_wait3A_151 = tpu.memref_squeeze %dma_wait3A_150 : memref<1x2x128xi32, #tpu.memory_space<vmem>> -> memref<2x128xi32, #tpu.memory_space<vmem>>
      %dma_wait3A_152 = arith.constant 0 : i32
      %dma_wait3A_153 = arith.constant 0 : i32
      %dma_wait3A_154 = tpu.memref_slice %arg3[%add3A_56, %dma_wait3A_152, %dma_wait3A_153] : memref<2529x2x128xi32, #tpu.memory_space<hbm>> -> memref<1x2x128xi32, #tpu.memory_space<hbm>>
      %dma_wait3A_155 = tpu.memref_squeeze %dma_wait3A_154 : memref<1x2x128xi32, #tpu.memory_space<hbm>> -> memref<2x128xi32, #tpu.memory_space<hbm>>
      tpu.wait_dma2 semaphore(%arg10 : memref<!tpu.dma_semaphore, #tpu.memory_space<semaphore_mem>>) src(%dma_wait3A_155 : memref<2x128xi32, #tpu.memory_space<hbm>>) dst(%dma_wait3A_151 : memref<2x128xi32, #tpu.memory_space<vmem>>)
      %add3A_156 = arith.addi %add3A_56, %mul3A_92 : i32
      %add3A_157 = arith.constant 1 : i32
      %add3A_158 = arith.addi %add3A_156, %add3A_157 : i32
      %add3A_159 = arith.constant 1 : i32
      %add3A_160 = arith.addi %add3A_158, %add3A_159 : i32
      %dma_start3A_161 = arith.constant 0 : i32
      %dma_start3A_162 = arith.constant 0 : i32
      %dma_start3A_163 = arith.constant 0 : i32
      %dma_start3A_164 = tpu.memref_slice %arg5[%dma_start3A_161, %dma_start3A_162, %dma_start3A_163] : memref<2x2x128xi32, #tpu.memory_space<vmem>> -> memref<1x2x128xi32, #tpu.memory_space<vmem>>
      %dma_start3A_165 = tpu.memref_squeeze %dma_start3A_164 : memref<1x2x128xi32, #tpu.memory_space<vmem>> -> memref<2x128xi32, #tpu.memory_space<vmem>>
      %dma_start3A_166 = arith.constant 0 : i32
      %dma_start3A_167 = arith.constant 0 : i32
      %dma_start3A_168 = tpu.memref_slice %arg3[%add3A_160, %dma_start3A_166, %dma_start3A_167] : memref<2529x2x128xi32, #tpu.memory_space<hbm>> -> memref<1x2x128xi32, #tpu.memory_space<hbm>>
      %dma_start3A_169 = tpu.memref_squeeze %dma_start3A_168 : memref<1x2x128xi32, #tpu.memory_space<hbm>> -> memref<2x128xi32, #tpu.memory_space<hbm>>
      %dma_start3A_170 = arith.constant 0 : i32
      %dma_start3A_171 = arith.constant 0 : i32
      %dma_start3A_172 = tpu.memref_slice %arg5[%dma_start3A_161, %dma_start3A_170, %dma_start3A_171] : memref<2x2x128xi32, #tpu.memory_space<vmem>> -> memref<1x2x128xi32, #tpu.memory_space<vmem>>
      %dma_start3A_173 = tpu.memref_squeeze %dma_start3A_172 : memref<1x2x128xi32, #tpu.memory_space<vmem>> -> memref<2x128xi32, #tpu.memory_space<vmem>>
      %dma_start3A_174 = arith.constant 0 : i32
      %dma_start3A_175 = arith.constant 0 : i32
      %dma_start3A_176 = tpu.memref_slice %arg3[%add3A_160, %dma_start3A_174, %dma_start3A_175] : memref<2529x2x128xi32, #tpu.memory_space<hbm>> -> memref<1x2x128xi32, #tpu.memory_space<hbm>>
      %dma_start3A_177 = tpu.memref_squeeze %dma_start3A_176 : memref<1x2x128xi32, #tpu.memory_space<hbm>> -> memref<2x128xi32, #tpu.memory_space<hbm>>
      tpu.enqueue_dma source(%dma_start3A_177 : memref<2x128xi32, #tpu.memory_space<hbm>>) target(%dma_start3A_173 : memref<2x128xi32, #tpu.memory_space<vmem>>) target_semaphore(%arg10 : memref<!tpu.dma_semaphore, #tpu.memory_space<semaphore_mem>>)
      %dma_start3A_178 = arith.constant 1 : i32
      %dma_start3A_179 = arith.constant 0 : i32
      %dma_start3A_180 = arith.constant 0 : i32
      %dma_start3A_181 = arith.constant 0 : i32
      %dma_start3A_182 = tpu.memref_slice %arg5[%dma_start3A_178, %dma_start3A_180, %dma_start3A_181] : memref<2x2x128xi32, #tpu.memory_space<vmem>> -> memref<1x2x128xi32, #tpu.memory_space<vmem>>
      %dma_start3A_183 = tpu.memref_squeeze %dma_start3A_182 : memref<1x2x128xi32, #tpu.memory_space<vmem>> -> memref<2x128xi32, #tpu.memory_space<vmem>>
      %dma_start3A_184 = arith.constant 0 : i32
      %dma_start3A_185 = tpu.memref_slice %dma_start3A_183[%dma_start3A_179, %dma_start3A_184] : memref<2x128xi32, #tpu.memory_space<vmem>> -> memref<1x128xi32, #tpu.memory_space<vmem>>
      %dma_start3A_186 = tpu.memref_squeeze %dma_start3A_185 : memref<1x128xi32, #tpu.memory_space<vmem>> -> memref<128xi32, #tpu.memory_space<vmem>>
      %dma_start3A_187 = arith.constant 0 : i32
      %dma_start3A_188 = arith.constant 0 : i32
      %dma_start3A_189 = tpu.memref_slice %arg2[%dma_start3A_187, %dma_start3A_188] : memref<10000x128xf32, #tpu.memory_space<hbm>> -> memref<10000x128xf32, #tpu.memory_space<hbm>>
      tpu.enqueue_indirect_dma source(%dma_start3A_189 : memref<10000x128xf32, #tpu.memory_space<hbm>>) target(%arg6 : memref<128x128xf32, #tpu.memory_space<vmem>>) offsets(%dma_start3A_186 : memref<128xi32, #tpu.memory_space<vmem>>) semaphore(%arg9 : memref<!tpu.dma_semaphore, #tpu.memory_space<semaphore_mem>>)
      %dma_wait3A_190 = arith.constant 1 : i32
      %dma_wait3A_191 = arith.constant 0 : i32
      %dma_wait3A_192 = arith.constant 0 : i32
      %dma_wait3A_193 = arith.constant 0 : i32
      %dma_wait3A_194 = tpu.memref_slice %arg5[%dma_wait3A_190, %dma_wait3A_192, %dma_wait3A_193] : memref<2x2x128xi32, #tpu.memory_space<vmem>> -> memref<1x2x128xi32, #tpu.memory_space<vmem>>
      %dma_wait3A_195 = tpu.memref_squeeze %dma_wait3A_194 : memref<1x2x128xi32, #tpu.memory_space<vmem>> -> memref<2x128xi32, #tpu.memory_space<vmem>>
      %dma_wait3A_196 = arith.constant 0 : i32
      %dma_wait3A_197 = tpu.memref_slice %dma_wait3A_195[%dma_wait3A_191, %dma_wait3A_196] : memref<2x128xi32, #tpu.memory_space<vmem>> -> memref<1x128xi32, #tpu.memory_space<vmem>>
      %dma_wait3A_198 = tpu.memref_squeeze %dma_wait3A_197 : memref<1x128xi32, #tpu.memory_space<vmem>> -> memref<128xi32, #tpu.memory_space<vmem>>
      %dma_wait3A_199 = arith.constant 0 : i32
      %dma_wait3A_200 = arith.constant 0 : i32
      %dma_wait3A_201 = tpu.memref_slice %arg2[%dma_wait3A_199, %dma_wait3A_200] : memref<10000x128xf32, #tpu.memory_space<hbm>> -> memref<10000x128xf32, #tpu.memory_space<hbm>>
      tpu.wait_indirect_dma semaphore(%arg9 : memref<!tpu.dma_semaphore, #tpu.memory_space<semaphore_mem>>) src(%dma_wait3A_201 : memref<10000x128xf32, #tpu.memory_space<hbm>>) dst(%arg6 : memref<128x128xf32, #tpu.memory_space<vmem>>)
      %run_scoped3A_202 = arith.constant 1 : i32
      %run_scoped3A_203 = arith.constant 1 : i32
      "tpu.region"() ({
        %run_scoped3A_222 = tpu.sem_alloc : memref<!tpu.dma_semaphore, #tpu.memory_space<semaphore_mem>>
        %dma_start3A_223 = arith.constant 0 : i32
        %dma_start3A_224 = arith.constant 0 : i32
        %dma_start3A_225 = tpu.memref_slice %arg5[%run_scoped3A_202, %dma_start3A_223, %dma_start3A_224] : memref<2x2x128xi32, #tpu.memory_space<vmem>> -> memref<1x2x128xi32, #tpu.memory_space<vmem>>
        %dma_start3A_226 = tpu.memref_squeeze %dma_start3A_225 : memref<1x2x128xi32, #tpu.memory_space<vmem>> -> memref<2x128xi32, #tpu.memory_space<vmem>>
        %dma_start3A_227 = arith.constant 0 : i32
        %dma_start3A_228 = tpu.memref_slice %dma_start3A_226[%run_scoped3A_203, %dma_start3A_227] : memref<2x128xi32, #tpu.memory_space<vmem>> -> memref<1x128xi32, #tpu.memory_space<vmem>>
        %dma_start3A_229 = tpu.memref_squeeze %dma_start3A_228 : memref<1x128xi32, #tpu.memory_space<vmem>> -> memref<128xi32, #tpu.memory_space<vmem>>
        %dma_start3A_230 = arith.constant 0 : i32
        %dma_start3A_231 = arith.constant 0 : i32
        %dma_start3A_232 = tpu.memref_slice %arg8[%dma_start3A_230, %dma_start3A_231] : memref<10240x128xf32, #tpu.memory_space<vmem_shared>> -> memref<10240x128xf32, #tpu.memory_space<vmem_shared>>
        tpu.enqueue_indirect_dma source(%arg6 : memref<128x128xf32, #tpu.memory_space<vmem>>) target(%dma_start3A_232 : memref<10240x128xf32, #tpu.memory_space<vmem_shared>>) offsets(%dma_start3A_229 : memref<128xi32, #tpu.memory_space<vmem>>) semaphore(%run_scoped3A_222 : memref<!tpu.dma_semaphore, #tpu.memory_space<semaphore_mem>>) {add = true}
        %dma_wait3A_233 = arith.constant 0 : i32
        %dma_wait3A_234 = arith.constant 0 : i32
        %dma_wait3A_235 = tpu.memref_slice %arg5[%run_scoped3A_202, %dma_wait3A_233, %dma_wait3A_234] : memref<2x2x128xi32, #tpu.memory_space<vmem>> -> memref<1x2x128xi32, #tpu.memory_space<vmem>>
        %dma_wait3A_236 = tpu.memref_squeeze %dma_wait3A_235 : memref<1x2x128xi32, #tpu.memory_space<vmem>> -> memref<2x128xi32, #tpu.memory_space<vmem>>
        %dma_wait3A_237 = arith.constant 0 : i32
        %dma_wait3A_238 = tpu.memref_slice %dma_wait3A_236[%run_scoped3A_203, %dma_wait3A_237] : memref<2x128xi32, #tpu.memory_space<vmem>> -> memref<1x128xi32, #tpu.memory_space<vmem>>
        %dma_wait3A_239 = tpu.memref_squeeze %dma_wait3A_238 : memref<1x128xi32, #tpu.memory_space<vmem>> -> memref<128xi32, #tpu.memory_space<vmem>>
        %dma_wait3A_240 = arith.constant 0 : i32
        %dma_wait3A_241 = arith.constant 0 : i32
        %dma_wait3A_242 = tpu.memref_slice %arg8[%dma_wait3A_240, %dma_wait3A_241] : memref<10240x128xf32, #tpu.memory_space<vmem_shared>> -> memref<10240x128xf32, #tpu.memory_space<vmem_shared>>
        tpu.wait_indirect_dma semaphore(%run_scoped3A_222 : memref<!tpu.dma_semaphore, #tpu.memory_space<semaphore_mem>>) src(%arg6 : memref<128x128xf32, #tpu.memory_space<vmem>>) dst(%dma_wait3A_242 : memref<10240x128xf32, #tpu.memory_space<vmem_shared>>)
        tpu.yield
      }) : () -> ()
      %dma_wait3A_204 = arith.constant 0 : i32
      %dma_wait3A_205 = arith.constant 0 : i32
      %dma_wait3A_206 = arith.constant 0 : i32
      %dma_wait3A_207 = tpu.memref_slice %arg5[%dma_wait3A_204, %dma_wait3A_205, %dma_wait3A_206] : memref<2x2x128xi32, #tpu.memory_space<vmem>> -> memref<1x2x128xi32, #tpu.memory_space<vmem>>
      %dma_wait3A_208 = tpu.memref_squeeze %dma_wait3A_207 : memref<1x2x128xi32, #tpu.memory_space<vmem>> -> memref<2x128xi32, #tpu.memory_space<vmem>>
      %dma_wait3A_209 = arith.constant 0 : i32
      %dma_wait3A_210 = arith.constant 0 : i32
      %dma_wait3A_211 = tpu.memref_slice %arg3[%add3A_56, %dma_wait3A_209, %dma_wait3A_210] : memref<2529x2x128xi32, #tpu.memory_space<hbm>> -> memref<1x2x128xi32, #tpu.memory_space<hbm>>
      %dma_wait3A_212 = tpu.memref_squeeze %dma_wait3A_211 : memref<1x2x128xi32, #tpu.memory_space<hbm>> -> memref<2x128xi32, #tpu.memory_space<hbm>>
      %dma_wait3A_213 = arith.constant 0 : i32
      %dma_wait3A_214 = arith.constant 0 : i32
      %dma_wait3A_215 = tpu.memref_slice %arg5[%dma_wait3A_204, %dma_wait3A_213, %dma_wait3A_214] : memref<2x2x128xi32, #tpu.memory_space<vmem>> -> memref<1x2x128xi32, #tpu.memory_space<vmem>>
      %dma_wait3A_216 = tpu.memref_squeeze %dma_wait3A_215 : memref<1x2x128xi32, #tpu.memory_space<vmem>> -> memref<2x128xi32, #tpu.memory_space<vmem>>
      %dma_wait3A_217 = arith.constant 0 : i32
      %dma_wait3A_218 = arith.constant 0 : i32
      %dma_wait3A_219 = tpu.memref_slice %arg3[%add3A_56, %dma_wait3A_217, %dma_wait3A_218] : memref<2529x2x128xi32, #tpu.memory_space<hbm>> -> memref<1x2x128xi32, #tpu.memory_space<hbm>>
      %dma_wait3A_220 = tpu.memref_squeeze %dma_wait3A_219 : memref<1x2x128xi32, #tpu.memory_space<hbm>> -> memref<2x128xi32, #tpu.memory_space<hbm>>
      tpu.wait_dma2 semaphore(%arg10 : memref<!tpu.dma_semaphore, #tpu.memory_space<semaphore_mem>>) src(%dma_wait3A_220 : memref<2x128xi32, #tpu.memory_space<hbm>>) dst(%dma_wait3A_216 : memref<2x128xi32, #tpu.memory_space<vmem>>)
      %while3A_221 = arith.constant 0 : i32
      scf.yield %while3A_221 : i32
    }
    %while3A_82 = arith.constant 1 : i32
    %while3A_83 = scf.for %while3A_89 = %while3A_79 to %while3A_75 step %while3A_82 iter_args(%while3A_90 = %while3A_81) -> (i32)  : i32 {
      %mul3A_91 = arith.constant 2 : i32
      %mul3A_92 = arith.muli %mul3A_91, %while3A_89 : i32
      %add3A_93 = arith.addi %add3A_56, %mul3A_92 : i32
      %add3A_94 = arith.constant 0 : i32
      %add3A_95 = arith.addi %add3A_93, %add3A_94 : i32
      %add3A_96 = arith.constant 1 : i32
      %add3A_97 = arith.addi %add3A_95, %add3A_96 : i32
      %dma_start3A = arith.constant 1 : i32
      %dma_start3A_98 = arith.constant 0 : i32
      %dma_start3A_99 = arith.constant 0 : i32
      %dma_start3A_100 = tpu.memref_slice %arg5[%dma_start3A, %dma_start3A_98, %dma_start3A_99] : memref<2x2x128xi32, #tpu.memory_space<vmem>> -> memref<1x2x128xi32, #tpu.memory_space<vmem>>
      %dma_start3A_101 = tpu.memref_squeeze %dma_start3A_100 : memref<1x2x128xi32, #tpu.memory_space<vmem>> -> memref<2x128xi32, #tpu.memory_space<vmem>>
      %dma_start3A_102 = arith.constant 0 : i32
      %dma_start3A_103 = arith.constant 0 : i32
      %dma_start3A_104 = tpu.memref_slice %arg3[%add3A_97, %dma_start3A_102, %dma_start3A_103] : memref<2529x2x128xi32, #tpu.memory_space<hbm>> -> memref<1x2x128xi32, #tpu.memory_space<hbm>>
      %dma_start3A_105 = tpu.memref_squeeze %dma_start3A_104 : memref<1x2x128xi32, #tpu.memory_space<hbm>> -> memref<2x128xi32, #tpu.memory_space<hbm>>
      %dma_start3A_106 = arith.constant 0 : i32
      %dma_start3A_107 = arith.constant 0 : i32
      %dma_start3A_108 = tpu.memref_slice %arg5[%dma_start3A, %dma_start3A_106, %dma_start3A_107] : memref<2x2x128xi32, #tpu.memory_space<vmem>> -> memref<1x2x128xi32, #tpu.memory_space<vmem>>
      %dma_start3A_109 = tpu.memref_squeeze %dma_start3A_108 : memref<1x2x128xi32, #tpu.memory_space<vmem>> -> memref<2x128xi32, #tpu.memory_space<vmem>>
      %dma_start3A_110 = arith.constant 0 : i32
      %dma_start3A_111 = arith.constant 0 : i32
      %dma_start3A_112 = tpu.memref_slice %arg3[%add3A_97, %dma_start3A_110, %dma_start3A_111] : memref<2529x2x128xi32, #tpu.memory_space<hbm>> -> memref<1x2x128xi32, #tpu.memory_space<hbm>>
      %dma_start3A_113 = tpu.memref_squeeze %dma_start3A_112 : memref<1x2x128xi32, #tpu.memory_space<hbm>> -> memref<2x128xi32, #tpu.memory_space<hbm>>
      tpu.enqueue_dma source(%dma_start3A_113 : memref<2x128xi32, #tpu.memory_space<hbm>>) target(%dma_start3A_109 : memref<2x128xi32, #tpu.memory_space<vmem>>) target_semaphore(%arg10 : memref<!tpu.dma_semaphore, #tpu.memory_space<semaphore_mem>>)
      %dma_start3A_114 = arith.constant 0 : i32
      %dma_start3A_115 = arith.constant 0 : i32
      %dma_start3A_116 = arith.constant 0 : i32
      %dma_start3A_117 = arith.constant 0 : i32
      %dma_start3A_118 = tpu.memref_slice %arg5[%dma_start3A_114, %dma_start3A_116, %dma_start3A_117] : memref<2x2x128xi32, #tpu.memory_space<vmem>> -> memref<1x2x128xi32, #tpu.memory_space<vmem>>
      %dma_start3A_119 = tpu.memref_squeeze %dma_start3A_118 : memref<1x2x128xi32, #tpu.memory_space<vmem>> -> memref<2x128xi32, #tpu.memory_space<vmem>>
      %dma_start3A_120 = arith.constant 0 : i32
      %dma_start3A_121 = tpu.memref_slice %dma_start3A_119[%dma_start3A_115, %dma_start3A_120] : memref<2x128xi32, #tpu.memory_space<vmem>> -> memref<1x128xi32, #tpu.memory_space<vmem>>
      %dma_start3A_122 = tpu.memref_squeeze %dma_start3A_121 : memref<1x128xi32, #tpu.memory_space<vmem>> -> memref<128xi32, #tpu.memory_space<vmem>>
      %dma_start3A_123 = arith.constant 0 : i32
      %dma_start3A_124 = arith.constant 0 : i32
      %dma_start3A_125 = tpu.memref_slice %arg2[%dma_start3A_123, %dma_start3A_124] : memref<10000x128xf32, #tpu.memory_space<hbm>> -> memref<10000x128xf32, #tpu.memory_space<hbm>>
      tpu.enqueue_indirect_dma source(%dma_start3A_125 : memref<10000x128xf32, #tpu.memory_space<hbm>>) target(%arg6 : memref<128x128xf32, #tpu.memory_space<vmem>>) offsets(%dma_start3A_122 : memref<128xi32, #tpu.memory_space<vmem>>) semaphore(%arg9 : memref<!tpu.dma_semaphore, #tpu.memory_space<semaphore_mem>>)
      %dma_wait3A = arith.constant 0 : i32
      %dma_wait3A_126 = arith.constant 0 : i32
      %dma_wait3A_127 = arith.constant 0 : i32
      %dma_wait3A_128 = arith.constant 0 : i32
      %dma_wait3A_129 = tpu.memref_slice %arg5[%dma_wait3A, %dma_wait3A_127, %dma_wait3A_128] : memref<2x2x128xi32, #tpu.memory_space<vmem>> -> memref<1x2x128xi32, #tpu.memory_space<vmem>>
      %dma_wait3A_130 = tpu.memref_squeeze %dma_wait3A_129 : memref<1x2x128xi32, #tpu.memory_space<vmem>> -> memref<2x128xi32, #tpu.memory_space<vmem>>
      %dma_wait3A_131 = arith.constant 0 : i32
      %dma_wait3A_132 = tpu.memref_slice %dma_wait3A_130[%dma_wait3A_126, %dma_wait3A_131] : memref<2x128xi32, #tpu.memory_space<vmem>> -> memref<1x128xi32, #tpu.memory_space<vmem>>
      %dma_wait3A_133 = tpu.memref_squeeze %dma_wait3A_132 : memref<1x128xi32, #tpu.memory_space<vmem>> -> memref<128xi32, #tpu.memory_space<vmem>>
      %dma_wait3A_134 = arith.constant 0 : i32
      %dma_wait3A_135 = arith.constant 0 : i32
      %dma_wait3A_136 = tpu.memref_slice %arg2[%dma_wait3A_134, %dma_wait3A_135] : memref<10000x128xf32, #tpu.memory_space<hbm>> -> memref<10000x128xf32, #tpu.memory_space<hbm>>
      tpu.wait_indirect_dma semaphore(%arg9 : memref<!tpu.dma_semaphore, #tpu.memory_space<semaphore_mem>>) src(%dma_wait3A_136 : memref<10000x128xf32, #tpu.memory_space<hbm>>) dst(%arg6 : memref<128x128xf32, #tpu.memory_space<vmem>>)
      %run_scoped3A_137 = arith.constant 0 : i32
      %run_scoped3A_138 = arith.constant 1 : i32
      "tpu.region"() ({
        %run_scoped3A_222 = tpu.sem_alloc : memref<!tpu.dma_semaphore, #tpu.memory_space<semaphore_mem>>
        %dma_start3A_223 = arith.constant 0 : i32
        %dma_start3A_224 = arith.constant 0 : i32
        %dma_start3A_225 = tpu.memref_slice %arg5[%run_scoped3A_137, %dma_start3A_223, %dma_start3A_224] : memref<2x2x128xi32, #tpu.memory_space<vmem>> -> memref<1x2x128xi32, #tpu.memory_space<vmem>>
        %dma_start3A_226 = tpu.memref_squeeze %dma_start3A_225 : memref<1x2x128xi32, #tpu.memory_space<vmem>> -> memref<2x128xi32, #tpu.memory_space<vmem>>
        %dma_start3A_227 = arith.constant 0 : i32
        %dma_start3A_228 = tpu.memref_slice %dma_start3A_226[%run_scoped3A_138, %dma_start3A_227] : memref<2x128xi32, #tpu.memory_space<vmem>> -> memref<1x128xi32, #tpu.memory_space<vmem>>
        %dma_start3A_229 = tpu.memref_squeeze %dma_start3A_228 : memref<1x128xi32, #tpu.memory_space<vmem>> -> memref<128xi32, #tpu.memory_space<vmem>>
        %dma_start3A_230 = arith.constant 0 : i32
        %dma_start3A_231 = arith.constant 0 : i32
        %dma_start3A_232 = tpu.memref_slice %arg8[%dma_start3A_230, %dma_start3A_231] : memref<10240x128xf32, #tpu.memory_space<vmem_shared>> -> memref<10240x128xf32, #tpu.memory_space<vmem_shared>>
        tpu.enqueue_indirect_dma source(%arg6 : memref<128x128xf32, #tpu.memory_space<vmem>>) target(%dma_start3A_232 : memref<10240x128xf32, #tpu.memory_space<vmem_shared>>) offsets(%dma_start3A_229 : memref<128xi32, #tpu.memory_space<vmem>>) semaphore(%run_scoped3A_222 : memref<!tpu.dma_semaphore, #tpu.memory_space<semaphore_mem>>) {add = true}
        %dma_wait3A_233 = arith.constant 0 : i32
        %dma_wait3A_234 = arith.constant 0 : i32
        %dma_wait3A_235 = tpu.memref_slice %arg5[%run_scoped3A_137, %dma_wait3A_233, %dma_wait3A_234] : memref<2x2x128xi32, #tpu.memory_space<vmem>> -> memref<1x2x128xi32, #tpu.memory_space<vmem>>
        %dma_wait3A_236 = tpu.memref_squeeze %dma_wait3A_235 : memref<1x2x128xi32, #tpu.memory_space<vmem>> -> memref<2x128xi32, #tpu.memory_space<vmem>>
        %dma_wait3A_237 = arith.constant 0 : i32
        %dma_wait3A_238 = tpu.memref_slice %dma_wait3A_236[%run_scoped3A_138, %dma_wait3A_237] : memref<2x128xi32, #tpu.memory_space<vmem>> -> memref<1x128xi32, #tpu.memory_space<vmem>>
        %dma_wait3A_239 = tpu.memref_squeeze %dma_wait3A_238 : memref<1x128xi32, #tpu.memory_space<vmem>> -> memref<128xi32, #tpu.memory_space<vmem>>
        %dma_wait3A_240 = arith.constant 0 : i32
        %dma_wait3A_241 = arith.constant 0 : i32
        %dma_wait3A_242 = tpu.memref_slice %arg8[%dma_wait3A_240, %dma_wait3A_241] : memref<10240x128xf32, #tpu.memory_space<vmem_shared>> -> memref<10240x128xf32, #tpu.memory_space<vmem_shared>>
        tpu.wait_indirect_dma semaphore(%run_scoped3A_222 : memref<!tpu.dma_semaphore, #tpu.memory_space<semaphore_mem>>) src(%arg6 : memref<128x128xf32, #tpu.memory_space<vmem>>) dst(%dma_wait3A_242 : memref<10240x128xf32, #tpu.memory_space<vmem_shared>>)
        tpu.yield
      }) : () -> ()
      %dma_wait3A_139 = arith.constant 1 : i32
      %dma_wait3A_140 = arith.constant 0 : i32
      %dma_wait3A_141 = arith.constant 0 : i32
      %dma_wait3A_142 = tpu.memref_slice %arg5[%dma_wait3A_139, %dma_wait3A_140, %dma_wait3A_141] : memref<2x2x128xi32, #tpu.memory_space<vmem>> -> memref<1x2x128xi32, #tpu.memory_space<vmem>>
      %dma_wait3A_143 = tpu.memref_squeeze %dma_wait3A_142 : memref<1x2x128xi32, #tpu.memory_space<vmem>> -> memref<2x128xi32, #tpu.memory_space<vmem>>
      %dma_wait3A_144 = arith.constant 0 : i32
      %dma_wait3A_145 = arith.constant 0 : i32
      %dma_wait3A_146 = tpu.memref_slice %arg3[%add3A_56, %dma_wait3A_144, %dma_wait3A_145] : memref<2529x2x128xi32, #tpu.memory_space<hbm>> -> memref<1x2x128xi32, #tpu.memory_space<hbm>>
      %dma_wait3A_147 = tpu.memref_squeeze %dma_wait3A_146 : memref<1x2x128xi32, #tpu.memory_space<hbm>> -> memref<2x128xi32, #tpu.memory_space<hbm>>
      %dma_wait3A_148 = arith.constant 0 : i32
      %dma_wait3A_149 = arith.constant 0 : i32
      %dma_wait3A_150 = tpu.memref_slice %arg5[%dma_wait3A_139, %dma_wait3A_148, %dma_wait3A_149] : memref<2x2x128xi32, #tpu.memory_space<vmem>> -> memref<1x2x128xi32, #tpu.memory_space<vmem>>
      %dma_wait3A_151 = tpu.memref_squeeze %dma_wait3A_150 : memref<1x2x128xi32, #tpu.memory_space<vmem>> -> memref<2x128xi32, #tpu.memory_space<vmem>>
      %dma_wait3A_152 = arith.constant 0 : i32
      %dma_wait3A_153 = arith.constant 0 : i32
      %dma_wait3A_154 = tpu.memref_slice %arg3[%add3A_56, %dma_wait3A_152, %dma_wait3A_153] : memref<2529x2x128xi32, #tpu.memory_space<hbm>> -> memref<1x2x128xi32, #tpu.memory_space<hbm>>
      %dma_wait3A_155 = tpu.memref_squeeze %dma_wait3A_154 : memref<1x2x128xi32, #tpu.memory_space<hbm>> -> memref<2x128xi32, #tpu.memory_space<hbm>>
      tpu.wait_dma2 semaphore(%arg10 : memref<!tpu.dma_semaphore, #tpu.memory_space<semaphore_mem>>) src(%dma_wait3A_155 : memref<2x128xi32, #tpu.memory_space<hbm>>) dst(%dma_wait3A_151 : memref<2x128xi32, #tpu.memory_space<vmem>>)
      %add3A_156 = arith.addi %add3A_56, %mul3A_92 : i32
      %add3A_157 = arith.constant 1 : i32
      %add3A_158 = arith.addi %add3A_156, %add3A_157 : i32
      %add3A_159 = arith.constant 1 : i32
      %add3A_160 = arith.addi %add3A_158, %add3A_159 : i32
      %dma_start3A_161 = arith.constant 0 : i32
      %dma_start3A_162 = arith.constant 0 : i32
      %dma_start3A_163 = arith.constant 0 : i32
      %dma_start3A_164 = tpu.memref_slice %arg5[%dma_start3A_161, %dma_start3A_162, %dma_start3A_163] : memref<2x2x128xi32, #tpu.memory_space<vmem>> -> memref<1x2x128xi32, #tpu.memory_space<vmem>>
      %dma_start3A_165 = tpu.memref_squeeze %dma_start3A_164 : memref<1x2x128xi32, #tpu.memory_space<vmem>> -> memref<2x128xi32, #tpu.memory_space<vmem>>
      %dma_start3A_166 = arith.constant 0 : i32
      %dma_start3A_167 = arith.constant 0 : i32
      %dma_start3A_168 = tpu.memref_slice %arg3[%add3A_160, %dma_start3A_166, %dma_start3A_167] : memref<2529x2x128xi32, #tpu.memory_space<hbm>> -> memref<1x2x128xi32, #tpu.memory_space<hbm>>
      %dma_start3A_169 = tpu.memref_squeeze %dma_start3A_168 : memref<1x2x128xi32, #tpu.memory_space<hbm>> -> memref<2x128xi32, #tpu.memory_space<hbm>>
      %dma_start3A_170 = arith.constant 0 : i32
      %dma_start3A_171 = arith.constant 0 : i32
      %dma_start3A_172 = tpu.memref_slice %arg5[%dma_start3A_161, %dma_start3A_170, %dma_start3A_171] : memref<2x2x128xi32, #tpu.memory_space<vmem>> -> memref<1x2x128xi32, #tpu.memory_space<vmem>>
      %dma_start3A_173 = tpu.memref_squeeze %dma_start3A_172 : memref<1x2x128xi32, #tpu.memory_space<vmem>> -> memref<2x128xi32, #tpu.memory_space<vmem>>
      %dma_start3A_174 = arith.constant 0 : i32
      %dma_start3A_175 = arith.constant 0 : i32
      %dma_start3A_176 = tpu.memref_slice %arg3[%add3A_160, %dma_start3A_174, %dma_start3A_175] : memref<2529x2x128xi32, #tpu.memory_space<hbm>> -> memref<1x2x128xi32, #tpu.memory_space<hbm>>
      %dma_start3A_177 = tpu.memref_squeeze %dma_start3A_176 : memref<1x2x128xi32, #tpu.memory_space<hbm>> -> memref<2x128xi32, #tpu.memory_space<hbm>>
      tpu.enqueue_dma source(%dma_start3A_177 : memref<2x128xi32, #tpu.memory_space<hbm>>) target(%dma_start3A_173 : memref<2x128xi32, #tpu.memory_space<vmem>>) target_semaphore(%arg10 : memref<!tpu.dma_semaphore, #tpu.memory_space<semaphore_mem>>)
      %dma_start3A_178 = arith.constant 1 : i32
      %dma_start3A_179 = arith.constant 0 : i32
      %dma_start3A_180 = arith.constant 0 : i32
      %dma_start3A_181 = arith.constant 0 : i32
      %dma_start3A_182 = tpu.memref_slice %arg5[%dma_start3A_178, %dma_start3A_180, %dma_start3A_181] : memref<2x2x128xi32, #tpu.memory_space<vmem>> -> memref<1x2x128xi32, #tpu.memory_space<vmem>>
      %dma_start3A_183 = tpu.memref_squeeze %dma_start3A_182 : memref<1x2x128xi32, #tpu.memory_space<vmem>> -> memref<2x128xi32, #tpu.memory_space<vmem>>
      %dma_start3A_184 = arith.constant 0 : i32
      %dma_start3A_185 = tpu.memref_slice %dma_start3A_183[%dma_start3A_179, %dma_start3A_184] : memref<2x128xi32, #tpu.memory_space<vmem>> -> memref<1x128xi32, #tpu.memory_space<vmem>>
      %dma_start3A_186 = tpu.memref_squeeze %dma_start3A_185 : memref<1x128xi32, #tpu.memory_space<vmem>> -> memref<128xi32, #tpu.memory_space<vmem>>
      %dma_start3A_187 = arith.constant 0 : i32
      %dma_start3A_188 = arith.constant 0 : i32
      %dma_start3A_189 = tpu.memref_slice %arg2[%dma_start3A_187, %dma_start3A_188] : memref<10000x128xf32, #tpu.memory_space<hbm>> -> memref<10000x128xf32, #tpu.memory_space<hbm>>
      tpu.enqueue_indirect_dma source(%dma_start3A_189 : memref<10000x128xf32, #tpu.memory_space<hbm>>) target(%arg6 : memref<128x128xf32, #tpu.memory_space<vmem>>) offsets(%dma_start3A_186 : memref<128xi32, #tpu.memory_space<vmem>>) semaphore(%arg9 : memref<!tpu.dma_semaphore, #tpu.memory_space<semaphore_mem>>)
      %dma_wait3A_190 = arith.constant 1 : i32
      %dma_wait3A_191 = arith.constant 0 : i32
      %dma_wait3A_192 = arith.constant 0 : i32
      %dma_wait3A_193 = arith.constant 0 : i32
      %dma_wait3A_194 = tpu.memref_slice %arg5[%dma_wait3A_190, %dma_wait3A_192, %dma_wait3A_193] : memref<2x2x128xi32, #tpu.memory_space<vmem>> -> memref<1x2x128xi32, #tpu.memory_space<vmem>>
      %dma_wait3A_195 = tpu.memref_squeeze %dma_wait3A_194 : memref<1x2x128xi32, #tpu.memory_space<vmem>> -> memref<2x128xi32, #tpu.memory_space<vmem>>
      %dma_wait3A_196 = arith.constant 0 : i32
      %dma_wait3A_197 = tpu.memref_slice %dma_wait3A_195[%dma_wait3A_191, %dma_wait3A_196] : memref<2x128xi32, #tpu.memory_space<vmem>> -> memref<1x128xi32, #tpu.memory_space<vmem>>
      %dma_wait3A_198 = tpu.memref_squeeze %dma_wait3A_197 : memref<1x128xi32, #tpu.memory_space<vmem>> -> memref<128xi32, #tpu.memory_space<vmem>>
      %dma_wait3A_199 = arith.constant 0 : i32
      %dma_wait3A_200 = arith.constant 0 : i32
      %dma_wait3A_201 = tpu.memref_slice %arg2[%dma_wait3A_199, %dma_wait3A_200] : memref<10000x128xf32, #tpu.memory_space<hbm>> -> memref<10000x128xf32, #tpu.memory_space<hbm>>
      tpu.wait_indirect_dma semaphore(%arg9 : memref<!tpu.dma_semaphore, #tpu.memory_space<semaphore_mem>>) src(%dma_wait3A_201 : memref<10000x128xf32, #tpu.memory_space<hbm>>) dst(%arg6 : memref<128x128xf32, #tpu.memory_space<vmem>>)
      %run_scoped3A_202 = arith.constant 1 : i32
      %run_scoped3A_203 = arith.constant 1 : i32
      "tpu.region"() ({
        %run_scoped3A_222 = tpu.sem_alloc : memref<!tpu.dma_semaphore, #tpu.memory_space<semaphore_mem>>
        %dma_start3A_223 = arith.constant 0 : i32
        %dma_start3A_224 = arith.constant 0 : i32
        %dma_start3A_225 = tpu.memref_slice %arg5[%run_scoped3A_202, %dma_start3A_223, %dma_start3A_224] : memref<2x2x128xi32, #tpu.memory_space<vmem>> -> memref<1x2x128xi32, #tpu.memory_space<vmem>>
        %dma_start3A_226 = tpu.memref_squeeze %dma_start3A_225 : memref<1x2x128xi32, #tpu.memory_space<vmem>> -> memref<2x128xi32, #tpu.memory_space<vmem>>
        %dma_start3A_227 = arith.constant 0 : i32
        %dma_start3A_228 = tpu.memref_slice %dma_start3A_226[%run_scoped3A_203, %dma_start3A_227] : memref<2x128xi32, #tpu.memory_space<vmem>> -> memref<1x128xi32, #tpu.memory_space<vmem>>
        %dma_start3A_229 = tpu.memref_squeeze %dma_start3A_228 : memref<1x128xi32, #tpu.memory_space<vmem>> -> memref<128xi32, #tpu.memory_space<vmem>>
        %dma_start3A_230 = arith.constant 0 : i32
        %dma_start3A_231 = arith.constant 0 : i32
        %dma_start3A_232 = tpu.memref_slice %arg8[%dma_start3A_230, %dma_start3A_231] : memref<10240x128xf32, #tpu.memory_space<vmem_shared>> -> memref<10240x128xf32, #tpu.memory_space<vmem_shared>>
        tpu.enqueue_indirect_dma source(%arg6 : memref<128x128xf32, #tpu.memory_space<vmem>>) target(%dma_start3A_232 : memref<10240x128xf32, #tpu.memory_space<vmem_shared>>) offsets(%dma_start3A_229 : memref<128xi32, #tpu.memory_space<vmem>>) semaphore(%run_scoped3A_222 : memref<!tpu.dma_semaphore, #tpu.memory_space<semaphore_mem>>) {add = true}
        %dma_wait3A_233 = arith.constant 0 : i32
        %dma_wait3A_234 = arith.constant 0 : i32
        %dma_wait3A_235 = tpu.memref_slice %arg5[%run_scoped3A_202, %dma_wait3A_233, %dma_wait3A_234] : memref<2x2x128xi32, #tpu.memory_space<vmem>> -> memref<1x2x128xi32, #tpu.memory_space<vmem>>
        %dma_wait3A_236 = tpu.memref_squeeze %dma_wait3A_235 : memref<1x2x128xi32, #tpu.memory_space<vmem>> -> memref<2x128xi32, #tpu.memory_space<vmem>>
        %dma_wait3A_237 = arith.constant 0 : i32
        %dma_wait3A_238 = tpu.memref_slice %dma_wait3A_236[%run_scoped3A_203, %dma_wait3A_237] : memref<2x128xi32, #tpu.memory_space<vmem>> -> memref<1x128xi32, #tpu.memory_space<vmem>>
        %dma_wait3A_239 = tpu.memref_squeeze %dma_wait3A_238 : memref<1x128xi32, #tpu.memory_space<vmem>> -> memref<128xi32, #tpu.memory_space<vmem>>
        %dma_wait3A_240 = arith.constant 0 : i32
        %dma_wait3A_241 = arith.constant 0 : i32
        %dma_wait3A_242 = tpu.memref_slice %arg8[%dma_wait3A_240, %dma_wait3A_241] : memref<10240x128xf32, #tpu.memory_space<vmem_shared>> -> memref<10240x128xf32, #tpu.memory_space<vmem_shared>>
        tpu.wait_indirect_dma semaphore(%run_scoped3A_222 : memref<!tpu.dma_semaphore, #tpu.memory_space<semaphore_mem>>) src(%arg6 : memref<128x128xf32, #tpu.memory_space<vmem>>) dst(%dma_wait3A_242 : memref<10240x128xf32, #tpu.memory_space<vmem_shared>>)
        tpu.yield
      }) : () -> ()
      %dma_wait3A_204 = arith.constant 0 : i32
      %dma_wait3A_205 = arith.constant 0 : i32
      %dma_wait3A_206 = arith.constant 0 : i32
      %dma_wait3A_207 = tpu.memref_slice %arg5[%dma_wait3A_204, %dma_wait3A_205, %dma_wait3A_206] : memref<2x2x128xi32, #tpu.memory_space<vmem>> -> memref<1x2x128xi32, #tpu.memory_space<vmem>>
      %dma_wait3A_208 = tpu.memref_squeeze %dma_wait3A_207 : memref<1x2x128xi32, #tpu.memory_space<vmem>> -> memref<2x128xi32, #tpu.memory_space<vmem>>
      %dma_wait3A_209 = arith.constant 0 : i32
      %dma_wait3A_210 = arith.constant 0 : i32
      %dma_wait3A_211 = tpu.memref_slice %arg3[%add3A_56, %dma_wait3A_209, %dma_wait3A_210] : memref<2529x2x128xi32, #tpu.memory_space<hbm>> -> memref<1x2x128xi32, #tpu.memory_space<hbm>>
      %dma_wait3A_212 = tpu.memref_squeeze %dma_wait3A_211 : memref<1x2x128xi32, #tpu.memory_space<hbm>> -> memref<2x128xi32, #tpu.memory_space<hbm>>
      %dma_wait3A_213 = arith.constant 0 : i32
      %dma_wait3A_214 = arith.constant 0 : i32
      %dma_wait3A_215 = tpu.memref_slice %arg5[%dma_wait3A_204, %dma_wait3A_213, %dma_wait3A_214] : memref<2x2x128xi32, #tpu.memory_space<vmem>> -> memref<1x2x128xi32, #tpu.memory_space<vmem>>
      %dma_wait3A_216 = tpu.memref_squeeze %dma_wait3A_215 : memref<1x2x128xi32, #tpu.memory_space<vmem>> -> memref<2x128xi32, #tpu.memory_space<vmem>>
      %dma_wait3A_217 = arith.constant 0 : i32
      %dma_wait3A_218 = arith.constant 0 : i32
      %dma_wait3A_219 = tpu.memref_slice %arg3[%add3A_56, %dma_wait3A_217, %dma_wait3A_218] : memref<2529x2x128xi32, #tpu.memory_space<hbm>> -> memref<1x2x128xi32, #tpu.memory_space<hbm>>
      %dma_wait3A_220 = tpu.memref_squeeze %dma_wait3A_219 : memref<1x2x128xi32, #tpu.memory_space<hbm>> -> memref<2x128xi32, #tpu.memory_space<hbm>>
      tpu.wait_dma2 semaphore(%arg10 : memref<!tpu.dma_semaphore, #tpu.memory_space<semaphore_mem>>) src(%dma_wait3A_220 : memref<2x128xi32, #tpu.memory_space<hbm>>) dst(%dma_wait3A_216 : memref<2x128xi32, #tpu.memory_space<vmem>>)
      %while3A_221 = arith.constant 0 : i32
      scf.yield %while3A_221 : i32
    }
    %barrier3A_84 = arith.constant 0 : index
    tpu.barrier barrier_id(%barrier3A_84)
    %mul3A_85 = arith.constant 640 : i32
    %mul3A_86 = arith.muli %arg1, %mul3A_85 : i32
    %mul3A_87 = arith.constant 640 : i32
    %mul3A_88 = arith.muli %arg1, %mul3A_87 : i32
    "tpu.region"() ({
      %run_scoped3A_89 = tpu.sem_alloc : memref<!tpu.dma_semaphore, #tpu.memory_space<semaphore_mem>>
      %dma_start3A = arith.constant 0 : i32
      %dma_start3A_90 = tpu.memref_slice %arg4[%arg0, %mul3A_88, %dma_start3A] : memref<2x10240x128xf32, #tpu.memory_space<hbm>> -> memref<1x640x128xf32, #tpu.memory_space<hbm>>
      %dma_start3A_91 = tpu.memref_squeeze %dma_start3A_90 : memref<1x640x128xf32, #tpu.memory_space<hbm>> -> memref<640x128xf32, #tpu.memory_space<hbm>>
      %dma_start3A_92 = arith.constant 0 : i32
      %dma_start3A_93 = tpu.memref_slice %arg8[%mul3A_86, %dma_start3A_92] : memref<10240x128xf32, #tpu.memory_space<vmem_shared>> -> memref<640x128xf32, #tpu.memory_space<vmem_shared>>
      tpu.enqueue_dma source(%dma_start3A_93 : memref<640x128xf32, #tpu.memory_space<vmem_shared>>) target(%dma_start3A_91 : memref<640x128xf32, #tpu.memory_space<hbm>>) target_semaphore(%run_scoped3A_89 : memref<!tpu.dma_semaphore, #tpu.memory_space<semaphore_mem>>)
      %dma_wait3A = arith.constant 0 : i32
      %dma_wait3A_94 = tpu.memref_slice %arg4[%arg0, %mul3A_88, %dma_wait3A] : memref<2x10240x128xf32, #tpu.memory_space<hbm>> -> memref<1x640x128xf32, #tpu.memory_space<hbm>>
      %dma_wait3A_95 = tpu.memref_squeeze %dma_wait3A_94 : memref<1x640x128xf32, #tpu.memory_space<hbm>> -> memref<640x128xf32, #tpu.memory_space<hbm>>
      %dma_wait3A_96 = arith.constant 0 : i32
      %dma_wait3A_97 = tpu.memref_slice %arg8[%mul3A_86, %dma_wait3A_96] : memref<10240x128xf32, #tpu.memory_space<vmem_shared>> -> memref<640x128xf32, #tpu.memory_space<vmem_shared>>
      tpu.wait_dma2 semaphore(%run_scoped3A_89 : memref<!tpu.dma_semaphore, #tpu.memory_space<semaphore_mem>>) src(%dma_wait3A_97 : memref<640x128xf32, #tpu.memory_space<vmem_shared>>) dst(%dma_wait3A_95 : memref<640x128xf32, #tpu.memory_space<hbm>>)
      tpu.yield
    }) : () -> ()
    return
  }
}

#map = affine_map<(d0, d1) -> (0)>
#map1 = affine_map<(d0, d1) -> (0, 0)>
module attributes {stable_mosaic.version = 14 : i64} {
  func.func @_sc_hist_body(%arg0: i32, %arg1: i32, %arg2: memref<323584xi32, #tpu.memory_space<hbm>>, %arg3: memref<2x10240xf32, #tpu.memory_space<hbm>>, %arg4: memref<128xi32, #tpu.memory_space<vmem>>, %arg5: memref<128xf32, #tpu.memory_space<vmem>>, %arg6: memref<640xf32, #tpu.memory_space<vmem>>, %arg7: memref<10240xf32, #tpu.memory_space<vmem_shared>>) attributes {dimension_semantics = [#tpu.dimension_semantics<core_parallel>, #tpu.dimension_semantics<subcore_parallel>], iteration_bounds = array<i64: 2, 16>, scalar_prefetch = 0 : i64, scratch_operands = 4 : i64, tpu.core_type = #tpu.core_type<sc_vector_subcore>, window_params = [{transform_indices = #map}, {transform_indices = #map1}]} {
    %mul3A = arith.constant 16 : i32
    %mul3A_0 = arith.muli %arg0, %mul3A : i32
    %add3A = arith.addi %mul3A_0, %arg1 : i32
    %broadcast_in_dim3A = arith.constant 0.000000e+00 : f32
    %broadcast_in_dim3A_1 = vector.broadcast %broadcast_in_dim3A : f32 to vector<16xf32>
    %swap3A = arith.constant 0 : index
    %swap3A_2 = tpu.vector_load %arg6[%swap3A] {strides = array<i32>} : memref<640xf32, #tpu.memory_space<vmem>>, vector<16xf32>,
    %swap3A_3 = vector.shape_cast %swap3A_2 : vector<16xf32> to vector<16xf32>
    %swap3A_4 = vector.shape_cast %broadcast_in_dim3A_1 : vector<16xf32> to vector<16xf32>
    tpu.vector_store %arg6[%swap3A], %swap3A_4 {strides = array<i32>} : memref<640xf32, #tpu.memory_space<vmem>>, vector<16xf32>,
    %broadcast_in_dim3A_5 = arith.constant 0.000000e+00 : f32
    %broadcast_in_dim3A_6 = vector.broadcast %broadcast_in_dim3A_5 : f32 to vector<16xf32>
    %swap3A_7 = arith.constant 16 : index
    %swap3A_8 = tpu.vector_load %arg6[%swap3A_7] {strides = array<i32>} : memref<640xf32, #tpu.memory_space<vmem>>, vector<16xf32>,
    %swap3A_9 = vector.shape_cast %swap3A_8 : vector<16xf32> to vector<16xf32>
    %swap3A_10 = vector.shape_cast %broadcast_in_dim3A_6 : vector<16xf32> to vector<16xf32>
    tpu.vector_store %arg6[%swap3A_7], %swap3A_10 {strides = array<i32>} : memref<640xf32, #tpu.memory_space<vmem>>, vector<16xf32>,
    %broadcast_in_dim3A_11 = arith.constant 0.000000e+00 : f32
    %broadcast_in_dim3A_12 = vector.broadcast %broadcast_in_dim3A_11 : f32 to vector<16xf32>
    %swap3A_13 = arith.constant 32 : index
    %swap3A_14 = tpu.vector_load %arg6[%swap3A_13] {strides = array<i32>} : memref<640xf32, #tpu.memory_space<vmem>>, vector<16xf32>,
    %swap3A_15 = vector.shape_cast %swap3A_14 : vector<16xf32> to vector<16xf32>
    %swap3A_16 = vector.shape_cast %broadcast_in_dim3A_12 : vector<16xf32> to vector<16xf32>
    tpu.vector_store %arg6[%swap3A_13], %swap3A_16 {strides = array<i32>} : memref<640xf32, #tpu.memory_space<vmem>>, vector<16xf32>,
    %broadcast_in_dim3A_17 = arith.constant 0.000000e+00 : f32
    %broadcast_in_dim3A_18 = vector.broadcast %broadcast_in_dim3A_17 : f32 to vector<16xf32>
    %swap3A_19 = arith.constant 48 : index
    %swap3A_20 = tpu.vector_load %arg6[%swap3A_19] {strides = array<i32>} : memref<640xf32, #tpu.memory_space<vmem>>, vector<16xf32>,
    %swap3A_21 = vector.shape_cast %swap3A_20 : vector<16xf32> to vector<16xf32>
    %swap3A_22 = vector.shape_cast %broadcast_in_dim3A_18 : vector<16xf32> to vector<16xf32>
    tpu.vector_store %arg6[%swap3A_19], %swap3A_22 {strides = array<i32>} : memref<640xf32, #tpu.memory_space<vmem>>, vector<16xf32>,
    %broadcast_in_dim3A_23 = arith.constant 0.000000e+00 : f32
    %broadcast_in_dim3A_24 = vector.broadcast %broadcast_in_dim3A_23 : f32 to vector<16xf32>
    %swap3A_25 = arith.constant 64 : index
    %swap3A_26 = tpu.vector_load %arg6[%swap3A_25] {strides = array<i32>} : memref<640xf32, #tpu.memory_space<vmem>>, vector<16xf32>,
    %swap3A_27 = vector.shape_cast %swap3A_26 : vector<16xf32> to vector<16xf32>
    %swap3A_28 = vector.shape_cast %broadcast_in_dim3A_24 : vector<16xf32> to vector<16xf32>
    tpu.vector_store %arg6[%swap3A_25], %swap3A_28 {strides = array<i32>} : memref<640xf32, #tpu.memory_space<vmem>>, vector<16xf32>,
    %broadcast_in_dim3A_29 = arith.constant 0.000000e+00 : f32
    %broadcast_in_dim3A_30 = vector.broadcast %broadcast_in_dim3A_29 : f32 to vector<16xf32>
    %swap3A_31 = arith.constant 80 : index
    %swap3A_32 = tpu.vector_load %arg6[%swap3A_31] {strides = array<i32>} : memref<640xf32, #tpu.memory_space<vmem>>, vector<16xf32>,
    %swap3A_33 = vector.shape_cast %swap3A_32 : vector<16xf32> to vector<16xf32>
    %swap3A_34 = vector.shape_cast %broadcast_in_dim3A_30 : vector<16xf32> to vector<16xf32>
    tpu.vector_store %arg6[%swap3A_31], %swap3A_34 {strides = array<i32>} : memref<640xf32, #tpu.memory_space<vmem>>, vector<16xf32>,
    %broadcast_in_dim3A_35 = arith.constant 0.000000e+00 : f32
    %broadcast_in_dim3A_36 = vector.broadcast %broadcast_in_dim3A_35 : f32 to vector<16xf32>
    %swap3A_37 = arith.constant 96 : index
    %swap3A_38 = tpu.vector_load %arg6[%swap3A_37] {strides = array<i32>} : memref<640xf32, #tpu.memory_space<vmem>>, vector<16xf32>,
    %swap3A_39 = vector.shape_cast %swap3A_38 : vector<16xf32> to vector<16xf32>
    %swap3A_40 = vector.shape_cast %broadcast_in_dim3A_36 : vector<16xf32> to vector<16xf32>
    tpu.vector_store %arg6[%swap3A_37], %swap3A_40 {strides = array<i32>} : memref<640xf32, #tpu.memory_space<vmem>>, vector<16xf32>,
    %broadcast_in_dim3A_41 = arith.constant 0.000000e+00 : f32
    %broadcast_in_dim3A_42 = vector.broadcast %broadcast_in_dim3A_41 : f32 to vector<16xf32>
    %swap3A_43 = arith.constant 112 : index
    %swap3A_44 = tpu.vector_load %arg6[%swap3A_43] {strides = array<i32>} : memref<640xf32, #tpu.memory_space<vmem>>, vector<16xf32>,
    %swap3A_45 = vector.shape_cast %swap3A_44 : vector<16xf32> to vector<16xf32>
    %swap3A_46 = vector.shape_cast %broadcast_in_dim3A_42 : vector<16xf32> to vector<16xf32>
    tpu.vector_store %arg6[%swap3A_43], %swap3A_46 {strides = array<i32>} : memref<640xf32, #tpu.memory_space<vmem>>, vector<16xf32>,
    %broadcast_in_dim3A_47 = arith.constant 0.000000e+00 : f32
    %broadcast_in_dim3A_48 = vector.broadcast %broadcast_in_dim3A_47 : f32 to vector<16xf32>
    %swap3A_49 = arith.constant 128 : index
    %swap3A_50 = tpu.vector_load %arg6[%swap3A_49] {strides = array<i32>} : memref<640xf32, #tpu.memory_space<vmem>>, vector<16xf32>,
    %swap3A_51 = vector.shape_cast %swap3A_50 : vector<16xf32> to vector<16xf32>
    %swap3A_52 = vector.shape_cast %broadcast_in_dim3A_48 : vector<16xf32> to vector<16xf32>
    tpu.vector_store %arg6[%swap3A_49], %swap3A_52 {strides = array<i32>} : memref<640xf32, #tpu.memory_space<vmem>>, vector<16xf32>,
    %broadcast_in_dim3A_53 = arith.constant 0.000000e+00 : f32
    %broadcast_in_dim3A_54 = vector.broadcast %broadcast_in_dim3A_53 : f32 to vector<16xf32>
    %swap3A_55 = arith.constant 144 : index
    %swap3A_56 = tpu.vector_load %arg6[%swap3A_55] {strides = array<i32>} : memref<640xf32, #tpu.memory_space<vmem>>, vector<16xf32>,
    %swap3A_57 = vector.shape_cast %swap3A_56 : vector<16xf32> to vector<16xf32>
    %swap3A_58 = vector.shape_cast %broadcast_in_dim3A_54 : vector<16xf32> to vector<16xf32>
    tpu.vector_store %arg6[%swap3A_55], %swap3A_58 {strides = array<i32>} : memref<640xf32, #tpu.memory_space<vmem>>, vector<16xf32>,
    %broadcast_in_dim3A_59 = arith.constant 0.000000e+00 : f32
    %broadcast_in_dim3A_60 = vector.broadcast %broadcast_in_dim3A_59 : f32 to vector<16xf32>
    %swap3A_61 = arith.constant 160 : index
    %swap3A_62 = tpu.vector_load %arg6[%swap3A_61] {strides = array<i32>} : memref<640xf32, #tpu.memory_space<vmem>>, vector<16xf32>,
    %swap3A_63 = vector.shape_cast %swap3A_62 : vector<16xf32> to vector<16xf32>
    %swap3A_64 = vector.shape_cast %broadcast_in_dim3A_60 : vector<16xf32> to vector<16xf32>
    tpu.vector_store %arg6[%swap3A_61], %swap3A_64 {strides = array<i32>} : memref<640xf32, #tpu.memory_space<vmem>>, vector<16xf32>,
    %broadcast_in_dim3A_65 = arith.constant 0.000000e+00 : f32
    %broadcast_in_dim3A_66 = vector.broadcast %broadcast_in_dim3A_65 : f32 to vector<16xf32>
    %swap3A_67 = arith.constant 176 : index
    %swap3A_68 = tpu.vector_load %arg6[%swap3A_67] {strides = array<i32>} : memref<640xf32, #tpu.memory_space<vmem>>, vector<16xf32>,
    %swap3A_69 = vector.shape_cast %swap3A_68 : vector<16xf32> to vector<16xf32>
    %swap3A_70 = vector.shape_cast %broadcast_in_dim3A_66 : vector<16xf32> to vector<16xf32>
    tpu.vector_store %arg6[%swap3A_67], %swap3A_70 {strides = array<i32>} : memref<640xf32, #tpu.memory_space<vmem>>, vector<16xf32>,
    %broadcast_in_dim3A_71 = arith.constant 0.000000e+00 : f32
    %broadcast_in_dim3A_72 = vector.broadcast %broadcast_in_dim3A_71 : f32 to vector<16xf32>
    %swap3A_73 = arith.constant 192 : index
    %swap3A_74 = tpu.vector_load %arg6[%swap3A_73] {strides = array<i32>} : memref<640xf32, #tpu.memory_space<vmem>>, vector<16xf32>,
    %swap3A_75 = vector.shape_cast %swap3A_74 : vector<16xf32> to vector<16xf32>
    %swap3A_76 = vector.shape_cast %broadcast_in_dim3A_72 : vector<16xf32> to vector<16xf32>
    tpu.vector_store %arg6[%swap3A_73], %swap3A_76 {strides = array<i32>} : memref<640xf32, #tpu.memory_space<vmem>>, vector<16xf32>,
    %broadcast_in_dim3A_77 = arith.constant 0.000000e+00 : f32
    %broadcast_in_dim3A_78 = vector.broadcast %broadcast_in_dim3A_77 : f32 to vector<16xf32>
    %swap3A_79 = arith.constant 208 : index
    %swap3A_80 = tpu.vector_load %arg6[%swap3A_79] {strides = array<i32>} : memref<640xf32, #tpu.memory_space<vmem>>, vector<16xf32>,
    %swap3A_81 = vector.shape_cast %swap3A_80 : vector<16xf32> to vector<16xf32>
    %swap3A_82 = vector.shape_cast %broadcast_in_dim3A_78 : vector<16xf32> to vector<16xf32>
    tpu.vector_store %arg6[%swap3A_79], %swap3A_82 {strides = array<i32>} : memref<640xf32, #tpu.memory_space<vmem>>, vector<16xf32>,
    %broadcast_in_dim3A_83 = arith.constant 0.000000e+00 : f32
    %broadcast_in_dim3A_84 = vector.broadcast %broadcast_in_dim3A_83 : f32 to vector<16xf32>
    %swap3A_85 = arith.constant 224 : index
    %swap3A_86 = tpu.vector_load %arg6[%swap3A_85] {strides = array<i32>} : memref<640xf32, #tpu.memory_space<vmem>>, vector<16xf32>,
    %swap3A_87 = vector.shape_cast %swap3A_86 : vector<16xf32> to vector<16xf32>
    %swap3A_88 = vector.shape_cast %broadcast_in_dim3A_84 : vector<16xf32> to vector<16xf32>
    tpu.vector_store %arg6[%swap3A_85], %swap3A_88 {strides = array<i32>} : memref<640xf32, #tpu.memory_space<vmem>>, vector<16xf32>,
    %broadcast_in_dim3A_89 = arith.constant 0.000000e+00 : f32
    %broadcast_in_dim3A_90 = vector.broadcast %broadcast_in_dim3A_89 : f32 to vector<16xf32>
    %swap3A_91 = arith.constant 240 : index
    %swap3A_92 = tpu.vector_load %arg6[%swap3A_91] {strides = array<i32>} : memref<640xf32, #tpu.memory_space<vmem>>, vector<16xf32>,
    %swap3A_93 = vector.shape_cast %swap3A_92 : vector<16xf32> to vector<16xf32>
    %swap3A_94 = vector.shape_cast %broadcast_in_dim3A_90 : vector<16xf32> to vector<16xf32>
    tpu.vector_store %arg6[%swap3A_91], %swap3A_94 {strides = array<i32>} : memref<640xf32, #tpu.memory_space<vmem>>, vector<16xf32>,
    %broadcast_in_dim3A_95 = arith.constant 0.000000e+00 : f32
    %broadcast_in_dim3A_96 = vector.broadcast %broadcast_in_dim3A_95 : f32 to vector<16xf32>
    %swap3A_97 = arith.constant 256 : index
    %swap3A_98 = tpu.vector_load %arg6[%swap3A_97] {strides = array<i32>} : memref<640xf32, #tpu.memory_space<vmem>>, vector<16xf32>,
    %swap3A_99 = vector.shape_cast %swap3A_98 : vector<16xf32> to vector<16xf32>
    %swap3A_100 = vector.shape_cast %broadcast_in_dim3A_96 : vector<16xf32> to vector<16xf32>
    tpu.vector_store %arg6[%swap3A_97], %swap3A_100 {strides = array<i32>} : memref<640xf32, #tpu.memory_space<vmem>>, vector<16xf32>,
    %broadcast_in_dim3A_101 = arith.constant 0.000000e+00 : f32
    %broadcast_in_dim3A_102 = vector.broadcast %broadcast_in_dim3A_101 : f32 to vector<16xf32>
    %swap3A_103 = arith.constant 272 : index
    %swap3A_104 = tpu.vector_load %arg6[%swap3A_103] {strides = array<i32>} : memref<640xf32, #tpu.memory_space<vmem>>, vector<16xf32>,
    %swap3A_105 = vector.shape_cast %swap3A_104 : vector<16xf32> to vector<16xf32>
    %swap3A_106 = vector.shape_cast %broadcast_in_dim3A_102 : vector<16xf32> to vector<16xf32>
    tpu.vector_store %arg6[%swap3A_103], %swap3A_106 {strides = array<i32>} : memref<640xf32, #tpu.memory_space<vmem>>, vector<16xf32>,
    %broadcast_in_dim3A_107 = arith.constant 0.000000e+00 : f32
    %broadcast_in_dim3A_108 = vector.broadcast %broadcast_in_dim3A_107 : f32 to vector<16xf32>
    %swap3A_109 = arith.constant 288 : index
    %swap3A_110 = tpu.vector_load %arg6[%swap3A_109] {strides = array<i32>} : memref<640xf32, #tpu.memory_space<vmem>>, vector<16xf32>,
    %swap3A_111 = vector.shape_cast %swap3A_110 : vector<16xf32> to vector<16xf32>
    %swap3A_112 = vector.shape_cast %broadcast_in_dim3A_108 : vector<16xf32> to vector<16xf32>
    tpu.vector_store %arg6[%swap3A_109], %swap3A_112 {strides = array<i32>} : memref<640xf32, #tpu.memory_space<vmem>>, vector<16xf32>,
    %broadcast_in_dim3A_113 = arith.constant 0.000000e+00 : f32
    %broadcast_in_dim3A_114 = vector.broadcast %broadcast_in_dim3A_113 : f32 to vector<16xf32>
    %swap3A_115 = arith.constant 304 : index
    %swap3A_116 = tpu.vector_load %arg6[%swap3A_115] {strides = array<i32>} : memref<640xf32, #tpu.memory_space<vmem>>, vector<16xf32>,
    %swap3A_117 = vector.shape_cast %swap3A_116 : vector<16xf32> to vector<16xf32>
    %swap3A_118 = vector.shape_cast %broadcast_in_dim3A_114 : vector<16xf32> to vector<16xf32>
    tpu.vector_store %arg6[%swap3A_115], %swap3A_118 {strides = array<i32>} : memref<640xf32, #tpu.memory_space<vmem>>, vector<16xf32>,
    %broadcast_in_dim3A_119 = arith.constant 0.000000e+00 : f32
    %broadcast_in_dim3A_120 = vector.broadcast %broadcast_in_dim3A_119 : f32 to vector<16xf32>
    %swap3A_121 = arith.constant 320 : index
    %swap3A_122 = tpu.vector_load %arg6[%swap3A_121] {strides = array<i32>} : memref<640xf32, #tpu.memory_space<vmem>>, vector<16xf32>,
    %swap3A_123 = vector.shape_cast %swap3A_122 : vector<16xf32> to vector<16xf32>
    %swap3A_124 = vector.shape_cast %broadcast_in_dim3A_120 : vector<16xf32> to vector<16xf32>
    tpu.vector_store %arg6[%swap3A_121], %swap3A_124 {strides = array<i32>} : memref<640xf32, #tpu.memory_space<vmem>>, vector<16xf32>,
    %broadcast_in_dim3A_125 = arith.constant 0.000000e+00 : f32
    %broadcast_in_dim3A_126 = vector.broadcast %broadcast_in_dim3A_125 : f32 to vector<16xf32>
    %swap3A_127 = arith.constant 336 : index
    %swap3A_128 = tpu.vector_load %arg6[%swap3A_127] {strides = array<i32>} : memref<640xf32, #tpu.memory_space<vmem>>, vector<16xf32>,
    %swap3A_129 = vector.shape_cast %swap3A_128 : vector<16xf32> to vector<16xf32>
    %swap3A_130 = vector.shape_cast %broadcast_in_dim3A_126 : vector<16xf32> to vector<16xf32>
    tpu.vector_store %arg6[%swap3A_127], %swap3A_130 {strides = array<i32>} : memref<640xf32, #tpu.memory_space<vmem>>, vector<16xf32>,
    %broadcast_in_dim3A_131 = arith.constant 0.000000e+00 : f32
    %broadcast_in_dim3A_132 = vector.broadcast %broadcast_in_dim3A_131 : f32 to vector<16xf32>
    %swap3A_133 = arith.constant 352 : index
    %swap3A_134 = tpu.vector_load %arg6[%swap3A_133] {strides = array<i32>} : memref<640xf32, #tpu.memory_space<vmem>>, vector<16xf32>,
    %swap3A_135 = vector.shape_cast %swap3A_134 : vector<16xf32> to vector<16xf32>
    %swap3A_136 = vector.shape_cast %broadcast_in_dim3A_132 : vector<16xf32> to vector<16xf32>
    tpu.vector_store %arg6[%swap3A_133], %swap3A_136 {strides = array<i32>} : memref<640xf32, #tpu.memory_space<vmem>>, vector<16xf32>,
    %broadcast_in_dim3A_137 = arith.constant 0.000000e+00 : f32
    %broadcast_in_dim3A_138 = vector.broadcast %broadcast_in_dim3A_137 : f32 to vector<16xf32>
    %swap3A_139 = arith.constant 368 : index
    %swap3A_140 = tpu.vector_load %arg6[%swap3A_139] {strides = array<i32>} : memref<640xf32, #tpu.memory_space<vmem>>, vector<16xf32>,
    %swap3A_141 = vector.shape_cast %swap3A_140 : vector<16xf32> to vector<16xf32>
    %swap3A_142 = vector.shape_cast %broadcast_in_dim3A_138 : vector<16xf32> to vector<16xf32>
    tpu.vector_store %arg6[%swap3A_139], %swap3A_142 {strides = array<i32>} : memref<640xf32, #tpu.memory_space<vmem>>, vector<16xf32>,
    %broadcast_in_dim3A_143 = arith.constant 0.000000e+00 : f32
    %broadcast_in_dim3A_144 = vector.broadcast %broadcast_in_dim3A_143 : f32 to vector<16xf32>
    %swap3A_145 = arith.constant 384 : index
    %swap3A_146 = tpu.vector_load %arg6[%swap3A_145] {strides = array<i32>} : memref<640xf32, #tpu.memory_space<vmem>>, vector<16xf32>,
    %swap3A_147 = vector.shape_cast %swap3A_146 : vector<16xf32> to vector<16xf32>
    %swap3A_148 = vector.shape_cast %broadcast_in_dim3A_144 : vector<16xf32> to vector<16xf32>
    tpu.vector_store %arg6[%swap3A_145], %swap3A_148 {strides = array<i32>} : memref<640xf32, #tpu.memory_space<vmem>>, vector<16xf32>,
    %broadcast_in_dim3A_149 = arith.constant 0.000000e+00 : f32
    %broadcast_in_dim3A_150 = vector.broadcast %broadcast_in_dim3A_149 : f32 to vector<16xf32>
    %swap3A_151 = arith.constant 400 : index
    %swap3A_152 = tpu.vector_load %arg6[%swap3A_151] {strides = array<i32>} : memref<640xf32, #tpu.memory_space<vmem>>, vector<16xf32>,
    %swap3A_153 = vector.shape_cast %swap3A_152 : vector<16xf32> to vector<16xf32>
    %swap3A_154 = vector.shape_cast %broadcast_in_dim3A_150 : vector<16xf32> to vector<16xf32>
    tpu.vector_store %arg6[%swap3A_151], %swap3A_154 {strides = array<i32>} : memref<640xf32, #tpu.memory_space<vmem>>, vector<16xf32>,
    %broadcast_in_dim3A_155 = arith.constant 0.000000e+00 : f32
    %broadcast_in_dim3A_156 = vector.broadcast %broadcast_in_dim3A_155 : f32 to vector<16xf32>
    %swap3A_157 = arith.constant 416 : index
    %swap3A_158 = tpu.vector_load %arg6[%swap3A_157] {strides = array<i32>} : memref<640xf32, #tpu.memory_space<vmem>>, vector<16xf32>,
    %swap3A_159 = vector.shape_cast %swap3A_158 : vector<16xf32> to vector<16xf32>
    %swap3A_160 = vector.shape_cast %broadcast_in_dim3A_156 : vector<16xf32> to vector<16xf32>
    tpu.vector_store %arg6[%swap3A_157], %swap3A_160 {strides = array<i32>} : memref<640xf32, #tpu.memory_space<vmem>>, vector<16xf32>,
    %broadcast_in_dim3A_161 = arith.constant 0.000000e+00 : f32
    %broadcast_in_dim3A_162 = vector.broadcast %broadcast_in_dim3A_161 : f32 to vector<16xf32>
    %swap3A_163 = arith.constant 432 : index
    %swap3A_164 = tpu.vector_load %arg6[%swap3A_163] {strides = array<i32>} : memref<640xf32, #tpu.memory_space<vmem>>, vector<16xf32>,
    %swap3A_165 = vector.shape_cast %swap3A_164 : vector<16xf32> to vector<16xf32>
    %swap3A_166 = vector.shape_cast %broadcast_in_dim3A_162 : vector<16xf32> to vector<16xf32>
    tpu.vector_store %arg6[%swap3A_163], %swap3A_166 {strides = array<i32>} : memref<640xf32, #tpu.memory_space<vmem>>, vector<16xf32>,
    %broadcast_in_dim3A_167 = arith.constant 0.000000e+00 : f32
    %broadcast_in_dim3A_168 = vector.broadcast %broadcast_in_dim3A_167 : f32 to vector<16xf32>
    %swap3A_169 = arith.constant 448 : index
    %swap3A_170 = tpu.vector_load %arg6[%swap3A_169] {strides = array<i32>} : memref<640xf32, #tpu.memory_space<vmem>>, vector<16xf32>,
    %swap3A_171 = vector.shape_cast %swap3A_170 : vector<16xf32> to vector<16xf32>
    %swap3A_172 = vector.shape_cast %broadcast_in_dim3A_168 : vector<16xf32> to vector<16xf32>
    tpu.vector_store %arg6[%swap3A_169], %swap3A_172 {strides = array<i32>} : memref<640xf32, #tpu.memory_space<vmem>>, vector<16xf32>,
    %broadcast_in_dim3A_173 = arith.constant 0.000000e+00 : f32
    %broadcast_in_dim3A_174 = vector.broadcast %broadcast_in_dim3A_173 : f32 to vector<16xf32>
    %swap3A_175 = arith.constant 464 : index
    %swap3A_176 = tpu.vector_load %arg6[%swap3A_175] {strides = array<i32>} : memref<640xf32, #tpu.memory_space<vmem>>, vector<16xf32>,
    %swap3A_177 = vector.shape_cast %swap3A_176 : vector<16xf32> to vector<16xf32>
    %swap3A_178 = vector.shape_cast %broadcast_in_dim3A_174 : vector<16xf32> to vector<16xf32>
    tpu.vector_store %arg6[%swap3A_175], %swap3A_178 {strides = array<i32>} : memref<640xf32, #tpu.memory_space<vmem>>, vector<16xf32>,
    %broadcast_in_dim3A_179 = arith.constant 0.000000e+00 : f32
    %broadcast_in_dim3A_180 = vector.broadcast %broadcast_in_dim3A_179 : f32 to vector<16xf32>
    %swap3A_181 = arith.constant 480 : index
    %swap3A_182 = tpu.vector_load %arg6[%swap3A_181] {strides = array<i32>} : memref<640xf32, #tpu.memory_space<vmem>>, vector<16xf32>,
    %swap3A_183 = vector.shape_cast %swap3A_182 : vector<16xf32> to vector<16xf32>
    %swap3A_184 = vector.shape_cast %broadcast_in_dim3A_180 : vector<16xf32> to vector<16xf32>
    tpu.vector_store %arg6[%swap3A_181], %swap3A_184 {strides = array<i32>} : memref<640xf32, #tpu.memory_space<vmem>>, vector<16xf32>,
    %broadcast_in_dim3A_185 = arith.constant 0.000000e+00 : f32
    %broadcast_in_dim3A_186 = vector.broadcast %broadcast_in_dim3A_185 : f32 to vector<16xf32>
    %swap3A_187 = arith.constant 496 : index
    %swap3A_188 = tpu.vector_load %arg6[%swap3A_187] {strides = array<i32>} : memref<640xf32, #tpu.memory_space<vmem>>, vector<16xf32>,
    %swap3A_189 = vector.shape_cast %swap3A_188 : vector<16xf32> to vector<16xf32>
    %swap3A_190 = vector.shape_cast %broadcast_in_dim3A_186 : vector<16xf32> to vector<16xf32>
    tpu.vector_store %arg6[%swap3A_187], %swap3A_190 {strides = array<i32>} : memref<640xf32, #tpu.memory_space<vmem>>, vector<16xf32>,
    %broadcast_in_dim3A_191 = arith.constant 0.000000e+00 : f32
    %broadcast_in_dim3A_192 = vector.broadcast %broadcast_in_dim3A_191 : f32 to vector<16xf32>
    %swap3A_193 = arith.constant 512 : index
    %swap3A_194 = tpu.vector_load %arg6[%swap3A_193] {strides = array<i32>} : memref<640xf32, #tpu.memory_space<vmem>>, vector<16xf32>,
    %swap3A_195 = vector.shape_cast %swap3A_194 : vector<16xf32> to vector<16xf32>
    %swap3A_196 = vector.shape_cast %broadcast_in_dim3A_192 : vector<16xf32> to vector<16xf32>
    tpu.vector_store %arg6[%swap3A_193], %swap3A_196 {strides = array<i32>} : memref<640xf32, #tpu.memory_space<vmem>>, vector<16xf32>,
    %broadcast_in_dim3A_197 = arith.constant 0.000000e+00 : f32
    %broadcast_in_dim3A_198 = vector.broadcast %broadcast_in_dim3A_197 : f32 to vector<16xf32>
    %swap3A_199 = arith.constant 528 : index
    %swap3A_200 = tpu.vector_load %arg6[%swap3A_199] {strides = array<i32>} : memref<640xf32, #tpu.memory_space<vmem>>, vector<16xf32>,
    %swap3A_201 = vector.shape_cast %swap3A_200 : vector<16xf32> to vector<16xf32>
    %swap3A_202 = vector.shape_cast %broadcast_in_dim3A_198 : vector<16xf32> to vector<16xf32>
    tpu.vector_store %arg6[%swap3A_199], %swap3A_202 {strides = array<i32>} : memref<640xf32, #tpu.memory_space<vmem>>, vector<16xf32>,
    %broadcast_in_dim3A_203 = arith.constant 0.000000e+00 : f32
    %broadcast_in_dim3A_204 = vector.broadcast %broadcast_in_dim3A_203 : f32 to vector<16xf32>
    %swap3A_205 = arith.constant 544 : index
    %swap3A_206 = tpu.vector_load %arg6[%swap3A_205] {strides = array<i32>} : memref<640xf32, #tpu.memory_space<vmem>>, vector<16xf32>,
    %swap3A_207 = vector.shape_cast %swap3A_206 : vector<16xf32> to vector<16xf32>
    %swap3A_208 = vector.shape_cast %broadcast_in_dim3A_204 : vector<16xf32> to vector<16xf32>
    tpu.vector_store %arg6[%swap3A_205], %swap3A_208 {strides = array<i32>} : memref<640xf32, #tpu.memory_space<vmem>>, vector<16xf32>,
    %broadcast_in_dim3A_209 = arith.constant 0.000000e+00 : f32
    %broadcast_in_dim3A_210 = vector.broadcast %broadcast_in_dim3A_209 : f32 to vector<16xf32>
    %swap3A_211 = arith.constant 560 : index
    %swap3A_212 = tpu.vector_load %arg6[%swap3A_211] {strides = array<i32>} : memref<640xf32, #tpu.memory_space<vmem>>, vector<16xf32>,
    %swap3A_213 = vector.shape_cast %swap3A_212 : vector<16xf32> to vector<16xf32>
    %swap3A_214 = vector.shape_cast %broadcast_in_dim3A_210 : vector<16xf32> to vector<16xf32>
    tpu.vector_store %arg6[%swap3A_211], %swap3A_214 {strides = array<i32>} : memref<640xf32, #tpu.memory_space<vmem>>, vector<16xf32>,
    %broadcast_in_dim3A_215 = arith.constant 0.000000e+00 : f32
    %broadcast_in_dim3A_216 = vector.broadcast %broadcast_in_dim3A_215 : f32 to vector<16xf32>
    %swap3A_217 = arith.constant 576 : index
    %swap3A_218 = tpu.vector_load %arg6[%swap3A_217] {strides = array<i32>} : memref<640xf32, #tpu.memory_space<vmem>>, vector<16xf32>,
    %swap3A_219 = vector.shape_cast %swap3A_218 : vector<16xf32> to vector<16xf32>
    %swap3A_220 = vector.shape_cast %broadcast_in_dim3A_216 : vector<16xf32> to vector<16xf32>
    tpu.vector_store %arg6[%swap3A_217], %swap3A_220 {strides = array<i32>} : memref<640xf32, #tpu.memory_space<vmem>>, vector<16xf32>,
    %broadcast_in_dim3A_221 = arith.constant 0.000000e+00 : f32
    %broadcast_in_dim3A_222 = vector.broadcast %broadcast_in_dim3A_221 : f32 to vector<16xf32>
    %swap3A_223 = arith.constant 592 : index
    %swap3A_224 = tpu.vector_load %arg6[%swap3A_223] {strides = array<i32>} : memref<640xf32, #tpu.memory_space<vmem>>, vector<16xf32>,
    %swap3A_225 = vector.shape_cast %swap3A_224 : vector<16xf32> to vector<16xf32>
    %swap3A_226 = vector.shape_cast %broadcast_in_dim3A_222 : vector<16xf32> to vector<16xf32>
    tpu.vector_store %arg6[%swap3A_223], %swap3A_226 {strides = array<i32>} : memref<640xf32, #tpu.memory_space<vmem>>, vector<16xf32>,
    %broadcast_in_dim3A_227 = arith.constant 0.000000e+00 : f32
    %broadcast_in_dim3A_228 = vector.broadcast %broadcast_in_dim3A_227 : f32 to vector<16xf32>
    %swap3A_229 = arith.constant 608 : index
    %swap3A_230 = tpu.vector_load %arg6[%swap3A_229] {strides = array<i32>} : memref<640xf32, #tpu.memory_space<vmem>>, vector<16xf32>,
    %swap3A_231 = vector.shape_cast %swap3A_230 : vector<16xf32> to vector<16xf32>
    %swap3A_232 = vector.shape_cast %broadcast_in_dim3A_228 : vector<16xf32> to vector<16xf32>
    tpu.vector_store %arg6[%swap3A_229], %swap3A_232 {strides = array<i32>} : memref<640xf32, #tpu.memory_space<vmem>>, vector<16xf32>,
    %broadcast_in_dim3A_233 = arith.constant 0.000000e+00 : f32
    %broadcast_in_dim3A_234 = vector.broadcast %broadcast_in_dim3A_233 : f32 to vector<16xf32>
    %swap3A_235 = arith.constant 624 : index
    %swap3A_236 = tpu.vector_load %arg6[%swap3A_235] {strides = array<i32>} : memref<640xf32, #tpu.memory_space<vmem>>, vector<16xf32>,
    %swap3A_237 = vector.shape_cast %swap3A_236 : vector<16xf32> to vector<16xf32>
    %swap3A_238 = vector.shape_cast %broadcast_in_dim3A_234 : vector<16xf32> to vector<16xf32>
    tpu.vector_store %arg6[%swap3A_235], %swap3A_238 {strides = array<i32>} : memref<640xf32, #tpu.memory_space<vmem>>, vector<16xf32>,
    %broadcast_in_dim3A_239 = arith.constant 1.000000e+00 : f32
    %broadcast_in_dim3A_240 = vector.broadcast %broadcast_in_dim3A_239 : f32 to vector<16xf32>
    %swap3A_241 = arith.constant 0 : index
    %swap3A_242 = tpu.vector_load %arg5[%swap3A_241] {strides = array<i32>} : memref<128xf32, #tpu.memory_space<vmem>>, vector<16xf32>,
    %swap3A_243 = vector.shape_cast %swap3A_242 : vector<16xf32> to vector<16xf32>
    %swap3A_244 = vector.shape_cast %broadcast_in_dim3A_240 : vector<16xf32> to vector<16xf32>
    tpu.vector_store %arg5[%swap3A_241], %swap3A_244 {strides = array<i32>} : memref<128xf32, #tpu.memory_space<vmem>>, vector<16xf32>,
    %broadcast_in_dim3A_245 = arith.constant 1.000000e+00 : f32
    %broadcast_in_dim3A_246 = vector.broadcast %broadcast_in_dim3A_245 : f32 to vector<16xf32>
    %swap3A_247 = arith.constant 16 : index
    %swap3A_248 = tpu.vector_load %arg5[%swap3A_247] {strides = array<i32>} : memref<128xf32, #tpu.memory_space<vmem>>, vector<16xf32>,
    %swap3A_249 = vector.shape_cast %swap3A_248 : vector<16xf32> to vector<16xf32>
    %swap3A_250 = vector.shape_cast %broadcast_in_dim3A_246 : vector<16xf32> to vector<16xf32>
    tpu.vector_store %arg5[%swap3A_247], %swap3A_250 {strides = array<i32>} : memref<128xf32, #tpu.memory_space<vmem>>, vector<16xf32>,
    %broadcast_in_dim3A_251 = arith.constant 1.000000e+00 : f32
    %broadcast_in_dim3A_252 = vector.broadcast %broadcast_in_dim3A_251 : f32 to vector<16xf32>
    %swap3A_253 = arith.constant 32 : index
    %swap3A_254 = tpu.vector_load %arg5[%swap3A_253] {strides = array<i32>} : memref<128xf32, #tpu.memory_space<vmem>>, vector<16xf32>,
    %swap3A_255 = vector.shape_cast %swap3A_254 : vector<16xf32> to vector<16xf32>
    %swap3A_256 = vector.shape_cast %broadcast_in_dim3A_252 : vector<16xf32> to vector<16xf32>
    tpu.vector_store %arg5[%swap3A_253], %swap3A_256 {strides = array<i32>} : memref<128xf32, #tpu.memory_space<vmem>>, vector<16xf32>,
    %broadcast_in_dim3A_257 = arith.constant 1.000000e+00 : f32
    %broadcast_in_dim3A_258 = vector.broadcast %broadcast_in_dim3A_257 : f32 to vector<16xf32>
    %swap3A_259 = arith.constant 48 : index
    %swap3A_260 = tpu.vector_load %arg5[%swap3A_259] {strides = array<i32>} : memref<128xf32, #tpu.memory_space<vmem>>, vector<16xf32>,
    %swap3A_261 = vector.shape_cast %swap3A_260 : vector<16xf32> to vector<16xf32>
    %swap3A_262 = vector.shape_cast %broadcast_in_dim3A_258 : vector<16xf32> to vector<16xf32>
    tpu.vector_store %arg5[%swap3A_259], %swap3A_262 {strides = array<i32>} : memref<128xf32, #tpu.memory_space<vmem>>, vector<16xf32>,
    %broadcast_in_dim3A_263 = arith.constant 1.000000e+00 : f32
    %broadcast_in_dim3A_264 = vector.broadcast %broadcast_in_dim3A_263 : f32 to vector<16xf32>
    %swap3A_265 = arith.constant 64 : index
    %swap3A_266 = tpu.vector_load %arg5[%swap3A_265] {strides = array<i32>} : memref<128xf32, #tpu.memory_space<vmem>>, vector<16xf32>,
    %swap3A_267 = vector.shape_cast %swap3A_266 : vector<16xf32> to vector<16xf32>
    %swap3A_268 = vector.shape_cast %broadcast_in_dim3A_264 : vector<16xf32> to vector<16xf32>
    tpu.vector_store %arg5[%swap3A_265], %swap3A_268 {strides = array<i32>} : memref<128xf32, #tpu.memory_space<vmem>>, vector<16xf32>,
    %broadcast_in_dim3A_269 = arith.constant 1.000000e+00 : f32
    %broadcast_in_dim3A_270 = vector.broadcast %broadcast_in_dim3A_269 : f32 to vector<16xf32>
    %swap3A_271 = arith.constant 80 : index
    %swap3A_272 = tpu.vector_load %arg5[%swap3A_271] {strides = array<i32>} : memref<128xf32, #tpu.memory_space<vmem>>, vector<16xf32>,
    %swap3A_273 = vector.shape_cast %swap3A_272 : vector<16xf32> to vector<16xf32>
    %swap3A_274 = vector.shape_cast %broadcast_in_dim3A_270 : vector<16xf32> to vector<16xf32>
    tpu.vector_store %arg5[%swap3A_271], %swap3A_274 {strides = array<i32>} : memref<128xf32, #tpu.memory_space<vmem>>, vector<16xf32>,
    %broadcast_in_dim3A_275 = arith.constant 1.000000e+00 : f32
    %broadcast_in_dim3A_276 = vector.broadcast %broadcast_in_dim3A_275 : f32 to vector<16xf32>
    %swap3A_277 = arith.constant 96 : index
    %swap3A_278 = tpu.vector_load %arg5[%swap3A_277] {strides = array<i32>} : memref<128xf32, #tpu.memory_space<vmem>>, vector<16xf32>,
    %swap3A_279 = vector.shape_cast %swap3A_278 : vector<16xf32> to vector<16xf32>
    %swap3A_280 = vector.shape_cast %broadcast_in_dim3A_276 : vector<16xf32> to vector<16xf32>
    tpu.vector_store %arg5[%swap3A_277], %swap3A_280 {strides = array<i32>} : memref<128xf32, #tpu.memory_space<vmem>>, vector<16xf32>,
    %broadcast_in_dim3A_281 = arith.constant 1.000000e+00 : f32
    %broadcast_in_dim3A_282 = vector.broadcast %broadcast_in_dim3A_281 : f32 to vector<16xf32>
    %swap3A_283 = arith.constant 112 : index
    %swap3A_284 = tpu.vector_load %arg5[%swap3A_283] {strides = array<i32>} : memref<128xf32, #tpu.memory_space<vmem>>, vector<16xf32>,
    %swap3A_285 = vector.shape_cast %swap3A_284 : vector<16xf32> to vector<16xf32>
    %swap3A_286 = vector.shape_cast %broadcast_in_dim3A_282 : vector<16xf32> to vector<16xf32>
    tpu.vector_store %arg5[%swap3A_283], %swap3A_286 {strides = array<i32>} : memref<128xf32, #tpu.memory_space<vmem>>, vector<16xf32>,
    %mul3A_287 = arith.constant 640 : i32
    %mul3A_288 = arith.muli %arg1, %mul3A_287 : i32
    "tpu.region"() ({
      %run_scoped3A = tpu.sem_alloc : memref<!tpu.dma_semaphore, #tpu.memory_space<semaphore_mem>>
      %dma_start3A = tpu.memref_slice %arg7[%mul3A_288] : memref<10240xf32, #tpu.memory_space<vmem_shared>> -> memref<640xf32, #tpu.memory_space<vmem_shared>>
      %dma_start3A_300 = tpu.memref_slice %arg7[%mul3A_288] : memref<10240xf32, #tpu.memory_space<vmem_shared>> -> memref<640xf32, #tpu.memory_space<vmem_shared>>
      tpu.enqueue_dma source(%arg6 : memref<640xf32, #tpu.memory_space<vmem>>) target(%dma_start3A_300 : memref<640xf32, #tpu.memory_space<vmem_shared>>) target_semaphore(%run_scoped3A : memref<!tpu.dma_semaphore, #tpu.memory_space<semaphore_mem>>)
      %dma_wait3A = tpu.memref_slice %arg7[%mul3A_288] : memref<10240xf32, #tpu.memory_space<vmem_shared>> -> memref<640xf32, #tpu.memory_space<vmem_shared>>
      %dma_wait3A_301 = tpu.memref_slice %arg7[%mul3A_288] : memref<10240xf32, #tpu.memory_space<vmem_shared>> -> memref<640xf32, #tpu.memory_space<vmem_shared>>
      tpu.wait_dma2 semaphore(%run_scoped3A : memref<!tpu.dma_semaphore, #tpu.memory_space<semaphore_mem>>) src(%arg6 : memref<640xf32, #tpu.memory_space<vmem>>) dst(%dma_wait3A_301 : memref<640xf32, #tpu.memory_space<vmem_shared>>)
      tpu.yield
    }) : () -> ()
    %barrier3A = arith.constant 0 : index
    tpu.barrier barrier_id(%barrier3A)
    %scan3A = arith.constant 0 : i32
    %scan3A_289 = arith.constant 0 : i32
    %scan3A_290 = arith.constant 79 : i32
    %scan3A_291 = arith.addi %scan3A_289, %scan3A_290 : i32
    %scan3A_292 = arith.constant 1 : i32
    %scan3A_293 = scf.for %scan3A_300 = %scan3A_289 to %scan3A_291 step %scan3A_292 iter_args(%scan3A_301 = %scan3A) -> (i32)  : i32 {
      %mul3A_302 = arith.constant 79 : i32
      %mul3A_303 = arith.muli %add3A, %mul3A_302 : i32
      %add3A_304 = arith.addi %mul3A_303, %scan3A_300 : i32
      %mul3A_305 = arith.constant 128 : i32
      %mul3A_306 = arith.muli %add3A_304, %mul3A_305 : i32
      "tpu.region"() ({
        %run_scoped3A = tpu.sem_alloc : memref<!tpu.dma_semaphore, #tpu.memory_space<semaphore_mem>>
        %dma_start3A = tpu.memref_slice %arg2[%mul3A_306] : memref<323584xi32, #tpu.memory_space<hbm>> -> memref<128xi32, #tpu.memory_space<hbm>>
        %dma_start3A_308 = tpu.memref_slice %arg2[%mul3A_306] : memref<323584xi32, #tpu.memory_space<hbm>> -> memref<128xi32, #tpu.memory_space<hbm>>
        tpu.enqueue_dma source(%dma_start3A_308 : memref<128xi32, #tpu.memory_space<hbm>>) target(%arg4 : memref<128xi32, #tpu.memory_space<vmem>>) target_semaphore(%run_scoped3A : memref<!tpu.dma_semaphore, #tpu.memory_space<semaphore_mem>>)
        %dma_wait3A = tpu.memref_slice %arg2[%mul3A_306] : memref<323584xi32, #tpu.memory_space<hbm>> -> memref<128xi32, #tpu.memory_space<hbm>>
        %dma_wait3A_309 = tpu.memref_slice %arg2[%mul3A_306] : memref<323584xi32, #tpu.memory_space<hbm>> -> memref<128xi32, #tpu.memory_space<hbm>>
        tpu.wait_dma2 semaphore(%run_scoped3A : memref<!tpu.dma_semaphore, #tpu.memory_space<semaphore_mem>>) src(%dma_wait3A_309 : memref<128xi32, #tpu.memory_space<hbm>>) dst(%arg4 : memref<128xi32, #tpu.memory_space<vmem>>)
        tpu.yield
      }) : () -> ()
      "tpu.region"() ({
        %run_scoped3A = tpu.sem_alloc : memref<!tpu.dma_semaphore, #tpu.memory_space<semaphore_mem>>
        %dma_start3A = arith.constant 0 : i32
        %dma_start3A_308 = tpu.memref_slice %arg7[%dma_start3A] : memref<10240xf32, #tpu.memory_space<vmem_shared>> -> memref<10240xf32, #tpu.memory_space<vmem_shared>>
        tpu.enqueue_indirect_dma source(%arg5 : memref<128xf32, #tpu.memory_space<vmem>>) target(%dma_start3A_308 : memref<10240xf32, #tpu.memory_space<vmem_shared>>) offsets(%arg4 : memref<128xi32, #tpu.memory_space<vmem>>) semaphore(%run_scoped3A : memref<!tpu.dma_semaphore, #tpu.memory_space<semaphore_mem>>) {add = true}
        %dma_wait3A = arith.constant 0 : i32
        %dma_wait3A_309 = tpu.memref_slice %arg7[%dma_wait3A] : memref<10240xf32, #tpu.memory_space<vmem_shared>> -> memref<10240xf32, #tpu.memory_space<vmem_shared>>
        tpu.wait_indirect_dma semaphore(%run_scoped3A : memref<!tpu.dma_semaphore, #tpu.memory_space<semaphore_mem>>) src(%arg5 : memref<128xf32, #tpu.memory_space<vmem>>) dst(%dma_wait3A_309 : memref<10240xf32, #tpu.memory_space<vmem_shared>>)
        tpu.yield
      }) : () -> ()
      %scan3A_307 = arith.constant 0 : i32
      scf.yield %scan3A_307 : i32
    }
    %scan3A_294 = arith.constant 79 : i32
    %barrier3A_295 = arith.constant 0 : index
    tpu.barrier barrier_id(%barrier3A_295)
    %mul3A_296 = arith.constant 640 : i32
    %mul3A_297 = arith.muli %arg1, %mul3A_296 : i32
    %mul3A_298 = arith.constant 640 : i32
    %mul3A_299 = arith.muli %arg1, %mul3A_298 : i32
    "tpu.region"() ({
      %run_scoped3A = tpu.sem_alloc : memref<!tpu.dma_semaphore, #tpu.memory_space<semaphore_mem>>
      %dma_start3A = tpu.memref_slice %arg3[%arg0, %mul3A_299] : memref<2x10240xf32, #tpu.memory_space<hbm>> -> memref<1x640xf32, #tpu.memory_space<hbm>>
      %dma_start3A_300 = tpu.memref_squeeze %dma_start3A : memref<1x640xf32, #tpu.memory_space<hbm>> -> memref<640xf32, #tpu.memory_space<hbm>>
      %dma_start3A_301 = tpu.memref_slice %arg7[%mul3A_297] : memref<10240xf32, #tpu.memory_space<vmem_shared>> -> memref<640xf32, #tpu.memory_space<vmem_shared>>
      tpu.enqueue_dma source(%dma_start3A_301 : memref<640xf32, #tpu.memory_space<vmem_shared>>) target(%dma_start3A_300 : memref<640xf32, #tpu.memory_space<hbm>>) target_semaphore(%run_scoped3A : memref<!tpu.dma_semaphore, #tpu.memory_space<semaphore_mem>>)
      %dma_wait3A = tpu.memref_slice %arg3[%arg0, %mul3A_299] : memref<2x10240xf32, #tpu.memory_space<hbm>> -> memref<1x640xf32, #tpu.memory_space<hbm>>
      %dma_wait3A_302 = tpu.memref_squeeze %dma_wait3A : memref<1x640xf32, #tpu.memory_space<hbm>> -> memref<640xf32, #tpu.memory_space<hbm>>
      %dma_wait3A_303 = tpu.memref_slice %arg7[%mul3A_297] : memref<10240xf32, #tpu.memory_space<vmem_shared>> -> memref<640xf32, #tpu.memory_space<vmem_shared>>
      tpu.wait_dma2 semaphore(%run_scoped3A : memref<!tpu.dma_semaphore, #tpu.memory_space<semaphore_mem>>) src(%dma_wait3A_303 : memref<640xf32, #tpu.memory_space<vmem_shared>>) dst(%dma_wait3A_302 : memref<640xf32, #tpu.memory_space<hbm>>)
      tpu.yield
    }) : () -> ()
    return
  }
}

#map = affine_map<(d0, d1) -> (0, 0)>
#map1 = affine_map<(d0, d1) -> (0, 0, 0)>
module attributes {stable_mosaic.version = 14 : i64} {
  func.func @_sc_agg_body(%arg0: i32, %arg1: i32, %arg2: memref<10000x128xf32, #tpu.memory_space<hbm>>, %arg3: memref<2529x2x128xi32, #tpu.memory_space<hbm>>, %arg4: memref<2x10240x128xf32, #tpu.memory_space<hbm>>, %arg5: memref<2x2x128xi32, #tpu.memory_space<vmem>>, %arg6: memref<128x128xf32, #tpu.memory_space<vmem>>, %arg7: memref<64x128xf32, #tpu.memory_space<vmem>>, %arg8: memref<10240x128xf32, #tpu.memory_space<vmem_shared>>, %arg9: memref<!tpu.dma_semaphore, #tpu.memory_space<semaphore_mem>>, %arg10: memref<!tpu.dma_semaphore, #tpu.memory_space<semaphore_mem>>) attributes {dimension_semantics = [#tpu.dimension_semantics<core_parallel>, #tpu.dimension_semantics<subcore_parallel>], iteration_bounds = array<i64: 2, 16>, scalar_prefetch = 0 : i64, scratch_operands = 6 : i64, tpu.core_type = #tpu.core_type<sc_vector_subcore>, window_params = [{transform_indices = #map}, {transform_indices = #map1}, {transform_indices = #map1}]} {
    %mul3A = arith.constant 16 : i32
    %mul3A_0 = arith.muli %arg0, %mul3A : i32
    %add3A = arith.addi %mul3A_0, %arg1 : i32
    %scan3A = arith.constant 0 : i32
    %scan3A_1 = arith.constant 0 : i32
    %scan3A_2 = arith.constant 64 : i32
    %scan3A_3 = arith.addi %scan3A_1, %scan3A_2 : i32
    %scan3A_4 = arith.constant 1 : i32
    %scan3A_5 = scf.for %scan3A_89 = %scan3A_1 to %scan3A_3 step %scan3A_4 iter_args(%scan3A_90 = %scan3A) -> (i32)  : i32 {
      %broadcast_in_dim3A = arith.constant 0.000000e+00 : f32
      %broadcast_in_dim3A_91 = vector.broadcast %broadcast_in_dim3A : f32 to vector<16xf32>
      %swap3A = arith.index_cast %scan3A_89 : i32 to index
      %swap3A_92 = arith.constant 0 : index
      %swap3A_93 = tpu.vector_load %arg7[%swap3A, %swap3A_92] {strides = array<i32>} : memref<64x128xf32, #tpu.memory_space<vmem>>, vector<1x16xf32>,
      %swap3A_94 = vector.shape_cast %swap3A_93 : vector<1x16xf32> to vector<16xf32>
      %swap3A_95 = vector.shape_cast %broadcast_in_dim3A_91 : vector<16xf32> to vector<1x16xf32>
      tpu.vector_store %arg7[%swap3A, %swap3A_92], %swap3A_95 {strides = array<i32>} : memref<64x128xf32, #tpu.memory_space<vmem>>, vector<1x16xf32>,
      %broadcast_in_dim3A_96 = arith.constant 0.000000e+00 : f32
      %broadcast_in_dim3A_97 = vector.broadcast %broadcast_in_dim3A_96 : f32 to vector<16xf32>
      %swap3A_98 = arith.index_cast %scan3A_89 : i32 to index
      %swap3A_99 = arith.constant 16 : index
      %swap3A_100 = tpu.vector_load %arg7[%swap3A_98, %swap3A_99] {strides = array<i32>} : memref<64x128xf32, #tpu.memory_space<vmem>>, vector<1x16xf32>,
      %swap3A_101 = vector.shape_cast %swap3A_100 : vector<1x16xf32> to vector<16xf32>
      %swap3A_102 = vector.shape_cast %broadcast_in_dim3A_97 : vector<16xf32> to vector<1x16xf32>
      tpu.vector_store %arg7[%swap3A_98, %swap3A_99], %swap3A_102 {strides = array<i32>} : memref<64x128xf32, #tpu.memory_space<vmem>>, vector<1x16xf32>,
      %broadcast_in_dim3A_103 = arith.constant 0.000000e+00 : f32
      %broadcast_in_dim3A_104 = vector.broadcast %broadcast_in_dim3A_103 : f32 to vector<16xf32>
      %swap3A_105 = arith.index_cast %scan3A_89 : i32 to index
      %swap3A_106 = arith.constant 32 : index
      %swap3A_107 = tpu.vector_load %arg7[%swap3A_105, %swap3A_106] {strides = array<i32>} : memref<64x128xf32, #tpu.memory_space<vmem>>, vector<1x16xf32>,
      %swap3A_108 = vector.shape_cast %swap3A_107 : vector<1x16xf32> to vector<16xf32>
      %swap3A_109 = vector.shape_cast %broadcast_in_dim3A_104 : vector<16xf32> to vector<1x16xf32>
      tpu.vector_store %arg7[%swap3A_105, %swap3A_106], %swap3A_109 {strides = array<i32>} : memref<64x128xf32, #tpu.memory_space<vmem>>, vector<1x16xf32>,
      %broadcast_in_dim3A_110 = arith.constant 0.000000e+00 : f32
      %broadcast_in_dim3A_111 = vector.broadcast %broadcast_in_dim3A_110 : f32 to vector<16xf32>
      %swap3A_112 = arith.index_cast %scan3A_89 : i32 to index
      %swap3A_113 = arith.constant 48 : index
      %swap3A_114 = tpu.vector_load %arg7[%swap3A_112, %swap3A_113] {strides = array<i32>} : memref<64x128xf32, #tpu.memory_space<vmem>>, vector<1x16xf32>,
      %swap3A_115 = vector.shape_cast %swap3A_114 : vector<1x16xf32> to vector<16xf32>
      %swap3A_116 = vector.shape_cast %broadcast_in_dim3A_111 : vector<16xf32> to vector<1x16xf32>
      tpu.vector_store %arg7[%swap3A_112, %swap3A_113], %swap3A_116 {strides = array<i32>} : memref<64x128xf32, #tpu.memory_space<vmem>>, vector<1x16xf32>,
      %broadcast_in_dim3A_117 = arith.constant 0.000000e+00 : f32
      %broadcast_in_dim3A_118 = vector.broadcast %broadcast_in_dim3A_117 : f32 to vector<16xf32>
      %swap3A_119 = arith.index_cast %scan3A_89 : i32 to index
      %swap3A_120 = arith.constant 64 : index
      %swap3A_121 = tpu.vector_load %arg7[%swap3A_119, %swap3A_120] {strides = array<i32>} : memref<64x128xf32, #tpu.memory_space<vmem>>, vector<1x16xf32>,
      %swap3A_122 = vector.shape_cast %swap3A_121 : vector<1x16xf32> to vector<16xf32>
      %swap3A_123 = vector.shape_cast %broadcast_in_dim3A_118 : vector<16xf32> to vector<1x16xf32>
      tpu.vector_store %arg7[%swap3A_119, %swap3A_120], %swap3A_123 {strides = array<i32>} : memref<64x128xf32, #tpu.memory_space<vmem>>, vector<1x16xf32>,
      %broadcast_in_dim3A_124 = arith.constant 0.000000e+00 : f32
      %broadcast_in_dim3A_125 = vector.broadcast %broadcast_in_dim3A_124 : f32 to vector<16xf32>
      %swap3A_126 = arith.index_cast %scan3A_89 : i32 to index
      %swap3A_127 = arith.constant 80 : index
      %swap3A_128 = tpu.vector_load %arg7[%swap3A_126, %swap3A_127] {strides = array<i32>} : memref<64x128xf32, #tpu.memory_space<vmem>>, vector<1x16xf32>,
      %swap3A_129 = vector.shape_cast %swap3A_128 : vector<1x16xf32> to vector<16xf32>
      %swap3A_130 = vector.shape_cast %broadcast_in_dim3A_125 : vector<16xf32> to vector<1x16xf32>
      tpu.vector_store %arg7[%swap3A_126, %swap3A_127], %swap3A_130 {strides = array<i32>} : memref<64x128xf32, #tpu.memory_space<vmem>>, vector<1x16xf32>,
      %broadcast_in_dim3A_131 = arith.constant 0.000000e+00 : f32
      %broadcast_in_dim3A_132 = vector.broadcast %broadcast_in_dim3A_131 : f32 to vector<16xf32>
      %swap3A_133 = arith.index_cast %scan3A_89 : i32 to index
      %swap3A_134 = arith.constant 96 : index
      %swap3A_135 = tpu.vector_load %arg7[%swap3A_133, %swap3A_134] {strides = array<i32>} : memref<64x128xf32, #tpu.memory_space<vmem>>, vector<1x16xf32>,
      %swap3A_136 = vector.shape_cast %swap3A_135 : vector<1x16xf32> to vector<16xf32>
      %swap3A_137 = vector.shape_cast %broadcast_in_dim3A_132 : vector<16xf32> to vector<1x16xf32>
      tpu.vector_store %arg7[%swap3A_133, %swap3A_134], %swap3A_137 {strides = array<i32>} : memref<64x128xf32, #tpu.memory_space<vmem>>, vector<1x16xf32>,
      %broadcast_in_dim3A_138 = arith.constant 0.000000e+00 : f32
      %broadcast_in_dim3A_139 = vector.broadcast %broadcast_in_dim3A_138 : f32 to vector<16xf32>
      %swap3A_140 = arith.index_cast %scan3A_89 : i32 to index
      %swap3A_141 = arith.constant 112 : index
      %swap3A_142 = tpu.vector_load %arg7[%swap3A_140, %swap3A_141] {strides = array<i32>} : memref<64x128xf32, #tpu.memory_space<vmem>>, vector<1x16xf32>,
      %swap3A_143 = vector.shape_cast %swap3A_142 : vector<1x16xf32> to vector<16xf32>
      %swap3A_144 = vector.shape_cast %broadcast_in_dim3A_139 : vector<16xf32> to vector<1x16xf32>
      tpu.vector_store %arg7[%swap3A_140, %swap3A_141], %swap3A_144 {strides = array<i32>} : memref<64x128xf32, #tpu.memory_space<vmem>>, vector<1x16xf32>,
      %scan3A_145 = arith.constant 0 : i32
      scf.yield %scan3A_145 : i32
    }
    %scan3A_6 = arith.constant 64 : i32
    %mul3A_7 = arith.constant 640 : i32
    %mul3A_8 = arith.muli %arg1, %mul3A_7 : i32
    %add3A_9 = arith.constant 0 : i32
    %add3A_10 = arith.addi %mul3A_8, %add3A_9 : i32
    "tpu.region"() ({
      %run_scoped3A_89 = tpu.sem_alloc : memref<!tpu.dma_semaphore, #tpu.memory_space<semaphore_mem>>
      %dma_start3A = arith.constant 0 : i32
      %dma_start3A_90 = tpu.memref_slice %arg8[%add3A_10, %dma_start3A] : memref<10240x128xf32, #tpu.memory_space<vmem_shared>> -> memref<64x128xf32, #tpu.memory_space<vmem_shared>>
      %dma_start3A_91 = arith.constant 0 : i32
      %dma_start3A_92 = tpu.memref_slice %arg8[%add3A_10, %dma_start3A_91] : memref<10240x128xf32, #tpu.memory_space<vmem_shared>> -> memref<64x128xf32, #tpu.memory_space<vmem_shared>>
      tpu.enqueue_dma source(%arg7 : memref<64x128xf32, #tpu.memory_space<vmem>>) target(%dma_start3A_92 : memref<64x128xf32, #tpu.memory_space<vmem_shared>>) target_semaphore(%run_scoped3A_89 : memref<!tpu.dma_semaphore, #tpu.memory_space<semaphore_mem>>)
      %dma_wait3A = arith.constant 0 : i32
      %dma_wait3A_93 = tpu.memref_slice %arg8[%add3A_10, %dma_wait3A] : memref<10240x128xf32, #tpu.memory_space<vmem_shared>> -> memref<64x128xf32, #tpu.memory_space<vmem_shared>>
      %dma_wait3A_94 = arith.constant 0 : i32
      %dma_wait3A_95 = tpu.memref_slice %arg8[%add3A_10, %dma_wait3A_94] : memref<10240x128xf32, #tpu.memory_space<vmem_shared>> -> memref<64x128xf32, #tpu.memory_space<vmem_shared>>
      tpu.wait_dma2 semaphore(%run_scoped3A_89 : memref<!tpu.dma_semaphore, #tpu.memory_space<semaphore_mem>>) src(%arg7 : memref<64x128xf32, #tpu.memory_space<vmem>>) dst(%dma_wait3A_95 : memref<64x128xf32, #tpu.memory_space<vmem_shared>>)
      tpu.yield
    }) : () -> ()
    %mul3A_11 = arith.constant 640 : i32
    %mul3A_12 = arith.muli %arg1, %mul3A_11 : i32
    %add3A_13 = arith.constant 64 : i32
    %add3A_14 = arith.addi %mul3A_12, %add3A_13 : i32
    "tpu.region"() ({
      %run_scoped3A_89 = tpu.sem_alloc : memref<!tpu.dma_semaphore, #tpu.memory_space<semaphore_mem>>
      %dma_start3A = arith.constant 0 : i32
      %dma_start3A_90 = tpu.memref_slice %arg8[%add3A_14, %dma_start3A] : memref<10240x128xf32, #tpu.memory_space<vmem_shared>> -> memref<64x128xf32, #tpu.memory_space<vmem_shared>>
      %dma_start3A_91 = arith.constant 0 : i32
      %dma_start3A_92 = tpu.memref_slice %arg8[%add3A_14, %dma_start3A_91] : memref<10240x128xf32, #tpu.memory_space<vmem_shared>> -> memref<64x128xf32, #tpu.memory_space<vmem_shared>>
      tpu.enqueue_dma source(%arg7 : memref<64x128xf32, #tpu.memory_space<vmem>>) target(%dma_start3A_92 : memref<64x128xf32, #tpu.memory_space<vmem_shared>>) target_semaphore(%run_scoped3A_89 : memref<!tpu.dma_semaphore, #tpu.memory_space<semaphore_mem>>)
      %dma_wait3A = arith.constant 0 : i32
      %dma_wait3A_93 = tpu.memref_slice %arg8[%add3A_14, %dma_wait3A] : memref<10240x128xf32, #tpu.memory_space<vmem_shared>> -> memref<64x128xf32, #tpu.memory_space<vmem_shared>>
      %dma_wait3A_94 = arith.constant 0 : i32
      %dma_wait3A_95 = tpu.memref_slice %arg8[%add3A_14, %dma_wait3A_94] : memref<10240x128xf32, #tpu.memory_space<vmem_shared>> -> memref<64x128xf32, #tpu.memory_space<vmem_shared>>
      tpu.wait_dma2 semaphore(%run_scoped3A_89 : memref<!tpu.dma_semaphore, #tpu.memory_space<semaphore_mem>>) src(%arg7 : memref<64x128xf32, #tpu.memory_space<vmem>>) dst(%dma_wait3A_95 : memref<64x128xf32, #tpu.memory_space<vmem_shared>>)
      tpu.yield
    }) : () -> ()
    %mul3A_15 = arith.constant 640 : i32
    %mul3A_16 = arith.muli %arg1, %mul3A_15 : i32
    %add3A_17 = arith.constant 128 : i32
    %add3A_18 = arith.addi %mul3A_16, %add3A_17 : i32
    "tpu.region"() ({
      %run_scoped3A_89 = tpu.sem_alloc : memref<!tpu.dma_semaphore, #tpu.memory_space<semaphore_mem>>
      %dma_start3A = arith.constant 0 : i32
      %dma_start3A_90 = tpu.memref_slice %arg8[%add3A_18, %dma_start3A] : memref<10240x128xf32, #tpu.memory_space<vmem_shared>> -> memref<64x128xf32, #tpu.memory_space<vmem_shared>>
      %dma_start3A_91 = arith.constant 0 : i32
      %dma_start3A_92 = tpu.memref_slice %arg8[%add3A_18, %dma_start3A_91] : memref<10240x128xf32, #tpu.memory_space<vmem_shared>> -> memref<64x128xf32, #tpu.memory_space<vmem_shared>>
      tpu.enqueue_dma source(%arg7 : memref<64x128xf32, #tpu.memory_space<vmem>>) target(%dma_start3A_92 : memref<64x128xf32, #tpu.memory_space<vmem_shared>>) target_semaphore(%run_scoped3A_89 : memref<!tpu.dma_semaphore, #tpu.memory_space<semaphore_mem>>)
      %dma_wait3A = arith.constant 0 : i32
      %dma_wait3A_93 = tpu.memref_slice %arg8[%add3A_18, %dma_wait3A] : memref<10240x128xf32, #tpu.memory_space<vmem_shared>> -> memref<64x128xf32, #tpu.memory_space<vmem_shared>>
      %dma_wait3A_94 = arith.constant 0 : i32
      %dma_wait3A_95 = tpu.memref_slice %arg8[%add3A_18, %dma_wait3A_94] : memref<10240x128xf32, #tpu.memory_space<vmem_shared>> -> memref<64x128xf32, #tpu.memory_space<vmem_shared>>
      tpu.wait_dma2 semaphore(%run_scoped3A_89 : memref<!tpu.dma_semaphore, #tpu.memory_space<semaphore_mem>>) src(%arg7 : memref<64x128xf32, #tpu.memory_space<vmem>>) dst(%dma_wait3A_95 : memref<64x128xf32, #tpu.memory_space<vmem_shared>>)
      tpu.yield
    }) : () -> ()
    %mul3A_19 = arith.constant 640 : i32
    %mul3A_20 = arith.muli %arg1, %mul3A_19 : i32
    %add3A_21 = arith.constant 192 : i32
    %add3A_22 = arith.addi %mul3A_20, %add3A_21 : i32
    "tpu.region"() ({
      %run_scoped3A_89 = tpu.sem_alloc : memref<!tpu.dma_semaphore, #tpu.memory_space<semaphore_mem>>
      %dma_start3A = arith.constant 0 : i32
      %dma_start3A_90 = tpu.memref_slice %arg8[%add3A_22, %dma_start3A] : memref<10240x128xf32, #tpu.memory_space<vmem_shared>> -> memref<64x128xf32, #tpu.memory_space<vmem_shared>>
      %dma_start3A_91 = arith.constant 0 : i32
      %dma_start3A_92 = tpu.memref_slice %arg8[%add3A_22, %dma_start3A_91] : memref<10240x128xf32, #tpu.memory_space<vmem_shared>> -> memref<64x128xf32, #tpu.memory_space<vmem_shared>>
      tpu.enqueue_dma source(%arg7 : memref<64x128xf32, #tpu.memory_space<vmem>>) target(%dma_start3A_92 : memref<64x128xf32, #tpu.memory_space<vmem_shared>>) target_semaphore(%run_scoped3A_89 : memref<!tpu.dma_semaphore, #tpu.memory_space<semaphore_mem>>)
      %dma_wait3A = arith.constant 0 : i32
      %dma_wait3A_93 = tpu.memref_slice %arg8[%add3A_22, %dma_wait3A] : memref<10240x128xf32, #tpu.memory_space<vmem_shared>> -> memref<64x128xf32, #tpu.memory_space<vmem_shared>>
      %dma_wait3A_94 = arith.constant 0 : i32
      %dma_wait3A_95 = tpu.memref_slice %arg8[%add3A_22, %dma_wait3A_94] : memref<10240x128xf32, #tpu.memory_space<vmem_shared>> -> memref<64x128xf32, #tpu.memory_space<vmem_shared>>
      tpu.wait_dma2 semaphore(%run_scoped3A_89 : memref<!tpu.dma_semaphore, #tpu.memory_space<semaphore_mem>>) src(%arg7 : memref<64x128xf32, #tpu.memory_space<vmem>>) dst(%dma_wait3A_95 : memref<64x128xf32, #tpu.memory_space<vmem_shared>>)
      tpu.yield
    }) : () -> ()
    %mul3A_23 = arith.constant 640 : i32
    %mul3A_24 = arith.muli %arg1, %mul3A_23 : i32
    %add3A_25 = arith.constant 256 : i32
    %add3A_26 = arith.addi %mul3A_24, %add3A_25 : i32
    "tpu.region"() ({
      %run_scoped3A_89 = tpu.sem_alloc : memref<!tpu.dma_semaphore, #tpu.memory_space<semaphore_mem>>
      %dma_start3A = arith.constant 0 : i32
      %dma_start3A_90 = tpu.memref_slice %arg8[%add3A_26, %dma_start3A] : memref<10240x128xf32, #tpu.memory_space<vmem_shared>> -> memref<64x128xf32, #tpu.memory_space<vmem_shared>>
      %dma_start3A_91 = arith.constant 0 : i32
      %dma_start3A_92 = tpu.memref_slice %arg8[%add3A_26, %dma_start3A_91] : memref<10240x128xf32, #tpu.memory_space<vmem_shared>> -> memref<64x128xf32, #tpu.memory_space<vmem_shared>>
      tpu.enqueue_dma source(%arg7 : memref<64x128xf32, #tpu.memory_space<vmem>>) target(%dma_start3A_92 : memref<64x128xf32, #tpu.memory_space<vmem_shared>>) target_semaphore(%run_scoped3A_89 : memref<!tpu.dma_semaphore, #tpu.memory_space<semaphore_mem>>)
      %dma_wait3A = arith.constant 0 : i32
      %dma_wait3A_93 = tpu.memref_slice %arg8[%add3A_26, %dma_wait3A] : memref<10240x128xf32, #tpu.memory_space<vmem_shared>> -> memref<64x128xf32, #tpu.memory_space<vmem_shared>>
      %dma_wait3A_94 = arith.constant 0 : i32
      %dma_wait3A_95 = tpu.memref_slice %arg8[%add3A_26, %dma_wait3A_94] : memref<10240x128xf32, #tpu.memory_space<vmem_shared>> -> memref<64x128xf32, #tpu.memory_space<vmem_shared>>
      tpu.wait_dma2 semaphore(%run_scoped3A_89 : memref<!tpu.dma_semaphore, #tpu.memory_space<semaphore_mem>>) src(%arg7 : memref<64x128xf32, #tpu.memory_space<vmem>>) dst(%dma_wait3A_95 : memref<64x128xf32, #tpu.memory_space<vmem_shared>>)
      tpu.yield
    }) : () -> ()
    %mul3A_27 = arith.constant 640 : i32
    %mul3A_28 = arith.muli %arg1, %mul3A_27 : i32
    %add3A_29 = arith.constant 320 : i32
    %add3A_30 = arith.addi %mul3A_28, %add3A_29 : i32
    "tpu.region"() ({
      %run_scoped3A_89 = tpu.sem_alloc : memref<!tpu.dma_semaphore, #tpu.memory_space<semaphore_mem>>
      %dma_start3A = arith.constant 0 : i32
      %dma_start3A_90 = tpu.memref_slice %arg8[%add3A_30, %dma_start3A] : memref<10240x128xf32, #tpu.memory_space<vmem_shared>> -> memref<64x128xf32, #tpu.memory_space<vmem_shared>>
      %dma_start3A_91 = arith.constant 0 : i32
      %dma_start3A_92 = tpu.memref_slice %arg8[%add3A_30, %dma_start3A_91] : memref<10240x128xf32, #tpu.memory_space<vmem_shared>> -> memref<64x128xf32, #tpu.memory_space<vmem_shared>>
      tpu.enqueue_dma source(%arg7 : memref<64x128xf32, #tpu.memory_space<vmem>>) target(%dma_start3A_92 : memref<64x128xf32, #tpu.memory_space<vmem_shared>>) target_semaphore(%run_scoped3A_89 : memref<!tpu.dma_semaphore, #tpu.memory_space<semaphore_mem>>)
      %dma_wait3A = arith.constant 0 : i32
      %dma_wait3A_93 = tpu.memref_slice %arg8[%add3A_30, %dma_wait3A] : memref<10240x128xf32, #tpu.memory_space<vmem_shared>> -> memref<64x128xf32, #tpu.memory_space<vmem_shared>>
      %dma_wait3A_94 = arith.constant 0 : i32
      %dma_wait3A_95 = tpu.memref_slice %arg8[%add3A_30, %dma_wait3A_94] : memref<10240x128xf32, #tpu.memory_space<vmem_shared>> -> memref<64x128xf32, #tpu.memory_space<vmem_shared>>
      tpu.wait_dma2 semaphore(%run_scoped3A_89 : memref<!tpu.dma_semaphore, #tpu.memory_space<semaphore_mem>>) src(%arg7 : memref<64x128xf32, #tpu.memory_space<vmem>>) dst(%dma_wait3A_95 : memref<64x128xf32, #tpu.memory_space<vmem_shared>>)
      tpu.yield
    }) : () -> ()
    %mul3A_31 = arith.constant 640 : i32
    %mul3A_32 = arith.muli %arg1, %mul3A_31 : i32
    %add3A_33 = arith.constant 384 : i32
    %add3A_34 = arith.addi %mul3A_32, %add3A_33 : i32
    "tpu.region"() ({
      %run_scoped3A_89 = tpu.sem_alloc : memref<!tpu.dma_semaphore, #tpu.memory_space<semaphore_mem>>
      %dma_start3A = arith.constant 0 : i32
      %dma_start3A_90 = tpu.memref_slice %arg8[%add3A_34, %dma_start3A] : memref<10240x128xf32, #tpu.memory_space<vmem_shared>> -> memref<64x128xf32, #tpu.memory_space<vmem_shared>>
      %dma_start3A_91 = arith.constant 0 : i32
      %dma_start3A_92 = tpu.memref_slice %arg8[%add3A_34, %dma_start3A_91] : memref<10240x128xf32, #tpu.memory_space<vmem_shared>> -> memref<64x128xf32, #tpu.memory_space<vmem_shared>>
      tpu.enqueue_dma source(%arg7 : memref<64x128xf32, #tpu.memory_space<vmem>>) target(%dma_start3A_92 : memref<64x128xf32, #tpu.memory_space<vmem_shared>>) target_semaphore(%run_scoped3A_89 : memref<!tpu.dma_semaphore, #tpu.memory_space<semaphore_mem>>)
      %dma_wait3A = arith.constant 0 : i32
      %dma_wait3A_93 = tpu.memref_slice %arg8[%add3A_34, %dma_wait3A] : memref<10240x128xf32, #tpu.memory_space<vmem_shared>> -> memref<64x128xf32, #tpu.memory_space<vmem_shared>>
      %dma_wait3A_94 = arith.constant 0 : i32
      %dma_wait3A_95 = tpu.memref_slice %arg8[%add3A_34, %dma_wait3A_94] : memref<10240x128xf32, #tpu.memory_space<vmem_shared>> -> memref<64x128xf32, #tpu.memory_space<vmem_shared>>
      tpu.wait_dma2 semaphore(%run_scoped3A_89 : memref<!tpu.dma_semaphore, #tpu.memory_space<semaphore_mem>>) src(%arg7 : memref<64x128xf32, #tpu.memory_space<vmem>>) dst(%dma_wait3A_95 : memref<64x128xf32, #tpu.memory_space<vmem_shared>>)
      tpu.yield
    }) : () -> ()
    %mul3A_35 = arith.constant 640 : i32
    %mul3A_36 = arith.muli %arg1, %mul3A_35 : i32
    %add3A_37 = arith.constant 448 : i32
    %add3A_38 = arith.addi %mul3A_36, %add3A_37 : i32
    "tpu.region"() ({
      %run_scoped3A_89 = tpu.sem_alloc : memref<!tpu.dma_semaphore, #tpu.memory_space<semaphore_mem>>
      %dma_start3A = arith.constant 0 : i32
      %dma_start3A_90 = tpu.memref_slice %arg8[%add3A_38, %dma_start3A] : memref<10240x128xf32, #tpu.memory_space<vmem_shared>> -> memref<64x128xf32, #tpu.memory_space<vmem_shared>>
      %dma_start3A_91 = arith.constant 0 : i32
      %dma_start3A_92 = tpu.memref_slice %arg8[%add3A_38, %dma_start3A_91] : memref<10240x128xf32, #tpu.memory_space<vmem_shared>> -> memref<64x128xf32, #tpu.memory_space<vmem_shared>>
      tpu.enqueue_dma source(%arg7 : memref<64x128xf32, #tpu.memory_space<vmem>>) target(%dma_start3A_92 : memref<64x128xf32, #tpu.memory_space<vmem_shared>>) target_semaphore(%run_scoped3A_89 : memref<!tpu.dma_semaphore, #tpu.memory_space<semaphore_mem>>)
      %dma_wait3A = arith.constant 0 : i32
      %dma_wait3A_93 = tpu.memref_slice %arg8[%add3A_38, %dma_wait3A] : memref<10240x128xf32, #tpu.memory_space<vmem_shared>> -> memref<64x128xf32, #tpu.memory_space<vmem_shared>>
      %dma_wait3A_94 = arith.constant 0 : i32
      %dma_wait3A_95 = tpu.memref_slice %arg8[%add3A_38, %dma_wait3A_94] : memref<10240x128xf32, #tpu.memory_space<vmem_shared>> -> memref<64x128xf32, #tpu.memory_space<vmem_shared>>
      tpu.wait_dma2 semaphore(%run_scoped3A_89 : memref<!tpu.dma_semaphore, #tpu.memory_space<semaphore_mem>>) src(%arg7 : memref<64x128xf32, #tpu.memory_space<vmem>>) dst(%dma_wait3A_95 : memref<64x128xf32, #tpu.memory_space<vmem_shared>>)
      tpu.yield
    }) : () -> ()
    %mul3A_39 = arith.constant 640 : i32
    %mul3A_40 = arith.muli %arg1, %mul3A_39 : i32
    %add3A_41 = arith.constant 512 : i32
    %add3A_42 = arith.addi %mul3A_40, %add3A_41 : i32
    "tpu.region"() ({
      %run_scoped3A_89 = tpu.sem_alloc : memref<!tpu.dma_semaphore, #tpu.memory_space<semaphore_mem>>
      %dma_start3A = arith.constant 0 : i32
      %dma_start3A_90 = tpu.memref_slice %arg8[%add3A_42, %dma_start3A] : memref<10240x128xf32, #tpu.memory_space<vmem_shared>> -> memref<64x128xf32, #tpu.memory_space<vmem_shared>>
      %dma_start3A_91 = arith.constant 0 : i32
      %dma_start3A_92 = tpu.memref_slice %arg8[%add3A_42, %dma_start3A_91] : memref<10240x128xf32, #tpu.memory_space<vmem_shared>> -> memref<64x128xf32, #tpu.memory_space<vmem_shared>>
      tpu.enqueue_dma source(%arg7 : memref<64x128xf32, #tpu.memory_space<vmem>>) target(%dma_start3A_92 : memref<64x128xf32, #tpu.memory_space<vmem_shared>>) target_semaphore(%run_scoped3A_89 : memref<!tpu.dma_semaphore, #tpu.memory_space<semaphore_mem>>)
      %dma_wait3A = arith.constant 0 : i32
      %dma_wait3A_93 = tpu.memref_slice %arg8[%add3A_42, %dma_wait3A] : memref<10240x128xf32, #tpu.memory_space<vmem_shared>> -> memref<64x128xf32, #tpu.memory_space<vmem_shared>>
      %dma_wait3A_94 = arith.constant 0 : i32
      %dma_wait3A_95 = tpu.memref_slice %arg8[%add3A_42, %dma_wait3A_94] : memref<10240x128xf32, #tpu.memory_space<vmem_shared>> -> memref<64x128xf32, #tpu.memory_space<vmem_shared>>
      tpu.wait_dma2 semaphore(%run_scoped3A_89 : memref<!tpu.dma_semaphore, #tpu.memory_space<semaphore_mem>>) src(%arg7 : memref<64x128xf32, #tpu.memory_space<vmem>>) dst(%dma_wait3A_95 : memref<64x128xf32, #tpu.memory_space<vmem_shared>>)
      tpu.yield
    }) : () -> ()
    %mul3A_43 = arith.constant 640 : i32
    %mul3A_44 = arith.muli %arg1, %mul3A_43 : i32
    %add3A_45 = arith.constant 576 : i32
    %add3A_46 = arith.addi %mul3A_44, %add3A_45 : i32
    "tpu.region"() ({
      %run_scoped3A_89 = tpu.sem_alloc : memref<!tpu.dma_semaphore, #tpu.memory_space<semaphore_mem>>
      %dma_start3A = arith.constant 0 : i32
      %dma_start3A_90 = tpu.memref_slice %arg8[%add3A_46, %dma_start3A] : memref<10240x128xf32, #tpu.memory_space<vmem_shared>> -> memref<64x128xf32, #tpu.memory_space<vmem_shared>>
      %dma_start3A_91 = arith.constant 0 : i32
      %dma_start3A_92 = tpu.memref_slice %arg8[%add3A_46, %dma_start3A_91] : memref<10240x128xf32, #tpu.memory_space<vmem_shared>> -> memref<64x128xf32, #tpu.memory_space<vmem_shared>>
      tpu.enqueue_dma source(%arg7 : memref<64x128xf32, #tpu.memory_space<vmem>>) target(%dma_start3A_92 : memref<64x128xf32, #tpu.memory_space<vmem_shared>>) target_semaphore(%run_scoped3A_89 : memref<!tpu.dma_semaphore, #tpu.memory_space<semaphore_mem>>)
      %dma_wait3A = arith.constant 0 : i32
      %dma_wait3A_93 = tpu.memref_slice %arg8[%add3A_46, %dma_wait3A] : memref<10240x128xf32, #tpu.memory_space<vmem_shared>> -> memref<64x128xf32, #tpu.memory_space<vmem_shared>>
      %dma_wait3A_94 = arith.constant 0 : i32
      %dma_wait3A_95 = tpu.memref_slice %arg8[%add3A_46, %dma_wait3A_94] : memref<10240x128xf32, #tpu.memory_space<vmem_shared>> -> memref<64x128xf32, #tpu.memory_space<vmem_shared>>
      tpu.wait_dma2 semaphore(%run_scoped3A_89 : memref<!tpu.dma_semaphore, #tpu.memory_space<semaphore_mem>>) src(%arg7 : memref<64x128xf32, #tpu.memory_space<vmem>>) dst(%dma_wait3A_95 : memref<64x128xf32, #tpu.memory_space<vmem_shared>>)
      tpu.yield
    }) : () -> ()
    %barrier3A = arith.constant 0 : index
    tpu.barrier barrier_id(%barrier3A)
    %mul3A_47 = arith.constant -34 : i32
    %mul3A_48 = arith.muli %arg0, %mul3A_47 : i32
    %add3A_49 = arith.constant 96 : i32
    %add3A_50 = arith.addi %add3A_49, %mul3A_48 : i32
    %mul3A_51 = arith.constant 16 : i32
    %mul3A_52 = arith.muli %arg0, %mul3A_51 : i32
    %mul3A_53 = arith.constant 96 : i32
    %mul3A_54 = arith.muli %mul3A_52, %mul3A_53 : i32
    %mul3A_55 = arith.muli %arg1, %add3A_50 : i32
    %add3A_56 = arith.addi %mul3A_54, %mul3A_55 : i32
    %run_scoped3A = arith.constant 0 : i32
    "tpu.region"() ({
      %run_scoped3A_89 = tpu.sem_alloc : memref<!tpu.dma_semaphore, #tpu.memory_space<semaphore_mem>>
      %dma_start3A = arith.constant 0 : i32
      %dma_start3A_90 = arith.constant 0 : i32
      %dma_start3A_91 = tpu.memref_slice %arg5[%run_scoped3A, %dma_start3A, %dma_start3A_90] : memref<2x2x128xi32, #tpu.memory_space<vmem>> -> memref<1x2x128xi32, #tpu.memory_space<vmem>>
      %dma_start3A_92 = tpu.memref_squeeze %dma_start3A_91 : memref<1x2x128xi32, #tpu.memory_space<vmem>> -> memref<2x128xi32, #tpu.memory_space<vmem>>
      %dma_start3A_93 = arith.constant 0 : i32
      %dma_start3A_94 = arith.constant 0 : i32
      %dma_start3A_95 = tpu.memref_slice %arg3[%add3A_56, %dma_start3A_93, %dma_start3A_94] : memref<2529x2x128xi32, #tpu.memory_space<hbm>> -> memref<1x2x128xi32, #tpu.memory_space<hbm>>
      %dma_start3A_96 = tpu.memref_squeeze %dma_start3A_95 : memref<1x2x128xi32, #tpu.memory_space<hbm>> -> memref<2x128xi32, #tpu.memory_space<hbm>>
      %dma_start3A_97 = arith.constant 0 : i32
      %dma_start3A_98 = arith.constant 0 : i32
      %dma_start3A_99 = tpu.memref_slice %arg5[%run_scoped3A, %dma_start3A_97, %dma_start3A_98] : memref<2x2x128xi32, #tpu.memory_space<vmem>> -> memref<1x2x128xi32, #tpu.memory_space<vmem>>
      %dma_start3A_100 = tpu.memref_squeeze %dma_start3A_99 : memref<1x2x128xi32, #tpu.memory_space<vmem>> -> memref<2x128xi32, #tpu.memory_space<vmem>>
      %dma_start3A_101 = arith.constant 0 : i32
      %dma_start3A_102 = arith.constant 0 : i32
      %dma_start3A_103 = tpu.memref_slice %arg3[%add3A_56, %dma_start3A_101, %dma_start3A_102] : memref<2529x2x128xi32, #tpu.memory_space<hbm>> -> memref<1x2x128xi32, #tpu.memory_space<hbm>>
      %dma_start3A_104 = tpu.memref_squeeze %dma_start3A_103 : memref<1x2x128xi32, #tpu.memory_space<hbm>> -> memref<2x128xi32, #tpu.memory_space<hbm>>
      tpu.enqueue_dma source(%dma_start3A_104 : memref<2x128xi32, #tpu.memory_space<hbm>>) target(%dma_start3A_100 : memref<2x128xi32, #tpu.memory_space<vmem>>) target_semaphore(%run_scoped3A_89 : memref<!tpu.dma_semaphore, #tpu.memory_space<semaphore_mem>>)
      %dma_wait3A = arith.constant 0 : i32
      %dma_wait3A_105 = arith.constant 0 : i32
      %dma_wait3A_106 = tpu.memref_slice %arg5[%run_scoped3A, %dma_wait3A, %dma_wait3A_105] : memref<2x2x128xi32, #tpu.memory_space<vmem>> -> memref<1x2x128xi32, #tpu.memory_space<vmem>>
      %dma_wait3A_107 = tpu.memref_squeeze %dma_wait3A_106 : memref<1x2x128xi32, #tpu.memory_space<vmem>> -> memref<2x128xi32, #tpu.memory_space<vmem>>
      %dma_wait3A_108 = arith.constant 0 : i32
      %dma_wait3A_109 = arith.constant 0 : i32
      %dma_wait3A_110 = tpu.memref_slice %arg3[%add3A_56, %dma_wait3A_108, %dma_wait3A_109] : memref<2529x2x128xi32, #tpu.memory_space<hbm>> -> memref<1x2x128xi32, #tpu.memory_space<hbm>>
      %dma_wait3A_111 = tpu.memref_squeeze %dma_wait3A_110 : memref<1x2x128xi32, #tpu.memory_space<hbm>> -> memref<2x128xi32, #tpu.memory_space<hbm>>
      %dma_wait3A_112 = arith.constant 0 : i32
      %dma_wait3A_113 = arith.constant 0 : i32
      %dma_wait3A_114 = tpu.memref_slice %arg5[%run_scoped3A, %dma_wait3A_112, %dma_wait3A_113] : memref<2x2x128xi32, #tpu.memory_space<vmem>> -> memref<1x2x128xi32, #tpu.memory_space<vmem>>
      %dma_wait3A_115 = tpu.memref_squeeze %dma_wait3A_114 : memref<1x2x128xi32, #tpu.memory_space<vmem>> -> memref<2x128xi32, #tpu.memory_space<vmem>>
      %dma_wait3A_116 = arith.constant 0 : i32
      %dma_wait3A_117 = arith.constant 0 : i32
      %dma_wait3A_118 = tpu.memref_slice %arg3[%add3A_56, %dma_wait3A_116, %dma_wait3A_117] : memref<2529x2x128xi32, #tpu.memory_space<hbm>> -> memref<1x2x128xi32, #tpu.memory_space<hbm>>
      %dma_wait3A_119 = tpu.memref_squeeze %dma_wait3A_118 : memref<1x2x128xi32, #tpu.memory_space<hbm>> -> memref<2x128xi32, #tpu.memory_space<hbm>>
      tpu.wait_dma2 semaphore(%run_scoped3A_89 : memref<!tpu.dma_semaphore, #tpu.memory_space<semaphore_mem>>) src(%dma_wait3A_119 : memref<2x128xi32, #tpu.memory_space<hbm>>) dst(%dma_wait3A_115 : memref<2x128xi32, #tpu.memory_space<vmem>>)
      tpu.yield
    }) : () -> ()
    %jit3A = arith.constant 2 : i32
    %div3A = arith.divsi %add3A_50, %jit3A : i32
    %sign3A = arith.constant 0 : i32
    %sign3A_57 = arith.cmpi sgt, %add3A_50, %sign3A : i32
    %sign3A_58 = arith.extui %sign3A_57 : i1 to i32
    %sign3A_59 = arith.constant 0 : i32
    %sign3A_60 = arith.cmpi slt, %add3A_50, %sign3A_59 : i32
    %sign3A_61 = arith.extui %sign3A_60 : i1 to i32
    %sign3A_62 = arith.subi %sign3A_58, %sign3A_61 : i32
    %sign3A_63 = arith.constant 0 : i32
    %sign3A_64 = arith.cmpi sgt, %jit3A, %sign3A_63 : i32
    %sign3A_65 = arith.extui %sign3A_64 : i1 to i32
    %sign3A_66 = arith.constant 0 : i32
    %sign3A_67 = arith.cmpi slt, %jit3A, %sign3A_66 : i32
    %sign3A_68 = arith.extui %sign3A_67 : i1 to i32
    %sign3A_69 = arith.subi %sign3A_65, %sign3A_68 : i32
    %ne3A = arith.cmpi ne, %sign3A_62, %sign3A_69 : i32
    %rem3A = arith.remsi %add3A_50, %jit3A : i32
    %ne3A_70 = arith.constant 0 : i32
    %ne3A_71 = arith.cmpi ne, %rem3A, %ne3A_70 : i32
    %and3A = arith.andi %ne3A, %ne3A_71 : i1
    %sub3A = arith.constant 1 : i32
    %sub3A_72 = arith.subi %div3A, %sub3A : i32
    %select_n3A = arith.select %and3A, %sub3A_72, %div3A : i32
    %while3A = arith.constant 0 : i32
    %while3A_73 = arith.constant 0 : i32
    %while3A_74 = arith.subi %select_n3A, %while3A : i32
    %while3A_75 = arith.addi %while3A, %while3A_74 : i32
    %while3A_76 = arith.constant 1 : i32
    %while3A_77 = arith.divsi %while3A_74, %while3A_76 : i32
    %while3A_78 = arith.muli %while3A_77, %while3A_76 : i32
    %while3A_79 = arith.addi %while3A, %while3A_78 : i32
    %while3A_80 = arith.constant 1 : i32
    %while3A_81 = scf.for %while3A_89 = %while3A to %while3A_79 step %while3A_80 iter_args(%while3A_90 = %while3A_73) -> (i32)  : i32 {
      %mul3A_91 = arith.constant 2 : i32
      %mul3A_92 = arith.muli %mul3A_91, %while3A_89 : i32
      %add3A_93 = arith.addi %add3A_56, %mul3A_92 : i32
      %add3A_94 = arith.constant 0 : i32
      %add3A_95 = arith.addi %add3A_93, %add3A_94 : i32
      %add3A_96 = arith.constant 1 : i32
      %add3A_97 = arith.addi %add3A_95, %add3A_96 : i32
      %dma_start3A = arith.constant 1 : i32
      %dma_start3A_98 = arith.constant 0 : i32
      %dma_start3A_99 = arith.constant 0 : i32
      %dma_start3A_100 = tpu.memref_slice %arg5[%dma_start3A, %dma_start3A_98, %dma_start3A_99] : memref<2x2x128xi32, #tpu.memory_space<vmem>> -> memref<1x2x128xi32, #tpu.memory_space<vmem>>
      %dma_start3A_101 = tpu.memref_squeeze %dma_start3A_100 : memref<1x2x128xi32, #tpu.memory_space<vmem>> -> memref<2x128xi32, #tpu.memory_space<vmem>>
      %dma_start3A_102 = arith.constant 0 : i32
      %dma_start3A_103 = arith.constant 0 : i32
      %dma_start3A_104 = tpu.memref_slice %arg3[%add3A_97, %dma_start3A_102, %dma_start3A_103] : memref<2529x2x128xi32, #tpu.memory_space<hbm>> -> memref<1x2x128xi32, #tpu.memory_space<hbm>>
      %dma_start3A_105 = tpu.memref_squeeze %dma_start3A_104 : memref<1x2x128xi32, #tpu.memory_space<hbm>> -> memref<2x128xi32, #tpu.memory_space<hbm>>
      %dma_start3A_106 = arith.constant 0 : i32
      %dma_start3A_107 = arith.constant 0 : i32
      %dma_start3A_108 = tpu.memref_slice %arg5[%dma_start3A, %dma_start3A_106, %dma_start3A_107] : memref<2x2x128xi32, #tpu.memory_space<vmem>> -> memref<1x2x128xi32, #tpu.memory_space<vmem>>
      %dma_start3A_109 = tpu.memref_squeeze %dma_start3A_108 : memref<1x2x128xi32, #tpu.memory_space<vmem>> -> memref<2x128xi32, #tpu.memory_space<vmem>>
      %dma_start3A_110 = arith.constant 0 : i32
      %dma_start3A_111 = arith.constant 0 : i32
      %dma_start3A_112 = tpu.memref_slice %arg3[%add3A_97, %dma_start3A_110, %dma_start3A_111] : memref<2529x2x128xi32, #tpu.memory_space<hbm>> -> memref<1x2x128xi32, #tpu.memory_space<hbm>>
      %dma_start3A_113 = tpu.memref_squeeze %dma_start3A_112 : memref<1x2x128xi32, #tpu.memory_space<hbm>> -> memref<2x128xi32, #tpu.memory_space<hbm>>
      tpu.enqueue_dma source(%dma_start3A_113 : memref<2x128xi32, #tpu.memory_space<hbm>>) target(%dma_start3A_109 : memref<2x128xi32, #tpu.memory_space<vmem>>) target_semaphore(%arg10 : memref<!tpu.dma_semaphore, #tpu.memory_space<semaphore_mem>>)
      %dma_start3A_114 = arith.constant 0 : i32
      %dma_start3A_115 = arith.constant 0 : i32
      %dma_start3A_116 = arith.constant 0 : i32
      %dma_start3A_117 = arith.constant 0 : i32
      %dma_start3A_118 = tpu.memref_slice %arg5[%dma_start3A_114, %dma_start3A_116, %dma_start3A_117] : memref<2x2x128xi32, #tpu.memory_space<vmem>> -> memref<1x2x128xi32, #tpu.memory_space<vmem>>
      %dma_start3A_119 = tpu.memref_squeeze %dma_start3A_118 : memref<1x2x128xi32, #tpu.memory_space<vmem>> -> memref<2x128xi32, #tpu.memory_space<vmem>>
      %dma_start3A_120 = arith.constant 0 : i32
      %dma_start3A_121 = tpu.memref_slice %dma_start3A_119[%dma_start3A_115, %dma_start3A_120] : memref<2x128xi32, #tpu.memory_space<vmem>> -> memref<1x128xi32, #tpu.memory_space<vmem>>
      %dma_start3A_122 = tpu.memref_squeeze %dma_start3A_121 : memref<1x128xi32, #tpu.memory_space<vmem>> -> memref<128xi32, #tpu.memory_space<vmem>>
      %dma_start3A_123 = arith.constant 0 : i32
      %dma_start3A_124 = arith.constant 0 : i32
      %dma_start3A_125 = tpu.memref_slice %arg2[%dma_start3A_123, %dma_start3A_124] : memref<10000x128xf32, #tpu.memory_space<hbm>> -> memref<10000x128xf32, #tpu.memory_space<hbm>>
      tpu.enqueue_indirect_dma source(%dma_start3A_125 : memref<10000x128xf32, #tpu.memory_space<hbm>>) target(%arg6 : memref<128x128xf32, #tpu.memory_space<vmem>>) offsets(%dma_start3A_122 : memref<128xi32, #tpu.memory_space<vmem>>) semaphore(%arg9 : memref<!tpu.dma_semaphore, #tpu.memory_space<semaphore_mem>>)
      %dma_wait3A = arith.constant 0 : i32
      %dma_wait3A_126 = arith.constant 0 : i32
      %dma_wait3A_127 = arith.constant 0 : i32
      %dma_wait3A_128 = arith.constant 0 : i32
      %dma_wait3A_129 = tpu.memref_slice %arg5[%dma_wait3A, %dma_wait3A_127, %dma_wait3A_128] : memref<2x2x128xi32, #tpu.memory_space<vmem>> -> memref<1x2x128xi32, #tpu.memory_space<vmem>>
      %dma_wait3A_130 = tpu.memref_squeeze %dma_wait3A_129 : memref<1x2x128xi32, #tpu.memory_space<vmem>> -> memref<2x128xi32, #tpu.memory_space<vmem>>
      %dma_wait3A_131 = arith.constant 0 : i32
      %dma_wait3A_132 = tpu.memref_slice %dma_wait3A_130[%dma_wait3A_126, %dma_wait3A_131] : memref<2x128xi32, #tpu.memory_space<vmem>> -> memref<1x128xi32, #tpu.memory_space<vmem>>
      %dma_wait3A_133 = tpu.memref_squeeze %dma_wait3A_132 : memref<1x128xi32, #tpu.memory_space<vmem>> -> memref<128xi32, #tpu.memory_space<vmem>>
      %dma_wait3A_134 = arith.constant 0 : i32
      %dma_wait3A_135 = arith.constant 0 : i32
      %dma_wait3A_136 = tpu.memref_slice %arg2[%dma_wait3A_134, %dma_wait3A_135] : memref<10000x128xf32, #tpu.memory_space<hbm>> -> memref<10000x128xf32, #tpu.memory_space<hbm>>
      tpu.wait_indirect_dma semaphore(%arg9 : memref<!tpu.dma_semaphore, #tpu.memory_space<semaphore_mem>>) src(%dma_wait3A_136 : memref<10000x128xf32, #tpu.memory_space<hbm>>) dst(%arg6 : memref<128x128xf32, #tpu.memory_space<vmem>>)
      %run_scoped3A_137 = arith.constant 0 : i32
      %run_scoped3A_138 = arith.constant 1 : i32
      "tpu.region"() ({
        %run_scoped3A_222 = tpu.sem_alloc : memref<!tpu.dma_semaphore, #tpu.memory_space<semaphore_mem>>
        %dma_start3A_223 = arith.constant 0 : i32
        %dma_start3A_224 = arith.constant 0 : i32
        %dma_start3A_225 = tpu.memref_slice %arg5[%run_scoped3A_137, %dma_start3A_223, %dma_start3A_224] : memref<2x2x128xi32, #tpu.memory_space<vmem>> -> memref<1x2x128xi32, #tpu.memory_space<vmem>>
        %dma_start3A_226 = tpu.memref_squeeze %dma_start3A_225 : memref<1x2x128xi32, #tpu.memory_space<vmem>> -> memref<2x128xi32, #tpu.memory_space<vmem>>
        %dma_start3A_227 = arith.constant 0 : i32
        %dma_start3A_228 = tpu.memref_slice %dma_start3A_226[%run_scoped3A_138, %dma_start3A_227] : memref<2x128xi32, #tpu.memory_space<vmem>> -> memref<1x128xi32, #tpu.memory_space<vmem>>
        %dma_start3A_229 = tpu.memref_squeeze %dma_start3A_228 : memref<1x128xi32, #tpu.memory_space<vmem>> -> memref<128xi32, #tpu.memory_space<vmem>>
        %dma_start3A_230 = arith.constant 0 : i32
        %dma_start3A_231 = arith.constant 0 : i32
        %dma_start3A_232 = tpu.memref_slice %arg8[%dma_start3A_230, %dma_start3A_231] : memref<10240x128xf32, #tpu.memory_space<vmem_shared>> -> memref<10240x128xf32, #tpu.memory_space<vmem_shared>>
        tpu.enqueue_indirect_dma source(%arg6 : memref<128x128xf32, #tpu.memory_space<vmem>>) target(%dma_start3A_232 : memref<10240x128xf32, #tpu.memory_space<vmem_shared>>) offsets(%dma_start3A_229 : memref<128xi32, #tpu.memory_space<vmem>>) semaphore(%run_scoped3A_222 : memref<!tpu.dma_semaphore, #tpu.memory_space<semaphore_mem>>) {add = true}
        %dma_wait3A_233 = arith.constant 0 : i32
        %dma_wait3A_234 = arith.constant 0 : i32
        %dma_wait3A_235 = tpu.memref_slice %arg5[%run_scoped3A_137, %dma_wait3A_233, %dma_wait3A_234] : memref<2x2x128xi32, #tpu.memory_space<vmem>> -> memref<1x2x128xi32, #tpu.memory_space<vmem>>
        %dma_wait3A_236 = tpu.memref_squeeze %dma_wait3A_235 : memref<1x2x128xi32, #tpu.memory_space<vmem>> -> memref<2x128xi32, #tpu.memory_space<vmem>>
        %dma_wait3A_237 = arith.constant 0 : i32
        %dma_wait3A_238 = tpu.memref_slice %dma_wait3A_236[%run_scoped3A_138, %dma_wait3A_237] : memref<2x128xi32, #tpu.memory_space<vmem>> -> memref<1x128xi32, #tpu.memory_space<vmem>>
        %dma_wait3A_239 = tpu.memref_squeeze %dma_wait3A_238 : memref<1x128xi32, #tpu.memory_space<vmem>> -> memref<128xi32, #tpu.memory_space<vmem>>
        %dma_wait3A_240 = arith.constant 0 : i32
        %dma_wait3A_241 = arith.constant 0 : i32
        %dma_wait3A_242 = tpu.memref_slice %arg8[%dma_wait3A_240, %dma_wait3A_241] : memref<10240x128xf32, #tpu.memory_space<vmem_shared>> -> memref<10240x128xf32, #tpu.memory_space<vmem_shared>>
        tpu.wait_indirect_dma semaphore(%run_scoped3A_222 : memref<!tpu.dma_semaphore, #tpu.memory_space<semaphore_mem>>) src(%arg6 : memref<128x128xf32, #tpu.memory_space<vmem>>) dst(%dma_wait3A_242 : memref<10240x128xf32, #tpu.memory_space<vmem_shared>>)
        tpu.yield
      }) : () -> ()
      %dma_wait3A_139 = arith.constant 1 : i32
      %dma_wait3A_140 = arith.constant 0 : i32
      %dma_wait3A_141 = arith.constant 0 : i32
      %dma_wait3A_142 = tpu.memref_slice %arg5[%dma_wait3A_139, %dma_wait3A_140, %dma_wait3A_141] : memref<2x2x128xi32, #tpu.memory_space<vmem>> -> memref<1x2x128xi32, #tpu.memory_space<vmem>>
      %dma_wait3A_143 = tpu.memref_squeeze %dma_wait3A_142 : memref<1x2x128xi32, #tpu.memory_space<vmem>> -> memref<2x128xi32, #tpu.memory_space<vmem>>
      %dma_wait3A_144 = arith.constant 0 : i32
      %dma_wait3A_145 = arith.constant 0 : i32
      %dma_wait3A_146 = tpu.memref_slice %arg3[%add3A_56, %dma_wait3A_144, %dma_wait3A_145] : memref<2529x2x128xi32, #tpu.memory_space<hbm>> -> memref<1x2x128xi32, #tpu.memory_space<hbm>>
      %dma_wait3A_147 = tpu.memref_squeeze %dma_wait3A_146 : memref<1x2x128xi32, #tpu.memory_space<hbm>> -> memref<2x128xi32, #tpu.memory_space<hbm>>
      %dma_wait3A_148 = arith.constant 0 : i32
      %dma_wait3A_149 = arith.constant 0 : i32
      %dma_wait3A_150 = tpu.memref_slice %arg5[%dma_wait3A_139, %dma_wait3A_148, %dma_wait3A_149] : memref<2x2x128xi32, #tpu.memory_space<vmem>> -> memref<1x2x128xi32, #tpu.memory_space<vmem>>
      %dma_wait3A_151 = tpu.memref_squeeze %dma_wait3A_150 : memref<1x2x128xi32, #tpu.memory_space<vmem>> -> memref<2x128xi32, #tpu.memory_space<vmem>>
      %dma_wait3A_152 = arith.constant 0 : i32
      %dma_wait3A_153 = arith.constant 0 : i32
      %dma_wait3A_154 = tpu.memref_slice %arg3[%add3A_56, %dma_wait3A_152, %dma_wait3A_153] : memref<2529x2x128xi32, #tpu.memory_space<hbm>> -> memref<1x2x128xi32, #tpu.memory_space<hbm>>
      %dma_wait3A_155 = tpu.memref_squeeze %dma_wait3A_154 : memref<1x2x128xi32, #tpu.memory_space<hbm>> -> memref<2x128xi32, #tpu.memory_space<hbm>>
      tpu.wait_dma2 semaphore(%arg10 : memref<!tpu.dma_semaphore, #tpu.memory_space<semaphore_mem>>) src(%dma_wait3A_155 : memref<2x128xi32, #tpu.memory_space<hbm>>) dst(%dma_wait3A_151 : memref<2x128xi32, #tpu.memory_space<vmem>>)
      %add3A_156 = arith.addi %add3A_56, %mul3A_92 : i32
      %add3A_157 = arith.constant 1 : i32
      %add3A_158 = arith.addi %add3A_156, %add3A_157 : i32
      %add3A_159 = arith.constant 1 : i32
      %add3A_160 = arith.addi %add3A_158, %add3A_159 : i32
      %dma_start3A_161 = arith.constant 0 : i32
      %dma_start3A_162 = arith.constant 0 : i32
      %dma_start3A_163 = arith.constant 0 : i32
      %dma_start3A_164 = tpu.memref_slice %arg5[%dma_start3A_161, %dma_start3A_162, %dma_start3A_163] : memref<2x2x128xi32, #tpu.memory_space<vmem>> -> memref<1x2x128xi32, #tpu.memory_space<vmem>>
      %dma_start3A_165 = tpu.memref_squeeze %dma_start3A_164 : memref<1x2x128xi32, #tpu.memory_space<vmem>> -> memref<2x128xi32, #tpu.memory_space<vmem>>
      %dma_start3A_166 = arith.constant 0 : i32
      %dma_start3A_167 = arith.constant 0 : i32
      %dma_start3A_168 = tpu.memref_slice %arg3[%add3A_160, %dma_start3A_166, %dma_start3A_167] : memref<2529x2x128xi32, #tpu.memory_space<hbm>> -> memref<1x2x128xi32, #tpu.memory_space<hbm>>
      %dma_start3A_169 = tpu.memref_squeeze %dma_start3A_168 : memref<1x2x128xi32, #tpu.memory_space<hbm>> -> memref<2x128xi32, #tpu.memory_space<hbm>>
      %dma_start3A_170 = arith.constant 0 : i32
      %dma_start3A_171 = arith.constant 0 : i32
      %dma_start3A_172 = tpu.memref_slice %arg5[%dma_start3A_161, %dma_start3A_170, %dma_start3A_171] : memref<2x2x128xi32, #tpu.memory_space<vmem>> -> memref<1x2x128xi32, #tpu.memory_space<vmem>>
      %dma_start3A_173 = tpu.memref_squeeze %dma_start3A_172 : memref<1x2x128xi32, #tpu.memory_space<vmem>> -> memref<2x128xi32, #tpu.memory_space<vmem>>
      %dma_start3A_174 = arith.constant 0 : i32
      %dma_start3A_175 = arith.constant 0 : i32
      %dma_start3A_176 = tpu.memref_slice %arg3[%add3A_160, %dma_start3A_174, %dma_start3A_175] : memref<2529x2x128xi32, #tpu.memory_space<hbm>> -> memref<1x2x128xi32, #tpu.memory_space<hbm>>
      %dma_start3A_177 = tpu.memref_squeeze %dma_start3A_176 : memref<1x2x128xi32, #tpu.memory_space<hbm>> -> memref<2x128xi32, #tpu.memory_space<hbm>>
      tpu.enqueue_dma source(%dma_start3A_177 : memref<2x128xi32, #tpu.memory_space<hbm>>) target(%dma_start3A_173 : memref<2x128xi32, #tpu.memory_space<vmem>>) target_semaphore(%arg10 : memref<!tpu.dma_semaphore, #tpu.memory_space<semaphore_mem>>)
      %dma_start3A_178 = arith.constant 1 : i32
      %dma_start3A_179 = arith.constant 0 : i32
      %dma_start3A_180 = arith.constant 0 : i32
      %dma_start3A_181 = arith.constant 0 : i32
      %dma_start3A_182 = tpu.memref_slice %arg5[%dma_start3A_178, %dma_start3A_180, %dma_start3A_181] : memref<2x2x128xi32, #tpu.memory_space<vmem>> -> memref<1x2x128xi32, #tpu.memory_space<vmem>>
      %dma_start3A_183 = tpu.memref_squeeze %dma_start3A_182 : memref<1x2x128xi32, #tpu.memory_space<vmem>> -> memref<2x128xi32, #tpu.memory_space<vmem>>
      %dma_start3A_184 = arith.constant 0 : i32
      %dma_start3A_185 = tpu.memref_slice %dma_start3A_183[%dma_start3A_179, %dma_start3A_184] : memref<2x128xi32, #tpu.memory_space<vmem>> -> memref<1x128xi32, #tpu.memory_space<vmem>>
      %dma_start3A_186 = tpu.memref_squeeze %dma_start3A_185 : memref<1x128xi32, #tpu.memory_space<vmem>> -> memref<128xi32, #tpu.memory_space<vmem>>
      %dma_start3A_187 = arith.constant 0 : i32
      %dma_start3A_188 = arith.constant 0 : i32
      %dma_start3A_189 = tpu.memref_slice %arg2[%dma_start3A_187, %dma_start3A_188] : memref<10000x128xf32, #tpu.memory_space<hbm>> -> memref<10000x128xf32, #tpu.memory_space<hbm>>
      tpu.enqueue_indirect_dma source(%dma_start3A_189 : memref<10000x128xf32, #tpu.memory_space<hbm>>) target(%arg6 : memref<128x128xf32, #tpu.memory_space<vmem>>) offsets(%dma_start3A_186 : memref<128xi32, #tpu.memory_space<vmem>>) semaphore(%arg9 : memref<!tpu.dma_semaphore, #tpu.memory_space<semaphore_mem>>)
      %dma_wait3A_190 = arith.constant 1 : i32
      %dma_wait3A_191 = arith.constant 0 : i32
      %dma_wait3A_192 = arith.constant 0 : i32
      %dma_wait3A_193 = arith.constant 0 : i32
      %dma_wait3A_194 = tpu.memref_slice %arg5[%dma_wait3A_190, %dma_wait3A_192, %dma_wait3A_193] : memref<2x2x128xi32, #tpu.memory_space<vmem>> -> memref<1x2x128xi32, #tpu.memory_space<vmem>>
      %dma_wait3A_195 = tpu.memref_squeeze %dma_wait3A_194 : memref<1x2x128xi32, #tpu.memory_space<vmem>> -> memref<2x128xi32, #tpu.memory_space<vmem>>
      %dma_wait3A_196 = arith.constant 0 : i32
      %dma_wait3A_197 = tpu.memref_slice %dma_wait3A_195[%dma_wait3A_191, %dma_wait3A_196] : memref<2x128xi32, #tpu.memory_space<vmem>> -> memref<1x128xi32, #tpu.memory_space<vmem>>
      %dma_wait3A_198 = tpu.memref_squeeze %dma_wait3A_197 : memref<1x128xi32, #tpu.memory_space<vmem>> -> memref<128xi32, #tpu.memory_space<vmem>>
      %dma_wait3A_199 = arith.constant 0 : i32
      %dma_wait3A_200 = arith.constant 0 : i32
      %dma_wait3A_201 = tpu.memref_slice %arg2[%dma_wait3A_199, %dma_wait3A_200] : memref<10000x128xf32, #tpu.memory_space<hbm>> -> memref<10000x128xf32, #tpu.memory_space<hbm>>
      tpu.wait_indirect_dma semaphore(%arg9 : memref<!tpu.dma_semaphore, #tpu.memory_space<semaphore_mem>>) src(%dma_wait3A_201 : memref<10000x128xf32, #tpu.memory_space<hbm>>) dst(%arg6 : memref<128x128xf32, #tpu.memory_space<vmem>>)
      %run_scoped3A_202 = arith.constant 1 : i32
      %run_scoped3A_203 = arith.constant 1 : i32
      "tpu.region"() ({
        %run_scoped3A_222 = tpu.sem_alloc : memref<!tpu.dma_semaphore, #tpu.memory_space<semaphore_mem>>
        %dma_start3A_223 = arith.constant 0 : i32
        %dma_start3A_224 = arith.constant 0 : i32
        %dma_start3A_225 = tpu.memref_slice %arg5[%run_scoped3A_202, %dma_start3A_223, %dma_start3A_224] : memref<2x2x128xi32, #tpu.memory_space<vmem>> -> memref<1x2x128xi32, #tpu.memory_space<vmem>>
        %dma_start3A_226 = tpu.memref_squeeze %dma_start3A_225 : memref<1x2x128xi32, #tpu.memory_space<vmem>> -> memref<2x128xi32, #tpu.memory_space<vmem>>
        %dma_start3A_227 = arith.constant 0 : i32
        %dma_start3A_228 = tpu.memref_slice %dma_start3A_226[%run_scoped3A_203, %dma_start3A_227] : memref<2x128xi32, #tpu.memory_space<vmem>> -> memref<1x128xi32, #tpu.memory_space<vmem>>
        %dma_start3A_229 = tpu.memref_squeeze %dma_start3A_228 : memref<1x128xi32, #tpu.memory_space<vmem>> -> memref<128xi32, #tpu.memory_space<vmem>>
        %dma_start3A_230 = arith.constant 0 : i32
        %dma_start3A_231 = arith.constant 0 : i32
        %dma_start3A_232 = tpu.memref_slice %arg8[%dma_start3A_230, %dma_start3A_231] : memref<10240x128xf32, #tpu.memory_space<vmem_shared>> -> memref<10240x128xf32, #tpu.memory_space<vmem_shared>>
        tpu.enqueue_indirect_dma source(%arg6 : memref<128x128xf32, #tpu.memory_space<vmem>>) target(%dma_start3A_232 : memref<10240x128xf32, #tpu.memory_space<vmem_shared>>) offsets(%dma_start3A_229 : memref<128xi32, #tpu.memory_space<vmem>>) semaphore(%run_scoped3A_222 : memref<!tpu.dma_semaphore, #tpu.memory_space<semaphore_mem>>) {add = true}
        %dma_wait3A_233 = arith.constant 0 : i32
        %dma_wait3A_234 = arith.constant 0 : i32
        %dma_wait3A_235 = tpu.memref_slice %arg5[%run_scoped3A_202, %dma_wait3A_233, %dma_wait3A_234] : memref<2x2x128xi32, #tpu.memory_space<vmem>> -> memref<1x2x128xi32, #tpu.memory_space<vmem>>
        %dma_wait3A_236 = tpu.memref_squeeze %dma_wait3A_235 : memref<1x2x128xi32, #tpu.memory_space<vmem>> -> memref<2x128xi32, #tpu.memory_space<vmem>>
        %dma_wait3A_237 = arith.constant 0 : i32
        %dma_wait3A_238 = tpu.memref_slice %dma_wait3A_236[%run_scoped3A_203, %dma_wait3A_237] : memref<2x128xi32, #tpu.memory_space<vmem>> -> memref<1x128xi32, #tpu.memory_space<vmem>>
        %dma_wait3A_239 = tpu.memref_squeeze %dma_wait3A_238 : memref<1x128xi32, #tpu.memory_space<vmem>> -> memref<128xi32, #tpu.memory_space<vmem>>
        %dma_wait3A_240 = arith.constant 0 : i32
        %dma_wait3A_241 = arith.constant 0 : i32
        %dma_wait3A_242 = tpu.memref_slice %arg8[%dma_wait3A_240, %dma_wait3A_241] : memref<10240x128xf32, #tpu.memory_space<vmem_shared>> -> memref<10240x128xf32, #tpu.memory_space<vmem_shared>>
        tpu.wait_indirect_dma semaphore(%run_scoped3A_222 : memref<!tpu.dma_semaphore, #tpu.memory_space<semaphore_mem>>) src(%arg6 : memref<128x128xf32, #tpu.memory_space<vmem>>) dst(%dma_wait3A_242 : memref<10240x128xf32, #tpu.memory_space<vmem_shared>>)
        tpu.yield
      }) : () -> ()
      %dma_wait3A_204 = arith.constant 0 : i32
      %dma_wait3A_205 = arith.constant 0 : i32
      %dma_wait3A_206 = arith.constant 0 : i32
      %dma_wait3A_207 = tpu.memref_slice %arg5[%dma_wait3A_204, %dma_wait3A_205, %dma_wait3A_206] : memref<2x2x128xi32, #tpu.memory_space<vmem>> -> memref<1x2x128xi32, #tpu.memory_space<vmem>>
      %dma_wait3A_208 = tpu.memref_squeeze %dma_wait3A_207 : memref<1x2x128xi32, #tpu.memory_space<vmem>> -> memref<2x128xi32, #tpu.memory_space<vmem>>
      %dma_wait3A_209 = arith.constant 0 : i32
      %dma_wait3A_210 = arith.constant 0 : i32
      %dma_wait3A_211 = tpu.memref_slice %arg3[%add3A_56, %dma_wait3A_209, %dma_wait3A_210] : memref<2529x2x128xi32, #tpu.memory_space<hbm>> -> memref<1x2x128xi32, #tpu.memory_space<hbm>>
      %dma_wait3A_212 = tpu.memref_squeeze %dma_wait3A_211 : memref<1x2x128xi32, #tpu.memory_space<hbm>> -> memref<2x128xi32, #tpu.memory_space<hbm>>
      %dma_wait3A_213 = arith.constant 0 : i32
      %dma_wait3A_214 = arith.constant 0 : i32
      %dma_wait3A_215 = tpu.memref_slice %arg5[%dma_wait3A_204, %dma_wait3A_213, %dma_wait3A_214] : memref<2x2x128xi32, #tpu.memory_space<vmem>> -> memref<1x2x128xi32, #tpu.memory_space<vmem>>
      %dma_wait3A_216 = tpu.memref_squeeze %dma_wait3A_215 : memref<1x2x128xi32, #tpu.memory_space<vmem>> -> memref<2x128xi32, #tpu.memory_space<vmem>>
      %dma_wait3A_217 = arith.constant 0 : i32
      %dma_wait3A_218 = arith.constant 0 : i32
      %dma_wait3A_219 = tpu.memref_slice %arg3[%add3A_56, %dma_wait3A_217, %dma_wait3A_218] : memref<2529x2x128xi32, #tpu.memory_space<hbm>> -> memref<1x2x128xi32, #tpu.memory_space<hbm>>
      %dma_wait3A_220 = tpu.memref_squeeze %dma_wait3A_219 : memref<1x2x128xi32, #tpu.memory_space<hbm>> -> memref<2x128xi32, #tpu.memory_space<hbm>>
      tpu.wait_dma2 semaphore(%arg10 : memref<!tpu.dma_semaphore, #tpu.memory_space<semaphore_mem>>) src(%dma_wait3A_220 : memref<2x128xi32, #tpu.memory_space<hbm>>) dst(%dma_wait3A_216 : memref<2x128xi32, #tpu.memory_space<vmem>>)
      %while3A_221 = arith.constant 0 : i32
      scf.yield %while3A_221 : i32
    }
    %while3A_82 = arith.constant 1 : i32
    %while3A_83 = scf.for %while3A_89 = %while3A_79 to %while3A_75 step %while3A_82 iter_args(%while3A_90 = %while3A_81) -> (i32)  : i32 {
      %mul3A_91 = arith.constant 2 : i32
      %mul3A_92 = arith.muli %mul3A_91, %while3A_89 : i32
      %add3A_93 = arith.addi %add3A_56, %mul3A_92 : i32
      %add3A_94 = arith.constant 0 : i32
      %add3A_95 = arith.addi %add3A_93, %add3A_94 : i32
      %add3A_96 = arith.constant 1 : i32
      %add3A_97 = arith.addi %add3A_95, %add3A_96 : i32
      %dma_start3A = arith.constant 1 : i32
      %dma_start3A_98 = arith.constant 0 : i32
      %dma_start3A_99 = arith.constant 0 : i32
      %dma_start3A_100 = tpu.memref_slice %arg5[%dma_start3A, %dma_start3A_98, %dma_start3A_99] : memref<2x2x128xi32, #tpu.memory_space<vmem>> -> memref<1x2x128xi32, #tpu.memory_space<vmem>>
      %dma_start3A_101 = tpu.memref_squeeze %dma_start3A_100 : memref<1x2x128xi32, #tpu.memory_space<vmem>> -> memref<2x128xi32, #tpu.memory_space<vmem>>
      %dma_start3A_102 = arith.constant 0 : i32
      %dma_start3A_103 = arith.constant 0 : i32
      %dma_start3A_104 = tpu.memref_slice %arg3[%add3A_97, %dma_start3A_102, %dma_start3A_103] : memref<2529x2x128xi32, #tpu.memory_space<hbm>> -> memref<1x2x128xi32, #tpu.memory_space<hbm>>
      %dma_start3A_105 = tpu.memref_squeeze %dma_start3A_104 : memref<1x2x128xi32, #tpu.memory_space<hbm>> -> memref<2x128xi32, #tpu.memory_space<hbm>>
      %dma_start3A_106 = arith.constant 0 : i32
      %dma_start3A_107 = arith.constant 0 : i32
      %dma_start3A_108 = tpu.memref_slice %arg5[%dma_start3A, %dma_start3A_106, %dma_start3A_107] : memref<2x2x128xi32, #tpu.memory_space<vmem>> -> memref<1x2x128xi32, #tpu.memory_space<vmem>>
      %dma_start3A_109 = tpu.memref_squeeze %dma_start3A_108 : memref<1x2x128xi32, #tpu.memory_space<vmem>> -> memref<2x128xi32, #tpu.memory_space<vmem>>
      %dma_start3A_110 = arith.constant 0 : i32
      %dma_start3A_111 = arith.constant 0 : i32
      %dma_start3A_112 = tpu.memref_slice %arg3[%add3A_97, %dma_start3A_110, %dma_start3A_111] : memref<2529x2x128xi32, #tpu.memory_space<hbm>> -> memref<1x2x128xi32, #tpu.memory_space<hbm>>
      %dma_start3A_113 = tpu.memref_squeeze %dma_start3A_112 : memref<1x2x128xi32, #tpu.memory_space<hbm>> -> memref<2x128xi32, #tpu.memory_space<hbm>>
      tpu.enqueue_dma source(%dma_start3A_113 : memref<2x128xi32, #tpu.memory_space<hbm>>) target(%dma_start3A_109 : memref<2x128xi32, #tpu.memory_space<vmem>>) target_semaphore(%arg10 : memref<!tpu.dma_semaphore, #tpu.memory_space<semaphore_mem>>)
      %dma_start3A_114 = arith.constant 0 : i32
      %dma_start3A_115 = arith.constant 0 : i32
      %dma_start3A_116 = arith.constant 0 : i32
      %dma_start3A_117 = arith.constant 0 : i32
      %dma_start3A_118 = tpu.memref_slice %arg5[%dma_start3A_114, %dma_start3A_116, %dma_start3A_117] : memref<2x2x128xi32, #tpu.memory_space<vmem>> -> memref<1x2x128xi32, #tpu.memory_space<vmem>>
      %dma_start3A_119 = tpu.memref_squeeze %dma_start3A_118 : memref<1x2x128xi32, #tpu.memory_space<vmem>> -> memref<2x128xi32, #tpu.memory_space<vmem>>
      %dma_start3A_120 = arith.constant 0 : i32
      %dma_start3A_121 = tpu.memref_slice %dma_start3A_119[%dma_start3A_115, %dma_start3A_120] : memref<2x128xi32, #tpu.memory_space<vmem>> -> memref<1x128xi32, #tpu.memory_space<vmem>>
      %dma_start3A_122 = tpu.memref_squeeze %dma_start3A_121 : memref<1x128xi32, #tpu.memory_space<vmem>> -> memref<128xi32, #tpu.memory_space<vmem>>
      %dma_start3A_123 = arith.constant 0 : i32
      %dma_start3A_124 = arith.constant 0 : i32
      %dma_start3A_125 = tpu.memref_slice %arg2[%dma_start3A_123, %dma_start3A_124] : memref<10000x128xf32, #tpu.memory_space<hbm>> -> memref<10000x128xf32, #tpu.memory_space<hbm>>
      tpu.enqueue_indirect_dma source(%dma_start3A_125 : memref<10000x128xf32, #tpu.memory_space<hbm>>) target(%arg6 : memref<128x128xf32, #tpu.memory_space<vmem>>) offsets(%dma_start3A_122 : memref<128xi32, #tpu.memory_space<vmem>>) semaphore(%arg9 : memref<!tpu.dma_semaphore, #tpu.memory_space<semaphore_mem>>)
      %dma_wait3A = arith.constant 0 : i32
      %dma_wait3A_126 = arith.constant 0 : i32
      %dma_wait3A_127 = arith.constant 0 : i32
      %dma_wait3A_128 = arith.constant 0 : i32
      %dma_wait3A_129 = tpu.memref_slice %arg5[%dma_wait3A, %dma_wait3A_127, %dma_wait3A_128] : memref<2x2x128xi32, #tpu.memory_space<vmem>> -> memref<1x2x128xi32, #tpu.memory_space<vmem>>
      %dma_wait3A_130 = tpu.memref_squeeze %dma_wait3A_129 : memref<1x2x128xi32, #tpu.memory_space<vmem>> -> memref<2x128xi32, #tpu.memory_space<vmem>>
      %dma_wait3A_131 = arith.constant 0 : i32
      %dma_wait3A_132 = tpu.memref_slice %dma_wait3A_130[%dma_wait3A_126, %dma_wait3A_131] : memref<2x128xi32, #tpu.memory_space<vmem>> -> memref<1x128xi32, #tpu.memory_space<vmem>>
      %dma_wait3A_133 = tpu.memref_squeeze %dma_wait3A_132 : memref<1x128xi32, #tpu.memory_space<vmem>> -> memref<128xi32, #tpu.memory_space<vmem>>
      %dma_wait3A_134 = arith.constant 0 : i32
      %dma_wait3A_135 = arith.constant 0 : i32
      %dma_wait3A_136 = tpu.memref_slice %arg2[%dma_wait3A_134, %dma_wait3A_135] : memref<10000x128xf32, #tpu.memory_space<hbm>> -> memref<10000x128xf32, #tpu.memory_space<hbm>>
      tpu.wait_indirect_dma semaphore(%arg9 : memref<!tpu.dma_semaphore, #tpu.memory_space<semaphore_mem>>) src(%dma_wait3A_136 : memref<10000x128xf32, #tpu.memory_space<hbm>>) dst(%arg6 : memref<128x128xf32, #tpu.memory_space<vmem>>)
      %run_scoped3A_137 = arith.constant 0 : i32
      %run_scoped3A_138 = arith.constant 1 : i32
      "tpu.region"() ({
        %run_scoped3A_222 = tpu.sem_alloc : memref<!tpu.dma_semaphore, #tpu.memory_space<semaphore_mem>>
        %dma_start3A_223 = arith.constant 0 : i32
        %dma_start3A_224 = arith.constant 0 : i32
        %dma_start3A_225 = tpu.memref_slice %arg5[%run_scoped3A_137, %dma_start3A_223, %dma_start3A_224] : memref<2x2x128xi32, #tpu.memory_space<vmem>> -> memref<1x2x128xi32, #tpu.memory_space<vmem>>
        %dma_start3A_226 = tpu.memref_squeeze %dma_start3A_225 : memref<1x2x128xi32, #tpu.memory_space<vmem>> -> memref<2x128xi32, #tpu.memory_space<vmem>>
        %dma_start3A_227 = arith.constant 0 : i32
        %dma_start3A_228 = tpu.memref_slice %dma_start3A_226[%run_scoped3A_138, %dma_start3A_227] : memref<2x128xi32, #tpu.memory_space<vmem>> -> memref<1x128xi32, #tpu.memory_space<vmem>>
        %dma_start3A_229 = tpu.memref_squeeze %dma_start3A_228 : memref<1x128xi32, #tpu.memory_space<vmem>> -> memref<128xi32, #tpu.memory_space<vmem>>
        %dma_start3A_230 = arith.constant 0 : i32
        %dma_start3A_231 = arith.constant 0 : i32
        %dma_start3A_232 = tpu.memref_slice %arg8[%dma_start3A_230, %dma_start3A_231] : memref<10240x128xf32, #tpu.memory_space<vmem_shared>> -> memref<10240x128xf32, #tpu.memory_space<vmem_shared>>
        tpu.enqueue_indirect_dma source(%arg6 : memref<128x128xf32, #tpu.memory_space<vmem>>) target(%dma_start3A_232 : memref<10240x128xf32, #tpu.memory_space<vmem_shared>>) offsets(%dma_start3A_229 : memref<128xi32, #tpu.memory_space<vmem>>) semaphore(%run_scoped3A_222 : memref<!tpu.dma_semaphore, #tpu.memory_space<semaphore_mem>>) {add = true}
        %dma_wait3A_233 = arith.constant 0 : i32
        %dma_wait3A_234 = arith.constant 0 : i32
        %dma_wait3A_235 = tpu.memref_slice %arg5[%run_scoped3A_137, %dma_wait3A_233, %dma_wait3A_234] : memref<2x2x128xi32, #tpu.memory_space<vmem>> -> memref<1x2x128xi32, #tpu.memory_space<vmem>>
        %dma_wait3A_236 = tpu.memref_squeeze %dma_wait3A_235 : memref<1x2x128xi32, #tpu.memory_space<vmem>> -> memref<2x128xi32, #tpu.memory_space<vmem>>
        %dma_wait3A_237 = arith.constant 0 : i32
        %dma_wait3A_238 = tpu.memref_slice %dma_wait3A_236[%run_scoped3A_138, %dma_wait3A_237] : memref<2x128xi32, #tpu.memory_space<vmem>> -> memref<1x128xi32, #tpu.memory_space<vmem>>
        %dma_wait3A_239 = tpu.memref_squeeze %dma_wait3A_238 : memref<1x128xi32, #tpu.memory_space<vmem>> -> memref<128xi32, #tpu.memory_space<vmem>>
        %dma_wait3A_240 = arith.constant 0 : i32
        %dma_wait3A_241 = arith.constant 0 : i32
        %dma_wait3A_242 = tpu.memref_slice %arg8[%dma_wait3A_240, %dma_wait3A_241] : memref<10240x128xf32, #tpu.memory_space<vmem_shared>> -> memref<10240x128xf32, #tpu.memory_space<vmem_shared>>
        tpu.wait_indirect_dma semaphore(%run_scoped3A_222 : memref<!tpu.dma_semaphore, #tpu.memory_space<semaphore_mem>>) src(%arg6 : memref<128x128xf32, #tpu.memory_space<vmem>>) dst(%dma_wait3A_242 : memref<10240x128xf32, #tpu.memory_space<vmem_shared>>)
        tpu.yield
      }) : () -> ()
      %dma_wait3A_139 = arith.constant 1 : i32
      %dma_wait3A_140 = arith.constant 0 : i32
      %dma_wait3A_141 = arith.constant 0 : i32
      %dma_wait3A_142 = tpu.memref_slice %arg5[%dma_wait3A_139, %dma_wait3A_140, %dma_wait3A_141] : memref<2x2x128xi32, #tpu.memory_space<vmem>> -> memref<1x2x128xi32, #tpu.memory_space<vmem>>
      %dma_wait3A_143 = tpu.memref_squeeze %dma_wait3A_142 : memref<1x2x128xi32, #tpu.memory_space<vmem>> -> memref<2x128xi32, #tpu.memory_space<vmem>>
      %dma_wait3A_144 = arith.constant 0 : i32
      %dma_wait3A_145 = arith.constant 0 : i32
      %dma_wait3A_146 = tpu.memref_slice %arg3[%add3A_56, %dma_wait3A_144, %dma_wait3A_145] : memref<2529x2x128xi32, #tpu.memory_space<hbm>> -> memref<1x2x128xi32, #tpu.memory_space<hbm>>
      %dma_wait3A_147 = tpu.memref_squeeze %dma_wait3A_146 : memref<1x2x128xi32, #tpu.memory_space<hbm>> -> memref<2x128xi32, #tpu.memory_space<hbm>>
      %dma_wait3A_148 = arith.constant 0 : i32
      %dma_wait3A_149 = arith.constant 0 : i32
      %dma_wait3A_150 = tpu.memref_slice %arg5[%dma_wait3A_139, %dma_wait3A_148, %dma_wait3A_149] : memref<2x2x128xi32, #tpu.memory_space<vmem>> -> memref<1x2x128xi32, #tpu.memory_space<vmem>>
      %dma_wait3A_151 = tpu.memref_squeeze %dma_wait3A_150 : memref<1x2x128xi32, #tpu.memory_space<vmem>> -> memref<2x128xi32, #tpu.memory_space<vmem>>
      %dma_wait3A_152 = arith.constant 0 : i32
      %dma_wait3A_153 = arith.constant 0 : i32
      %dma_wait3A_154 = tpu.memref_slice %arg3[%add3A_56, %dma_wait3A_152, %dma_wait3A_153] : memref<2529x2x128xi32, #tpu.memory_space<hbm>> -> memref<1x2x128xi32, #tpu.memory_space<hbm>>
      %dma_wait3A_155 = tpu.memref_squeeze %dma_wait3A_154 : memref<1x2x128xi32, #tpu.memory_space<hbm>> -> memref<2x128xi32, #tpu.memory_space<hbm>>
      tpu.wait_dma2 semaphore(%arg10 : memref<!tpu.dma_semaphore, #tpu.memory_space<semaphore_mem>>) src(%dma_wait3A_155 : memref<2x128xi32, #tpu.memory_space<hbm>>) dst(%dma_wait3A_151 : memref<2x128xi32, #tpu.memory_space<vmem>>)
      %add3A_156 = arith.addi %add3A_56, %mul3A_92 : i32
      %add3A_157 = arith.constant 1 : i32
      %add3A_158 = arith.addi %add3A_156, %add3A_157 : i32
      %add3A_159 = arith.constant 1 : i32
      %add3A_160 = arith.addi %add3A_158, %add3A_159 : i32
      %dma_start3A_161 = arith.constant 0 : i32
      %dma_start3A_162 = arith.constant 0 : i32
      %dma_start3A_163 = arith.constant 0 : i32
      %dma_start3A_164 = tpu.memref_slice %arg5[%dma_start3A_161, %dma_start3A_162, %dma_start3A_163] : memref<2x2x128xi32, #tpu.memory_space<vmem>> -> memref<1x2x128xi32, #tpu.memory_space<vmem>>
      %dma_start3A_165 = tpu.memref_squeeze %dma_start3A_164 : memref<1x2x128xi32, #tpu.memory_space<vmem>> -> memref<2x128xi32, #tpu.memory_space<vmem>>
      %dma_start3A_166 = arith.constant 0 : i32
      %dma_start3A_167 = arith.constant 0 : i32
      %dma_start3A_168 = tpu.memref_slice %arg3[%add3A_160, %dma_start3A_166, %dma_start3A_167] : memref<2529x2x128xi32, #tpu.memory_space<hbm>> -> memref<1x2x128xi32, #tpu.memory_space<hbm>>
      %dma_start3A_169 = tpu.memref_squeeze %dma_start3A_168 : memref<1x2x128xi32, #tpu.memory_space<hbm>> -> memref<2x128xi32, #tpu.memory_space<hbm>>
      %dma_start3A_170 = arith.constant 0 : i32
      %dma_start3A_171 = arith.constant 0 : i32
      %dma_start3A_172 = tpu.memref_slice %arg5[%dma_start3A_161, %dma_start3A_170, %dma_start3A_171] : memref<2x2x128xi32, #tpu.memory_space<vmem>> -> memref<1x2x128xi32, #tpu.memory_space<vmem>>
      %dma_start3A_173 = tpu.memref_squeeze %dma_start3A_172 : memref<1x2x128xi32, #tpu.memory_space<vmem>> -> memref<2x128xi32, #tpu.memory_space<vmem>>
      %dma_start3A_174 = arith.constant 0 : i32
      %dma_start3A_175 = arith.constant 0 : i32
      %dma_start3A_176 = tpu.memref_slice %arg3[%add3A_160, %dma_start3A_174, %dma_start3A_175] : memref<2529x2x128xi32, #tpu.memory_space<hbm>> -> memref<1x2x128xi32, #tpu.memory_space<hbm>>
      %dma_start3A_177 = tpu.memref_squeeze %dma_start3A_176 : memref<1x2x128xi32, #tpu.memory_space<hbm>> -> memref<2x128xi32, #tpu.memory_space<hbm>>
      tpu.enqueue_dma source(%dma_start3A_177 : memref<2x128xi32, #tpu.memory_space<hbm>>) target(%dma_start3A_173 : memref<2x128xi32, #tpu.memory_space<vmem>>) target_semaphore(%arg10 : memref<!tpu.dma_semaphore, #tpu.memory_space<semaphore_mem>>)
      %dma_start3A_178 = arith.constant 1 : i32
      %dma_start3A_179 = arith.constant 0 : i32
      %dma_start3A_180 = arith.constant 0 : i32
      %dma_start3A_181 = arith.constant 0 : i32
      %dma_start3A_182 = tpu.memref_slice %arg5[%dma_start3A_178, %dma_start3A_180, %dma_start3A_181] : memref<2x2x128xi32, #tpu.memory_space<vmem>> -> memref<1x2x128xi32, #tpu.memory_space<vmem>>
      %dma_start3A_183 = tpu.memref_squeeze %dma_start3A_182 : memref<1x2x128xi32, #tpu.memory_space<vmem>> -> memref<2x128xi32, #tpu.memory_space<vmem>>
      %dma_start3A_184 = arith.constant 0 : i32
      %dma_start3A_185 = tpu.memref_slice %dma_start3A_183[%dma_start3A_179, %dma_start3A_184] : memref<2x128xi32, #tpu.memory_space<vmem>> -> memref<1x128xi32, #tpu.memory_space<vmem>>
      %dma_start3A_186 = tpu.memref_squeeze %dma_start3A_185 : memref<1x128xi32, #tpu.memory_space<vmem>> -> memref<128xi32, #tpu.memory_space<vmem>>
      %dma_start3A_187 = arith.constant 0 : i32
      %dma_start3A_188 = arith.constant 0 : i32
      %dma_start3A_189 = tpu.memref_slice %arg2[%dma_start3A_187, %dma_start3A_188] : memref<10000x128xf32, #tpu.memory_space<hbm>> -> memref<10000x128xf32, #tpu.memory_space<hbm>>
      tpu.enqueue_indirect_dma source(%dma_start3A_189 : memref<10000x128xf32, #tpu.memory_space<hbm>>) target(%arg6 : memref<128x128xf32, #tpu.memory_space<vmem>>) offsets(%dma_start3A_186 : memref<128xi32, #tpu.memory_space<vmem>>) semaphore(%arg9 : memref<!tpu.dma_semaphore, #tpu.memory_space<semaphore_mem>>)
      %dma_wait3A_190 = arith.constant 1 : i32
      %dma_wait3A_191 = arith.constant 0 : i32
      %dma_wait3A_192 = arith.constant 0 : i32
      %dma_wait3A_193 = arith.constant 0 : i32
      %dma_wait3A_194 = tpu.memref_slice %arg5[%dma_wait3A_190, %dma_wait3A_192, %dma_wait3A_193] : memref<2x2x128xi32, #tpu.memory_space<vmem>> -> memref<1x2x128xi32, #tpu.memory_space<vmem>>
      %dma_wait3A_195 = tpu.memref_squeeze %dma_wait3A_194 : memref<1x2x128xi32, #tpu.memory_space<vmem>> -> memref<2x128xi32, #tpu.memory_space<vmem>>
      %dma_wait3A_196 = arith.constant 0 : i32
      %dma_wait3A_197 = tpu.memref_slice %dma_wait3A_195[%dma_wait3A_191, %dma_wait3A_196] : memref<2x128xi32, #tpu.memory_space<vmem>> -> memref<1x128xi32, #tpu.memory_space<vmem>>
      %dma_wait3A_198 = tpu.memref_squeeze %dma_wait3A_197 : memref<1x128xi32, #tpu.memory_space<vmem>> -> memref<128xi32, #tpu.memory_space<vmem>>
      %dma_wait3A_199 = arith.constant 0 : i32
      %dma_wait3A_200 = arith.constant 0 : i32
      %dma_wait3A_201 = tpu.memref_slice %arg2[%dma_wait3A_199, %dma_wait3A_200] : memref<10000x128xf32, #tpu.memory_space<hbm>> -> memref<10000x128xf32, #tpu.memory_space<hbm>>
      tpu.wait_indirect_dma semaphore(%arg9 : memref<!tpu.dma_semaphore, #tpu.memory_space<semaphore_mem>>) src(%dma_wait3A_201 : memref<10000x128xf32, #tpu.memory_space<hbm>>) dst(%arg6 : memref<128x128xf32, #tpu.memory_space<vmem>>)
      %run_scoped3A_202 = arith.constant 1 : i32
      %run_scoped3A_203 = arith.constant 1 : i32
      "tpu.region"() ({
        %run_scoped3A_222 = tpu.sem_alloc : memref<!tpu.dma_semaphore, #tpu.memory_space<semaphore_mem>>
        %dma_start3A_223 = arith.constant 0 : i32
        %dma_start3A_224 = arith.constant 0 : i32
        %dma_start3A_225 = tpu.memref_slice %arg5[%run_scoped3A_202, %dma_start3A_223, %dma_start3A_224] : memref<2x2x128xi32, #tpu.memory_space<vmem>> -> memref<1x2x128xi32, #tpu.memory_space<vmem>>
        %dma_start3A_226 = tpu.memref_squeeze %dma_start3A_225 : memref<1x2x128xi32, #tpu.memory_space<vmem>> -> memref<2x128xi32, #tpu.memory_space<vmem>>
        %dma_start3A_227 = arith.constant 0 : i32
        %dma_start3A_228 = tpu.memref_slice %dma_start3A_226[%run_scoped3A_203, %dma_start3A_227] : memref<2x128xi32, #tpu.memory_space<vmem>> -> memref<1x128xi32, #tpu.memory_space<vmem>>
        %dma_start3A_229 = tpu.memref_squeeze %dma_start3A_228 : memref<1x128xi32, #tpu.memory_space<vmem>> -> memref<128xi32, #tpu.memory_space<vmem>>
        %dma_start3A_230 = arith.constant 0 : i32
        %dma_start3A_231 = arith.constant 0 : i32
        %dma_start3A_232 = tpu.memref_slice %arg8[%dma_start3A_230, %dma_start3A_231] : memref<10240x128xf32, #tpu.memory_space<vmem_shared>> -> memref<10240x128xf32, #tpu.memory_space<vmem_shared>>
        tpu.enqueue_indirect_dma source(%arg6 : memref<128x128xf32, #tpu.memory_space<vmem>>) target(%dma_start3A_232 : memref<10240x128xf32, #tpu.memory_space<vmem_shared>>) offsets(%dma_start3A_229 : memref<128xi32, #tpu.memory_space<vmem>>) semaphore(%run_scoped3A_222 : memref<!tpu.dma_semaphore, #tpu.memory_space<semaphore_mem>>) {add = true}
        %dma_wait3A_233 = arith.constant 0 : i32
        %dma_wait3A_234 = arith.constant 0 : i32
        %dma_wait3A_235 = tpu.memref_slice %arg5[%run_scoped3A_202, %dma_wait3A_233, %dma_wait3A_234] : memref<2x2x128xi32, #tpu.memory_space<vmem>> -> memref<1x2x128xi32, #tpu.memory_space<vmem>>
        %dma_wait3A_236 = tpu.memref_squeeze %dma_wait3A_235 : memref<1x2x128xi32, #tpu.memory_space<vmem>> -> memref<2x128xi32, #tpu.memory_space<vmem>>
        %dma_wait3A_237 = arith.constant 0 : i32
        %dma_wait3A_238 = tpu.memref_slice %dma_wait3A_236[%run_scoped3A_203, %dma_wait3A_237] : memref<2x128xi32, #tpu.memory_space<vmem>> -> memref<1x128xi32, #tpu.memory_space<vmem>>
        %dma_wait3A_239 = tpu.memref_squeeze %dma_wait3A_238 : memref<1x128xi32, #tpu.memory_space<vmem>> -> memref<128xi32, #tpu.memory_space<vmem>>
        %dma_wait3A_240 = arith.constant 0 : i32
        %dma_wait3A_241 = arith.constant 0 : i32
        %dma_wait3A_242 = tpu.memref_slice %arg8[%dma_wait3A_240, %dma_wait3A_241] : memref<10240x128xf32, #tpu.memory_space<vmem_shared>> -> memref<10240x128xf32, #tpu.memory_space<vmem_shared>>
        tpu.wait_indirect_dma semaphore(%run_scoped3A_222 : memref<!tpu.dma_semaphore, #tpu.memory_space<semaphore_mem>>) src(%arg6 : memref<128x128xf32, #tpu.memory_space<vmem>>) dst(%dma_wait3A_242 : memref<10240x128xf32, #tpu.memory_space<vmem_shared>>)
        tpu.yield
      }) : () -> ()
      %dma_wait3A_204 = arith.constant 0 : i32
      %dma_wait3A_205 = arith.constant 0 : i32
      %dma_wait3A_206 = arith.constant 0 : i32
      %dma_wait3A_207 = tpu.memref_slice %arg5[%dma_wait3A_204, %dma_wait3A_205, %dma_wait3A_206] : memref<2x2x128xi32, #tpu.memory_space<vmem>> -> memref<1x2x128xi32, #tpu.memory_space<vmem>>
      %dma_wait3A_208 = tpu.memref_squeeze %dma_wait3A_207 : memref<1x2x128xi32, #tpu.memory_space<vmem>> -> memref<2x128xi32, #tpu.memory_space<vmem>>
      %dma_wait3A_209 = arith.constant 0 : i32
      %dma_wait3A_210 = arith.constant 0 : i32
      %dma_wait3A_211 = tpu.memref_slice %arg3[%add3A_56, %dma_wait3A_209, %dma_wait3A_210] : memref<2529x2x128xi32, #tpu.memory_space<hbm>> -> memref<1x2x128xi32, #tpu.memory_space<hbm>>
      %dma_wait3A_212 = tpu.memref_squeeze %dma_wait3A_211 : memref<1x2x128xi32, #tpu.memory_space<hbm>> -> memref<2x128xi32, #tpu.memory_space<hbm>>
      %dma_wait3A_213 = arith.constant 0 : i32
      %dma_wait3A_214 = arith.constant 0 : i32
      %dma_wait3A_215 = tpu.memref_slice %arg5[%dma_wait3A_204, %dma_wait3A_213, %dma_wait3A_214] : memref<2x2x128xi32, #tpu.memory_space<vmem>> -> memref<1x2x128xi32, #tpu.memory_space<vmem>>
      %dma_wait3A_216 = tpu.memref_squeeze %dma_wait3A_215 : memref<1x2x128xi32, #tpu.memory_space<vmem>> -> memref<2x128xi32, #tpu.memory_space<vmem>>
      %dma_wait3A_217 = arith.constant 0 : i32
      %dma_wait3A_218 = arith.constant 0 : i32
      %dma_wait3A_219 = tpu.memref_slice %arg3[%add3A_56, %dma_wait3A_217, %dma_wait3A_218] : memref<2529x2x128xi32, #tpu.memory_space<hbm>> -> memref<1x2x128xi32, #tpu.memory_space<hbm>>
      %dma_wait3A_220 = tpu.memref_squeeze %dma_wait3A_219 : memref<1x2x128xi32, #tpu.memory_space<hbm>> -> memref<2x128xi32, #tpu.memory_space<hbm>>
      tpu.wait_dma2 semaphore(%arg10 : memref<!tpu.dma_semaphore, #tpu.memory_space<semaphore_mem>>) src(%dma_wait3A_220 : memref<2x128xi32, #tpu.memory_space<hbm>>) dst(%dma_wait3A_216 : memref<2x128xi32, #tpu.memory_space<vmem>>)
      %while3A_221 = arith.constant 0 : i32
      scf.yield %while3A_221 : i32
    }
    %barrier3A_84 = arith.constant 0 : index
    tpu.barrier barrier_id(%barrier3A_84)
    %mul3A_85 = arith.constant 640 : i32
    %mul3A_86 = arith.muli %arg1, %mul3A_85 : i32
    %mul3A_87 = arith.constant 640 : i32
    %mul3A_88 = arith.muli %arg1, %mul3A_87 : i32
    "tpu.region"() ({
      %run_scoped3A_89 = tpu.sem_alloc : memref<!tpu.dma_semaphore, #tpu.memory_space<semaphore_mem>>
      %dma_start3A = arith.constant 0 : i32
      %dma_start3A_90 = tpu.memref_slice %arg4[%arg0, %mul3A_88, %dma_start3A] : memref<2x10240x128xf32, #tpu.memory_space<hbm>> -> memref<1x640x128xf32, #tpu.memory_space<hbm>>
      %dma_start3A_91 = tpu.memref_squeeze %dma_start3A_90 : memref<1x640x128xf32, #tpu.memory_space<hbm>> -> memref<640x128xf32, #tpu.memory_space<hbm>>
      %dma_start3A_92 = arith.constant 0 : i32
      %dma_start3A_93 = tpu.memref_slice %arg8[%mul3A_86, %dma_start3A_92] : memref<10240x128xf32, #tpu.memory_space<vmem_shared>> -> memref<640x128xf32, #tpu.memory_space<vmem_shared>>
      tpu.enqueue_dma source(%dma_start3A_93 : memref<640x128xf32, #tpu.memory_space<vmem_shared>>) target(%dma_start3A_91 : memref<640x128xf32, #tpu.memory_space<hbm>>) target_semaphore(%run_scoped3A_89 : memref<!tpu.dma_semaphore, #tpu.memory_space<semaphore_mem>>)
      %dma_wait3A = arith.constant 0 : i32
      %dma_wait3A_94 = tpu.memref_slice %arg4[%arg0, %mul3A_88, %dma_wait3A] : memref<2x10240x128xf32, #tpu.memory_space<hbm>> -> memref<1x640x128xf32, #tpu.memory_space<hbm>>
      %dma_wait3A_95 = tpu.memref_squeeze %dma_wait3A_94 : memref<1x640x128xf32, #tpu.memory_space<hbm>> -> memref<640x128xf32, #tpu.memory_space<hbm>>
      %dma_wait3A_96 = arith.constant 0 : i32
      %dma_wait3A_97 = tpu.memref_slice %arg8[%mul3A_86, %dma_wait3A_96] : memref<10240x128xf32, #tpu.memory_space<vmem_shared>> -> memref<640x128xf32, #tpu.memory_space<vmem_shared>>
      tpu.wait_dma2 semaphore(%run_scoped3A_89 : memref<!tpu.dma_semaphore, #tpu.memory_space<semaphore_mem>>) src(%dma_wait3A_97 : memref<640x128xf32, #tpu.memory_space<vmem_shared>>) dst(%dma_wait3A_95 : memref<640x128xf32, #tpu.memory_space<hbm>>)
      tpu.yield
    }) : () -> ()
    return
  }
}

module attributes {stable_mosaic.version = 14 : i64} {
  func.func @_tc_first_body(%arg0: i32, %arg1: memref<1000x128xf32, #tpu.memory_space<vmem>>, %arg2: memref<128x128xf32, #tpu.memory_space<vmem>>, %arg3: memref<2x1000x1xf32, #tpu.memory_space<vmem>>, %arg4: memref<1000x128xf32, #tpu.memory_space<vmem>>, %arg5: memref<1000x1xf32, #tpu.memory_space<vmem>>) attributes {dimension_semantics = [#tpu.dimension_semantics<arbitrary>], iteration_bounds = array<i64: 10>, scalar_prefetch = 0 : i64, scratch_operands = 0 : i64, tpu.core_type = #tpu.core_type<tc>, window_params = [{transform_indices = @transform_0, window_bounds = array<i64: 1000, 128>}, {pipeline_mode = #tpu.pipeline_mode<synchronous>, transform_indices = @transform_1, window_bounds = array<i64: 128, 128>}, {transform_indices = @transform_2, window_bounds = array<i64: 2, 1000, 1>}, {transform_indices = @transform_3, window_bounds = array<i64: 1000, 128>}, {transform_indices = @transform_4, window_bounds = array<i64: 1000, 1>}]} {
    %get3A = arith.constant 0 : index
    %get3A_0 = arith.constant 0 : index
    %get3A_1 = arith.constant 0 : index
    %get3A_2 = vector.load %arg3[%get3A, %get3A_0, %get3A_1] : memref<2x1000x1xf32, #tpu.memory_space<vmem>>, vector<1x1000x1xf32>
    %get3A_3 = vector.shape_cast %get3A_2 : vector<1x1000x1xf32> to vector<1000x1xf32>
    %add3A = arith.constant 1.000000e+00 : f32
    %add3A_4 = vector.broadcast %add3A : f32 to vector<1000x1xf32>
    %add3A_5 = arith.addf %add3A_4, %get3A_3 : vector<1000x1xf32>
    %get3A_6 = arith.constant 1 : index
    %get3A_7 = arith.constant 0 : index
    %get3A_8 = arith.constant 0 : index
    %get3A_9 = vector.load %arg3[%get3A_6, %get3A_7, %get3A_8] : memref<2x1000x1xf32, #tpu.memory_space<vmem>>, vector<1x1000x1xf32>
    %get3A_10 = vector.shape_cast %get3A_9 : vector<1x1000x1xf32> to vector<1000x1xf32>
    %add3A_11 = arith.addf %add3A_5, %get3A_10 : vector<1000x1xf32>
    %rsqrt3A = math.rsqrt %add3A_11 : vector<1000x1xf32>
    %get3A_12 = arith.constant 0 : index
    %get3A_13 = arith.constant 0 : index
    %get3A_14 = vector.load %arg1[%get3A_12, %get3A_13] : memref<1000x128xf32, #tpu.memory_space<vmem>>, vector<1000x128xf32>
    %get3A_15 = arith.constant 0 : index
    %get3A_16 = arith.constant 0 : index
    %get3A_17 = vector.load %arg2[%get3A_15, %get3A_16] : memref<128x128xf32, #tpu.memory_space<vmem>>, vector<128x128xf32>
    %dot_general3A = arith.constant dense<0.000000e+00> : vector<1000x128xf32>
    %dot_general3A_18 = tpu.matmul %get3A_14, %get3A_17, %dot_general3A {dimension_numbers = #tpu.dot_dimension_numbers<[1], [0], [0], [1], [0, 0, 1, 1], [], []>, transpose_lhs_hint = false} : vector<1000x128xf32>, vector<128x128xf32>, vector<1000x128xf32> -> vector<1000x128xf32>
    %mul3A = vector.broadcast %rsqrt3A : vector<1000x1xf32> to vector<1000x128xf32>
    %mul3A_19 = arith.mulf %dot_general3A_18, %mul3A : vector<1000x128xf32>
    %swap3A = arith.constant 0 : index
    %swap3A_20 = arith.constant 0 : index
    %swap3A_21 = vector.load %arg4[%swap3A, %swap3A_20] : memref<1000x128xf32, #tpu.memory_space<vmem>>, vector<1000x128xf32>
    tpu.vector_store %arg4[%swap3A, %swap3A_20], %mul3A_19 {strides = array<i32>} : memref<1000x128xf32, #tpu.memory_space<vmem>>, vector<1000x128xf32>,
    %swap3A_22 = arith.constant 0 : index
    %swap3A_23 = arith.constant 0 : index
    %swap3A_24 = vector.load %arg5[%swap3A_22, %swap3A_23] : memref<1000x1xf32, #tpu.memory_space<vmem>>, vector<1000x1xf32>
    tpu.vector_store %arg5[%swap3A_22, %swap3A_23], %rsqrt3A {strides = array<i32>} : memref<1000x1xf32, #tpu.memory_space<vmem>>, vector<1000x1xf32>,
    return
  }
  func.func @transform_0(%arg0: i32) -> (i32, i32) {
    %c0_i32 = arith.constant 0 : i32
    %c0_i32_0 = arith.constant 0 : i32
    return %arg0, %c0_i32 : i32, i32
  }
  func.func @transform_1(%arg0: i32) -> (i32, i32) {
    %c0_i32 = arith.constant 0 : i32
    %c0_i32_0 = arith.constant 0 : i32
    %c0_i32_1 = arith.constant 0 : i32
    return %c0_i32, %c0_i32_0 : i32, i32
  }
  func.func @transform_2(%arg0: i32) -> (i32, i32, i32) {
    %c0_i32 = arith.constant 0 : i32
    %c0_i32_0 = arith.constant 0 : i32
    %c0_i32_1 = arith.constant 0 : i32
    return %c0_i32, %arg0, %c0_i32_0 : i32, i32, i32
  }
  func.func @transform_3(%arg0: i32) -> (i32, i32) {
    %c0_i32 = arith.constant 0 : i32
    %c0_i32_0 = arith.constant 0 : i32
    return %arg0, %c0_i32 : i32, i32
  }
  func.func @transform_4(%arg0: i32) -> (i32, i32) {
    %c0_i32 = arith.constant 0 : i32
    %c0_i32_0 = arith.constant 0 : i32
    return %arg0, %c0_i32 : i32, i32
  }
}

module attributes {stable_mosaic.version = 14 : i64} {
  func.func @_tc_layer_body(%arg0: i32, %arg1: memref<2x1000x128xf32, #tpu.memory_space<vmem>>, %arg2: memref<1000x128xf32, #tpu.memory_space<vmem>>, %arg3: memref<1000x1xf32, #tpu.memory_space<vmem>>, %arg4: memref<1x128xf32, #tpu.memory_space<vmem>>, %arg5: memref<128x128xf32, #tpu.memory_space<vmem>>, %arg6: memref<1000x128xf32, #tpu.memory_space<vmem>>) attributes {dimension_semantics = [#tpu.dimension_semantics<arbitrary>], iteration_bounds = array<i64: 10>, scalar_prefetch = 0 : i64, scratch_operands = 0 : i64, tpu.core_type = #tpu.core_type<tc>, window_params = [{transform_indices = @transform_0, window_bounds = array<i64: 2, 1000, 128>}, {transform_indices = @transform_1, window_bounds = array<i64: 1000, 128>}, {transform_indices = @transform_2, window_bounds = array<i64: 1000, 1>}, {pipeline_mode = #tpu.pipeline_mode<synchronous>, transform_indices = @transform_3, window_bounds = array<i64: 1, 128>}, {pipeline_mode = #tpu.pipeline_mode<synchronous>, transform_indices = @transform_4, window_bounds = array<i64: 128, 128>}, {transform_indices = @transform_5, window_bounds = array<i64: 1000, 128>}]} {
    %get3A = arith.constant 0 : index
    %get3A_0 = arith.constant 0 : index
    %get3A_1 = vector.load %arg3[%get3A, %get3A_0] : memref<1000x1xf32, #tpu.memory_space<vmem>>, vector<1000x1xf32>
    %get3A_2 = arith.constant 0 : index
    %get3A_3 = arith.constant 0 : index
    %get3A_4 = arith.constant 0 : index
    %get3A_5 = vector.load %arg1[%get3A_2, %get3A_3, %get3A_4] : memref<2x1000x128xf32, #tpu.memory_space<vmem>>, vector<1x1000x128xf32>
    %get3A_6 = vector.shape_cast %get3A_5 : vector<1x1000x128xf32> to vector<1000x128xf32>
    %get3A_7 = arith.constant 1 : index
    %get3A_8 = arith.constant 0 : index
    %get3A_9 = arith.constant 0 : index
    %get3A_10 = vector.load %arg1[%get3A_7, %get3A_8, %get3A_9] : memref<2x1000x128xf32, #tpu.memory_space<vmem>>, vector<1x1000x128xf32>
    %get3A_11 = vector.shape_cast %get3A_10 : vector<1x1000x128xf32> to vector<1000x128xf32>
    %add3A = arith.addf %get3A_6, %get3A_11 : vector<1000x128xf32>
    %get3A_12 = arith.constant 0 : index
    %get3A_13 = arith.constant 0 : index
    %get3A_14 = vector.load %arg2[%get3A_12, %get3A_13] : memref<1000x128xf32, #tpu.memory_space<vmem>>, vector<1000x128xf32>
    %add3A_15 = arith.addf %add3A, %get3A_14 : vector<1000x128xf32>
    %mul3A = vector.broadcast %get3A_1 : vector<1000x1xf32> to vector<1000x128xf32>
    %mul3A_16 = arith.mulf %add3A_15, %mul3A : vector<1000x128xf32>
    %get3A_17 = arith.constant 0 : index
    %get3A_18 = arith.constant 0 : index
    %get3A_19 = vector.load %arg4[%get3A_17, %get3A_18] : memref<1x128xf32, #tpu.memory_space<vmem>>, vector<1x128xf32>
    %add3A_20 = vector.broadcast %get3A_19 : vector<1x128xf32> to vector<1000x128xf32>
    %add3A_21 = arith.addf %mul3A_16, %add3A_20 : vector<1000x128xf32>
    %max3A = arith.constant 0.000000e+00 : f32
    %max3A_22 = vector.broadcast %max3A : f32 to vector<1000x128xf32>
    %max3A_23 = arith.maximumf %add3A_21, %max3A_22 : vector<1000x128xf32>
    %get3A_24 = arith.constant 0 : index
    %get3A_25 = arith.constant 0 : index
    %get3A_26 = vector.load %arg5[%get3A_24, %get3A_25] : memref<128x128xf32, #tpu.memory_space<vmem>>, vector<128x128xf32>
    %dot_general3A = arith.constant dense<0.000000e+00> : vector<1000x128xf32>
    %dot_general3A_27 = tpu.matmul %max3A_23, %get3A_26, %dot_general3A {dimension_numbers = #tpu.dot_dimension_numbers<[1], [0], [0], [1], [0, 0, 1, 1], [], []>, transpose_lhs_hint = false} : vector<1000x128xf32>, vector<128x128xf32>, vector<1000x128xf32> -> vector<1000x128xf32>
    %mul3A_28 = vector.broadcast %get3A_1 : vector<1000x1xf32> to vector<1000x128xf32>
    %mul3A_29 = arith.mulf %mul3A_28, %dot_general3A_27 : vector<1000x128xf32>
    %swap3A = arith.constant 0 : index
    %swap3A_30 = arith.constant 0 : index
    %swap3A_31 = vector.load %arg6[%swap3A, %swap3A_30] : memref<1000x128xf32, #tpu.memory_space<vmem>>, vector<1000x128xf32>
    tpu.vector_store %arg6[%swap3A, %swap3A_30], %mul3A_29 {strides = array<i32>} : memref<1000x128xf32, #tpu.memory_space<vmem>>, vector<1000x128xf32>,
    return
  }
  func.func @transform_0(%arg0: i32) -> (i32, i32, i32) {
    %c0_i32 = arith.constant 0 : i32
    %c0_i32_0 = arith.constant 0 : i32
    %c0_i32_1 = arith.constant 0 : i32
    return %c0_i32, %arg0, %c0_i32_0 : i32, i32, i32
  }
  func.func @transform_1(%arg0: i32) -> (i32, i32) {
    %c0_i32 = arith.constant 0 : i32
    %c0_i32_0 = arith.constant 0 : i32
    return %arg0, %c0_i32 : i32, i32
  }
  func.func @transform_2(%arg0: i32) -> (i32, i32) {
    %c0_i32 = arith.constant 0 : i32
    %c0_i32_0 = arith.constant 0 : i32
    return %arg0, %c0_i32 : i32, i32
  }
  func.func @transform_3(%arg0: i32) -> (i32, i32) {
    %c0_i32 = arith.constant 0 : i32
    %c0_i32_0 = arith.constant 0 : i32
    %c0_i32_1 = arith.constant 0 : i32
    return %c0_i32, %c0_i32_0 : i32, i32
  }
  func.func @transform_4(%arg0: i32) -> (i32, i32) {
    %c0_i32 = arith.constant 0 : i32
    %c0_i32_0 = arith.constant 0 : i32
    %c0_i32_1 = arith.constant 0 : i32
    return %c0_i32, %c0_i32_0 : i32, i32
  }
  func.func @transform_5(%arg0: i32) -> (i32, i32) {
    %c0_i32 = arith.constant 0 : i32
    %c0_i32_0 = arith.constant 0 : i32
    return %arg0, %c0_i32 : i32, i32
  }
}

module attributes {stable_mosaic.version = 14 : i64} {
  func.func @_tc_head_body(%arg0: i32, %arg1: memref<2x1000x128xf32, #tpu.memory_space<vmem>>, %arg2: memref<1000x128xf32, #tpu.memory_space<vmem>>, %arg3: memref<1000x1xf32, #tpu.memory_space<vmem>>, %arg4: memref<1x128xf32, #tpu.memory_space<vmem>>, %arg5: memref<128x128xf32, #tpu.memory_space<vmem>>, %arg6: memref<1x128xf32, #tpu.memory_space<vmem>>, %arg7: memref<128x128xf32, #tpu.memory_space<vmem>>, %arg8: memref<1x128xf32, #tpu.memory_space<vmem>>, %arg9: memref<1000x128xf32, #tpu.memory_space<vmem>>) attributes {dimension_semantics = [#tpu.dimension_semantics<arbitrary>], iteration_bounds = array<i64: 10>, scalar_prefetch = 0 : i64, scratch_operands = 0 : i64, tpu.core_type = #tpu.core_type<tc>, window_params = [{transform_indices = @transform_0, window_bounds = array<i64: 2, 1000, 128>}, {transform_indices = @transform_1, window_bounds = array<i64: 1000, 128>}, {transform_indices = @transform_2, window_bounds = array<i64: 1000, 1>}, {pipeline_mode = #tpu.pipeline_mode<synchronous>, transform_indices = @transform_3, window_bounds = array<i64: 1, 128>}, {pipeline_mode = #tpu.pipeline_mode<synchronous>, transform_indices = @transform_4, window_bounds = array<i64: 128, 128>}, {pipeline_mode = #tpu.pipeline_mode<synchronous>, transform_indices = @transform_5, window_bounds = array<i64: 1, 128>}, {pipeline_mode = #tpu.pipeline_mode<synchronous>, transform_indices = @transform_6, window_bounds = array<i64: 128, 128>}, {pipeline_mode = #tpu.pipeline_mode<synchronous>, transform_indices = @transform_7, window_bounds = array<i64: 1, 128>}, {transform_indices = @transform_8, window_bounds = array<i64: 1000, 128>}]} {
    %get3A = arith.constant 0 : index
    %get3A_0 = arith.constant 0 : index
    %get3A_1 = vector.load %arg3[%get3A, %get3A_0] : memref<1000x1xf32, #tpu.memory_space<vmem>>, vector<1000x1xf32>
    %get3A_2 = arith.constant 0 : index
    %get3A_3 = arith.constant 0 : index
    %get3A_4 = arith.constant 0 : index
    %get3A_5 = vector.load %arg1[%get3A_2, %get3A_3, %get3A_4] : memref<2x1000x128xf32, #tpu.memory_space<vmem>>, vector<1x1000x128xf32>
    %get3A_6 = vector.shape_cast %get3A_5 : vector<1x1000x128xf32> to vector<1000x128xf32>
    %get3A_7 = arith.constant 1 : index
    %get3A_8 = arith.constant 0 : index
    %get3A_9 = arith.constant 0 : index
    %get3A_10 = vector.load %arg1[%get3A_7, %get3A_8, %get3A_9] : memref<2x1000x128xf32, #tpu.memory_space<vmem>>, vector<1x1000x128xf32>
    %get3A_11 = vector.shape_cast %get3A_10 : vector<1x1000x128xf32> to vector<1000x128xf32>
    %add3A = arith.addf %get3A_6, %get3A_11 : vector<1000x128xf32>
    %get3A_12 = arith.constant 0 : index
    %get3A_13 = arith.constant 0 : index
    %get3A_14 = vector.load %arg2[%get3A_12, %get3A_13] : memref<1000x128xf32, #tpu.memory_space<vmem>>, vector<1000x128xf32>
    %add3A_15 = arith.addf %add3A, %get3A_14 : vector<1000x128xf32>
    %mul3A = vector.broadcast %get3A_1 : vector<1000x1xf32> to vector<1000x128xf32>
    %mul3A_16 = arith.mulf %add3A_15, %mul3A : vector<1000x128xf32>
    %get3A_17 = arith.constant 0 : index
    %get3A_18 = arith.constant 0 : index
    %get3A_19 = vector.load %arg4[%get3A_17, %get3A_18] : memref<1x128xf32, #tpu.memory_space<vmem>>, vector<1x128xf32>
    %add3A_20 = vector.broadcast %get3A_19 : vector<1x128xf32> to vector<1000x128xf32>
    %add3A_21 = arith.addf %mul3A_16, %add3A_20 : vector<1000x128xf32>
    %max3A = arith.constant 0.000000e+00 : f32
    %max3A_22 = vector.broadcast %max3A : f32 to vector<1000x128xf32>
    %max3A_23 = arith.maximumf %add3A_21, %max3A_22 : vector<1000x128xf32>
    %get3A_24 = arith.constant 0 : index
    %get3A_25 = arith.constant 0 : index
    %get3A_26 = vector.load %arg5[%get3A_24, %get3A_25] : memref<128x128xf32, #tpu.memory_space<vmem>>, vector<128x128xf32>
    %dot_general3A = arith.constant dense<0.000000e+00> : vector<1000x128xf32>
    %dot_general3A_27 = tpu.matmul %max3A_23, %get3A_26, %dot_general3A {dimension_numbers = #tpu.dot_dimension_numbers<[1], [0], [0], [1], [0, 0, 1, 1], [], []>, transpose_lhs_hint = false} : vector<1000x128xf32>, vector<128x128xf32>, vector<1000x128xf32> -> vector<1000x128xf32>
    %get3A_28 = arith.constant 0 : index
    %get3A_29 = arith.constant 0 : index
    %get3A_30 = vector.load %arg6[%get3A_28, %get3A_29] : memref<1x128xf32, #tpu.memory_space<vmem>>, vector<1x128xf32>
    %add3A_31 = vector.broadcast %get3A_30 : vector<1x128xf32> to vector<1000x128xf32>
    %add3A_32 = arith.addf %dot_general3A_27, %add3A_31 : vector<1000x128xf32>
    %max3A_33 = arith.constant 0.000000e+00 : f32
    %max3A_34 = vector.broadcast %max3A_33 : f32 to vector<1000x128xf32>
    %max3A_35 = arith.maximumf %add3A_32, %max3A_34 : vector<1000x128xf32>
    %get3A_36 = arith.constant 0 : index
    %get3A_37 = arith.constant 0 : index
    %get3A_38 = vector.load %arg7[%get3A_36, %get3A_37] : memref<128x128xf32, #tpu.memory_space<vmem>>, vector<128x128xf32>
    %dot_general3A_39 = arith.constant dense<0.000000e+00> : vector<1000x128xf32>
    %dot_general3A_40 = tpu.matmul %max3A_35, %get3A_38, %dot_general3A_39 {dimension_numbers = #tpu.dot_dimension_numbers<[1], [0], [0], [1], [0, 0, 1, 1], [], []>, transpose_lhs_hint = false} : vector<1000x128xf32>, vector<128x128xf32>, vector<1000x128xf32> -> vector<1000x128xf32>
    %get3A_41 = arith.constant 0 : index
    %get3A_42 = arith.constant 0 : index
    %get3A_43 = vector.load %arg8[%get3A_41, %get3A_42] : memref<1x128xf32, #tpu.memory_space<vmem>>, vector<1x128xf32>
    %add3A_44 = vector.broadcast %get3A_43 : vector<1x128xf32> to vector<1000x128xf32>
    %add3A_45 = arith.addf %dot_general3A_40, %add3A_44 : vector<1000x128xf32>
    %swap3A = arith.constant 0 : index
    %swap3A_46 = arith.constant 0 : index
    %swap3A_47 = vector.load %arg9[%swap3A, %swap3A_46] : memref<1000x128xf32, #tpu.memory_space<vmem>>, vector<1000x128xf32>
    tpu.vector_store %arg9[%swap3A, %swap3A_46], %add3A_45 {strides = array<i32>} : memref<1000x128xf32, #tpu.memory_space<vmem>>, vector<1000x128xf32>,
    return
  }
  func.func @transform_0(%arg0: i32) -> (i32, i32, i32) {
    %c0_i32 = arith.constant 0 : i32
    %c0_i32_0 = arith.constant 0 : i32
    %c0_i32_1 = arith.constant 0 : i32
    return %c0_i32, %arg0, %c0_i32_0 : i32, i32, i32
  }
  func.func @transform_1(%arg0: i32) -> (i32, i32) {
    %c0_i32 = arith.constant 0 : i32
    %c0_i32_0 = arith.constant 0 : i32
    return %arg0, %c0_i32 : i32, i32
  }
  func.func @transform_2(%arg0: i32) -> (i32, i32) {
    %c0_i32 = arith.constant 0 : i32
    %c0_i32_0 = arith.constant 0 : i32
    return %arg0, %c0_i32 : i32, i32
  }
  func.func @transform_3(%arg0: i32) -> (i32, i32) {
    %c0_i32 = arith.constant 0 : i32
    %c0_i32_0 = arith.constant 0 : i32
    %c0_i32_1 = arith.constant 0 : i32
    return %c0_i32, %c0_i32_0 : i32, i32
  }
  func.func @transform_4(%arg0: i32) -> (i32, i32) {
    %c0_i32 = arith.constant 0 : i32
    %c0_i32_0 = arith.constant 0 : i32
    %c0_i32_1 = arith.constant 0 : i32
    return %c0_i32, %c0_i32_0 : i32, i32
  }
  func.func @transform_5(%arg0: i32) -> (i32, i32) {
    %c0_i32 = arith.constant 0 : i32
    %c0_i32_0 = arith.constant 0 : i32
    %c0_i32_1 = arith.constant 0 : i32
    return %c0_i32, %c0_i32_0 : i32, i32
  }
  func.func @transform_6(%arg0: i32) -> (i32, i32) {
    %c0_i32 = arith.constant 0 : i32
    %c0_i32_0 = arith.constant 0 : i32
    %c0_i32_1 = arith.constant 0 : i32
    return %c0_i32, %c0_i32_0 : i32, i32
  }
  func.func @transform_7(%arg0: i32) -> (i32, i32) {
    %c0_i32 = arith.constant 0 : i32
    %c0_i32_0 = arith.constant 0 : i32
    %c0_i32_1 = arith.constant 0 : i32
    return %c0_i32, %c0_i32_0 : i32, i32
  }
  func.func @transform_8(%arg0: i32) -> (i32, i32) {
    %c0_i32 = arith.constant 0 : i32
    %c0_i32_0 = arith.constant 0 : i32
    return %arg0, %c0_i32 : i32, i32
  }
}

</mosaic_0001>

<sc_bundles>
// kernel: kernel.10.cloned.1.call-start
scs
__scs_entry_jumppad:
0x0: {  	(pc) =	sbr.rel $0x88, $3  }
0x1: {  	(tag) =	ssettag $0x0;
	lr =	simm.s32 $0x1  }
0x2: {  	[smem:$0x3F95] =	sst lr;
	_ =	strace $0xD0000000  }
0x3: {  	_ = 	snop  }
0x4: {  	_ = 	snop  }
0x5: {  	_ = 	snop  }
0x6: {  	_ = 	snop  }
0x7: {  	_ = 	snop  }
__scs_overlays_trampoline_lowered:
0x8: {  	[smem:$0x3FA4] =	sst s0  }
0x9: {  	[smem:$0x3FA5] =	sst s1  }
0xa: {  	[smem:$0x3FA6] =	sst s2  }
0xb: {  	[smem:$0x3FA7] =	sst s3  }
0xc: {  	[smem:$0x3FA8] =	sst s4  }
0xd: {  	[smem:$0x3FA9] =	sst s5  }
0xe: {  	[smem:$0x3FAA] =	sst s6  }
0xf: {  	[smem:$0x3FAB] =	sst s7  }
0x10: {  	[smem:$0x3FAC] =	sst s8  }
0x11: {  	[smem:$0x3FAD] =	sst s9;
	s0 =	simm.s32 @!p0 $0x0  }
0x12: {  	s1 =	sld [smem:$0x3F93];
	s0 =	simm.s32 @p0 $0x1  }
0x13: {  	[smem:$0x3FAE] =	sst s0;
	s0 =	simm.s32 @!p1 $0x0  }
0x14: {  	s2 =	sld [smem:$0x3F92];
	s0 =	simm.s32 @p1 $0x1  }
0x15: {  	[smem:$0x3FAF] =	sst s0;
	s0 =	simm.s32 @!p2 $0x0  }
0x16: {  	s3 =	sld [smem:$0x3FDB];
	s0 =	simm.s32 @p2 $0x1  }
0x17: {  	s4 =	simm.s32 $0x1BF5;
	[smem:$0x3FB1] =	sst s0  }
0x18: {  	s0 =	sld [smem:$0x3F94];
	_ =	swait.ge [sflag:s4], $0x0  }
0x19: {  	s7 =	sld [smem:$0x3F95]  }
0x1a: {  	s8 =	sadd.s32 $0xFFFFE003, lr  }
0x1b: {  	s9 =	sadd.s32 $0xFFFFFEF7, lr;
	s5 =	simm.s32 $0xFFFFFFFF;
	p2 =	slt.u32 s8, $0xFFFFF086  }
0x1c: {  	p1 =	slt.u32 s9, $0xF7A;
	s5 =	simm.s32 @!p2 $0x0  }
0x1d: {  	s5 =	simm.s32 @p1 $0x1;
	p0 =	seq.s32 s7, s2  }
0x1e: {  	s7 =	smul.u32 @!p0 $0xF7A, s2;
	p2 =	seq.s32 @!p0 s5, $0x0  }
0x1f: {  	s9 =	smul.u32 $0xF7A, s1;
	s8 =	simm.s32 @!p0 $0x1BF5;
	p2 =	por !p2, p0  }
0x20: {  	[sflag:s8] =	ssyncset.s32 @!p0 $0xFFFFF086;
	s6 =	sadd.s32 @!p0 s3, s7;
	s7 =	simm.s32 @!p0 $0x108  }
0x21: {  	s3 =	sadd.s32 s3, s9;
	s6 =	sadd.s32 @!p0 $0x88, s6;
	s7 =	simm.s32 @p2 $0x1082  }
0x22: {  	[simem:s7], [sflag:s8] =	dma.local @!p0 [hbm:s6], $0xF7A  }
0x23: {  	s9 =	sor.u32 $0xD0000000, s2;
	s6 =	simm.s32 $0x108;
	_ =	swait.ge @!p0 [sflag:s8], $0x0  }
0x24: {  	s3 =	sadd.s32 $0x88, s3;
	s6 =	simm.s32 @!p1 $0x1082;
	[sflag:s4] =	ssyncset.s32 $0xFFFFF086  }
0x25: {  	[simem:s6], [sflag:s4] =	dma.local [hbm:s3], $0xF7A  }
0x26: {  	[smem:$0x3F95] =	sst s1;
	(tag) =	ssettag s2;
	_ =	strace s9  }
0x27: {  	s1 =	sld [smem:$0x3FA5]  }
0x28: {  	s2 =	sld [smem:$0x3FA6]  }
0x29: {  	s4 =	sld [smem:$0x3FA8]  }
0x2a: {  	p0 =	seq.s32 s5, $0x0;
	s5 =	sld [smem:$0x3FA9]  }
0x2b: {  	s6 =	sld [smem:$0x3FAA]  }
0x2c: {  	s7 =	sld [smem:$0x3FAB]  }
0x2d: {  	s3 =	simm.s32 $0x108;
	s8 =	sld [smem:$0x3FAC]  }
0x2e: {  	s3 =	simm.s32 @!p0 $0x1082;
	s9 =	sld [smem:$0x3FAD]  }
0x2f: {  	lr =	sadd.s32 s0, s3;
	s0 =	sld [smem:$0x3FA4]  }
0x30: {  	s3 =	sld [smem:$0x3FA7]  }
0x31: {  	[smem:$0x3FB0] =	sst s10  }
0x32: {  	s10 =	sld [smem:$0x3FAE];
	_ =	sdelay $0x3  }
0x33: {  	p0 =	seq.s32 s10, $0x1;
	s10 =	sld [smem:$0x3FB0];
	_ =	sdelay $0x3  }
0x34: {  	[smem:$0x3FB0] =	sst s10  }
0x35: {  	s10 =	sld [smem:$0x3FAF];
	_ =	sdelay $0x3  }
0x36: {  	p1 =	seq.s32 s10, $0x1;
	s10 =	sld [smem:$0x3FB0];
	_ =	sdelay $0x3  }
0x37: {  	[smem:$0x3FB0] =	sst s10  }
0x38: {  	s10 =	sld [smem:$0x3FB1]  }
0x39: {  	_ = 	snop;
	(pc) =	sbr.ind lr, $3  }
0x3a: {  	_ = 	snop  }
0x3b: {  	_ = 	snop  }
0x3c: {  	p2 =	seq.s32 s10, $0x1;
	s10 =	sld [smem:$0x3FB0]  }
0x3d: {  	_ =	shalt  }
0x3e: {  	_ =	shalt  }
0x3f: {  	_ =	shalt  }
0x40: {  	_ =	shalt  }
0x41: {  	_ =	shalt  }
0x42: {  	_ =	shalt  }
0x43: {  	_ =	shalt  }
0x44: {  	_ =	shalt  }
0x45: {  	_ =	shalt  }
0x46: {  	_ =	shalt  }
0x47: {  	_ =	shalt  }
0x48: {  	_ =	shalt  }
0x49: {  	_ =	shalt  }
0x4a: {  	_ =	shalt  }
0x4b: {  	_ =	shalt  }
0x4c: {  	_ =	shalt  }
0x4d: {  	_ =	shalt  }
0x4e: {  	_ =	shalt  }
0x4f: {  	_ =	shalt  }
0x50: {  	_ =	shalt  }
0x51: {  	_ =	shalt  }
0x52: {  	_ =	shalt  }
0x53: {  	_ =	shalt  }
0x54: {  	_ =	shalt  }
0x55: {  	_ =	shalt  }
0x56: {  	_ =	shalt  }
0x57: {  	_ =	shalt  }
0x58: {  	_ =	shalt  }
0x59: {  	_ =	shalt  }
0x5a: {  	_ =	shalt  }
0x5b: {  	_ =	shalt  }
0x5c: {  	_ =	shalt  }
0x5d: {  	_ =	shalt  }
0x5e: {  	_ =	shalt  }
0x5f: {  	_ =	shalt  }
0x60: {  	_ =	shalt  }
0x61: {  	_ =	shalt  }
0x62: {  	_ =	shalt  }
0x63: {  	_ =	shalt  }
0x64: {  	_ =	shalt  }
0x65: {  	_ =	shalt  }
0x66: {  	_ =	shalt  }
0x67: {  	_ =	shalt  }
0x68: {  	_ =	shalt  }
0x69: {  	_ =	shalt  }
0x6a: {  	_ =	shalt  }
0x6b: {  	_ =	shalt  }
0x6c: {  	_ =	shalt  }
0x6d: {  	_ =	shalt  }
0x6e: {  	_ =	shalt  }
0x6f: {  	_ =	shalt  }
0x70: {  	_ =	shalt  }
0x71: {  	_ =	shalt  }
0x72: {  	_ =	shalt  }
0x73: {  	_ =	shalt  }
0x74: {  	_ =	shalt  }
0x75: {  	_ =	shalt  }
0x76: {  	_ =	shalt  }
0x77: {  	_ =	shalt  }
0x78: {  	_ =	shalt  }
0x79: {  	_ =	shalt  }
0x7a: {  	_ =	shalt  }
0x7b: {  	_ =	shalt  }
0x7c: {  	_ =	shalt  }
0x7d: {  	_ =	shalt  }
0x7e: {  	_ =	shalt  }
0x7f: {  	_ =	shalt  }
0x80: {  	_ =	shalt  }
0x81: {  	_ =	shalt  }
0x82: {  	_ =	shalt  }
0x83: {  	_ =	shalt  }
0x84: {  	_ =	shalt  }
0x85: {  	_ =	shalt  }
0x86: {  	_ =	shalt  }
0x87: {  	_ =	shalt  }
.Lfunc_end0:
.L_simem_size_0:
called_computation_lowered:
.L_overlay_start_0:
0x88: {  	s2 =	sld [smem:$0x3FD9]  }
0x89: {  	s3 =	sld [smem:$0x3FFE];
	_ =	sdelay $0x1  }
0x8a: {  	s1 =	srdreg.scid  }
0x8b: {  	s0 =	sand.u32 $0x1, s1  }
0x8c: {  	s17 =	sshll.u32 s0, $0xA;
	s2 =	sadd.s32 s3, s2  }
0x8d: {  	s2 =	sadd.s32 s2, s17  }
0x8e: {  	[smem:$0x3FBC] =	sst s2  }
0x8f: {  	_ = 	snop  }
0x90: {  	s2 =	sld [smem:$0x3FD0];
	(tm) =	ssettm $0x1  }
0x91: {  	s18 =	sld [smem:$0x3FFB];
	_ =	sdelay $0x3  }
0x92: {  	_ =	strace s18  }
0x93: {  	s3 =	sld [smem:$0x3FFC];
	_ =	sdelay $0x3  }
0x94: {  	_ =	strace s3  }
0x95: {  	s3 =	sld [smem:$0x3FFD];
	_ =	sdelay $0x3  }
0x96: {  	_ =	strace s3  }
0x97: {  	_ =	strace $0x8FFFFFFF  }
0x98: {  	s19 =	sld [smem:$0x3FDB];
	_ =	sdelay $0x1  }
0x99: {  	s4 =	simm.s32 $_scs_section_size  }
0x9a: {  	s5 =	simm.s32 $_size__tile_overlayer_lowered;
	s6 =	simm.s32 $_tile_overlayer_lowered  }
0x9b: {  	s22 =	simm.s32 $0x1BFF;
	s21 =	sshll.u32 s6, $0x1;
	s3 =	sadd.s32 s4, s19  }
0x9c: {  	s7 =	simm.s32 $0x0;
	s20 =	sshll.u32 s5, $0x1;
	s5 =	sadd.s32 s21, s3  }
0x9d: {  	[timem:s7], [sflag:s22] =	dma.local [hbm:s5], s20  }
0x9e: {  	_ =	swait.ge [sflag:s22], s20  }
0x9f: {  	s4 =	ssub.s32 $0x0, s20;
	[sflag:s22] =	ssyncset.done $0x0  }
0xa0: {  	[sflag:s22] =	ssyncadd.s32 s4;
	_ =	sdelay $0x1  }
0xa1: {  	s23 =	simm.s32 $0x1B8B  }
0xa2: {  	_ =	swait.ge [sflag:s23], $0x1  }
0xa3: {  	[sflag:s23] =	ssyncset.done $0x0  }
0xa4: {  	s25 =	simm.s32 $0x1B8E;
	s24 =	sld [smem:$0x3FFE];
	[sflag:s23] =	ssyncadd.s32 $0xFFFFFFFF  }
0xa5: {  	s26 =	simm.s32 $execute0_lowered;
	[smem:$0x3FD2] =	sst s25  }
0xa6: {  	s5 =	sshll.u32 s26, $0x1;
	_ =	strace $0x80000046;
	[dreg:$0x1] =	wrdreg $0xFFFFFFFF  }
0xa7: {  	s28 =	simm.s32 $_size_execute0_lowered;
	s3 =	sadd.s32 s3, s5;
	[dreg:$0x0] =	wrdreg $0x0  }
0xa8: {  	s5 =	sshll.u32 s28, $0x1;
	[dreg:$0x2] =	wrdreg s3  }
0xa9: {  	[dreg:$0x3] =	wrdreg s5  }
0xaa: {  	[dreg:$0x4] =	wrdreg $0xC0  }
0xab: {  	_ =	task [dreg:s7], $0x5FFFF  }
0xac: {  	[dreg:$0x1] =	wrdreg $0xFFFFFFFF  }
0xad: {  	[dreg:$0x0] =	wrdreg $0x60  }
0xae: {  	[dreg:$0x2] =	wrdreg s2  }
0xaf: {  	[dreg:$0x3] =	wrdreg s24  }
0xb0: {  	[dreg:$0x4] =	wrdreg $0x3800  }
0xb1: {  	[dreg:$0x5] =	wrdreg $0x9  }
0xb2: {  	_ =	task.clear_ibuf [dreg:s7], $0x6FFFF;
	_ =	strace $0x90000046  }
0xb3: {  	s29 =	simm.s32 $0x9;
	_ =	strace $0x80000048  }
0xb4: {  	_ =	swait.ge [sflag:s29], $0x1  }
0xb5: {  	[sflag:s29] =	ssyncadd.s32 $0xFFFFFFFF  }
0xb6: {  	_ =	strace $0x90000048  }
0xb7: {  	_ =	sfence  }
0xb8: {  	s30 =	sld [smem:$0x0];
	_ =	sdelay $0x2  }
0xb9: {  	s31 =	sshll.u32 s1, $0xD;
	s1 =	sshrl.u32 s1, $0x2  }
0xba: {  	s3 =	sand.u32 $0x4000, s31;
	s1 =	sadd.s32 s1, s30  }
0xbb: {  	s0 =	sor.u32 s3, s0;
	s1 =	sshll.u32 s1, $0x11  }
0xbc: {  	s0 =	sor.u32 s1, s0  }
0xbd: {  	s0 =	sadd.s32 $0x8F2B, s0  }
0xbe: {  	[sflag:s0] =	ssyncadd.remote.s32 $0x1  }
0xbf: {  	_ =	sfence.sel $0xFFFF  }
0xc0: {  	[dreg:$0x0] =	wrdreg $0xFFFFFFFF;
	(pc) =	sbr.abs _section_cstart, $3  }
0xc1: {  	[dreg:$0x1] =	wrdreg $0xFFFFFFFF  }
0xc2: {  	_ =	task.clear_ibuf [dreg:s7], $0x2FFFF;
	_ =	strace $0x9FFFFFFF  }
0xc3: {  	(tm) =	ssettm $0x7FFFFFFF  }
tec
execute0_lowered:
.L_overlay_start_1:
0x0: {  	(tag) =	ssettag $0x1  }
0x1: {  	s5 =	rddreg [dreg:$0x0]  }
0x2: {  	s4 =	rddreg [dreg:$0x1];
	s1 =	srdreg.scid  }
0x3: {  	s0 =	stileid.u32;
	s2 =	rddreg [dreg:$0x2];
	s3 =	simm.s32 $0x0  }
0x4: {  	s13 =	simm.s32 $0x20;
	s14 =	simm.s32 $0x10;
	s7 =	smul.u32 $0x500, s0  }
0x5: {  	s6 =	sand.u32 $0x1, s1;
	s1 =	rddreg [dreg:$0x3];
	s29 =	smul.u32 $0xA00, s0  }
0x6: {  	s15 =	simm.s32 $0x0;
	[smem:$0x7FF] =	sst s3;
	s10 =	smul.u32 $0x4F0, s0  }
0x7: {  	s11 =	sshll.u32 s0, $0x6;
	s8 =	sshll.u32 s6, $0x7;
	_ =	strace $0x80000047  }
0x8: {  	s30 =	ssub.s32 $0x2, s6;
	s6 =	smul.u32 $0x4F00, s6;
	s11 =	sor.u32 $0x1C01, s11  }
0x9: {  	s7 =	sor.u32 s8, s7;
	s9 =	sshrl.u32 s30, $0x1;
	s8 =	sshrl.u32 s29, $0x2  }
0xa: {  	s7 =	sshrl.u32 s7, $0x3;
	s9 =	ssub.s32 s30, s9;
	s31 =	sadd.s32 s6, s5  }
0xb: {  	s7 =	sadd.s32 s7, s4;
	s4 =	sadd.s32 s8, s2;
	s6 =	smax.u32 s9, $0x1  }
0xc: {  	s8 =	simm.s32 $0x100;
	s9 =	simm.s32 $0x1;
	s5 =	sadd.s32 $0x3A00, s7  }
0xd: {  	v0 =	vimm.f32 $0.0e+00;
	v1 =	vimm.f32 $1.000000000e+00;
	s7 =	sadd.s32 s10, s31;
	s10 =	simm.s32 $0x80;
	s12 =	sshrl.u32 s4, $0x3  }
.LBB2_1:
0xe: {  	[tilespmem:$0x100] =	vst v0  }
0xf: {  	[tilespmem:$0x110] =	vst v0  }
0x10: {  	[tilespmem:$0x120] =	vst v0  }
0x11: {  	[tilespmem:$0x130] =	vst v0  }
0x12: {  	[tilespmem:$0x140] =	vst v0  }
0x13: {  	[tilespmem:$0x150] =	vst v0  }
0x14: {  	[tilespmem:$0x160] =	vst v0  }
0x15: {  	[tilespmem:$0x170] =	vst v0  }
0x16: {  	[tilespmem:$0x180] =	vst v0  }
0x17: {  	[tilespmem:$0x190] =	vst v0  }
0x18: {  	[tilespmem:$0x1A0] =	vst v0  }
0x19: {  	[tilespmem:$0x1B0] =	vst v0  }
0x1a: {  	[tilespmem:$0x1C0] =	vst v0  }
0x1b: {  	[tilespmem:$0x1D0] =	vst v0  }
0x1c: {  	[tilespmem:$0x1E0] =	vst v0  }
0x1d: {  	[tilespmem:$0x1F0] =	vst v0  }
0x1e: {  	[tilespmem:$0x200] =	vst v0  }
0x1f: {  	[tilespmem:$0x210] =	vst v0  }
0x20: {  	[tilespmem:$0x220] =	vst v0  }
0x21: {  	[tilespmem:$0x230] =	vst v0  }
0x22: {  	[tilespmem:$0x240] =	vst v0  }
0x23: {  	[tilespmem:$0x250] =	vst v0  }
0x24: {  	[tilespmem:$0x260] =	vst v0  }
0x25: {  	[tilespmem:$0x270] =	vst v0  }
0x26: {  	[tilespmem:$0x280] =	vst v0  }
0x27: {  	[tilespmem:$0x290] =	vst v0  }
0x28: {  	[tilespmem:$0x2A0] =	vst v0  }
0x29: {  	[tilespmem:$0x2B0] =	vst v0  }
0x2a: {  	[tilespmem:$0x2C0] =	vst v0  }
0x2b: {  	[tilespmem:$0x2D0] =	vst v0  }
0x2c: {  	[tilespmem:$0x2E0] =	vst v0  }
0x2d: {  	[tilespmem:$0x2F0] =	vst v0  }
0x2e: {  	[tilespmem:$0x300] =	vst v0  }
0x2f: {  	[tilespmem:$0x310] =	vst v0  }
0x30: {  	[tilespmem:$0x320] =	vst v0  }
0x31: {  	[tilespmem:$0x330] =	vst v0  }
0x32: {  	[tilespmem:$0x340] =	vst v0  }
0x33: {  	[tilespmem:$0x350] =	vst v0  }
0x34: {  	[tilespmem:$0x360] =	vst v0  }
0x35: {  	[tilespmem:$0x370] =	vst v0  }
0x36: {  	[tilespmem:$0x80] =	vst v1  }
0x37: {  	[tilespmem:$0x90] =	vst v1  }
0x38: {  	[tilespmem:$0xA0] =	vst v1  }
0x39: {  	[tilespmem:$0xB0] =	vst v1  }
0x3a: {  	[tilespmem:$0xC0] =	vst v1  }
0x3b: {  	[tilespmem:$0xD0] =	vst v1  }
0x3c: {  	[tilespmem:$0xE0] =	vst v1  }
0x3d: {  	[tilespmem:$0xF0] =	vst v1  }
0x3e: {  	[spmem:s4] =	stream.linear.scatter [tilespmem:s8], [sflag:$0x1], $0x280, $0x38;
	[tilespmem:$0x600] =	vst v63  }
0x3f: {  	_ =	swait.ge [sflag:s9], $0x280  }
0x40: {  	[sflag:s9] =	ssyncset.done $0x0  }
0x41: {  	[sflag:s9] =	ssyncadd.s32 $0xFFFFFD80  }
0x42: {  	s16 =	sadd.s32 $0x0, s7;
	[bflag:$0x0] =	sbarrier.arrive $0xFFFF  }
0x43: {  	[tilespmem:s3], [sflag:$0x1] =	stream.linear.gather [hbm4b:s16+s3], $0x80, $0x38;
	[tilespmem:$0x600] =	vst v63  }
0x44: {  	_ =	swait.ge [sflag:s9], $0x80  }
0x45: {  	[sflag:s9] =	ssyncset.done $0x0  }
0x46: {  	[sflag:s9] =	ssyncadd.s32 $0xFFFFFF80  }
0x47: {  	[spmem:s2] =	stream.indirect.scatter.add.f32 [tilespmem:s10], [sflag:$0x1], $0x1, s3, s10, $0xb8;
	[tilespmem:$0x600] =	vst v63  }
0x48: {  	_ =	swait.ge [sflag:s9], $0x80  }
0x49: {  	s17 =	simm.s32 $0x20;
	s16 =	simm.s32 $0x10;
	[sflag:s9] =	ssyncset.done $0x0  }
.LBB2_2:
0x4a: {  	s18 =	sadd.s32 s16, s7  }
0x4b: {  	[sflag:s9] =	ssyncadd.s32 $0xFFFFFF80;
	s16 =	smov.u32 s17;
	s19 =	sadd.s32 $0x10, s17  }
0x4c: {  	[tilespmem:s3], [sflag:$0x1] =	stream.linear.gather [hbm4b:s18+s3], $0x80, $0x38;
	[tilespmem:$0x600] =	vst v63  }
0x4d: {  	p0 =	sne.s32 s17, $0x4E0;
	_ =	swait.ge [sflag:s9], $0x80  }
.Ltmp0:
0x4e: {  	[sflag:s9] =	ssyncset.done $0x0;
	(pc) =	sbr.rel @p0 .LBB2_2-.Ltmp0, $4  }
0x4f: {  	[sflag:s9] =	ssyncadd.s32 $0xFFFFFF80  }
0x50: {  	[spmem:s2] =	stream.indirect.scatter.add.f32 [tilespmem:s10], [sflag:$0x1], $0x1, s3, s10, $0xb8;
	[tilespmem:$0x600] =	vst v63  }
0x51: {  	_ =	swait.ge [sflag:s9], $0x80  }
0x52: {  	s17 =	smov.u32 s19;
	[sflag:s9] =	ssyncset.done $0x0  }
0x53: {  	s16 =	sadd.s32 s16, s7;
	[sflag:s9] =	ssyncadd.s32 $0xFFFFFF80  }
0x54: {  	[tilespmem:s3], [sflag:$0x1] =	stream.linear.gather [hbm4b:s16+s3], $0x80, $0x38;
	[tilespmem:$0x600] =	vst v63  }
0x55: {  	_ =	swait.ge [sflag:s9], $0x80  }
0x56: {  	[sflag:s9] =	ssyncset.done $0x0  }
0x57: {  	[sflag:s9] =	ssyncadd.s32 $0xFFFFFF80  }
0x58: {  	[spmem:s2] =	stream.indirect.scatter.add.f32 [tilespmem:s10], [sflag:$0x1], $0x1, s3, s10, $0xb8;
	[tilespmem:$0x600] =	vst v63  }
0x59: {  	_ =	swait.ge [sflag:s9], $0x80  }
0x5a: {  	s15 =	sadd.s32 $0x1, s15;
	[sflag:s9] =	ssyncset.done $0x0  }
0x5b: {  	p0 =	sne.s32 s15, s6;
	[sflag:s9] =	ssyncadd.s32 $0xFFFFFF80  }
.Ltmp1:
0x5c: {  	[bflag:$0x0] =	sbarrier.arrive $0xFFFF;
	(pc) =	sbr.rel @p0 .LBB2_1-.Ltmp1, $4  }
0x5d: {  	[hbm:s5@s13], [sflag:s11] =	dma.strided [spmem:s12@s14], $0x50, s9, $0x10   }
0x5e: {  	_ =	swait.ge [sflag:s9], $0x50  }
0x5f: {  	[sflag:s9] =	ssyncset.done $0x0  }
0x60: {  	[sflag:s9] =	ssyncadd.s32 $0xFFFFFFB0  }
0x61: {  	_ =	sfence.sel $0x180000  }
0x62: {  	[bflag:$0x0] =	sbarrier.arrive $0xFFFF  }
0x63: {  	p0 =	sne.s32 s0, $0x0;
	_ =	strace $0x90000047  }
0x64: {  	s0 =	sadd.s32 @!p0 $0x100000, s1;
	[bflag:$0x2] =	sbarrier.arrive $0xFFFF  }
0x65: {  	[sflag:s0] =	ssyncadd.tile.s32 @!p0 $0x1;
	_ =	shalt  }
.Lfunc_end2:
_tile_overlayer_lowered:
.L_overlay_start_2:
0x66: {  	(tag) =	ssettag $0x2  }
0x67: {  	s0 =	rddreg [dreg:$0x0];
	s2 =	stileid.u32  }
0x68: {  	s1 =	rddreg [dreg:$0x1];
	p0 =	sne.s32 s2, $0x0  }
0x69: {  	s3 =	rddreg [dreg:$0x2];
	[bflag:$0x3] =	sbarrier.arrive $0xFFFF;
	s2 =	simm.s32 @!p0 $0x1C01  }
0x6a: {  	[timem:s3], [sflag:s2] =	dma.local @!p0 [hbm:s0], s1  }
0x6b: {  	s0 =	simm.s32 @!p0 $0x1  }
0x6c: {  	_ =	swait.ge @!p0 [sflag:s0], s1  }
0x6d: {  	s1 =	ssub.s32 @!p0 $0x0, s1;
	[sflag:s0] =	ssyncset.done @!p0 $0x0  }
0x6e: {  	[sflag:s0] =	ssyncadd.s32 @!p0 s1  }
0x6f: {  	[bflag:$0x3] =	sbarrier.arrive $0xFFFF  }
0x70: {  	_ =	shalt  }

// kernel: kernel.13.cloned.1.call-start
scs
__scs_entry_jumppad:
0x0: {  	(pc) =	sbr.rel $0x88, $3  }
0x1: {  	(tag) =	ssettag $0x0;
	lr =	simm.s32 $0x1  }
0x2: {  	[smem:$0x3F95] =	sst lr;
	_ =	strace $0xD0000000  }
0x3: {  	_ = 	snop  }
0x4: {  	_ = 	snop  }
0x5: {  	_ = 	snop  }
0x6: {  	_ = 	snop  }
0x7: {  	_ = 	snop  }
__scs_overlays_trampoline_lowered:
0x8: {  	[smem:$0x3FA4] =	sst s0  }
0x9: {  	[smem:$0x3FA5] =	sst s1  }
0xa: {  	[smem:$0x3FA6] =	sst s2  }
0xb: {  	[smem:$0x3FA7] =	sst s3  }
0xc: {  	[smem:$0x3FA8] =	sst s4  }
0xd: {  	[smem:$0x3FA9] =	sst s5  }
0xe: {  	[smem:$0x3FAA] =	sst s6  }
0xf: {  	[smem:$0x3FAB] =	sst s7  }
0x10: {  	[smem:$0x3FAC] =	sst s8  }
0x11: {  	[smem:$0x3FAD] =	sst s9;
	s0 =	simm.s32 @!p0 $0x0  }
0x12: {  	s1 =	sld [smem:$0x3F93];
	s0 =	simm.s32 @p0 $0x1  }
0x13: {  	[smem:$0x3FAE] =	sst s0;
	s0 =	simm.s32 @!p1 $0x0  }
0x14: {  	s2 =	sld [smem:$0x3F92];
	s0 =	simm.s32 @p1 $0x1  }
0x15: {  	[smem:$0x3FAF] =	sst s0;
	s0 =	simm.s32 @!p2 $0x0  }
0x16: {  	s3 =	sld [smem:$0x3FDB];
	s0 =	simm.s32 @p2 $0x1  }
0x17: {  	s4 =	simm.s32 $0x1BF5;
	[smem:$0x3FB1] =	sst s0  }
0x18: {  	s0 =	sld [smem:$0x3F94];
	_ =	swait.ge [sflag:s4], $0x0  }
0x19: {  	s7 =	sld [smem:$0x3F95]  }
0x1a: {  	s8 =	sadd.s32 $0xFFFFE003, lr  }
0x1b: {  	s9 =	sadd.s32 $0xFFFFFEF7, lr;
	s5 =	simm.s32 $0xFFFFFFFF;
	p2 =	slt.u32 s8, $0xFFFFF086  }
0x1c: {  	p1 =	slt.u32 s9, $0xF7A;
	s5 =	simm.s32 @!p2 $0x0  }
0x1d: {  	s5 =	simm.s32 @p1 $0x1;
	p0 =	seq.s32 s7, s2  }
0x1e: {  	s7 =	smul.u32 @!p0 $0xF7A, s2;
	p2 =	seq.s32 @!p0 s5, $0x0  }
0x1f: {  	s9 =	smul.u32 $0xF7A, s1;
	s8 =	simm.s32 @!p0 $0x1BF5;
	p2 =	por !p2, p0  }
0x20: {  	[sflag:s8] =	ssyncset.s32 @!p0 $0xFFFFF086;
	s6 =	sadd.s32 @!p0 s3, s7;
	s7 =	simm.s32 @!p0 $0x108  }
0x21: {  	s3 =	sadd.s32 s3, s9;
	s6 =	sadd.s32 @!p0 $0x88, s6;
	s7 =	simm.s32 @p2 $0x1082  }
0x22: {  	[simem:s7], [sflag:s8] =	dma.local @!p0 [hbm:s6], $0xF7A  }
0x23: {  	s9 =	sor.u32 $0xD0000000, s2;
	s6 =	simm.s32 $0x108;
	_ =	swait.ge @!p0 [sflag:s8], $0x0  }
0x24: {  	s3 =	sadd.s32 $0x88, s3;
	s6 =	simm.s32 @!p1 $0x1082;
	[sflag:s4] =	ssyncset.s32 $0xFFFFF086  }
0x25: {  	[simem:s6], [sflag:s4] =	dma.local [hbm:s3], $0xF7A  }
0x26: {  	[smem:$0x3F95] =	sst s1;
	(tag) =	ssettag s2;
	_ =	strace s9  }
0x27: {  	s1 =	sld [smem:$0x3FA5]  }
0x28: {  	s2 =	sld [smem:$0x3FA6]  }
0x29: {  	s4 =	sld [smem:$0x3FA8]  }
0x2a: {  	p0 =	seq.s32 s5, $0x0;
	s5 =	sld [smem:$0x3FA9]  }
0x2b: {  	s6 =	sld [smem:$0x3FAA]  }
0x2c: {  	s7 =	sld [smem:$0x3FAB]  }
0x2d: {  	s3 =	simm.s32 $0x108;
	s8 =	sld [smem:$0x3FAC]  }
0x2e: {  	s3 =	simm.s32 @!p0 $0x1082;
	s9 =	sld [smem:$0x3FAD]  }
0x2f: {  	lr =	sadd.s32 s0, s3;
	s0 =	sld [smem:$0x3FA4]  }
0x30: {  	s3 =	sld [smem:$0x3FA7]  }
0x31: {  	[smem:$0x3FB0] =	sst s10  }
0x32: {  	s10 =	sld [smem:$0x3FAE];
	_ =	sdelay $0x3  }
0x33: {  	p0 =	seq.s32 s10, $0x1;
	s10 =	sld [smem:$0x3FB0];
	_ =	sdelay $0x3  }
0x34: {  	[smem:$0x3FB0] =	sst s10  }
0x35: {  	s10 =	sld [smem:$0x3FAF];
	_ =	sdelay $0x3  }
0x36: {  	p1 =	seq.s32 s10, $0x1;
	s10 =	sld [smem:$0x3FB0];
	_ =	sdelay $0x3  }
0x37: {  	[smem:$0x3FB0] =	sst s10  }
0x38: {  	s10 =	sld [smem:$0x3FB1]  }
0x39: {  	_ = 	snop;
	(pc) =	sbr.ind lr, $3  }
0x3a: {  	_ = 	snop  }
0x3b: {  	_ = 	snop  }
0x3c: {  	p2 =	seq.s32 s10, $0x1;
	s10 =	sld [smem:$0x3FB0]  }
0x3d: {  	_ =	shalt  }
0x3e: {  	_ =	shalt  }
0x3f: {  	_ =	shalt  }
0x40: {  	_ =	shalt  }
0x41: {  	_ =	shalt  }
0x42: {  	_ =	shalt  }
0x43: {  	_ =	shalt  }
0x44: {  	_ =	shalt  }
0x45: {  	_ =	shalt  }
0x46: {  	_ =	shalt  }
0x47: {  	_ =	shalt  }
0x48: {  	_ =	shalt  }
0x49: {  	_ =	shalt  }
0x4a: {  	_ =	shalt  }
0x4b: {  	_ =	shalt  }
0x4c: {  	_ =	shalt  }
0x4d: {  	_ =	shalt  }
0x4e: {  	_ =	shalt  }
0x4f: {  	_ =	shalt  }
0x50: {  	_ =	shalt  }
0x51: {  	_ =	shalt  }
0x52: {  	_ =	shalt  }
0x53: {  	_ =	shalt  }
0x54: {  	_ =	shalt  }
0x55: {  	_ =	shalt  }
0x56: {  	_ =	shalt  }
0x57: {  	_ =	shalt  }
0x58: {  	_ =	shalt  }
0x59: {  	_ =	shalt  }
0x5a: {  	_ =	shalt  }
0x5b: {  	_ =	shalt  }
0x5c: {  	_ =	shalt  }
0x5d: {  	_ =	shalt  }
0x5e: {  	_ =	shalt  }
0x5f: {  	_ =	shalt  }
0x60: {  	_ =	shalt  }
0x61: {  	_ =	shalt  }
0x62: {  	_ =	shalt  }
0x63: {  	_ =	shalt  }
0x64: {  	_ =	shalt  }
0x65: {  	_ =	shalt  }
0x66: {  	_ =	shalt  }
0x67: {  	_ =	shalt  }
0x68: {  	_ =	shalt  }
0x69: {  	_ =	shalt  }
0x6a: {  	_ =	shalt  }
0x6b: {  	_ =	shalt  }
0x6c: {  	_ =	shalt  }
0x6d: {  	_ =	shalt  }
0x6e: {  	_ =	shalt  }
0x6f: {  	_ =	shalt  }
0x70: {  	_ =	shalt  }
0x71: {  	_ =	shalt  }
0x72: {  	_ =	shalt  }
0x73: {  	_ =	shalt  }
0x74: {  	_ =	shalt  }
0x75: {  	_ =	shalt  }
0x76: {  	_ =	shalt  }
0x77: {  	_ =	shalt  }
0x78: {  	_ =	shalt  }
0x79: {  	_ =	shalt  }
0x7a: {  	_ =	shalt  }
0x7b: {  	_ =	shalt  }
0x7c: {  	_ =	shalt  }
0x7d: {  	_ =	shalt  }
0x7e: {  	_ =	shalt  }
0x7f: {  	_ =	shalt  }
0x80: {  	_ =	shalt  }
0x81: {  	_ =	shalt  }
0x82: {  	_ =	shalt  }
0x83: {  	_ =	shalt  }
0x84: {  	_ =	shalt  }
0x85: {  	_ =	shalt  }
0x86: {  	_ =	shalt  }
0x87: {  	_ =	shalt  }
.Lfunc_end0:
.L_simem_size_0:
called_computation.1_lowered:
.L_overlay_start_0:
0x88: {  	s2 =	sld [smem:$0x3FD9]  }
0x89: {  	s3 =	sld [smem:$0x3FFE];
	_ =	sdelay $0x1  }
0x8a: {  	s1 =	srdreg.scid  }
0x8b: {  	s0 =	sand.u32 $0x1, s1  }
0x8c: {  	s16 =	sshll.u32 s0, $0xA;
	s2 =	sadd.s32 s3, s2  }
0x8d: {  	s2 =	sadd.s32 s2, s16  }
0x8e: {  	[smem:$0x3FBC] =	sst s2  }
0x8f: {  	_ = 	snop  }
0x90: {  	(tm) =	ssettm $0x1  }
0x91: {  	s17 =	sld [smem:$0x3FFB];
	_ =	sdelay $0x3  }
0x92: {  	_ =	strace s17  }
0x93: {  	s2 =	sld [smem:$0x3FFC];
	_ =	sdelay $0x3  }
0x94: {  	_ =	strace s2  }
0x95: {  	s2 =	sld [smem:$0x3FFD];
	_ =	sdelay $0x3  }
0x96: {  	_ =	strace s2  }
0x97: {  	_ =	strace $0x8FFFFFFF  }
0x98: {  	s18 =	sld [smem:$0x3FDB];
	_ =	sdelay $0x1  }
0x99: {  	s19 =	simm.s32 $_scs_section_size  }
0x9a: {  	s4 =	simm.s32 $_size__tile_overlayer_lowered;
	s5 =	simm.s32 $_tile_overlayer_lowered  }
0x9b: {  	s22 =	simm.s32 $0x1BFF;
	s21 =	sshll.u32 s5, $0x1;
	s2 =	sadd.s32 s19, s18  }
0x9c: {  	s6 =	simm.s32 $0x0;
	s20 =	sshll.u32 s4, $0x1;
	s4 =	sadd.s32 s21, s2  }
0x9d: {  	[timem:s6], [sflag:s22] =	dma.local [hbm:s4], s20  }
0x9e: {  	_ =	swait.ge [sflag:s22], s20  }
0x9f: {  	s3 =	ssub.s32 $0x0, s20;
	[sflag:s22] =	ssyncset.done $0x0  }
0xa0: {  	[sflag:s22] =	ssyncadd.s32 s3;
	_ =	sdelay $0x1  }
0xa1: {  	s23 =	simm.s32 $0x1B8B  }
0xa2: {  	_ =	swait.ge [sflag:s23], $0x1  }
0xa3: {  	[sflag:s23] =	ssyncset.done $0x0  }
0xa4: {  	s25 =	simm.s32 $0x1B8E;
	s24 =	sld [smem:$0x3FFE];
	[sflag:s23] =	ssyncadd.s32 $0xFFFFFFFF  }
0xa5: {  	s26 =	simm.s32 $execute0_lowered;
	[smem:$0x3FD2] =	sst s25  }
0xa6: {  	s4 =	sshll.u32 s26, $0x1;
	_ =	strace $0x80000049;
	[dreg:$0x1] =	wrdreg $0xFFFFFFFF  }
0xa7: {  	s28 =	simm.s32 $_size_execute0_lowered;
	s2 =	sadd.s32 s2, s4;
	[dreg:$0x0] =	wrdreg $0x0  }
0xa8: {  	s4 =	sshll.u32 s28, $0x1;
	[dreg:$0x2] =	wrdreg s2  }
0xa9: {  	[dreg:$0x3] =	wrdreg s4  }
0xaa: {  	[dreg:$0x4] =	wrdreg $0xC0  }
0xab: {  	_ =	task [dreg:s6], $0x5FFFF  }
0xac: {  	[dreg:$0x1] =	wrdreg $0xFFFFFFFF  }
0xad: {  	[dreg:$0x0] =	wrdreg $0x60  }
0xae: {  	[dreg:$0x2] =	wrdreg s24  }
0xaf: {  	[dreg:$0x3] =	wrdreg $0x62000  }
0xb0: {  	[dreg:$0x4] =	wrdreg $0x9  }
0xb1: {  	_ =	task.clear_ibuf [dreg:s6], $0x5FFFF;
	_ =	strace $0x90000049  }
0xb2: {  	s29 =	simm.s32 $0x9;
	_ =	strace $0x8000004B  }
0xb3: {  	_ =	swait.ge [sflag:s29], $0x1  }
0xb4: {  	[sflag:s29] =	ssyncadd.s32 $0xFFFFFFFF  }
0xb5: {  	_ =	strace $0x9000004B  }
0xb6: {  	_ =	sfence  }
0xb7: {  	s30 =	sld [smem:$0x0];
	_ =	sdelay $0x2  }
0xb8: {  	s31 =	sshll.u32 s1, $0xD;
	s1 =	sshrl.u32 s1, $0x2  }
0xb9: {  	s3 =	sand.u32 $0x4000, s31;
	s1 =	sadd.s32 s1, s30  }
0xba: {  	s0 =	sor.u32 s3, s0;
	s1 =	sshll.u32 s1, $0x11  }
0xbb: {  	s0 =	sor.u32 s1, s0  }
0xbc: {  	s0 =	sadd.s32 $0x8F2B, s0  }
0xbd: {  	[sflag:s0] =	ssyncadd.remote.s32 $0x1  }
0xbe: {  	_ =	sfence.sel $0xFFFF  }
0xbf: {  	[dreg:$0x0] =	wrdreg $0xFFFFFFFF;
	(pc) =	sbr.abs _section_cstart, $3  }
0xc0: {  	[dreg:$0x1] =	wrdreg $0xFFFFFFFF  }
0xc1: {  	_ =	task.clear_ibuf [dreg:s6], $0x2FFFF;
	_ =	strace $0x9FFFFFFF  }
0xc2: {  	(tm) =	ssettm $0x7FFFFFFF  }
0xc3: {  	_ =	shalt  }
tec
execute0_lowered:
.L_overlay_start_1:
0x0: {  	(tag) =	ssettag $0x1  }
0x1: {  	s0 =	rddreg [dreg:$0x0]  }
0x2: {  	s1 =	rddreg [dreg:$0x1]  }
0x3: {  	s2 =	srdreg.scid;
	s11 =	stileid.u32  }
0x4: {  	s3 =	simm.s32 $0x0;
	s28 =	simm.s32 $0x200;
	s6 =	smul.u32 $0x14000, s11  }
0x5: {  	s29 =	simm.s32 $0x1;
	s2 =	sand.u32 $0x1, s2;
	s20 =	smul.u32 $0x50000, s11  }
0x6: {  	s30 =	simm.s32 $0x2;
	s31 =	simm.s32 $0x180;
	s5 =	smul.u32 $0x140000, s2  }
0x7: {  	[smem:$0x7FF] =	sst s3;
	s4 =	sadd.s32 $0x18200, s0;
	s9 =	smul.u32 $0xFFFFFFDE, s2  }
0x8: {  	s18 =	sadd.s32 $0x4420, s0;
	s8 =	ssub.s32 $0x2, s2;
	s12 =	smul.u32 $0x600, s2  }
0x9: {  	_ =	strace $0x8000004A;
	s24 =	smul.u32 $0x60000, s2;
	s10 =	sshrl.u32 s8, $0x1  }
0xa: {  	s5 =	sadd.s32 s6, s5;
	s6 =	sshrl.u32 s20, $0x2;
	s9 =	sadd.s32 $0x60, s9  }
0xb: {  	s8 =	ssub.s32 s8, s10;
	s7 =	sshrl.u32 s5, $0x3;
	s5 =	sadd.s32 $0x4400, s0  }
0xc: {  	s6 =	sadd.s32 s6, s1;
	s20 =	smul.u32 s11, s9;
	s17 =	sshrl.u32 s9, $0x1  }
0xd: {  	s7 =	sadd.s32 s7, s0;
	s21 =	sadd.s32 $0x2000, s6;
	s22 =	sadd.s32 $0x4000, s6  }
0xe: {  	s23 =	sadd.s32 $0x6000, s6;
	s10 =	sadd.s32 $0x8000, s6;
	[dreg:$0x3] =	wrdreg s21  }
0xf: {  	s11 =	sadd.s32 $0xA000, s6;
	s13 =	sadd.s32 $0xE000, s6;
	[dreg:$0x4] =	wrdreg s22  }
0x10: {  	s15 =	sadd.s32 $0x12000, s6;
	[dreg:$0x5] =	wrdreg s23;
	s14 =	sadd.s32 s12, s20  }
0x11: {  	s12 =	sadd.s32 $0xC000, s6;
	s25 =	sshll.u32 s20, $0x8;
	s21 =	smul.u32 $0xC000, s2  }
0x12: {  	s19 =	sadd.s32 $0x3F400, s7;
	s26 =	sshll.u32 s20, $0x5;
	s20 =	smax.u32 s8, $0x1  }
0x13: {  	s23 =	simm.s32 $0x4200;
	s16 =	sshll.u32 s14, $0x5;
	s14 =	sadd.s32 $0x10000, s6  }
0x14: {  	s0 =	sadd.s32 s24, s25;
	s24 =	simm.s32 $0x3;
	s25 =	simm.s32 $0x100  }
0x15: {  	s16 =	sand.u32 $0x1FFFFFC0, s16;
	s2 =	sadd.s32 $0x200, s0;
	s22 =	sadd.s32 s21, s26  }
0x16: {  	v0 =	vimm.f32 $0.0e+00;
	s26 =	simm.s32 $0x80;
	s0 =	simm.s32 $0x0;
	s16 =	sadd.s32 s5, s16  }
.LBB2_1:
0x17: {  	s7 =	simm.s32 $0x0;
	s8 =	simm.s32 $0x200  }
.LBB2_2:
0x18: {  	p0 =	sne.s32 s8, $0x7E00;
	[tilespmem:s7+$0x4270] =	vst v0  }
0x19: {  	[tilespmem:s7+$0x4200] =	vst v0  }
0x1a: {  	[tilespmem:s7+$0x4210] =	vst v0  }
.Ltmp0:
0x1b: {  	[tilespmem:s7+$0x4220] =	vst v0;
	(pc) =	sbr.rel @p0 .LBB2_2-.Ltmp0, $4  }
0x1c: {  	[tilespmem:s7+$0x4230] =	vst v0  }
0x1d: {  	[tilespmem:s7+$0x4240] =	vst v0  }
0x1e: {  	[tilespmem:s7+$0x4250] =	vst v0  }
0x1f: {  	[tilespmem:s7+$0x4260] =	vst v0;
	s7 =	sshra.s32 s8, $0x2;
	s8 =	sadd.s32 $0x200, s8  }
0x20: {  	[tilespmem:s7+$0x4270] =	vst v0  }
0x21: {  	[tilespmem:s7+$0x4200] =	vst v0  }
0x22: {  	[tilespmem:s7+$0x4210] =	vst v0  }
0x23: {  	[tilespmem:s7+$0x4220] =	vst v0  }
0x24: {  	[tilespmem:s7+$0x4230] =	vst v0  }
0x25: {  	[tilespmem:s7+$0x4240] =	vst v0  }
0x26: {  	[tilespmem:s7+$0x4250] =	vst v0  }
0x27: {  	[tilespmem:s7+$0x4260] =	vst v0  }
0x28: {  	[spmem:s6] =	stream.linear.scatter [tilespmem:s23], [sflag:$0x3], $0x2000, $0x38;
	[tilespmem:$0x1A200] =	vst v63  }
0x29: {  	_ =	swait.ge [sflag:s24], $0x2000  }
0x2a: {  	[sflag:s24] =	ssyncset.done $0x0  }
0x2b: {  	s8 =	rddreg [dreg:$0x3];
	[sflag:s24] =	ssyncadd.s32 $0xFFFFE000  }
0x2c: {  	[spmem:s8] =	stream.linear.scatter [tilespmem:s23], [sflag:$0x3], $0x2000, $0x38;
	[tilespmem:$0x1A200] =	vst v63  }
0x2d: {  	_ =	swait.ge [sflag:s24], $0x2000  }
0x2e: {  	[sflag:s24] =	ssyncset.done $0x0  }
0x2f: {  	s9 =	rddreg [dreg:$0x4];
	[sflag:s24] =	ssyncadd.s32 $0xFFFFE000  }
0x30: {  	[spmem:s9] =	stream.linear.scatter [tilespmem:s23], [sflag:$0x3], $0x2000, $0x38;
	[tilespmem:$0x1A200] =	vst v63  }
0x31: {  	_ =	swait.ge [sflag:s24], $0x2000  }
0x32: {  	[sflag:s24] =	ssyncset.done $0x0  }
0x33: {  	s21 =	rddreg [dreg:$0x5];
	[sflag:s24] =	ssyncadd.s32 $0xFFFFE000  }
0x34: {  	[spmem:s21] =	stream.linear.scatter [tilespmem:s23], [sflag:$0x3], $0x2000, $0x38;
	[tilespmem:$0x1A200] =	vst v63  }
0x35: {  	_ =	swait.ge [sflag:s24], $0x2000  }
0x36: {  	[sflag:s24] =	ssyncset.done $0x0  }
0x37: {  	[sflag:s24] =	ssyncadd.s32 $0xFFFFE000  }
0x38: {  	[spmem:s10] =	stream.linear.scatter [tilespmem:s23], [sflag:$0x3], $0x2000, $0x38;
	[tilespmem:$0x1A200] =	vst v63  }
0x39: {  	_ =	swait.ge [sflag:s24], $0x2000  }
0x3a: {  	[sflag:s24] =	ssyncset.done $0x0  }
0x3b: {  	[sflag:s24] =	ssyncadd.s32 $0xFFFFE000  }
0x3c: {  	[spmem:s11] =	stream.linear.scatter [tilespmem:s23], [sflag:$0x3], $0x2000, $0x38;
	[tilespmem:$0x1A200] =	vst v63  }
0x3d: {  	_ =	swait.ge [sflag:s24], $0x2000  }
0x3e: {  	[sflag:s24] =	ssyncset.done $0x0  }
0x3f: {  	[sflag:s24] =	ssyncadd.s32 $0xFFFFE000  }
0x40: {  	[spmem:s12] =	stream.linear.scatter [tilespmem:s23], [sflag:$0x3], $0x2000, $0x38;
	[tilespmem:$0x1A200] =	vst v63  }
0x41: {  	_ =	swait.ge [sflag:s24], $0x2000  }
0x42: {  	[sflag:s24] =	ssyncset.done $0x0  }
0x43: {  	[sflag:s24] =	ssyncadd.s32 $0xFFFFE000  }
0x44: {  	[spmem:s13] =	stream.linear.scatter [tilespmem:s23], [sflag:$0x3], $0x2000, $0x38;
	[tilespmem:$0x1A200] =	vst v63  }
0x45: {  	_ =	swait.ge [sflag:s24], $0x2000  }
0x46: {  	[sflag:s24] =	ssyncset.done $0x0  }
0x47: {  	[sflag:s24] =	ssyncadd.s32 $0xFFFFE000  }
0x48: {  	[spmem:s14] =	stream.linear.scatter [tilespmem:s23], [sflag:$0x3], $0x2000, $0x38;
	[tilespmem:$0x1A200] =	vst v63  }
0x49: {  	_ =	swait.ge [sflag:s24], $0x2000  }
0x4a: {  	[sflag:s24] =	ssyncset.done $0x0  }
0x4b: {  	[sflag:s24] =	ssyncadd.s32 $0xFFFFE000  }
0x4c: {  	[spmem:s15] =	stream.linear.scatter [tilespmem:s23], [sflag:$0x3], $0x2000, $0x38;
	[tilespmem:$0x1A200] =	vst v63  }
0x4d: {  	_ =	swait.ge [sflag:s24], $0x2000  }
0x4e: {  	[sflag:s24] =	ssyncset.done $0x0  }
0x4f: {  	p1 =	sne.s32 s17, $0x1;
	[sflag:s24] =	ssyncadd.s32 $0xFFFFE000  }
.Ltmp1:
0x50: {  	[bflag:$0x0] =	sbarrier.arrive $0xFFFF;
	(pc) =	sbr.rel @!p1 .LBB2_4-.Ltmp1, $4  }
0x51: {  	[tilespmem:s3], [sflag:$0x3] =	stream.linear.gather [hbm4b:s16+s3], $0x100, $0x38;
	[tilespmem:$0x1A200] =	vst v63  }
0x52: {  	_ =	swait.ge [sflag:s24], $0x100  }
0x53: {  	s7 =	sadd.s32 $0xFFFFFFFF, s17;
	[sflag:s24] =	ssyncset.done $0x0  }
0x54: {  	p0 =	por $0x0, $0x0;
	s9 =	sand.u32 $0x1FFFFFC0, s22;
	[sflag:s24] =	ssyncadd.s32 $0xFFFFFF00  }
0x55: {  	s8 =	sadd.s32 s9, s18  }
0x56: {  	[tilespmem:s25], [sflag:$0x2] =	stream.linear.gather [hbm4b:s8+s3], $0x100, $0x38;
	[tilespmem:$0x1A200] =	vst v63  }
0x57: {  	_ = 	snop  }
0x58: {  	[tilespmem:s28], [sflag:$0x1] =	stream.indirect.gather [hbm4b:s4+s26], $0x80, s3, s26, $0xb8;
	[tilespmem:$0x1A200] =	vst v63  }
0x59: {  	_ =	swait.ge [sflag:s29], $0x4000  }
0x5a: {  	[sflag:s29] =	ssyncset.done $0x0  }
0x5b: {  	[sflag:s29] =	ssyncadd.s32 $0xFFFFC000  }
0x5c: {  	[spmem:s1] =	stream.indirect.scatter.add.f32 [tilespmem:s28], [sflag:$0x3], $0x80, s26, s26, $0xb8;
	[tilespmem:$0x1A200] =	vst v63  }
0x5d: {  	_ =	swait.ge [sflag:s24], $0x4000  }
0x5e: {  	[sflag:s24] =	ssyncset.done $0x0  }
0x5f: {  	[sflag:s24] =	ssyncadd.s32 $0xFFFFC000  }
0x60: {  	_ =	swait.ge [sflag:s30], $0x100  }
0x61: {  	s21 =	sshrl.u32 s2, $0x3;
	[sflag:s30] =	ssyncset.done $0x0  }
0x62: {  	s8 =	sadd.s32 s5, s21;
	[sflag:s30] =	ssyncadd.s32 $0xFFFFFF00  }
0x63: {  	[tilespmem:s3], [sflag:$0x2] =	stream.linear.gather [hbm4b:s8+s3], $0x100, $0x38;
	[tilespmem:$0x1A200] =	vst v63  }
0x64: {  	_ = 	snop  }
0x65: {  	[tilespmem:s28], [sflag:$0x1] =	stream.indirect.gather [hbm4b:s4+s26], $0x80, s25, s26, $0xb8;
	[tilespmem:$0x1A200] =	vst v63  }
0x66: {  	_ =	swait.ge [sflag:s29], $0x4000  }
0x67: {  	[sflag:s29] =	ssyncset.done $0x0  }
0x68: {  	p1 =	sne.s32 s7, $0x1;
	[sflag:s29] =	ssyncadd.s32 $0xFFFFC000  }
0x69: {  	[spmem:s1] =	stream.indirect.scatter.add.f32 [tilespmem:s28], [sflag:$0x3], $0x80, s31, s26, $0xb8;
	[tilespmem:$0x1A200] =	vst v63  }
.Ltmp2:
0x6a: {  	_ =	swait.ge [sflag:s24], $0x4000;
	(pc) =	sbr.rel @!p1 .LBB2_6-.Ltmp2, $4  }
0x6b: {  	[sflag:s24] =	ssyncset.done $0x0  }
0x6c: {  	s7 =	sadd.s32 $0xFFFFFFFF, s7;
	[sflag:s24] =	ssyncadd.s32 $0xFFFFC000  }
0x6d: {  	p0 =	por $0x1, $0x1;
	s8 =	sadd.s32 $0x40, s22;
	_ =	swait.ge [sflag:s30], $0x100  }
0x6e: {  	s21 =	smov.u32 s2;
	s9 =	sand.u32 $0x1FFFFFC0, s8;
	[sflag:s30] =	ssyncset.done $0x0  }
.LBB2_7:
0x6f: {  	s9 =	sadd.s32 s9, s18;
	[sflag:s30] =	ssyncadd.s32 $0xFFFFFF00;
	s21 =	sadd.s32 $0x200, s21  }
0x70: {  	[tilespmem:s25], [sflag:$0x2] =	stream.linear.gather [hbm4b:s9+s3], $0x100, $0x38;
	[tilespmem:$0x1A200] =	vst v63  }
0x71: {  	p1 =	sne.s32 s7, $0x1;
	s7 =	sadd.s32 $0xFFFFFFFF, s7  }
0x72: {  	[tilespmem:s28], [sflag:$0x1] =	stream.indirect.gather [hbm4b:s4+s26], $0x80, s3, s26, $0xb8;
	[tilespmem:$0x1A200] =	vst v63  }
0x73: {  	_ =	swait.ge [sflag:s29], $0x4000  }
0x74: {  	[sflag:s29] =	ssyncset.done $0x0  }
0x75: {  	[sflag:s29] =	ssyncadd.s32 $0xFFFFC000  }
0x76: {  	[spmem:s1] =	stream.indirect.scatter.add.f32 [tilespmem:s28], [sflag:$0x3], $0x80, s26, s26, $0xb8;
	[tilespmem:$0x1A200] =	vst v63  }
0x77: {  	_ =	swait.ge [sflag:s24], $0x4000  }
0x78: {  	[sflag:s24] =	ssyncset.done $0x0  }
0x79: {  	[sflag:s24] =	ssyncadd.s32 $0xFFFFC000  }
0x7a: {  	_ =	swait.ge [sflag:s30], $0x100  }
0x7b: {  	s9 =	sshrl.u32 s21, $0x3;
	[sflag:s30] =	ssyncset.done $0x0  }
0x7c: {  	s9 =	sadd.s32 s5, s9;
	[sflag:s30] =	ssyncadd.s32 $0xFFFFFF00  }
0x7d: {  	[tilespmem:s3], [sflag:$0x2] =	stream.linear.gather [hbm4b:s9+s3], $0x100, $0x38;
	[tilespmem:$0x1A200] =	vst v63  }
0x7e: {  	_ = 	snop  }
0x7f: {  	[tilespmem:s28], [sflag:$0x1] =	stream.indirect.gather [hbm4b:s4+s26], $0x80, s25, s26, $0xb8;
	[tilespmem:$0x1A200] =	vst v63  }
0x80: {  	_ =	swait.ge [sflag:s29], $0x4000  }
0x81: {  	[sflag:s29] =	ssyncset.done $0x0  }
0x82: {  	[sflag:s29] =	ssyncadd.s32 $0xFFFFC000  }
0x83: {  	[spmem:s1] =	stream.indirect.scatter.add.f32 [tilespmem:s28], [sflag:$0x3], $0x80, s31, s26, $0xb8;
	[tilespmem:$0x1A200] =	vst v63  }
.Ltmp3:
0x84: {  	_ =	swait.ge [sflag:s24], $0x4000;
	(pc) =	sbr.rel @p1 .LBB2_7-.Ltmp3, $4  }
0x85: {  	[sflag:s24] =	ssyncset.done $0x0  }
0x86: {  	[sflag:s24] =	ssyncadd.s32 $0xFFFFC000  }
0x87: {  	s8 =	sadd.s32 $0x40, s8;
	_ =	swait.ge [sflag:s30], $0x100  }
0x88: {  	s9 =	sand.u32 $0x1FFFFFC0, s8;
	[sflag:s30] =	ssyncset.done $0x0  }
.LBB2_8:
0x89: {  	s7 =	sadd.s32 s9, s18;
	[sflag:s30] =	ssyncadd.s32 @p0 $0xFFFFFF00  }
0x8a: {  	[tilespmem:s25], [sflag:$0x2] =	stream.linear.gather [hbm4b:s7+s3], $0x100, $0x38;
	[tilespmem:$0x1A200] =	vst v63  }
0x8b: {  	_ = 	snop  }
0x8c: {  	[tilespmem:s28], [sflag:$0x1] =	stream.indirect.gather [hbm4b:s4+s26], $0x80, s3, s26, $0xb8;
	[tilespmem:$0x1A200] =	vst v63  }
0x8d: {  	_ =	swait.ge [sflag:s29], $0x4000  }
0x8e: {  	[sflag:s29] =	ssyncset.done $0x0  }
0x8f: {  	[sflag:s29] =	ssyncadd.s32 $0xFFFFC000  }
0x90: {  	[spmem:s1] =	stream.indirect.scatter.add.f32 [tilespmem:s28], [sflag:$0x3], $0x80, s26, s26, $0xb8;
	[tilespmem:$0x1A200] =	vst v63  }
0x91: {  	_ =	swait.ge [sflag:s24], $0x4000  }
0x92: {  	[sflag:s24] =	ssyncset.done $0x0  }
0x93: {  	s8 =	smov.u32 s2;
	s7 =	sadd.s32 @p0 $0x200, s21;
	[sflag:s24] =	ssyncadd.s32 $0xFFFFC000  }
0x94: {  	s8 =	smov.u32 @p0 s7;
	_ =	swait.ge [sflag:s30], $0x100  }
0x95: {  	s7 =	sshrl.u32 s8, $0x3;
	[sflag:s30] =	ssyncset.done $0x0  }
0x96: {  	s7 =	sadd.s32 s5, s7;
	[sflag:s30] =	ssyncadd.s32 $0xFFFFFF00  }
0x97: {  	[tilespmem:s3], [sflag:$0x2] =	stream.linear.gather [hbm4b:s7+s3], $0x100, $0x38;
	[tilespmem:$0x1A200] =	vst v63  }
0x98: {  	_ = 	snop  }
0x99: {  	[tilespmem:s28], [sflag:$0x1] =	stream.indirect.gather [hbm4b:s4+s26], $0x80, s25, s26, $0xb8;
	[tilespmem:$0x1A200] =	vst v63  }
0x9a: {  	_ =	swait.ge [sflag:s29], $0x4000  }
0x9b: {  	[sflag:s29] =	ssyncset.done $0x0  }
0x9c: {  	[sflag:s29] =	ssyncadd.s32 $0xFFFFC000  }
0x9d: {  	[spmem:s1] =	stream.indirect.scatter.add.f32 [tilespmem:s28], [sflag:$0x3], $0x80, s31, s26, $0xb8;
	[tilespmem:$0x1A200] =	vst v63  }
0x9e: {  	_ =	swait.ge [sflag:s24], $0x4000  }
0x9f: {  	[sflag:s24] =	ssyncset.done $0x0  }
0xa0: {  	[sflag:s24] =	ssyncadd.s32 $0xFFFFC000  }
0xa1: {  	_ =	swait.ge [sflag:s30], $0x100  }
0xa2: {  	s9 =	stileid.u32;
	s0 =	sadd.s32 $0x1, s0;
	[sflag:s30] =	ssyncset.done $0x0  }
0xa3: {  	s21 =	sshrl.u32 s6, $0x3;
	s7 =	sshll.u32 s9, $0x6;
	[sflag:s30] =	ssyncadd.s32 $0xFFFFFF00  }
0xa4: {  	p0 =	sne.s32 s0, s20;
	s7 =	sor.u32 $0x1C03, s7;
	[bflag:$0x0] =	sbarrier.arrive $0xFFFF  }
0xa5: {  	[hbm:s19], [sflag:s7] =	dma.local [spmem:s21], $0x2800  }
.Ltmp4:
0xa6: {  	_ = 	snop;
	(pc) =	sbr.rel @p0 .LBB2_1-.Ltmp4, $4  }
.Ltmp5:
0xa7: {  	_ = 	snop;
	(pc) =	sbr.rel @!p0 .LBB2_9-.Ltmp5, $4  }
0xa8: {  	_ =	swait.ge [sflag:s24], $0x2800  }
0xa9: {  	[sflag:s24] =	ssyncset.done $0x0  }
0xaa: {  	[sflag:s24] =	ssyncadd.s32 $0xFFFFD800  }
0xab: {  	_ = 	snop  }
.LBB2_4:
.Ltmp6:
0xac: {  	(pc) =	sbr.rel .LBB2_8-.Ltmp6, $2  }
0xad: {  	_ =	sdelay $0x2  }
0xae: {  	s21 =	smov.u32 s2  }
.LBB2_6:
.Ltmp7:
0xaf: {  	(pc) =	sbr.rel .LBB2_8-.Ltmp7, $2  }
0xb0: {  	_ =	sdelay $0x2  }
0xb1: {  	s21 =	smov.u32 s2  }
.LBB2_9:
0xb2: {  	_ =	sfence.sel $0x180000  }
0xb3: {  	[bflag:$0x0] =	sbarrier.arrive $0xFFFF  }
0xb4: {  	_ =	strace $0x9000004A  }
0xb5: {  	s0 =	stileid.u32;
	[bflag:$0x2] =	sbarrier.arrive $0xFFFF  }
0xb6: {  	p0 =	sne.s32 s0, $0x0;
	s0 =	rddreg [dreg:$0x2]  }
0xb7: {  	s0 =	sadd.s32 @!p0 $0x100000, s0  }
0xb8: {  	[sflag:s0] =	ssyncadd.tile.s32 @!p0 $0x1;
	_ =	shalt  }
.Lfunc_end2:
_tile_overlayer_lowered:
.L_overlay_start_2:
0xb9: {  	(tag) =	ssettag $0x2  }
0xba: {  	s0 =	rddreg [dreg:$0x0];
	s2 =	stileid.u32  }
0xbb: {  	s1 =	rddreg [dreg:$0x1];
	p0 =	sne.s32 s2, $0x0  }
0xbc: {  	s3 =	rddreg [dreg:$0x2];
	[bflag:$0x3] =	sbarrier.arrive $0xFFFF;
	s2 =	simm.s32 @!p0 $0x1C03  }
0xbd: {  	[timem:s3], [sflag:s2] =	dma.local @!p0 [hbm:s0], s1  }
0xbe: {  	s0 =	simm.s32 @!p0 $0x3  }
0xbf: {  	_ =	swait.ge @!p0 [sflag:s0], s1  }
0xc0: {  	s1 =	ssub.s32 @!p0 $0x0, s1;
	[sflag:s0] =	ssyncset.done @!p0 $0x0  }
0xc1: {  	[sflag:s0] =	ssyncadd.s32 @!p0 s1  }
0xc2: {  	[bflag:$0x3] =	sbarrier.arrive $0xFFFF  }
0xc3: {  	_ =	shalt  }

// kernel: kernel.16.cloned.1.call-start
scs
__scs_entry_jumppad:
0x0: {  	(pc) =	sbr.rel $0x88, $3  }
0x1: {  	(tag) =	ssettag $0x0;
	lr =	simm.s32 $0x1  }
0x2: {  	[smem:$0x3F95] =	sst lr;
	_ =	strace $0xD0000000  }
0x3: {  	_ = 	snop  }
0x4: {  	_ = 	snop  }
0x5: {  	_ = 	snop  }
0x6: {  	_ = 	snop  }
0x7: {  	_ = 	snop  }
__scs_overlays_trampoline_lowered:
0x8: {  	[smem:$0x3FA4] =	sst s0  }
0x9: {  	[smem:$0x3FA5] =	sst s1  }
0xa: {  	[smem:$0x3FA6] =	sst s2  }
0xb: {  	[smem:$0x3FA7] =	sst s3  }
0xc: {  	[smem:$0x3FA8] =	sst s4  }
0xd: {  	[smem:$0x3FA9] =	sst s5  }
0xe: {  	[smem:$0x3FAA] =	sst s6  }
0xf: {  	[smem:$0x3FAB] =	sst s7  }
0x10: {  	[smem:$0x3FAC] =	sst s8  }
0x11: {  	[smem:$0x3FAD] =	sst s9;
	s0 =	simm.s32 @!p0 $0x0  }
0x12: {  	s1 =	sld [smem:$0x3F93];
	s0 =	simm.s32 @p0 $0x1  }
0x13: {  	[smem:$0x3FAE] =	sst s0;
	s0 =	simm.s32 @!p1 $0x0  }
0x14: {  	s2 =	sld [smem:$0x3F92];
	s0 =	simm.s32 @p1 $0x1  }
0x15: {  	[smem:$0x3FAF] =	sst s0;
	s0 =	simm.s32 @!p2 $0x0  }
0x16: {  	s3 =	sld [smem:$0x3FDB];
	s0 =	simm.s32 @p2 $0x1  }
0x17: {  	s4 =	simm.s32 $0x1BF5;
	[smem:$0x3FB1] =	sst s0  }
0x18: {  	s0 =	sld [smem:$0x3F94];
	_ =	swait.ge [sflag:s4], $0x0  }
0x19: {  	s7 =	sld [smem:$0x3F95]  }
0x1a: {  	s8 =	sadd.s32 $0xFFFFE003, lr  }
0x1b: {  	s9 =	sadd.s32 $0xFFFFFEF7, lr;
	s5 =	simm.s32 $0xFFFFFFFF;
	p2 =	slt.u32 s8, $0xFFFFF086  }
0x1c: {  	p1 =	slt.u32 s9, $0xF7A;
	s5 =	simm.s32 @!p2 $0x0  }
0x1d: {  	s5 =	simm.s32 @p1 $0x1;
	p0 =	seq.s32 s7, s2  }
0x1e: {  	s7 =	smul.u32 @!p0 $0xF7A, s2;
	p2 =	seq.s32 @!p0 s5, $0x0  }
0x1f: {  	s9 =	smul.u32 $0xF7A, s1;
	s8 =	simm.s32 @!p0 $0x1BF5;
	p2 =	por !p2, p0  }
0x20: {  	[sflag:s8] =	ssyncset.s32 @!p0 $0xFFFFF086;
	s6 =	sadd.s32 @!p0 s3, s7;
	s7 =	simm.s32 @!p0 $0x108  }
0x21: {  	s3 =	sadd.s32 s3, s9;
	s6 =	sadd.s32 @!p0 $0x88, s6;
	s7 =	simm.s32 @p2 $0x1082  }
0x22: {  	[simem:s7], [sflag:s8] =	dma.local @!p0 [hbm:s6], $0xF7A  }
0x23: {  	s9 =	sor.u32 $0xD0000000, s2;
	s6 =	simm.s32 $0x108;
	_ =	swait.ge @!p0 [sflag:s8], $0x0  }
0x24: {  	s3 =	sadd.s32 $0x88, s3;
	s6 =	simm.s32 @!p1 $0x1082;
	[sflag:s4] =	ssyncset.s32 $0xFFFFF086  }
0x25: {  	[simem:s6], [sflag:s4] =	dma.local [hbm:s3], $0xF7A  }
0x26: {  	[smem:$0x3F95] =	sst s1;
	(tag) =	ssettag s2;
	_ =	strace s9  }
0x27: {  	s1 =	sld [smem:$0x3FA5]  }
0x28: {  	s2 =	sld [smem:$0x3FA6]  }
0x29: {  	s4 =	sld [smem:$0x3FA8]  }
0x2a: {  	p0 =	seq.s32 s5, $0x0;
	s5 =	sld [smem:$0x3FA9]  }
0x2b: {  	s6 =	sld [smem:$0x3FAA]  }
0x2c: {  	s7 =	sld [smem:$0x3FAB]  }
0x2d: {  	s3 =	simm.s32 $0x108;
	s8 =	sld [smem:$0x3FAC]  }
0x2e: {  	s3 =	simm.s32 @!p0 $0x1082;
	s9 =	sld [smem:$0x3FAD]  }
0x2f: {  	lr =	sadd.s32 s0, s3;
	s0 =	sld [smem:$0x3FA4]  }
0x30: {  	s3 =	sld [smem:$0x3FA7]  }
0x31: {  	[smem:$0x3FB0] =	sst s10  }
0x32: {  	s10 =	sld [smem:$0x3FAE];
	_ =	sdelay $0x3  }
0x33: {  	p0 =	seq.s32 s10, $0x1;
	s10 =	sld [smem:$0x3FB0];
	_ =	sdelay $0x3  }
0x34: {  	[smem:$0x3FB0] =	sst s10  }
0x35: {  	s10 =	sld [smem:$0x3FAF];
	_ =	sdelay $0x3  }
0x36: {  	p1 =	seq.s32 s10, $0x1;
	s10 =	sld [smem:$0x3FB0];
	_ =	sdelay $0x3  }
0x37: {  	[smem:$0x3FB0] =	sst s10  }
0x38: {  	s10 =	sld [smem:$0x3FB1]  }
0x39: {  	_ = 	snop;
	(pc) =	sbr.ind lr, $3  }
0x3a: {  	_ = 	snop  }
0x3b: {  	_ = 	snop  }
0x3c: {  	p2 =	seq.s32 s10, $0x1;
	s10 =	sld [smem:$0x3FB0]  }
0x3d: {  	_ =	shalt  }
0x3e: {  	_ =	shalt  }
0x3f: {  	_ =	shalt  }
0x40: {  	_ =	shalt  }
0x41: {  	_ =	shalt  }
0x42: {  	_ =	shalt  }
0x43: {  	_ =	shalt  }
0x44: {  	_ =	shalt  }
0x45: {  	_ =	shalt  }
0x46: {  	_ =	shalt  }
0x47: {  	_ =	shalt  }
0x48: {  	_ =	shalt  }
0x49: {  	_ =	shalt  }
0x4a: {  	_ =	shalt  }
0x4b: {  	_ =	shalt  }
0x4c: {  	_ =	shalt  }
0x4d: {  	_ =	shalt  }
0x4e: {  	_ =	shalt  }
0x4f: {  	_ =	shalt  }
0x50: {  	_ =	shalt  }
0x51: {  	_ =	shalt  }
0x52: {  	_ =	shalt  }
0x53: {  	_ =	shalt  }
0x54: {  	_ =	shalt  }
0x55: {  	_ =	shalt  }
0x56: {  	_ =	shalt  }
0x57: {  	_ =	shalt  }
0x58: {  	_ =	shalt  }
0x59: {  	_ =	shalt  }
0x5a: {  	_ =	shalt  }
0x5b: {  	_ =	shalt  }
0x5c: {  	_ =	shalt  }
0x5d: {  	_ =	shalt  }
0x5e: {  	_ =	shalt  }
0x5f: {  	_ =	shalt  }
0x60: {  	_ =	shalt  }
0x61: {  	_ =	shalt  }
0x62: {  	_ =	shalt  }
0x63: {  	_ =	shalt  }
0x64: {  	_ =	shalt  }
0x65: {  	_ =	shalt  }
0x66: {  	_ =	shalt  }
0x67: {  	_ =	shalt  }
0x68: {  	_ =	shalt  }
0x69: {  	_ =	shalt  }
0x6a: {  	_ =	shalt  }
0x6b: {  	_ =	shalt  }
0x6c: {  	_ =	shalt  }
0x6d: {  	_ =	shalt  }
0x6e: {  	_ =	shalt  }
0x6f: {  	_ =	shalt  }
0x70: {  	_ =	shalt  }
0x71: {  	_ =	shalt  }
0x72: {  	_ =	shalt  }
0x73: {  	_ =	shalt  }
0x74: {  	_ =	shalt  }
0x75: {  	_ =	shalt  }
0x76: {  	_ =	shalt  }
0x77: {  	_ =	shalt  }
0x78: {  	_ =	shalt  }
0x79: {  	_ =	shalt  }
0x7a: {  	_ =	shalt  }
0x7b: {  	_ =	shalt  }
0x7c: {  	_ =	shalt  }
0x7d: {  	_ =	shalt  }
0x7e: {  	_ =	shalt  }
0x7f: {  	_ =	shalt  }
0x80: {  	_ =	shalt  }
0x81: {  	_ =	shalt  }
0x82: {  	_ =	shalt  }
0x83: {  	_ =	shalt  }
0x84: {  	_ =	shalt  }
0x85: {  	_ =	shalt  }
0x86: {  	_ =	shalt  }
0x87: {  	_ =	shalt  }
.Lfunc_end0:
.L_simem_size_0:
called_computation.2_lowered:
.L_overlay_start_0:
0x88: {  	s2 =	sld [smem:$0x3FD9]  }
0x89: {  	s3 =	sld [smem:$0x3FFE];
	_ =	sdelay $0x1  }
0x8a: {  	s1 =	srdreg.scid  }
0x8b: {  	s0 =	sand.u32 $0x1, s1  }
0x8c: {  	s16 =	sshll.u32 s0, $0xA;
	s2 =	sadd.s32 s3, s2  }
0x8d: {  	s2 =	sadd.s32 s2, s16  }
0x8e: {  	[smem:$0x3FBC] =	sst s2  }
0x8f: {  	_ = 	snop  }
0x90: {  	(tm) =	ssettm $0x1  }
0x91: {  	s17 =	sld [smem:$0x3FFB];
	_ =	sdelay $0x3  }
0x92: {  	_ =	strace s17  }
0x93: {  	s2 =	sld [smem:$0x3FFC];
	_ =	sdelay $0x3  }
0x94: {  	_ =	strace s2  }
0x95: {  	s2 =	sld [smem:$0x3FFD];
	_ =	sdelay $0x3  }
0x96: {  	_ =	strace s2  }
0x97: {  	_ =	strace $0x8FFFFFFF  }
0x98: {  	s18 =	sld [smem:$0x3FDB];
	_ =	sdelay $0x1  }
0x99: {  	s19 =	simm.s32 $_scs_section_size  }
0x9a: {  	s4 =	simm.s32 $_size__tile_overlayer_lowered;
	s5 =	simm.s32 $_tile_overlayer_lowered  }
0x9b: {  	s22 =	simm.s32 $0x1BFF;
	s21 =	sshll.u32 s5, $0x1;
	s2 =	sadd.s32 s19, s18  }
0x9c: {  	s6 =	simm.s32 $0x0;
	s20 =	sshll.u32 s4, $0x1;
	s4 =	sadd.s32 s21, s2  }
0x9d: {  	[timem:s6], [sflag:s22] =	dma.local [hbm:s4], s20  }
0x9e: {  	_ =	swait.ge [sflag:s22], s20  }
0x9f: {  	s3 =	ssub.s32 $0x0, s20;
	[sflag:s22] =	ssyncset.done $0x0  }
0xa0: {  	[sflag:s22] =	ssyncadd.s32 s3;
	_ =	sdelay $0x1  }
0xa1: {  	s23 =	simm.s32 $0x1B8B  }
0xa2: {  	_ =	swait.ge [sflag:s23], $0x1  }
0xa3: {  	[sflag:s23] =	ssyncset.done $0x0  }
0xa4: {  	s25 =	simm.s32 $0x1B8E;
	s24 =	sld [smem:$0x3FFE];
	[sflag:s23] =	ssyncadd.s32 $0xFFFFFFFF  }
0xa5: {  	s26 =	simm.s32 $execute0_lowered;
	[smem:$0x3FD2] =	sst s25  }
0xa6: {  	s4 =	sshll.u32 s26, $0x1;
	_ =	strace $0x8000004C;
	[dreg:$0x1] =	wrdreg $0xFFFFFFFF  }
0xa7: {  	s28 =	simm.s32 $_size_execute0_lowered;
	s2 =	sadd.s32 s2, s4;
	[dreg:$0x0] =	wrdreg $0x0  }
0xa8: {  	s4 =	sshll.u32 s28, $0x1;
	[dreg:$0x2] =	wrdreg s2  }
0xa9: {  	[dreg:$0x3] =	wrdreg s4  }
0xaa: {  	[dreg:$0x4] =	wrdreg $0xC0  }
0xab: {  	_ =	task [dreg:s6], $0x5FFFF  }
0xac: {  	[dreg:$0x1] =	wrdreg $0xFFFFFFFF  }
0xad: {  	[dreg:$0x0] =	wrdreg $0x60  }
0xae: {  	[dreg:$0x2] =	wrdreg s24  }
0xaf: {  	[dreg:$0x3] =	wrdreg $0x62000  }
0xb0: {  	[dreg:$0x4] =	wrdreg $0x9  }
0xb1: {  	_ =	task.clear_ibuf [dreg:s6], $0x5FFFF;
	_ =	strace $0x9000004C  }
0xb2: {  	s29 =	simm.s32 $0x9;
	_ =	strace $0x8000004E  }
0xb3: {  	_ =	swait.ge [sflag:s29], $0x1  }
0xb4: {  	[sflag:s29] =	ssyncadd.s32 $0xFFFFFFFF  }
0xb5: {  	_ =	strace $0x9000004E  }
0xb6: {  	_ =	sfence  }
0xb7: {  	s30 =	sld [smem:$0x0];
	_ =	sdelay $0x2  }
0xb8: {  	s31 =	sshll.u32 s1, $0xD;
	s1 =	sshrl.u32 s1, $0x2  }
0xb9: {  	s3 =	sand.u32 $0x4000, s31;
	s1 =	sadd.s32 s1, s30  }
0xba: {  	s0 =	sor.u32 s3, s0;
	s1 =	sshll.u32 s1, $0x11  }
0xbb: {  	s0 =	sor.u32 s1, s0  }
0xbc: {  	s0 =	sadd.s32 $0x8F2B, s0  }
0xbd: {  	[sflag:s0] =	ssyncadd.remote.s32 $0x1  }
0xbe: {  	_ =	sfence.sel $0xFFFF  }
0xbf: {  	[dreg:$0x0] =	wrdreg $0xFFFFFFFF;
	(pc) =	sbr.abs _section_cstart, $3  }
0xc0: {  	[dreg:$0x1] =	wrdreg $0xFFFFFFFF  }
0xc1: {  	_ =	task.clear_ibuf [dreg:s6], $0x2FFFF;
	_ =	strace $0x9FFFFFFF  }
0xc2: {  	(tm) =	ssettm $0x7FFFFFFF  }
0xc3: {  	_ =	shalt  }
tec
execute0_lowered:
.L_overlay_start_1:
0x0: {  	(tag) =	ssettag $0x1  }
0x1: {  	s0 =	rddreg [dreg:$0x0]  }
0x2: {  	s1 =	rddreg [dreg:$0x1]  }
0x3: {  	s2 =	srdreg.scid;
	s11 =	stileid.u32  }
0x4: {  	s3 =	simm.s32 $0x0;
	s28 =	simm.s32 $0x200;
	s6 =	smul.u32 $0x14000, s11  }
0x5: {  	s29 =	simm.s32 $0x1;
	s2 =	sand.u32 $0x1, s2;
	s20 =	smul.u32 $0x50000, s11  }
0x6: {  	s30 =	simm.s32 $0x2;
	s31 =	simm.s32 $0x180;
	s5 =	smul.u32 $0x140000, s2  }
0x7: {  	[smem:$0x7FF] =	sst s3;
	s4 =	sadd.s32 $0x18200, s0;
	s9 =	smul.u32 $0xFFFFFFDE, s2  }
0x8: {  	s18 =	sadd.s32 $0x4420, s0;
	s8 =	ssub.s32 $0x2, s2;
	s12 =	smul.u32 $0x600, s2  }
0x9: {  	_ =	strace $0x8000004D;
	s24 =	smul.u32 $0x60000, s2;
	s10 =	sshrl.u32 s8, $0x1  }
0xa: {  	s5 =	sadd.s32 s6, s5;
	s6 =	sshrl.u32 s20, $0x2;
	s9 =	sadd.s32 $0x60, s9  }
0xb: {  	s8 =	ssub.s32 s8, s10;
	s7 =	sshrl.u32 s5, $0x3;
	s5 =	sadd.s32 $0x4400, s0  }
0xc: {  	s6 =	sadd.s32 s6, s1;
	s20 =	smul.u32 s11, s9;
	s17 =	sshrl.u32 s9, $0x1  }
0xd: {  	s7 =	sadd.s32 s7, s0;
	s21 =	sadd.s32 $0x2000, s6;
	s22 =	sadd.s32 $0x4000, s6  }
0xe: {  	s23 =	sadd.s32 $0x6000, s6;
	s10 =	sadd.s32 $0x8000, s6;
	[dreg:$0x3] =	wrdreg s21  }
0xf: {  	s11 =	sadd.s32 $0xA000, s6;
	s13 =	sadd.s32 $0xE000, s6;
	[dreg:$0x4] =	wrdreg s22  }
0x10: {  	s15 =	sadd.s32 $0x12000, s6;
	[dreg:$0x5] =	wrdreg s23;
	s14 =	sadd.s32 s12, s20  }
0x11: {  	s12 =	sadd.s32 $0xC000, s6;
	s25 =	sshll.u32 s20, $0x8;
	s21 =	smul.u32 $0xC000, s2  }
0x12: {  	s19 =	sadd.s32 $0x3F400, s7;
	s26 =	sshll.u32 s20, $0x5;
	s20 =	smax.u32 s8, $0x1  }
0x13: {  	s23 =	simm.s32 $0x4200;
	s16 =	sshll.u32 s14, $0x5;
	s14 =	sadd.s32 $0x10000, s6  }
0x14: {  	s0 =	sadd.s32 s24, s25;
	s24 =	simm.s32 $0x3;
	s25 =	simm.s32 $0x100  }
0x15: {  	s16 =	sand.u32 $0x1FFFFFC0, s16;
	s2 =	sadd.s32 $0x200, s0;
	s22 =	sadd.s32 s21, s26  }
0x16: {  	v0 =	vimm.f32 $0.0e+00;
	s26 =	simm.s32 $0x80;
	s0 =	simm.s32 $0x0;
	s16 =	sadd.s32 s5, s16  }
.LBB2_1:
0x17: {  	s7 =	simm.s32 $0x0;
	s8 =	simm.s32 $0x200  }
.LBB2_2:
0x18: {  	p0 =	sne.s32 s8, $0x7E00;
	[tilespmem:s7+$0x4270] =	vst v0  }
0x19: {  	[tilespmem:s7+$0x4200] =	vst v0  }
0x1a: {  	[tilespmem:s7+$0x4210] =	vst v0  }
.Ltmp0:
0x1b: {  	[tilespmem:s7+$0x4220] =	vst v0;
	(pc) =	sbr.rel @p0 .LBB2_2-.Ltmp0, $4  }
0x1c: {  	[tilespmem:s7+$0x4230] =	vst v0  }
0x1d: {  	[tilespmem:s7+$0x4240] =	vst v0  }
0x1e: {  	[tilespmem:s7+$0x4250] =	vst v0  }
0x1f: {  	[tilespmem:s7+$0x4260] =	vst v0;
	s7 =	sshra.s32 s8, $0x2;
	s8 =	sadd.s32 $0x200, s8  }
0x20: {  	[tilespmem:s7+$0x4270] =	vst v0  }
0x21: {  	[tilespmem:s7+$0x4200] =	vst v0  }
0x22: {  	[tilespmem:s7+$0x4210] =	vst v0  }
0x23: {  	[tilespmem:s7+$0x4220] =	vst v0  }
0x24: {  	[tilespmem:s7+$0x4230] =	vst v0  }
0x25: {  	[tilespmem:s7+$0x4240] =	vst v0  }
0x26: {  	[tilespmem:s7+$0x4250] =	vst v0  }
0x27: {  	[tilespmem:s7+$0x4260] =	vst v0  }
0x28: {  	[spmem:s6] =	stream.linear.scatter [tilespmem:s23], [sflag:$0x3], $0x2000, $0x38;
	[tilespmem:$0x1A200] =	vst v63  }
0x29: {  	_ =	swait.ge [sflag:s24], $0x2000  }
0x2a: {  	[sflag:s24] =	ssyncset.done $0x0  }
0x2b: {  	s8 =	rddreg [dreg:$0x3];
	[sflag:s24] =	ssyncadd.s32 $0xFFFFE000  }
0x2c: {  	[spmem:s8] =	stream.linear.scatter [tilespmem:s23], [sflag:$0x3], $0x2000, $0x38;
	[tilespmem:$0x1A200] =	vst v63  }
0x2d: {  	_ =	swait.ge [sflag:s24], $0x2000  }
0x2e: {  	[sflag:s24] =	ssyncset.done $0x0  }
0x2f: {  	s9 =	rddreg [dreg:$0x4];
	[sflag:s24] =	ssyncadd.s32 $0xFFFFE000  }
0x30: {  	[spmem:s9] =	stream.linear.scatter [tilespmem:s23], [sflag:$0x3], $0x2000, $0x38;
	[tilespmem:$0x1A200] =	vst v63  }
0x31: {  	_ =	swait.ge [sflag:s24], $0x2000  }
0x32: {  	[sflag:s24] =	ssyncset.done $0x0  }
0x33: {  	s21 =	rddreg [dreg:$0x5];
	[sflag:s24] =	ssyncadd.s32 $0xFFFFE000  }
0x34: {  	[spmem:s21] =	stream.linear.scatter [tilespmem:s23], [sflag:$0x3], $0x2000, $0x38;
	[tilespmem:$0x1A200] =	vst v63  }
0x35: {  	_ =	swait.ge [sflag:s24], $0x2000  }
0x36: {  	[sflag:s24] =	ssyncset.done $0x0  }
0x37: {  	[sflag:s24] =	ssyncadd.s32 $0xFFFFE000  }
0x38: {  	[spmem:s10] =	stream.linear.scatter [tilespmem:s23], [sflag:$0x3], $0x2000, $0x38;
	[tilespmem:$0x1A200] =	vst v63  }
0x39: {  	_ =	swait.ge [sflag:s24], $0x2000  }
0x3a: {  	[sflag:s24] =	ssyncset.done $0x0  }
0x3b: {  	[sflag:s24] =	ssyncadd.s32 $0xFFFFE000  }
0x3c: {  	[spmem:s11] =	stream.linear.scatter [tilespmem:s23], [sflag:$0x3], $0x2000, $0x38;
	[tilespmem:$0x1A200] =	vst v63  }
0x3d: {  	_ =	swait.ge [sflag:s24], $0x2000  }
0x3e: {  	[sflag:s24] =	ssyncset.done $0x0  }
0x3f: {  	[sflag:s24] =	ssyncadd.s32 $0xFFFFE000  }
0x40: {  	[spmem:s12] =	stream.linear.scatter [tilespmem:s23], [sflag:$0x3], $0x2000, $0x38;
	[tilespmem:$0x1A200] =	vst v63  }
0x41: {  	_ =	swait.ge [sflag:s24], $0x2000  }
0x42: {  	[sflag:s24] =	ssyncset.done $0x0  }
0x43: {  	[sflag:s24] =	ssyncadd.s32 $0xFFFFE000  }
0x44: {  	[spmem:s13] =	stream.linear.scatter [tilespmem:s23], [sflag:$0x3], $0x2000, $0x38;
	[tilespmem:$0x1A200] =	vst v63  }
0x45: {  	_ =	swait.ge [sflag:s24], $0x2000  }
0x46: {  	[sflag:s24] =	ssyncset.done $0x0  }
0x47: {  	[sflag:s24] =	ssyncadd.s32 $0xFFFFE000  }
0x48: {  	[spmem:s14] =	stream.linear.scatter [tilespmem:s23], [sflag:$0x3], $0x2000, $0x38;
	[tilespmem:$0x1A200] =	vst v63  }
0x49: {  	_ =	swait.ge [sflag:s24], $0x2000  }
0x4a: {  	[sflag:s24] =	ssyncset.done $0x0  }
0x4b: {  	[sflag:s24] =	ssyncadd.s32 $0xFFFFE000  }
0x4c: {  	[spmem:s15] =	stream.linear.scatter [tilespmem:s23], [sflag:$0x3], $0x2000, $0x38;
	[tilespmem:$0x1A200] =	vst v63  }
0x4d: {  	_ =	swait.ge [sflag:s24], $0x2000  }
0x4e: {  	[sflag:s24] =	ssyncset.done $0x0  }
0x4f: {  	p1 =	sne.s32 s17, $0x1;
	[sflag:s24] =	ssyncadd.s32 $0xFFFFE000  }
.Ltmp1:
0x50: {  	[bflag:$0x0] =	sbarrier.arrive $0xFFFF;
	(pc) =	sbr.rel @!p1 .LBB2_4-.Ltmp1, $4  }
0x51: {  	[tilespmem:s3], [sflag:$0x3] =	stream.linear.gather [hbm4b:s16+s3], $0x100, $0x38;
	[tilespmem:$0x1A200] =	vst v63  }
0x52: {  	_ =	swait.ge [sflag:s24], $0x100  }
0x53: {  	s7 =	sadd.s32 $0xFFFFFFFF, s17;
	[sflag:s24] =	ssyncset.done $0x0  }
0x54: {  	p0 =	por $0x0, $0x0;
	s9 =	sand.u32 $0x1FFFFFC0, s22;
	[sflag:s24] =	ssyncadd.s32 $0xFFFFFF00  }
0x55: {  	s8 =	sadd.s32 s9, s18  }
0x56: {  	[tilespmem:s25], [sflag:$0x2] =	stream.linear.gather [hbm4b:s8+s3], $0x100, $0x38;
	[tilespmem:$0x1A200] =	vst v63  }
0x57: {  	_ = 	snop  }
0x58: {  	[tilespmem:s28], [sflag:$0x1] =	stream.indirect.gather [hbm4b:s4+s26], $0x80, s3, s26, $0xb8;
	[tilespmem:$0x1A200] =	vst v63  }
0x59: {  	_ =	swait.ge [sflag:s29], $0x4000  }
0x5a: {  	[sflag:s29] =	ssyncset.done $0x0  }
0x5b: {  	[sflag:s29] =	ssyncadd.s32 $0xFFFFC000  }
0x5c: {  	[spmem:s1] =	stream.indirect.scatter.add.f32 [tilespmem:s28], [sflag:$0x3], $0x80, s26, s26, $0xb8;
	[tilespmem:$0x1A200] =	vst v63  }
0x5d: {  	_ =	swait.ge [sflag:s24], $0x4000  }
0x5e: {  	[sflag:s24] =	ssyncset.done $0x0  }
0x5f: {  	[sflag:s24] =	ssyncadd.s32 $0xFFFFC000  }
0x60: {  	_ =	swait.ge [sflag:s30], $0x100  }
0x61: {  	s21 =	sshrl.u32 s2, $0x3;
	[sflag:s30] =	ssyncset.done $0x0  }
0x62: {  	s8 =	sadd.s32 s5, s21;
	[sflag:s30] =	ssyncadd.s32 $0xFFFFFF00  }
0x63: {  	[tilespmem:s3], [sflag:$0x2] =	stream.linear.gather [hbm4b:s8+s3], $0x100, $0x38;
	[tilespmem:$0x1A200] =	vst v63  }
0x64: {  	_ = 	snop  }
0x65: {  	[tilespmem:s28], [sflag:$0x1] =	stream.indirect.gather [hbm4b:s4+s26], $0x80, s25, s26, $0xb8;
	[tilespmem:$0x1A200] =	vst v63  }
0x66: {  	_ =	swait.ge [sflag:s29], $0x4000  }
0x67: {  	[sflag:s29] =	ssyncset.done $0x0  }
0x68: {  	p1 =	sne.s32 s7, $0x1;
	[sflag:s29] =	ssyncadd.s32 $0xFFFFC000  }
0x69: {  	[spmem:s1] =	stream.indirect.scatter.add.f32 [tilespmem:s28], [sflag:$0x3], $0x80, s31, s26, $0xb8;
	[tilespmem:$0x1A200] =	vst v63  }
.Ltmp2:
0x6a: {  	_ =	swait.ge [sflag:s24], $0x4000;
	(pc) =	sbr.rel @!p1 .LBB2_6-.Ltmp2, $4  }
0x6b: {  	[sflag:s24] =	ssyncset.done $0x0  }
0x6c: {  	s7 =	sadd.s32 $0xFFFFFFFF, s7;
	[sflag:s24] =	ssyncadd.s32 $0xFFFFC000  }
0x6d: {  	p0 =	por $0x1, $0x1;
	s8 =	sadd.s32 $0x40, s22;
	_ =	swait.ge [sflag:s30], $0x100  }
0x6e: {  	s21 =	smov.u32 s2;
	s9 =	sand.u32 $0x1FFFFFC0, s8;
	[sflag:s30] =	ssyncset.done $0x0  }
.LBB2_7:
0x6f: {  	s9 =	sadd.s32 s9, s18;
	[sflag:s30] =	ssyncadd.s32 $0xFFFFFF00;
	s21 =	sadd.s32 $0x200, s21  }
0x70: {  	[tilespmem:s25], [sflag:$0x2] =	stream.linear.gather [hbm4b:s9+s3], $0x100, $0x38;
	[tilespmem:$0x1A200] =	vst v63  }
0x71: {  	p1 =	sne.s32 s7, $0x1;
	s7 =	sadd.s32 $0xFFFFFFFF, s7  }
0x72: {  	[tilespmem:s28], [sflag:$0x1] =	stream.indirect.gather [hbm4b:s4+s26], $0x80, s3, s26, $0xb8;
	[tilespmem:$0x1A200] =	vst v63  }
0x73: {  	_ =	swait.ge [sflag:s29], $0x4000  }
0x74: {  	[sflag:s29] =	ssyncset.done $0x0  }
0x75: {  	[sflag:s29] =	ssyncadd.s32 $0xFFFFC000  }
0x76: {  	[spmem:s1] =	stream.indirect.scatter.add.f32 [tilespmem:s28], [sflag:$0x3], $0x80, s26, s26, $0xb8;
	[tilespmem:$0x1A200] =	vst v63  }
0x77: {  	_ =	swait.ge [sflag:s24], $0x4000  }
0x78: {  	[sflag:s24] =	ssyncset.done $0x0  }
0x79: {  	[sflag:s24] =	ssyncadd.s32 $0xFFFFC000  }
0x7a: {  	_ =	swait.ge [sflag:s30], $0x100  }
0x7b: {  	s9 =	sshrl.u32 s21, $0x3;
	[sflag:s30] =	ssyncset.done $0x0  }
0x7c: {  	s9 =	sadd.s32 s5, s9;
	[sflag:s30] =	ssyncadd.s32 $0xFFFFFF00  }
0x7d: {  	[tilespmem:s3], [sflag:$0x2] =	stream.linear.gather [hbm4b:s9+s3], $0x100, $0x38;
	[tilespmem:$0x1A200] =	vst v63  }
0x7e: {  	_ = 	snop  }
0x7f: {  	[tilespmem:s28], [sflag:$0x1] =	stream.indirect.gather [hbm4b:s4+s26], $0x80, s25, s26, $0xb8;
	[tilespmem:$0x1A200] =	vst v63  }
0x80: {  	_ =	swait.ge [sflag:s29], $0x4000  }
0x81: {  	[sflag:s29] =	ssyncset.done $0x0  }
0x82: {  	[sflag:s29] =	ssyncadd.s32 $0xFFFFC000  }
0x83: {  	[spmem:s1] =	stream.indirect.scatter.add.f32 [tilespmem:s28], [sflag:$0x3], $0x80, s31, s26, $0xb8;
	[tilespmem:$0x1A200] =	vst v63  }
.Ltmp3:
0x84: {  	_ =	swait.ge [sflag:s24], $0x4000;
	(pc) =	sbr.rel @p1 .LBB2_7-.Ltmp3, $4  }
0x85: {  	[sflag:s24] =	ssyncset.done $0x0  }
0x86: {  	[sflag:s24] =	ssyncadd.s32 $0xFFFFC000  }
0x87: {  	s8 =	sadd.s32 $0x40, s8;
	_ =	swait.ge [sflag:s30], $0x100  }
0x88: {  	s9 =	sand.u32 $0x1FFFFFC0, s8;
	[sflag:s30] =	ssyncset.done $0x0  }
.LBB2_8:
0x89: {  	s7 =	sadd.s32 s9, s18;
	[sflag:s30] =	ssyncadd.s32 @p0 $0xFFFFFF00  }
0x8a: {  	[tilespmem:s25], [sflag:$0x2] =	stream.linear.gather [hbm4b:s7+s3], $0x100, $0x38;
	[tilespmem:$0x1A200] =	vst v63  }
0x8b: {  	_ = 	snop  }
0x8c: {  	[tilespmem:s28], [sflag:$0x1] =	stream.indirect.gather [hbm4b:s4+s26], $0x80, s3, s26, $0xb8;
	[tilespmem:$0x1A200] =	vst v63  }
0x8d: {  	_ =	swait.ge [sflag:s29], $0x4000  }
0x8e: {  	[sflag:s29] =	ssyncset.done $0x0  }
0x8f: {  	[sflag:s29] =	ssyncadd.s32 $0xFFFFC000  }
0x90: {  	[spmem:s1] =	stream.indirect.scatter.add.f32 [tilespmem:s28], [sflag:$0x3], $0x80, s26, s26, $0xb8;
	[tilespmem:$0x1A200] =	vst v63  }
0x91: {  	_ =	swait.ge [sflag:s24], $0x4000  }
0x92: {  	[sflag:s24] =	ssyncset.done $0x0  }
0x93: {  	s8 =	smov.u32 s2;
	s7 =	sadd.s32 @p0 $0x200, s21;
	[sflag:s24] =	ssyncadd.s32 $0xFFFFC000  }
0x94: {  	s8 =	smov.u32 @p0 s7;
	_ =	swait.ge [sflag:s30], $0x100  }
0x95: {  	s7 =	sshrl.u32 s8, $0x3;
	[sflag:s30] =	ssyncset.done $0x0  }
0x96: {  	s7 =	sadd.s32 s5, s7;
	[sflag:s30] =	ssyncadd.s32 $0xFFFFFF00  }
0x97: {  	[tilespmem:s3], [sflag:$0x2] =	stream.linear.gather [hbm4b:s7+s3], $0x100, $0x38;
	[tilespmem:$0x1A200] =	vst v63  }
0x98: {  	_ = 	snop  }
0x99: {  	[tilespmem:s28], [sflag:$0x1] =	stream.indirect.gather [hbm4b:s4+s26], $0x80, s25, s26, $0xb8;
	[tilespmem:$0x1A200] =	vst v63  }
0x9a: {  	_ =	swait.ge [sflag:s29], $0x4000  }
0x9b: {  	[sflag:s29] =	ssyncset.done $0x0  }
0x9c: {  	[sflag:s29] =	ssyncadd.s32 $0xFFFFC000  }
0x9d: {  	[spmem:s1] =	stream.indirect.scatter.add.f32 [tilespmem:s28], [sflag:$0x3], $0x80, s31, s26, $0xb8;
	[tilespmem:$0x1A200] =	vst v63  }
0x9e: {  	_ =	swait.ge [sflag:s24], $0x4000  }
0x9f: {  	[sflag:s24] =	ssyncset.done $0x0  }
0xa0: {  	[sflag:s24] =	ssyncadd.s32 $0xFFFFC000  }
0xa1: {  	_ =	swait.ge [sflag:s30], $0x100  }
0xa2: {  	s9 =	stileid.u32;
	s0 =	sadd.s32 $0x1, s0;
	[sflag:s30] =	ssyncset.done $0x0  }
0xa3: {  	s21 =	sshrl.u32 s6, $0x3;
	s7 =	sshll.u32 s9, $0x6;
	[sflag:s30] =	ssyncadd.s32 $0xFFFFFF00  }
0xa4: {  	p0 =	sne.s32 s0, s20;
	s7 =	sor.u32 $0x1C03, s7;
	[bflag:$0x0] =	sbarrier.arrive $0xFFFF  }
0xa5: {  	[hbm:s19], [sflag:s7] =	dma.local [spmem:s21], $0x2800  }
.Ltmp4:
0xa6: {  	_ = 	snop;
	(pc) =	sbr.rel @p0 .LBB2_1-.Ltmp4, $4  }
.Ltmp5:
0xa7: {  	_ = 	snop;
	(pc) =	sbr.rel @!p0 .LBB2_9-.Ltmp5, $4  }
0xa8: {  	_ =	swait.ge [sflag:s24], $0x2800  }
0xa9: {  	[sflag:s24] =	ssyncset.done $0x0  }
0xaa: {  	[sflag:s24] =	ssyncadd.s32 $0xFFFFD800  }
0xab: {  	_ = 	snop  }
.LBB2_4:
.Ltmp6:
0xac: {  	(pc) =	sbr.rel .LBB2_8-.Ltmp6, $2  }
0xad: {  	_ =	sdelay $0x2  }
0xae: {  	s21 =	smov.u32 s2  }
.LBB2_6:
.Ltmp7:
0xaf: {  	(pc) =	sbr.rel .LBB2_8-.Ltmp7, $2  }
0xb0: {  	_ =	sdelay $0x2  }
0xb1: {  	s21 =	smov.u32 s2  }
.LBB2_9:
0xb2: {  	_ =	sfence.sel $0x180000  }
0xb3: {  	[bflag:$0x0] =	sbarrier.arrive $0xFFFF  }
0xb4: {  	_ =	strace $0x9000004D  }
0xb5: {  	s0 =	stileid.u32;
	[bflag:$0x2] =	sbarrier.arrive $0xFFFF  }
0xb6: {  	p0 =	sne.s32 s0, $0x0;
	s0 =	rddreg [dreg:$0x2]  }
0xb7: {  	s0 =	sadd.s32 @!p0 $0x100000, s0  }
0xb8: {  	[sflag:s0] =	ssyncadd.tile.s32 @!p0 $0x1;
	_ =	shalt  }
.Lfunc_end2:
_tile_overlayer_lowered:
.L_overlay_start_2:
0xb9: {  	(tag) =	ssettag $0x2  }
0xba: {  	s0 =	rddreg [dreg:$0x0];
	s2 =	stileid.u32  }
0xbb: {  	s1 =	rddreg [dreg:$0x1];
	p0 =	sne.s32 s2, $0x0  }
0xbc: {  	s3 =	rddreg [dreg:$0x2];
	[bflag:$0x3] =	sbarrier.arrive $0xFFFF;
	s2 =	simm.s32 @!p0 $0x1C03  }
0xbd: {  	[timem:s3], [sflag:s2] =	dma.local @!p0 [hbm:s0], s1  }
0xbe: {  	s0 =	simm.s32 @!p0 $0x3  }
0xbf: {  	_ =	swait.ge @!p0 [sflag:s0], s1  }
0xc0: {  	s1 =	ssub.s32 @!p0 $0x0, s1;
	[sflag:s0] =	ssyncset.done @!p0 $0x0  }
0xc1: {  	[sflag:s0] =	ssyncadd.s32 @!p0 s1  }
0xc2: {  	[bflag:$0x3] =	sbarrier.arrive $0xFFFF  }
0xc3: {  	_ =	shalt  }

// kernel: kernel.19.cloned.1.call-start
scs
__scs_entry_jumppad:
0x0: {  	(pc) =	sbr.rel $0x88, $3  }
0x1: {  	(tag) =	ssettag $0x0;
	lr =	simm.s32 $0x1  }
0x2: {  	[smem:$0x3F95] =	sst lr;
	_ =	strace $0xD0000000  }
0x3: {  	_ = 	snop  }
0x4: {  	_ = 	snop  }
0x5: {  	_ = 	snop  }
0x6: {  	_ = 	snop  }
0x7: {  	_ = 	snop  }
__scs_overlays_trampoline_lowered:
0x8: {  	[smem:$0x3FA4] =	sst s0  }
0x9: {  	[smem:$0x3FA5] =	sst s1  }
0xa: {  	[smem:$0x3FA6] =	sst s2  }
0xb: {  	[smem:$0x3FA7] =	sst s3  }
0xc: {  	[smem:$0x3FA8] =	sst s4  }
0xd: {  	[smem:$0x3FA9] =	sst s5  }
0xe: {  	[smem:$0x3FAA] =	sst s6  }
0xf: {  	[smem:$0x3FAB] =	sst s7  }
0x10: {  	[smem:$0x3FAC] =	sst s8  }
0x11: {  	[smem:$0x3FAD] =	sst s9;
	s0 =	simm.s32 @!p0 $0x0  }
0x12: {  	s1 =	sld [smem:$0x3F93];
	s0 =	simm.s32 @p0 $0x1  }
0x13: {  	[smem:$0x3FAE] =	sst s0;
	s0 =	simm.s32 @!p1 $0x0  }
0x14: {  	s2 =	sld [smem:$0x3F92];
	s0 =	simm.s32 @p1 $0x1  }
0x15: {  	[smem:$0x3FAF] =	sst s0;
	s0 =	simm.s32 @!p2 $0x0  }
0x16: {  	s3 =	sld [smem:$0x3FDB];
	s0 =	simm.s32 @p2 $0x1  }
0x17: {  	s4 =	simm.s32 $0x1BF5;
	[smem:$0x3FB1] =	sst s0  }
0x18: {  	s0 =	sld [smem:$0x3F94];
	_ =	swait.ge [sflag:s4], $0x0  }
0x19: {  	s7 =	sld [smem:$0x3F95]  }
0x1a: {  	s8 =	sadd.s32 $0xFFFFE003, lr  }
0x1b: {  	s9 =	sadd.s32 $0xFFFFFEF7, lr;
	s5 =	simm.s32 $0xFFFFFFFF;
	p2 =	slt.u32 s8, $0xFFFFF086  }
0x1c: {  	p1 =	slt.u32 s9, $0xF7A;
	s5 =	simm.s32 @!p2 $0x0  }
0x1d: {  	s5 =	simm.s32 @p1 $0x1;
	p0 =	seq.s32 s7, s2  }
0x1e: {  	s7 =	smul.u32 @!p0 $0xF7A, s2;
	p2 =	seq.s32 @!p0 s5, $0x0  }
0x1f: {  	s9 =	smul.u32 $0xF7A, s1;
	s8 =	simm.s32 @!p0 $0x1BF5;
	p2 =	por !p2, p0  }
0x20: {  	[sflag:s8] =	ssyncset.s32 @!p0 $0xFFFFF086;
	s6 =	sadd.s32 @!p0 s3, s7;
	s7 =	simm.s32 @!p0 $0x108  }
0x21: {  	s3 =	sadd.s32 s3, s9;
	s6 =	sadd.s32 @!p0 $0x88, s6;
	s7 =	simm.s32 @p2 $0x1082  }
0x22: {  	[simem:s7], [sflag:s8] =	dma.local @!p0 [hbm:s6], $0xF7A  }
0x23: {  	s9 =	sor.u32 $0xD0000000, s2;
	s6 =	simm.s32 $0x108;
	_ =	swait.ge @!p0 [sflag:s8], $0x0  }
0x24: {  	s3 =	sadd.s32 $0x88, s3;
	s6 =	simm.s32 @!p1 $0x1082;
	[sflag:s4] =	ssyncset.s32 $0xFFFFF086  }
0x25: {  	[simem:s6], [sflag:s4] =	dma.local [hbm:s3], $0xF7A  }
0x26: {  	[smem:$0x3F95] =	sst s1;
	(tag) =	ssettag s2;
	_ =	strace s9  }
0x27: {  	s1 =	sld [smem:$0x3FA5]  }
0x28: {  	s2 =	sld [smem:$0x3FA6]  }
0x29: {  	s4 =	sld [smem:$0x3FA8]  }
0x2a: {  	p0 =	seq.s32 s5, $0x0;
	s5 =	sld [smem:$0x3FA9]  }
0x2b: {  	s6 =	sld [smem:$0x3FAA]  }
0x2c: {  	s7 =	sld [smem:$0x3FAB]  }
0x2d: {  	s3 =	simm.s32 $0x108;
	s8 =	sld [smem:$0x3FAC]  }
0x2e: {  	s3 =	simm.s32 @!p0 $0x1082;
	s9 =	sld [smem:$0x3FAD]  }
0x2f: {  	lr =	sadd.s32 s0, s3;
	s0 =	sld [smem:$0x3FA4]  }
0x30: {  	s3 =	sld [smem:$0x3FA7]  }
0x31: {  	[smem:$0x3FB0] =	sst s10  }
0x32: {  	s10 =	sld [smem:$0x3FAE];
	_ =	sdelay $0x3  }
0x33: {  	p0 =	seq.s32 s10, $0x1;
	s10 =	sld [smem:$0x3FB0];
	_ =	sdelay $0x3  }
0x34: {  	[smem:$0x3FB0] =	sst s10  }
0x35: {  	s10 =	sld [smem:$0x3FAF];
	_ =	sdelay $0x3  }
0x36: {  	p1 =	seq.s32 s10, $0x1;
	s10 =	sld [smem:$0x3FB0];
	_ =	sdelay $0x3  }
0x37: {  	[smem:$0x3FB0] =	sst s10  }
0x38: {  	s10 =	sld [smem:$0x3FB1]  }
0x39: {  	_ = 	snop;
	(pc) =	sbr.ind lr, $3  }
0x3a: {  	_ = 	snop  }
0x3b: {  	_ = 	snop  }
0x3c: {  	p2 =	seq.s32 s10, $0x1;
	s10 =	sld [smem:$0x3FB0]  }
0x3d: {  	_ =	shalt  }
0x3e: {  	_ =	shalt  }
0x3f: {  	_ =	shalt  }
0x40: {  	_ =	shalt  }
0x41: {  	_ =	shalt  }
0x42: {  	_ =	shalt  }
0x43: {  	_ =	shalt  }
0x44: {  	_ =	shalt  }
0x45: {  	_ =	shalt  }
0x46: {  	_ =	shalt  }
0x47: {  	_ =	shalt  }
0x48: {  	_ =	shalt  }
0x49: {  	_ =	shalt  }
0x4a: {  	_ =	shalt  }
0x4b: {  	_ =	shalt  }
0x4c: {  	_ =	shalt  }
0x4d: {  	_ =	shalt  }
0x4e: {  	_ =	shalt  }
0x4f: {  	_ =	shalt  }
0x50: {  	_ =	shalt  }
0x51: {  	_ =	shalt  }
0x52: {  	_ =	shalt  }
0x53: {  	_ =	shalt  }
0x54: {  	_ =	shalt  }
0x55: {  	_ =	shalt  }
0x56: {  	_ =	shalt  }
0x57: {  	_ =	shalt  }
0x58: {  	_ =	shalt  }
0x59: {  	_ =	shalt  }
0x5a: {  	_ =	shalt  }
0x5b: {  	_ =	shalt  }
0x5c: {  	_ =	shalt  }
0x5d: {  	_ =	shalt  }
0x5e: {  	_ =	shalt  }
0x5f: {  	_ =	shalt  }
0x60: {  	_ =	shalt  }
0x61: {  	_ =	shalt  }
0x62: {  	_ =	shalt  }
0x63: {  	_ =	shalt  }
0x64: {  	_ =	shalt  }
0x65: {  	_ =	shalt  }
0x66: {  	_ =	shalt  }
0x67: {  	_ =	shalt  }
0x68: {  	_ =	shalt  }
0x69: {  	_ =	shalt  }
0x6a: {  	_ =	shalt  }
0x6b: {  	_ =	shalt  }
0x6c: {  	_ =	shalt  }
0x6d: {  	_ =	shalt  }
0x6e: {  	_ =	shalt  }
0x6f: {  	_ =	shalt  }
0x70: {  	_ =	shalt  }
0x71: {  	_ =	shalt  }
0x72: {  	_ =	shalt  }
0x73: {  	_ =	shalt  }
0x74: {  	_ =	shalt  }
0x75: {  	_ =	shalt  }
0x76: {  	_ =	shalt  }
0x77: {  	_ =	shalt  }
0x78: {  	_ =	shalt  }
0x79: {  	_ =	shalt  }
0x7a: {  	_ =	shalt  }
0x7b: {  	_ =	shalt  }
0x7c: {  	_ =	shalt  }
0x7d: {  	_ =	shalt  }
0x7e: {  	_ =	shalt  }
0x7f: {  	_ =	shalt  }
0x80: {  	_ =	shalt  }
0x81: {  	_ =	shalt  }
0x82: {  	_ =	shalt  }
0x83: {  	_ =	shalt  }
0x84: {  	_ =	shalt  }
0x85: {  	_ =	shalt  }
0x86: {  	_ =	shalt  }
0x87: {  	_ =	shalt  }
.Lfunc_end0:
.L_simem_size_0:
called_computation.3_lowered:
.L_overlay_start_0:
0x88: {  	s2 =	sld [smem:$0x3FD9]  }
0x89: {  	s3 =	sld [smem:$0x3FFE];
	_ =	sdelay $0x1  }
0x8a: {  	s1 =	srdreg.scid  }
0x8b: {  	s0 =	sand.u32 $0x1, s1  }
0x8c: {  	s16 =	sshll.u32 s0, $0xA;
	s2 =	sadd.s32 s3, s2  }
0x8d: {  	s2 =	sadd.s32 s2, s16  }
0x8e: {  	[smem:$0x3FBC] =	sst s2  }
0x8f: {  	_ = 	snop  }
0x90: {  	(tm) =	ssettm $0x1  }
0x91: {  	s17 =	sld [smem:$0x3FFB];
	_ =	sdelay $0x3  }
0x92: {  	_ =	strace s17  }
0x93: {  	s2 =	sld [smem:$0x3FFC];
	_ =	sdelay $0x3  }
0x94: {  	_ =	strace s2  }
0x95: {  	s2 =	sld [smem:$0x3FFD];
	_ =	sdelay $0x3  }
0x96: {  	_ =	strace s2  }
0x97: {  	_ =	strace $0x8FFFFFFF  }
0x98: {  	s18 =	sld [smem:$0x3FDB];
	_ =	sdelay $0x1  }
0x99: {  	s19 =	simm.s32 $_scs_section_size  }
0x9a: {  	s4 =	simm.s32 $_size__tile_overlayer_lowered;
	s5 =	simm.s32 $_tile_overlayer_lowered  }
0x9b: {  	s22 =	simm.s32 $0x1BFF;
	s21 =	sshll.u32 s5, $0x1;
	s2 =	sadd.s32 s19, s18  }
0x9c: {  	s6 =	simm.s32 $0x0;
	s20 =	sshll.u32 s4, $0x1;
	s4 =	sadd.s32 s21, s2  }
0x9d: {  	[timem:s6], [sflag:s22] =	dma.local [hbm:s4], s20  }
0x9e: {  	_ =	swait.ge [sflag:s22], s20  }
0x9f: {  	s3 =	ssub.s32 $0x0, s20;
	[sflag:s22] =	ssyncset.done $0x0  }
0xa0: {  	[sflag:s22] =	ssyncadd.s32 s3;
	_ =	sdelay $0x1  }
0xa1: {  	s23 =	simm.s32 $0x1B8B  }
0xa2: {  	_ =	swait.ge [sflag:s23], $0x1  }
0xa3: {  	[sflag:s23] =	ssyncset.done $0x0  }
0xa4: {  	s25 =	simm.s32 $0x1B8E;
	s24 =	sld [smem:$0x3FFE];
	[sflag:s23] =	ssyncadd.s32 $0xFFFFFFFF  }
0xa5: {  	s26 =	simm.s32 $execute0_lowered;
	[smem:$0x3FD2] =	sst s25  }
0xa6: {  	s4 =	sshll.u32 s26, $0x1;
	_ =	strace $0x8000004F;
	[dreg:$0x1] =	wrdreg $0xFFFFFFFF  }
0xa7: {  	s28 =	simm.s32 $_size_execute0_lowered;
	s2 =	sadd.s32 s2, s4;
	[dreg:$0x0] =	wrdreg $0x0  }
0xa8: {  	s4 =	sshll.u32 s28, $0x1;
	[dreg:$0x2] =	wrdreg s2  }
0xa9: {  	[dreg:$0x3] =	wrdreg s4  }
0xaa: {  	[dreg:$0x4] =	wrdreg $0xC0  }
0xab: {  	_ =	task [dreg:s6], $0x5FFFF  }
0xac: {  	[dreg:$0x1] =	wrdreg $0xFFFFFFFF  }
0xad: {  	[dreg:$0x0] =	wrdreg $0x60  }
0xae: {  	[dreg:$0x2] =	wrdreg s24  }
0xaf: {  	[dreg:$0x3] =	wrdreg $0x62000  }
0xb0: {  	[dreg:$0x4] =	wrdreg $0x9  }
0xb1: {  	_ =	task.clear_ibuf [dreg:s6], $0x5FFFF;
	_ =	strace $0x9000004F  }
0xb2: {  	s29 =	simm.s32 $0x9;
	_ =	strace $0x80000051  }
0xb3: {  	_ =	swait.ge [sflag:s29], $0x1  }
0xb4: {  	[sflag:s29] =	ssyncadd.s32 $0xFFFFFFFF  }
0xb5: {  	_ =	strace $0x90000051  }
0xb6: {  	_ =	sfence  }
0xb7: {  	s30 =	sld [smem:$0x0];
	_ =	sdelay $0x2  }
0xb8: {  	s31 =	sshll.u32 s1, $0xD;
	s1 =	sshrl.u32 s1, $0x2  }
0xb9: {  	s3 =	sand.u32 $0x4000, s31;
	s1 =	sadd.s32 s1, s30  }
0xba: {  	s0 =	sor.u32 s3, s0;
	s1 =	sshll.u32 s1, $0x11  }
0xbb: {  	s0 =	sor.u32 s1, s0  }
0xbc: {  	s0 =	sadd.s32 $0x8F2B, s0  }
0xbd: {  	[sflag:s0] =	ssyncadd.remote.s32 $0x1  }
0xbe: {  	_ =	sfence.sel $0xFFFF  }
0xbf: {  	[dreg:$0x0] =	wrdreg $0xFFFFFFFF;
	(pc) =	sbr.abs _section_cstart, $3  }
0xc0: {  	[dreg:$0x1] =	wrdreg $0xFFFFFFFF  }
0xc1: {  	_ =	task.clear_ibuf [dreg:s6], $0x2FFFF;
	_ =	strace $0x9FFFFFFF  }
0xc2: {  	(tm) =	ssettm $0x7FFFFFFF  }
0xc3: {  	_ =	shalt  }
tec
execute0_lowered:
.L_overlay_start_1:
0x0: {  	(tag) =	ssettag $0x1  }
0x1: {  	s0 =	rddreg [dreg:$0x0]  }
0x2: {  	s1 =	rddreg [dreg:$0x1]  }
0x3: {  	s2 =	srdreg.scid;
	s11 =	stileid.u32  }
0x4: {  	s3 =	simm.s32 $0x0;
	s28 =	simm.s32 $0x200;
	s6 =	smul.u32 $0x14000, s11  }
0x5: {  	s29 =	simm.s32 $0x1;
	s2 =	sand.u32 $0x1, s2;
	s20 =	smul.u32 $0x50000, s11  }
0x6: {  	s30 =	simm.s32 $0x2;
	s31 =	simm.s32 $0x180;
	s5 =	smul.u32 $0x140000, s2  }
0x7: {  	[smem:$0x7FF] =	sst s3;
	s4 =	sadd.s32 $0x18200, s0;
	s9 =	smul.u32 $0xFFFFFFDE, s2  }
0x8: {  	s18 =	sadd.s32 $0x4420, s0;
	s8 =	ssub.s32 $0x2, s2;
	s12 =	smul.u32 $0x600, s2  }
0x9: {  	_ =	strace $0x80000050;
	s24 =	smul.u32 $0x60000, s2;
	s10 =	sshrl.u32 s8, $0x1  }
0xa: {  	s5 =	sadd.s32 s6, s5;
	s6 =	sshrl.u32 s20, $0x2;
	s9 =	sadd.s32 $0x60, s9  }
0xb: {  	s8 =	ssub.s32 s8, s10;
	s7 =	sshrl.u32 s5, $0x3;
	s5 =	sadd.s32 $0x4400, s0  }
0xc: {  	s6 =	sadd.s32 s6, s1;
	s20 =	smul.u32 s11, s9;
	s17 =	sshrl.u32 s9, $0x1  }
0xd: {  	s7 =	sadd.s32 s7, s0;
	s21 =	sadd.s32 $0x2000, s6;
	s22 =	sadd.s32 $0x4000, s6  }
0xe: {  	s23 =	sadd.s32 $0x6000, s6;
	s10 =	sadd.s32 $0x8000, s6;
	[dreg:$0x3] =	wrdreg s21  }
0xf: {  	s11 =	sadd.s32 $0xA000, s6;
	s13 =	sadd.s32 $0xE000, s6;
	[dreg:$0x4] =	wrdreg s22  }
0x10: {  	s15 =	sadd.s32 $0x12000, s6;
	[dreg:$0x5] =	wrdreg s23;
	s14 =	sadd.s32 s12, s20  }
0x11: {  	s12 =	sadd.s32 $0xC000, s6;
	s25 =	sshll.u32 s20, $0x8;
	s21 =	smul.u32 $0xC000, s2  }
0x12: {  	s19 =	sadd.s32 $0x3F400, s7;
	s26 =	sshll.u32 s20, $0x5;
	s20 =	smax.u32 s8, $0x1  }
0x13: {  	s23 =	simm.s32 $0x4200;
	s16 =	sshll.u32 s14, $0x5;
	s14 =	sadd.s32 $0x10000, s6  }
0x14: {  	s0 =	sadd.s32 s24, s25;
	s24 =	simm.s32 $0x3;
	s25 =	simm.s32 $0x100  }
0x15: {  	s16 =	sand.u32 $0x1FFFFFC0, s16;
	s2 =	sadd.s32 $0x200, s0;
	s22 =	sadd.s32 s21, s26  }
0x16: {  	v0 =	vimm.f32 $0.0e+00;
	s26 =	simm.s32 $0x80;
	s0 =	simm.s32 $0x0;
	s16 =	sadd.s32 s5, s16  }
.LBB2_1:
0x17: {  	s7 =	simm.s32 $0x0;
	s8 =	simm.s32 $0x200  }
.LBB2_2:
0x18: {  	p0 =	sne.s32 s8, $0x7E00;
	[tilespmem:s7+$0x4270] =	vst v0  }
0x19: {  	[tilespmem:s7+$0x4200] =	vst v0  }
0x1a: {  	[tilespmem:s7+$0x4210] =	vst v0  }
.Ltmp0:
0x1b: {  	[tilespmem:s7+$0x4220] =	vst v0;
	(pc) =	sbr.rel @p0 .LBB2_2-.Ltmp0, $4  }
0x1c: {  	[tilespmem:s7+$0x4230] =	vst v0  }
0x1d: {  	[tilespmem:s7+$0x4240] =	vst v0  }
0x1e: {  	[tilespmem:s7+$0x4250] =	vst v0  }
0x1f: {  	[tilespmem:s7+$0x4260] =	vst v0;
	s7 =	sshra.s32 s8, $0x2;
	s8 =	sadd.s32 $0x200, s8  }
0x20: {  	[tilespmem:s7+$0x4270] =	vst v0  }
0x21: {  	[tilespmem:s7+$0x4200] =	vst v0  }
0x22: {  	[tilespmem:s7+$0x4210] =	vst v0  }
0x23: {  	[tilespmem:s7+$0x4220] =	vst v0  }
0x24: {  	[tilespmem:s7+$0x4230] =	vst v0  }
0x25: {  	[tilespmem:s7+$0x4240] =	vst v0  }
0x26: {  	[tilespmem:s7+$0x4250] =	vst v0  }
0x27: {  	[tilespmem:s7+$0x4260] =	vst v0  }
0x28: {  	[spmem:s6] =	stream.linear.scatter [tilespmem:s23], [sflag:$0x3], $0x2000, $0x38;
	[tilespmem:$0x1A200] =	vst v63  }
0x29: {  	_ =	swait.ge [sflag:s24], $0x2000  }
0x2a: {  	[sflag:s24] =	ssyncset.done $0x0  }
0x2b: {  	s8 =	rddreg [dreg:$0x3];
	[sflag:s24] =	ssyncadd.s32 $0xFFFFE000  }
0x2c: {  	[spmem:s8] =	stream.linear.scatter [tilespmem:s23], [sflag:$0x3], $0x2000, $0x38;
	[tilespmem:$0x1A200] =	vst v63  }
0x2d: {  	_ =	swait.ge [sflag:s24], $0x2000  }
0x2e: {  	[sflag:s24] =	ssyncset.done $0x0  }
0x2f: {  	s9 =	rddreg [dreg:$0x4];
	[sflag:s24] =	ssyncadd.s32 $0xFFFFE000  }
0x30: {  	[spmem:s9] =	stream.linear.scatter [tilespmem:s23], [sflag:$0x3], $0x2000, $0x38;
	[tilespmem:$0x1A200] =	vst v63  }
0x31: {  	_ =	swait.ge [sflag:s24], $0x2000  }
0x32: {  	[sflag:s24] =	ssyncset.done $0x0  }
0x33: {  	s21 =	rddreg [dreg:$0x5];
	[sflag:s24] =	ssyncadd.s32 $0xFFFFE000  }
0x34: {  	[spmem:s21] =	stream.linear.scatter [tilespmem:s23], [sflag:$0x3], $0x2000, $0x38;
	[tilespmem:$0x1A200] =	vst v63  }
0x35: {  	_ =	swait.ge [sflag:s24], $0x2000  }
0x36: {  	[sflag:s24] =	ssyncset.done $0x0  }
0x37: {  	[sflag:s24] =	ssyncadd.s32 $0xFFFFE000  }
0x38: {  	[spmem:s10] =	stream.linear.scatter [tilespmem:s23], [sflag:$0x3], $0x2000, $0x38;
	[tilespmem:$0x1A200] =	vst v63  }
0x39: {  	_ =	swait.ge [sflag:s24], $0x2000  }
0x3a: {  	[sflag:s24] =	ssyncset.done $0x0  }
0x3b: {  	[sflag:s24] =	ssyncadd.s32 $0xFFFFE000  }
0x3c: {  	[spmem:s11] =	stream.linear.scatter [tilespmem:s23], [sflag:$0x3], $0x2000, $0x38;
	[tilespmem:$0x1A200] =	vst v63  }
0x3d: {  	_ =	swait.ge [sflag:s24], $0x2000  }
0x3e: {  	[sflag:s24] =	ssyncset.done $0x0  }
0x3f: {  	[sflag:s24] =	ssyncadd.s32 $0xFFFFE000  }
0x40: {  	[spmem:s12] =	stream.linear.scatter [tilespmem:s23], [sflag:$0x3], $0x2000, $0x38;
	[tilespmem:$0x1A200] =	vst v63  }
0x41: {  	_ =	swait.ge [sflag:s24], $0x2000  }
0x42: {  	[sflag:s24] =	ssyncset.done $0x0  }
0x43: {  	[sflag:s24] =	ssyncadd.s32 $0xFFFFE000  }
0x44: {  	[spmem:s13] =	stream.linear.scatter [tilespmem:s23], [sflag:$0x3], $0x2000, $0x38;
	[tilespmem:$0x1A200] =	vst v63  }
0x45: {  	_ =	swait.ge [sflag:s24], $0x2000  }
0x46: {  	[sflag:s24] =	ssyncset.done $0x0  }
0x47: {  	[sflag:s24] =	ssyncadd.s32 $0xFFFFE000  }
0x48: {  	[spmem:s14] =	stream.linear.scatter [tilespmem:s23], [sflag:$0x3], $0x2000, $0x38;
	[tilespmem:$0x1A200] =	vst v63  }
0x49: {  	_ =	swait.ge [sflag:s24], $0x2000  }
0x4a: {  	[sflag:s24] =	ssyncset.done $0x0  }
0x4b: {  	[sflag:s24] =	ssyncadd.s32 $0xFFFFE000  }
0x4c: {  	[spmem:s15] =	stream.linear.scatter [tilespmem:s23], [sflag:$0x3], $0x2000, $0x38;
	[tilespmem:$0x1A200] =	vst v63  }
0x4d: {  	_ =	swait.ge [sflag:s24], $0x2000  }
0x4e: {  	[sflag:s24] =	ssyncset.done $0x0  }
0x4f: {  	p1 =	sne.s32 s17, $0x1;
	[sflag:s24] =	ssyncadd.s32 $0xFFFFE000  }
.Ltmp1:
0x50: {  	[bflag:$0x0] =	sbarrier.arrive $0xFFFF;
	(pc) =	sbr.rel @!p1 .LBB2_4-.Ltmp1, $4  }
0x51: {  	[tilespmem:s3], [sflag:$0x3] =	stream.linear.gather [hbm4b:s16+s3], $0x100, $0x38;
	[tilespmem:$0x1A200] =	vst v63  }
0x52: {  	_ =	swait.ge [sflag:s24], $0x100  }
0x53: {  	s7 =	sadd.s32 $0xFFFFFFFF, s17;
	[sflag:s24] =	ssyncset.done $0x0  }
0x54: {  	p0 =	por $0x0, $0x0;
	s9 =	sand.u32 $0x1FFFFFC0, s22;
	[sflag:s24] =	ssyncadd.s32 $0xFFFFFF00  }
0x55: {  	s8 =	sadd.s32 s9, s18  }
0x56: {  	[tilespmem:s25], [sflag:$0x2] =	stream.linear.gather [hbm4b:s8+s3], $0x100, $0x38;
	[tilespmem:$0x1A200] =	vst v63  }
0x57: {  	_ = 	snop  }
0x58: {  	[tilespmem:s28], [sflag:$0x1] =	stream.indirect.gather [hbm4b:s4+s26], $0x80, s3, s26, $0xb8;
	[tilespmem:$0x1A200] =	vst v63  }
0x59: {  	_ =	swait.ge [sflag:s29], $0x4000  }
0x5a: {  	[sflag:s29] =	ssyncset.done $0x0  }
0x5b: {  	[sflag:s29] =	ssyncadd.s32 $0xFFFFC000  }
0x5c: {  	[spmem:s1] =	stream.indirect.scatter.add.f32 [tilespmem:s28], [sflag:$0x3], $0x80, s26, s26, $0xb8;
	[tilespmem:$0x1A200] =	vst v63  }
0x5d: {  	_ =	swait.ge [sflag:s24], $0x4000  }
0x5e: {  	[sflag:s24] =	ssyncset.done $0x0  }
0x5f: {  	[sflag:s24] =	ssyncadd.s32 $0xFFFFC000  }
0x60: {  	_ =	swait.ge [sflag:s30], $0x100  }
0x61: {  	s21 =	sshrl.u32 s2, $0x3;
	[sflag:s30] =	ssyncset.done $0x0  }
0x62: {  	s8 =	sadd.s32 s5, s21;
	[sflag:s30] =	ssyncadd.s32 $0xFFFFFF00  }
0x63: {  	[tilespmem:s3], [sflag:$0x2] =	stream.linear.gather [hbm4b:s8+s3], $0x100, $0x38;
	[tilespmem:$0x1A200] =	vst v63  }
0x64: {  	_ = 	snop  }
0x65: {  	[tilespmem:s28], [sflag:$0x1] =	stream.indirect.gather [hbm4b:s4+s26], $0x80, s25, s26, $0xb8;
	[tilespmem:$0x1A200] =	vst v63  }
0x66: {  	_ =	swait.ge [sflag:s29], $0x4000  }
0x67: {  	[sflag:s29] =	ssyncset.done $0x0  }
0x68: {  	p1 =	sne.s32 s7, $0x1;
	[sflag:s29] =	ssyncadd.s32 $0xFFFFC000  }
0x69: {  	[spmem:s1] =	stream.indirect.scatter.add.f32 [tilespmem:s28], [sflag:$0x3], $0x80, s31, s26, $0xb8;
	[tilespmem:$0x1A200] =	vst v63  }
.Ltmp2:
0x6a: {  	_ =	swait.ge [sflag:s24], $0x4000;
	(pc) =	sbr.rel @!p1 .LBB2_6-.Ltmp2, $4  }
0x6b: {  	[sflag:s24] =	ssyncset.done $0x0  }
0x6c: {  	s7 =	sadd.s32 $0xFFFFFFFF, s7;
	[sflag:s24] =	ssyncadd.s32 $0xFFFFC000  }
0x6d: {  	p0 =	por $0x1, $0x1;
	s8 =	sadd.s32 $0x40, s22;
	_ =	swait.ge [sflag:s30], $0x100  }
0x6e: {  	s21 =	smov.u32 s2;
	s9 =	sand.u32 $0x1FFFFFC0, s8;
	[sflag:s30] =	ssyncset.done $0x0  }
.LBB2_7:
0x6f: {  	s9 =	sadd.s32 s9, s18;
	[sflag:s30] =	ssyncadd.s32 $0xFFFFFF00;
	s21 =	sadd.s32 $0x200, s21  }
0x70: {  	[tilespmem:s25], [sflag:$0x2] =	stream.linear.gather [hbm4b:s9+s3], $0x100, $0x38;
	[tilespmem:$0x1A200] =	vst v63  }
0x71: {  	p1 =	sne.s32 s7, $0x1;
	s7 =	sadd.s32 $0xFFFFFFFF, s7  }
0x72: {  	[tilespmem:s28], [sflag:$0x1] =	stream.indirect.gather [hbm4b:s4+s26], $0x80, s3, s26, $0xb8;
	[tilespmem:$0x1A200] =	vst v63  }
0x73: {  	_ =	swait.ge [sflag:s29], $0x4000  }
0x74: {  	[sflag:s29] =	ssyncset.done $0x0  }
0x75: {  	[sflag:s29] =	ssyncadd.s32 $0xFFFFC000  }
0x76: {  	[spmem:s1] =	stream.indirect.scatter.add.f32 [tilespmem:s28], [sflag:$0x3], $0x80, s26, s26, $0xb8;
	[tilespmem:$0x1A200] =	vst v63  }
0x77: {  	_ =	swait.ge [sflag:s24], $0x4000  }
0x78: {  	[sflag:s24] =	ssyncset.done $0x0  }
0x79: {  	[sflag:s24] =	ssyncadd.s32 $0xFFFFC000  }
0x7a: {  	_ =	swait.ge [sflag:s30], $0x100  }
0x7b: {  	s9 =	sshrl.u32 s21, $0x3;
	[sflag:s30] =	ssyncset.done $0x0  }
0x7c: {  	s9 =	sadd.s32 s5, s9;
	[sflag:s30] =	ssyncadd.s32 $0xFFFFFF00  }
0x7d: {  	[tilespmem:s3], [sflag:$0x2] =	stream.linear.gather [hbm4b:s9+s3], $0x100, $0x38;
	[tilespmem:$0x1A200] =	vst v63  }
0x7e: {  	_ = 	snop  }
0x7f: {  	[tilespmem:s28], [sflag:$0x1] =	stream.indirect.gather [hbm4b:s4+s26], $0x80, s25, s26, $0xb8;
	[tilespmem:$0x1A200] =	vst v63  }
0x80: {  	_ =	swait.ge [sflag:s29], $0x4000  }
0x81: {  	[sflag:s29] =	ssyncset.done $0x0  }
0x82: {  	[sflag:s29] =	ssyncadd.s32 $0xFFFFC000  }
0x83: {  	[spmem:s1] =	stream.indirect.scatter.add.f32 [tilespmem:s28], [sflag:$0x3], $0x80, s31, s26, $0xb8;
	[tilespmem:$0x1A200] =	vst v63  }
.Ltmp3:
0x84: {  	_ =	swait.ge [sflag:s24], $0x4000;
	(pc) =	sbr.rel @p1 .LBB2_7-.Ltmp3, $4  }
0x85: {  	[sflag:s24] =	ssyncset.done $0x0  }
0x86: {  	[sflag:s24] =	ssyncadd.s32 $0xFFFFC000  }
0x87: {  	s8 =	sadd.s32 $0x40, s8;
	_ =	swait.ge [sflag:s30], $0x100  }
0x88: {  	s9 =	sand.u32 $0x1FFFFFC0, s8;
	[sflag:s30] =	ssyncset.done $0x0  }
.LBB2_8:
0x89: {  	s7 =	sadd.s32 s9, s18;
	[sflag:s30] =	ssyncadd.s32 @p0 $0xFFFFFF00  }
0x8a: {  	[tilespmem:s25], [sflag:$0x2] =	stream.linear.gather [hbm4b:s7+s3], $0x100, $0x38;
	[tilespmem:$0x1A200] =	vst v63  }
0x8b: {  	_ = 	snop  }
0x8c: {  	[tilespmem:s28], [sflag:$0x1] =	stream.indirect.gather [hbm4b:s4+s26], $0x80, s3, s26, $0xb8;
	[tilespmem:$0x1A200] =	vst v63  }
0x8d: {  	_ =	swait.ge [sflag:s29], $0x4000  }
0x8e: {  	[sflag:s29] =	ssyncset.done $0x0  }
0x8f: {  	[sflag:s29] =	ssyncadd.s32 $0xFFFFC000  }
0x90: {  	[spmem:s1] =	stream.indirect.scatter.add.f32 [tilespmem:s28], [sflag:$0x3], $0x80, s26, s26, $0xb8;
	[tilespmem:$0x1A200] =	vst v63  }
0x91: {  	_ =	swait.ge [sflag:s24], $0x4000  }
0x92: {  	[sflag:s24] =	ssyncset.done $0x0  }
0x93: {  	s8 =	smov.u32 s2;
	s7 =	sadd.s32 @p0 $0x200, s21;
	[sflag:s24] =	ssyncadd.s32 $0xFFFFC000  }
0x94: {  	s8 =	smov.u32 @p0 s7;
	_ =	swait.ge [sflag:s30], $0x100  }
0x95: {  	s7 =	sshrl.u32 s8, $0x3;
	[sflag:s30] =	ssyncset.done $0x0  }
0x96: {  	s7 =	sadd.s32 s5, s7;
	[sflag:s30] =	ssyncadd.s32 $0xFFFFFF00  }
0x97: {  	[tilespmem:s3], [sflag:$0x2] =	stream.linear.gather [hbm4b:s7+s3], $0x100, $0x38;
	[tilespmem:$0x1A200] =	vst v63  }
0x98: {  	_ = 	snop  }
0x99: {  	[tilespmem:s28], [sflag:$0x1] =	stream.indirect.gather [hbm4b:s4+s26], $0x80, s25, s26, $0xb8;
	[tilespmem:$0x1A200] =	vst v63  }
0x9a: {  	_ =	swait.ge [sflag:s29], $0x4000  }
0x9b: {  	[sflag:s29] =	ssyncset.done $0x0  }
0x9c: {  	[sflag:s29] =	ssyncadd.s32 $0xFFFFC000  }
0x9d: {  	[spmem:s1] =	stream.indirect.scatter.add.f32 [tilespmem:s28], [sflag:$0x3], $0x80, s31, s26, $0xb8;
	[tilespmem:$0x1A200] =	vst v63  }
0x9e: {  	_ =	swait.ge [sflag:s24], $0x4000  }
0x9f: {  	[sflag:s24] =	ssyncset.done $0x0  }
0xa0: {  	[sflag:s24] =	ssyncadd.s32 $0xFFFFC000  }
0xa1: {  	_ =	swait.ge [sflag:s30], $0x100  }
0xa2: {  	s9 =	stileid.u32;
	s0 =	sadd.s32 $0x1, s0;
	[sflag:s30] =	ssyncset.done $0x0  }
0xa3: {  	s21 =	sshrl.u32 s6, $0x3;
	s7 =	sshll.u32 s9, $0x6;
	[sflag:s30] =	ssyncadd.s32 $0xFFFFFF00  }
0xa4: {  	p0 =	sne.s32 s0, s20;
	s7 =	sor.u32 $0x1C03, s7;
	[bflag:$0x0] =	sbarrier.arrive $0xFFFF  }
0xa5: {  	[hbm:s19], [sflag:s7] =	dma.local [spmem:s21], $0x2800  }
.Ltmp4:
0xa6: {  	_ = 	snop;
	(pc) =	sbr.rel @p0 .LBB2_1-.Ltmp4, $4  }
.Ltmp5:
0xa7: {  	_ = 	snop;
	(pc) =	sbr.rel @!p0 .LBB2_9-.Ltmp5, $4  }
0xa8: {  	_ =	swait.ge [sflag:s24], $0x2800  }
0xa9: {  	[sflag:s24] =	ssyncset.done $0x0  }
0xaa: {  	[sflag:s24] =	ssyncadd.s32 $0xFFFFD800  }
0xab: {  	_ = 	snop  }
.LBB2_4:
.Ltmp6:
0xac: {  	(pc) =	sbr.rel .LBB2_8-.Ltmp6, $2  }
0xad: {  	_ =	sdelay $0x2  }
0xae: {  	s21 =	smov.u32 s2  }
.LBB2_6:
.Ltmp7:
0xaf: {  	(pc) =	sbr.rel .LBB2_8-.Ltmp7, $2  }
0xb0: {  	_ =	sdelay $0x2  }
0xb1: {  	s21 =	smov.u32 s2  }
.LBB2_9:
0xb2: {  	_ =	sfence.sel $0x180000  }
0xb3: {  	[bflag:$0x0] =	sbarrier.arrive $0xFFFF  }
0xb4: {  	_ =	strace $0x90000050  }
0xb5: {  	s0 =	stileid.u32;
	[bflag:$0x2] =	sbarrier.arrive $0xFFFF  }
0xb6: {  	p0 =	sne.s32 s0, $0x0;
	s0 =	rddreg [dreg:$0x2]  }
0xb7: {  	s0 =	sadd.s32 @!p0 $0x100000, s0  }
0xb8: {  	[sflag:s0] =	ssyncadd.tile.s32 @!p0 $0x1;
	_ =	shalt  }
.Lfunc_end2:
_tile_overlayer_lowered:
.L_overlay_start_2:
0xb9: {  	(tag) =	ssettag $0x2  }
0xba: {  	s0 =	rddreg [dreg:$0x0];
	s2 =	stileid.u32  }
0xbb: {  	s1 =	rddreg [dreg:$0x1];
	p0 =	sne.s32 s2, $0x0  }
0xbc: {  	s3 =	rddreg [dreg:$0x2];
	[bflag:$0x3] =	sbarrier.arrive $0xFFFF;
	s2 =	simm.s32 @!p0 $0x1C03  }
0xbd: {  	[timem:s3], [sflag:s2] =	dma.local @!p0 [hbm:s0], s1  }
0xbe: {  	s0 =	simm.s32 @!p0 $0x3  }
0xbf: {  	_ =	swait.ge @!p0 [sflag:s0], s1  }
0xc0: {  	s1 =	ssub.s32 @!p0 $0x0, s1;
	[sflag:s0] =	ssyncset.done @!p0 $0x0  }
0xc1: {  	[sflag:s0] =	ssyncadd.s32 @!p0 s1  }
0xc2: {  	[bflag:$0x3] =	sbarrier.arrive $0xFFFF  }
0xc3: {  	_ =	shalt  }

</sc_bundles>
